<compile_context>
chip_gen: v7x
topology: tpu7x:2x2x1
jax: 0.10.2.dev20260603
libtpu: 0.0.44.dev20260713+nightly
codegen_flags: <defaults>
</compile_context>

<pallas_src>
import jax
import jax.numpy as jnp
from jax import lax
from jax.experimental import pallas as pl
from jax.experimental.pallas import tpu as pltpu
from jax.experimental.pallas import tpu_sc as plsc

_L = 512
_COLS = 256
_NROWS = 512 * 64
_NW = 32
_SC_ROWS = 16
_EPS32 = 1.1920929e-7


def _rollup(x, s):
    return jnp.concatenate([x[s:], x[:s]], axis=0)


def _rolldn(x, s):
    return jnp.concatenate([x[_L - s:], x[:_L - s]], axis=0)


def _sort_perm_body(keys_ref, out_ref):
    keys = keys_ref[...]
    idx = lax.broadcasted_iota(jnp.int32, (_L, _COLS), 0)
    p1 = lax.broadcasted_iota(jnp.int32, (_L, 1), 0)
    for k in range(1, 10):
        for j in range(k - 1, -1, -1):
            s = 1 << j
            last = (k == 9) and (j == 0)
            if s >= 8:
                nb = _L // (2 * s)
                kk = keys.reshape(nb, 2 * s, _COLS)
                ii = idx.reshape(nb, 2 * s, _COLS)
                klo, khi = kk[:, :s], kk[:, s:]
                ilo, ihi = ii[:, :s], ii[:, s:]
                blk = lax.broadcasted_iota(jnp.int32, (nb, 1, 1), 0)
                desc = ((blk >> (k - j - 1)) & 1) == 1
                gt = (klo > khi) | ((klo == khi) & (ilo > ihi))
                swap = gt ^ desc
                nil = jnp.where(swap, ihi, ilo)
                nih = jnp.where(swap, ilo, ihi)
                idx = jnp.concatenate([nil, nih], axis=1).reshape(_L, _COLS)
                if not last:
                    nkl = jnp.where(swap, khi, klo)
                    nkh = jnp.where(swap, klo, khi)
                    keys = jnp.concatenate([nkl, nkh], axis=1).reshape(_L, _COLS)
            else:
                bitj = ((p1 >> j) & 1) == 1
                wmax = bitj != (((p1 >> k) & 1) == 1)
                pk = jnp.where(bitj, _rolldn(keys, s), _rollup(keys, s))
                pi = jnp.where(bitj, _rolldn(idx, s), _rollup(idx, s))
                gt = (keys > pk) | ((keys == pk) & (idx > pi))
                t = gt == wmax
                idx = jnp.where(t, idx, pi)
                if not last:
                    keys = jnp.where(t, keys, pk)
    out_ref[...] = idx


def _sc_gather_body(fil_hbm, perm_hbm, out_hbm,
                    fil_v0, fil_v1, perm_v0, perm_v1, out_v0, out_v1,
                    sin0, sin1, sout0, sout1):
    cid = lax.axis_index("c")
    sid = lax.axis_index("s")
    wid = sid * 2 + cid
    rows_per_w = _NROWS // _NW
    nchunk = rows_per_w // _SC_ROWS
    chunk_elems = _SC_ROWS * _L
    filb = (fil_v0, fil_v1)
    permb = (perm_v0, perm_v1)
    outb = (out_v0, out_v1)
    sinb = (sin0, sin1)
    soutb = (sout0, sout1)

    def in_copies(t, bi):
        base = (wid * rows_per_w + t * _SC_ROWS) * _L
        cf = pltpu.make_async_copy(fil_hbm.at[pl.ds(base, chunk_elems)],
                                   filb[bi], sinb[bi])
        cp = pltpu.make_async_copy(perm_hbm.at[pl.ds(base, chunk_elems)],
                                   permb[bi], sinb[bi])
        return cf, cp

    def out_copy(t, bi):
        base = (wid * rows_per_w + t * _SC_ROWS) * _L
        return pltpu.make_async_copy(outb[bi],
                                     out_hbm.at[pl.ds(base, chunk_elems)],
                                     soutb[bi])

    for bi in range(2):
        cf, cp = in_copies(bi, bi)
        cf.start()
        cp.start()

    def outer(g, carry):
        for bi in range(2):
            t = g * 2 + bi
            cf, cp = in_copies(t, bi)
            cf.wait()
            cp.wait()

            @pl.when(g > 0)
            def _():
                out_copy(t - 2, bi).wait()

            def row(rr, carry2):
                rbase = rr * _L
                for q in range(_L // 16):
                    off = rbase + q * 16
                    idxv = permb[bi][pl.ds(off, 16)] + rbase
                    outb[bi][pl.ds(off, 16)] = plsc.load_gather(filb[bi], [idxv])
                return carry2

            lax.fori_loop(0, _SC_ROWS, row, 0)
            out_copy(t, bi).start()

            @pl.when(g + 1 < nchunk // 2)
            def _():
                cf2, cp2 = in_copies(t + 2, bi)
                cf2.start()
                cp2.start()
        return carry

    lax.fori_loop(0, nchunk // 2, outer, 0)
    for bi in range(2):
        out_copy(nchunk - 2 + bi, bi).wait()


def _ldl_count(c0, tol2):
    n = c0.shape[0]
    rows = lax.broadcasted_iota(jnp.int32, (n, n), 0)
    cols = lax.broadcasted_iota(jnp.int32, (n, n), 1)
    ci = c0 - tol2 * (rows == cols).astype(jnp.float32)

    def body(kk, carry):
        c, cnt = carry
        rowmask = rows == kk
        colmask = cols == kk
        rowk = jnp.sum(jnp.where(rowmask, c, 0.0), axis=0, keepdims=True)
        colk = jnp.sum(jnp.where(colmask, c, 0.0), axis=1, keepdims=True)
        dpiv = jnp.sum(jnp.where(rowmask & colmask, c, 0.0))
        dsafe = jnp.where(dpiv == 0.0, 1e-30, dpiv)
        keep = (rows > kk) & (cols > kk)
        c = c - jnp.where(keep, (colk * rowk) / dsafe, 0.0)
        cnt = cnt + (dpiv > 0.0).astype(jnp.float32)
        return c, cnt

    _, cnt = lax.fori_loop(0, n, body, (ci, jnp.float32(0.0)))
    return cnt


def _lam_max(c, frosq):
    cn = c / jnp.sqrt(jnp.maximum(frosq, 1e-30))
    for _ in range(4):
        cn = jnp.dot(cn, cn, precision=lax.Precision.HIGHEST)
        cn = cn / jnp.sqrt(jnp.maximum(jnp.sum(cn * cn), 1e-30))
    v = jnp.ones((c.shape[0], 1), jnp.float32)
    for _ in range(8):
        v = jnp.dot(cn, v, precision=lax.Precision.HIGHEST)
        v = v / jnp.sqrt(jnp.maximum(jnp.sum(v * v), 1e-30))
    cv = jnp.dot(c, v, precision=lax.Precision.HIGHEST)
    return jnp.sum(v * cv)


def _stats_body(rw_ref, fw_ref, out_ref):
    rw = rw_ref[...]
    fw = fw_ref[...]

    gr = lax.dot_general(rw, rw, (((1,), (1,)), ((), ())),
                         precision=lax.Precision.HIGHEST)
    r64 = lax.broadcasted_iota(jnp.int32, (64, 64), 0)
    c64 = lax.broadcasted_iota(jnp.int32, (64, 64), 1)
    eye64 = (r64 == c64).astype(jnp.float32)
    pen_role = jnp.sqrt(jnp.sum((eye64 - gr) ** 2))

    cf = lax.dot_general(fw, fw, (((0,), (0,)), ((), ())),
                         precision=lax.Precision.HIGHEST)
    frosq_fw = jnp.sum(fw * fw)
    frosq_cf = jnp.sum(cf * cf)
    nf = jnp.float32(fw.shape[0])
    pen_fil = jnp.sqrt(jnp.maximum(nf - 2.0 * frosq_fw + frosq_cf, 0.0))

    lam_f = _lam_max(cf, frosq_cf)
    tol2_f = lam_f * (jnp.float32(fw.shape[0]) * _EPS32) ** 2
    rank_f = _ldl_count(cf, tol2_f)

    frosq_gr = jnp.sum(gr * gr)
    lam_r = _lam_max(gr, frosq_gr)
    tol2_r = lam_r * (jnp.float32(rw.shape[1]) * _EPS32) ** 2
    rank_r = _ldl_count(gr, tol2_r)

    loss = 0.01 * pen_role + 0.01 * pen_fil
    role_rank = (jnp.float32(rw.shape[0]) - rank_r) / jnp.float32(rw.shape[0] - 1)
    fil_rank = (nf - rank_f) / (nf - 1.0)

    pos = lax.broadcasted_iota(jnp.int32, (8, 128), 1)
    row0 = lax.broadcasted_iota(jnp.int32, (8, 128), 0) == 0
    outv = (jnp.where((pos == 0) & row0, loss, 0.0)
            + jnp.where((pos == 1) & row0, pen_role, 0.0)
            + jnp.where((pos == 2) & row0, pen_fil, 0.0)
            + jnp.where((pos == 3) & row0, role_rank, 0.0)
            + jnp.where((pos == 4) & row0, fil_rank, 0.0))
    out_ref[...] = outv


def kernel(batched_roles, batched_fillers, role_weight, filler_weight):
    b, r, l = batched_roles.shape
    nrows = b * r
    keys_t = batched_roles.reshape(nrows, l).T
    perm_t = pl.pallas_call(
        _sort_perm_body,
        grid=(nrows // _COLS,),
        in_specs=[pl.BlockSpec((l, _COLS), lambda i: (0, i))],
        out_specs=pl.BlockSpec((l, _COLS), lambda i: (0, i)),
        out_shape=jax.ShapeDtypeStruct((l, nrows), jnp.int32),
    )(keys_t)
    perm_flat = perm_t.T.reshape(nrows * l)
    fil_flat = batched_fillers.reshape(nrows * l)
    bind_flat = pl.kernel(
        _sc_gather_body,
        out_type=jax.ShapeDtypeStruct((nrows * l,), jnp.float32),
        mesh=plsc.VectorSubcoreMesh(core_axis_name="c", subcore_axis_name="s"),
        scratch_types=[pltpu.VMEM((_SC_ROWS * _L,), jnp.float32),
                       pltpu.VMEM((_SC_ROWS * _L,), jnp.float32),
                       pltpu.VMEM((_SC_ROWS * _L,), jnp.int32),
                       pltpu.VMEM((_SC_ROWS * _L,), jnp.int32),
                       pltpu.VMEM((_SC_ROWS * _L,), jnp.float32),
                       pltpu.VMEM((_SC_ROWS * _L,), jnp.float32),
                       pltpu.SemaphoreType.DMA,
                       pltpu.SemaphoreType.DMA,
                       pltpu.SemaphoreType.DMA,
                       pltpu.SemaphoreType.DMA],
        compiler_params=pltpu.CompilerParams(needs_layout_passes=False),
    )(fil_flat, perm_flat)
    vsa = bind_flat.reshape(b, r, l)
    z_rep = bind_flat.reshape(b, r * l)

    stats = pl.pallas_call(
        _stats_body,
        out_shape=jax.ShapeDtypeStruct((8, 128), jnp.float32),
    )(role_weight, filler_weight)
    loss = stats[0, 0]
    pen_role = stats[0, 1]
    pen_fil = stats[0, 2]
    role_rank = stats[0, 3]
    fil_rank = stats[0, 4]
    return (z_rep, vsa, loss, pen_role, pen_fil, role_rank, fil_rank)

# --- scband reference (transcript-rebuilt; emitter-appended) ---
"""Pipeline reference for scband-base-tprencoder-43911745634914 (READ-ONLY COPY).

The authoritative reference and input builder live on the scoring server;
editing this copy changes nothing except your own understanding.
"""

import jax, jax.numpy as jnp
import numpy as np

N_ROLES = 64
N_FILLERS = 4096
EMBED_DIM = 512
BATCH = 512
LAMBDA_ROLE = 0.01
LAMBDA_FILLER = 0.01


def setup_inputs(seed: int = 0) -> dict:
    key = jax.random.key(seed)
    k1, k2, k3, k4 = jax.random.split(key, 4)
    batched_roles = jax.random.normal(k1, (BATCH, N_ROLES, EMBED_DIM), dtype=jnp.float32)
    batched_fillers = jax.random.normal(k2, (BATCH, N_ROLES, EMBED_DIM), dtype=jnp.float32)
    # learned parameters (nn.Embedding weights), default torch init ~ N(0,1)
    role_weight = jax.random.normal(k3, (N_ROLES, EMBED_DIM), dtype=jnp.float32)
    filler_weight = jax.random.normal(k4, (N_FILLERS, EMBED_DIM), dtype=jnp.float32)
    return {
        "batched_roles": batched_roles,
        "batched_fillers": batched_fillers,
        "role_weight": role_weight,
        "filler_weight": filler_weight,
    }


def _semi_orth_penalty(m):
    # m: [D, N]; penalty = ||I_N - M^T M||_fro
    n = m.shape[-1]
    mt_m = m.T @ m
    return jnp.linalg.norm(jnp.eye(n, dtype=m.dtype) - mt_m, ord='fro')


def _rank_stat(m):
    r = jnp.linalg.matrix_rank(m)
    return (m.shape[1] - r) / (m.shape[1] - 1)


def reference(batched_roles, batched_fillers, role_weight, filler_weight):
    # role permutations from argsort over last dim
    role_perms = jnp.argsort(batched_roles, axis=-1)
    role_perms = role_perms % batched_fillers.shape[-1]  # no-op, kept for faithfulness
    # vsa_binding: result[b, r, :] = filler[b, r, role[b, r, :]]  == gather along last axis
    vsa_bindings = jnp.take_along_axis(batched_fillers, role_perms, axis=-1)
    # use_concatenated_rep=True -> flatten
    z_rep = vsa_bindings.reshape(vsa_bindings.shape[0], -1)
    orth_penalty_role = _semi_orth_penalty(role_weight.T)
    role_rank = _rank_stat(role_weight.T)
    orth_penalty_filler = _semi_orth_penalty(filler_weight.T)
    filler_rank = _rank_stat(filler_weight.T)
    penalties = jnp.stack([orth_penalty_role, orth_penalty_filler], axis=0)
    coeffs = jnp.array([LAMBDA_ROLE, LAMBDA_FILLER], dtype=jnp.float32)
    encoder_loss = jnp.sum(coeffs * penalties)
    return (z_rep, vsa_bindings, encoder_loss, orth_penalty_role, orth_penalty_filler, role_rank, filler_rank)

if __name__ == "__main__":
    import jax
    _d = setup_inputs()
    print(jax.jit(kernel)(*tuple(_d.values())))

</pallas_src>

<mosaic_0001>
#map = affine_map<(d0, d1) -> (0)>
module attributes {stable_mosaic.version = 14 : i64} {
  func.func @_sc_gather_body(%arg0: i32, %arg1: i32, %arg2: memref<16777216xf32, #tpu.memory_space<hbm>>, %arg3: memref<16777216xi32, #tpu.memory_space<hbm>>, %arg4: memref<16777216xf32, #tpu.memory_space<hbm>>, %arg5: memref<8192xf32, #tpu.memory_space<vmem>>, %arg6: memref<8192xf32, #tpu.memory_space<vmem>>, %arg7: memref<8192xi32, #tpu.memory_space<vmem>>, %arg8: memref<8192xi32, #tpu.memory_space<vmem>>, %arg9: memref<8192xf32, #tpu.memory_space<vmem>>, %arg10: memref<8192xf32, #tpu.memory_space<vmem>>, %arg11: memref<!tpu.dma_semaphore, #tpu.memory_space<semaphore_mem>>, %arg12: memref<!tpu.dma_semaphore, #tpu.memory_space<semaphore_mem>>, %arg13: memref<!tpu.dma_semaphore, #tpu.memory_space<semaphore_mem>>, %arg14: memref<!tpu.dma_semaphore, #tpu.memory_space<semaphore_mem>>) attributes {dimension_semantics = [#tpu.dimension_semantics<core_parallel>, #tpu.dimension_semantics<subcore_parallel>], iteration_bounds = array<i64: 2, 16>, scalar_prefetch = 0 : i64, scratch_operands = 10 : i64, tpu.core_type = #tpu.core_type<sc_vector_subcore>, window_params = [{transform_indices = #map}, {transform_indices = #map}, {transform_indices = #map}]} {
    %mul3A = arith.constant 2 : i32
    %mul3A_0 = arith.muli %arg1, %mul3A : i32
    %add3A = arith.addi %mul3A_0, %arg0 : i32
    %mul3A_1 = arith.constant 1024 : i32
    %mul3A_2 = arith.muli %add3A, %mul3A_1 : i32
    %add3A_3 = arith.constant 0 : i32
    %add3A_4 = arith.addi %mul3A_2, %add3A_3 : i32
    %mul3A_5 = arith.constant 512 : i32
    %mul3A_6 = arith.muli %add3A_4, %mul3A_5 : i32
    %dma_start3A = tpu.memref_slice %arg2[%mul3A_6] : memref<16777216xf32, #tpu.memory_space<hbm>> -> memref<8192xf32, #tpu.memory_space<hbm>>
    %dma_start3A_7 = tpu.memref_slice %arg2[%mul3A_6] : memref<16777216xf32, #tpu.memory_space<hbm>> -> memref<8192xf32, #tpu.memory_space<hbm>>
    tpu.enqueue_dma source(%dma_start3A_7 : memref<8192xf32, #tpu.memory_space<hbm>>) target(%arg5 : memref<8192xf32, #tpu.memory_space<vmem>>) target_semaphore(%arg11 : memref<!tpu.dma_semaphore, #tpu.memory_space<semaphore_mem>>)
    %dma_start3A_8 = tpu.memref_slice %arg3[%mul3A_6] : memref<16777216xi32, #tpu.memory_space<hbm>> -> memref<8192xi32, #tpu.memory_space<hbm>>
    %dma_start3A_9 = tpu.memref_slice %arg3[%mul3A_6] : memref<16777216xi32, #tpu.memory_space<hbm>> -> memref<8192xi32, #tpu.memory_space<hbm>>
    tpu.enqueue_dma source(%dma_start3A_9 : memref<8192xi32, #tpu.memory_space<hbm>>) target(%arg7 : memref<8192xi32, #tpu.memory_space<vmem>>) target_semaphore(%arg11 : memref<!tpu.dma_semaphore, #tpu.memory_space<semaphore_mem>>)
    %mul3A_10 = arith.constant 1024 : i32
    %mul3A_11 = arith.muli %add3A, %mul3A_10 : i32
    %add3A_12 = arith.constant 16 : i32
    %add3A_13 = arith.addi %mul3A_11, %add3A_12 : i32
    %mul3A_14 = arith.constant 512 : i32
    %mul3A_15 = arith.muli %add3A_13, %mul3A_14 : i32
    %dma_start3A_16 = tpu.memref_slice %arg2[%mul3A_15] : memref<16777216xf32, #tpu.memory_space<hbm>> -> memref<8192xf32, #tpu.memory_space<hbm>>
    %dma_start3A_17 = tpu.memref_slice %arg2[%mul3A_15] : memref<16777216xf32, #tpu.memory_space<hbm>> -> memref<8192xf32, #tpu.memory_space<hbm>>
    tpu.enqueue_dma source(%dma_start3A_17 : memref<8192xf32, #tpu.memory_space<hbm>>) target(%arg6 : memref<8192xf32, #tpu.memory_space<vmem>>) target_semaphore(%arg12 : memref<!tpu.dma_semaphore, #tpu.memory_space<semaphore_mem>>)
    %dma_start3A_18 = tpu.memref_slice %arg3[%mul3A_15] : memref<16777216xi32, #tpu.memory_space<hbm>> -> memref<8192xi32, #tpu.memory_space<hbm>>
    %dma_start3A_19 = tpu.memref_slice %arg3[%mul3A_15] : memref<16777216xi32, #tpu.memory_space<hbm>> -> memref<8192xi32, #tpu.memory_space<hbm>>
    tpu.enqueue_dma source(%dma_start3A_19 : memref<8192xi32, #tpu.memory_space<hbm>>) target(%arg8 : memref<8192xi32, #tpu.memory_space<vmem>>) target_semaphore(%arg12 : memref<!tpu.dma_semaphore, #tpu.memory_space<semaphore_mem>>)
    %scan3A = arith.constant 0 : i32
    %scan3A_20 = arith.constant 0 : i32
    %scan3A_21 = arith.constant 32 : i32
    %scan3A_22 = arith.addi %scan3A_20, %scan3A_21 : i32
    %scan3A_23 = arith.constant 1 : i32
    scf.for %scan3A_40 = %scan3A_20 to %scan3A_22 step %scan3A_23  : i32 {
      %mul3A_41 = arith.constant 2 : i32
      %mul3A_42 = arith.muli %scan3A_40, %mul3A_41 : i32
      %add3A_43 = arith.constant 0 : i32
      %add3A_44 = arith.addi %mul3A_42, %add3A_43 : i32
      %mul3A_45 = arith.constant 1024 : i32
      %mul3A_46 = arith.muli %add3A, %mul3A_45 : i32
      %mul3A_47 = arith.constant 16 : i32
      %mul3A_48 = arith.muli %add3A_44, %mul3A_47 : i32
      %add3A_49 = arith.addi %mul3A_46, %mul3A_48 : i32
      %mul3A_50 = arith.constant 512 : i32
      %mul3A_51 = arith.muli %add3A_49, %mul3A_50 : i32
      %dma_wait3A_52 = tpu.memref_slice %arg2[%mul3A_51] : memref<16777216xf32, #tpu.memory_space<hbm>> -> memref<8192xf32, #tpu.memory_space<hbm>>
      %dma_wait3A_53 = tpu.memref_slice %arg2[%mul3A_51] : memref<16777216xf32, #tpu.memory_space<hbm>> -> memref<8192xf32, #tpu.memory_space<hbm>>
      tpu.wait_dma2 semaphore(%arg11 : memref<!tpu.dma_semaphore, #tpu.memory_space<semaphore_mem>>) src(%dma_wait3A_53 : memref<8192xf32, #tpu.memory_space<hbm>>) dst(%arg5 : memref<8192xf32, #tpu.memory_space<vmem>>)
      %dma_wait3A_54 = tpu.memref_slice %arg3[%mul3A_51] : memref<16777216xi32, #tpu.memory_space<hbm>> -> memref<8192xi32, #tpu.memory_space<hbm>>
      %dma_wait3A_55 = tpu.memref_slice %arg3[%mul3A_51] : memref<16777216xi32, #tpu.memory_space<hbm>> -> memref<8192xi32, #tpu.memory_space<hbm>>
      tpu.wait_dma2 semaphore(%arg11 : memref<!tpu.dma_semaphore, #tpu.memory_space<semaphore_mem>>) src(%dma_wait3A_55 : memref<8192xi32, #tpu.memory_space<hbm>>) dst(%arg7 : memref<8192xi32, #tpu.memory_space<vmem>>)
      %gt3A = arith.constant 0 : i32
      %gt3A_56 = arith.cmpi sgt, %scan3A_40, %gt3A : i32
      %convert_element_type3A = arith.extui %gt3A_56 : i1 to i32
      %cond3A = arith.constant 0 : i32
      %cond3A_57 = arith.cmpi ne, %convert_element_type3A, %cond3A : i32
      scf.if %cond3A_57 {
        %sub3A = arith.constant 2 : i32
        %sub3A_121 = arith.subi %add3A_44, %sub3A : i32
        %mul3A_122 = arith.constant 1024 : i32
        %mul3A_123 = arith.muli %add3A, %mul3A_122 : i32
        %mul3A_124 = arith.constant 16 : i32
        %mul3A_125 = arith.muli %sub3A_121, %mul3A_124 : i32
        %add3A_126 = arith.addi %mul3A_123, %mul3A_125 : i32
        %mul3A_127 = arith.constant 512 : i32
        %mul3A_128 = arith.muli %add3A_126, %mul3A_127 : i32
        %dma_wait3A_129 = tpu.memref_slice %arg4[%mul3A_128] : memref<16777216xf32, #tpu.memory_space<hbm>> -> memref<8192xf32, #tpu.memory_space<hbm>>
        %dma_wait3A_130 = tpu.memref_slice %arg4[%mul3A_128] : memref<16777216xf32, #tpu.memory_space<hbm>> -> memref<8192xf32, #tpu.memory_space<hbm>>
        tpu.wait_dma2 semaphore(%arg13 : memref<!tpu.dma_semaphore, #tpu.memory_space<semaphore_mem>>) src(%arg9 : memref<8192xf32, #tpu.memory_space<vmem>>) dst(%dma_wait3A_130 : memref<8192xf32, #tpu.memory_space<hbm>>)
      } else {
      }
      %scan3A_58 = arith.constant 0 : i32
      %scan3A_59 = arith.constant 0 : i32
      %scan3A_60 = arith.constant 16 : i32
      %scan3A_61 = arith.addi %scan3A_59, %scan3A_60 : i32
      %scan3A_62 = arith.constant 1 : i32
      scf.for %scan3A_121 = %scan3A_59 to %scan3A_61 step %scan3A_62  : i32 {
        %mul3A_122 = arith.constant 512 : i32
        %mul3A_123 = arith.muli %scan3A_121, %mul3A_122 : i32
        %add3A_124 = arith.constant 0 : i32
        %add3A_125 = arith.addi %mul3A_123, %add3A_124 : i32
        %get3A = arith.index_cast %add3A_125 : i32 to index
        %get3A_126 = tpu.vector_load %arg7[%get3A] {strides = array<i32>} : memref<8192xi32, #tpu.memory_space<vmem>>, vector<16xi32>,
        %add3A_127 = vector.broadcast %mul3A_123 : i32 to vector<16xi32>
        %add3A_128 = arith.addi %get3A_126, %add3A_127 : vector<16xi32>
        %gather3A = tpu.vector_load_idx %arg5[%add3A_128] : memref<8192xf32, #tpu.memory_space<vmem>>[vector<16xi32>], vector<16xf32>,
        %swap3A = arith.index_cast %add3A_125 : i32 to index
        %swap3A_129 = tpu.vector_load %arg9[%swap3A] {strides = array<i32>} : memref<8192xf32, #tpu.memory_space<vmem>>, vector<16xf32>,
        tpu.vector_store %arg9[%swap3A], %gather3A {strides = array<i32>} : memref<8192xf32, #tpu.memory_space<vmem>>, vector<16xf32>,
        %add3A_130 = arith.constant 16 : i32
        %add3A_131 = arith.addi %mul3A_123, %add3A_130 : i32
        %get3A_132 = arith.index_cast %add3A_131 : i32 to index
        %get3A_133 = tpu.vector_load %arg7[%get3A_132] {strides = array<i32>} : memref<8192xi32, #tpu.memory_space<vmem>>, vector<16xi32>,
        %add3A_134 = vector.broadcast %mul3A_123 : i32 to vector<16xi32>
        %add3A_135 = arith.addi %get3A_133, %add3A_134 : vector<16xi32>
        %gather3A_136 = tpu.vector_load_idx %arg5[%add3A_135] : memref<8192xf32, #tpu.memory_space<vmem>>[vector<16xi32>], vector<16xf32>,
        %swap3A_137 = arith.index_cast %add3A_131 : i32 to index
        %swap3A_138 = tpu.vector_load %arg9[%swap3A_137] {strides = array<i32>} : memref<8192xf32, #tpu.memory_space<vmem>>, vector<16xf32>,
        tpu.vector_store %arg9[%swap3A_137], %gather3A_136 {strides = array<i32>} : memref<8192xf32, #tpu.memory_space<vmem>>, vector<16xf32>,
        %add3A_139 = arith.constant 32 : i32
        %add3A_140 = arith.addi %mul3A_123, %add3A_139 : i32
        %get3A_141 = arith.index_cast %add3A_140 : i32 to index
        %get3A_142 = tpu.vector_load %arg7[%get3A_141] {strides = array<i32>} : memref<8192xi32, #tpu.memory_space<vmem>>, vector<16xi32>,
        %add3A_143 = vector.broadcast %mul3A_123 : i32 to vector<16xi32>
        %add3A_144 = arith.addi %get3A_142, %add3A_143 : vector<16xi32>
        %gather3A_145 = tpu.vector_load_idx %arg5[%add3A_144] : memref<8192xf32, #tpu.memory_space<vmem>>[vector<16xi32>], vector<16xf32>,
        %swap3A_146 = arith.index_cast %add3A_140 : i32 to index
        %swap3A_147 = tpu.vector_load %arg9[%swap3A_146] {strides = array<i32>} : memref<8192xf32, #tpu.memory_space<vmem>>, vector<16xf32>,
        tpu.vector_store %arg9[%swap3A_146], %gather3A_145 {strides = array<i32>} : memref<8192xf32, #tpu.memory_space<vmem>>, vector<16xf32>,
        %add3A_148 = arith.constant 48 : i32
        %add3A_149 = arith.addi %mul3A_123, %add3A_148 : i32
        %get3A_150 = arith.index_cast %add3A_149 : i32 to index
        %get3A_151 = tpu.vector_load %arg7[%get3A_150] {strides = array<i32>} : memref<8192xi32, #tpu.memory_space<vmem>>, vector<16xi32>,
        %add3A_152 = vector.broadcast %mul3A_123 : i32 to vector<16xi32>
        %add3A_153 = arith.addi %get3A_151, %add3A_152 : vector<16xi32>
        %gather3A_154 = tpu.vector_load_idx %arg5[%add3A_153] : memref<8192xf32, #tpu.memory_space<vmem>>[vector<16xi32>], vector<16xf32>,
        %swap3A_155 = arith.index_cast %add3A_149 : i32 to index
        %swap3A_156 = tpu.vector_load %arg9[%swap3A_155] {strides = array<i32>} : memref<8192xf32, #tpu.memory_space<vmem>>, vector<16xf32>,
        tpu.vector_store %arg9[%swap3A_155], %gather3A_154 {strides = array<i32>} : memref<8192xf32, #tpu.memory_space<vmem>>, vector<16xf32>,
        %add3A_157 = arith.constant 64 : i32
        %add3A_158 = arith.addi %mul3A_123, %add3A_157 : i32
        %get3A_159 = arith.index_cast %add3A_158 : i32 to index
        %get3A_160 = tpu.vector_load %arg7[%get3A_159] {strides = array<i32>} : memref<8192xi32, #tpu.memory_space<vmem>>, vector<16xi32>,
        %add3A_161 = vector.broadcast %mul3A_123 : i32 to vector<16xi32>
        %add3A_162 = arith.addi %get3A_160, %add3A_161 : vector<16xi32>
        %gather3A_163 = tpu.vector_load_idx %arg5[%add3A_162] : memref<8192xf32, #tpu.memory_space<vmem>>[vector<16xi32>], vector<16xf32>,
        %swap3A_164 = arith.index_cast %add3A_158 : i32 to index
        %swap3A_165 = tpu.vector_load %arg9[%swap3A_164] {strides = array<i32>} : memref<8192xf32, #tpu.memory_space<vmem>>, vector<16xf32>,
        tpu.vector_store %arg9[%swap3A_164], %gather3A_163 {strides = array<i32>} : memref<8192xf32, #tpu.memory_space<vmem>>, vector<16xf32>,
        %add3A_166 = arith.constant 80 : i32
        %add3A_167 = arith.addi %mul3A_123, %add3A_166 : i32
        %get3A_168 = arith.index_cast %add3A_167 : i32 to index
        %get3A_169 = tpu.vector_load %arg7[%get3A_168] {strides = array<i32>} : memref<8192xi32, #tpu.memory_space<vmem>>, vector<16xi32>,
        %add3A_170 = vector.broadcast %mul3A_123 : i32 to vector<16xi32>
        %add3A_171 = arith.addi %get3A_169, %add3A_170 : vector<16xi32>
        %gather3A_172 = tpu.vector_load_idx %arg5[%add3A_171] : memref<8192xf32, #tpu.memory_space<vmem>>[vector<16xi32>], vector<16xf32>,
        %swap3A_173 = arith.index_cast %add3A_167 : i32 to index
        %swap3A_174 = tpu.vector_load %arg9[%swap3A_173] {strides = array<i32>} : memref<8192xf32, #tpu.memory_space<vmem>>, vector<16xf32>,
        tpu.vector_store %arg9[%swap3A_173], %gather3A_172 {strides = array<i32>} : memref<8192xf32, #tpu.memory_space<vmem>>, vector<16xf32>,
        %add3A_175 = arith.constant 96 : i32
        %add3A_176 = arith.addi %mul3A_123, %add3A_175 : i32
        %get3A_177 = arith.index_cast %add3A_176 : i32 to index
        %get3A_178 = tpu.vector_load %arg7[%get3A_177] {strides = array<i32>} : memref<8192xi32, #tpu.memory_space<vmem>>, vector<16xi32>,
        %add3A_179 = vector.broadcast %mul3A_123 : i32 to vector<16xi32>
        %add3A_180 = arith.addi %get3A_178, %add3A_179 : vector<16xi32>
        %gather3A_181 = tpu.vector_load_idx %arg5[%add3A_180] : memref<8192xf32, #tpu.memory_space<vmem>>[vector<16xi32>], vector<16xf32>,
        %swap3A_182 = arith.index_cast %add3A_176 : i32 to index
        %swap3A_183 = tpu.vector_load %arg9[%swap3A_182] {strides = array<i32>} : memref<8192xf32, #tpu.memory_space<vmem>>, vector<16xf32>,
        tpu.vector_store %arg9[%swap3A_182], %gather3A_181 {strides = array<i32>} : memref<8192xf32, #tpu.memory_space<vmem>>, vector<16xf32>,
        %add3A_184 = arith.constant 112 : i32
        %add3A_185 = arith.addi %mul3A_123, %add3A_184 : i32
        %get3A_186 = arith.index_cast %add3A_185 : i32 to index
        %get3A_187 = tpu.vector_load %arg7[%get3A_186] {strides = array<i32>} : memref<8192xi32, #tpu.memory_space<vmem>>, vector<16xi32>,
        %add3A_188 = vector.broadcast %mul3A_123 : i32 to vector<16xi32>
        %add3A_189 = arith.addi %get3A_187, %add3A_188 : vector<16xi32>
        %gather3A_190 = tpu.vector_load_idx %arg5[%add3A_189] : memref<8192xf32, #tpu.memory_space<vmem>>[vector<16xi32>], vector<16xf32>,
        %swap3A_191 = arith.index_cast %add3A_185 : i32 to index
        %swap3A_192 = tpu.vector_load %arg9[%swap3A_191] {strides = array<i32>} : memref<8192xf32, #tpu.memory_space<vmem>>, vector<16xf32>,
        tpu.vector_store %arg9[%swap3A_191], %gather3A_190 {strides = array<i32>} : memref<8192xf32, #tpu.memory_space<vmem>>, vector<16xf32>,
        %add3A_193 = arith.constant 128 : i32
        %add3A_194 = arith.addi %mul3A_123, %add3A_193 : i32
        %get3A_195 = arith.index_cast %add3A_194 : i32 to index
        %get3A_196 = tpu.vector_load %arg7[%get3A_195] {strides = array<i32>} : memref<8192xi32, #tpu.memory_space<vmem>>, vector<16xi32>,
        %add3A_197 = vector.broadcast %mul3A_123 : i32 to vector<16xi32>
        %add3A_198 = arith.addi %get3A_196, %add3A_197 : vector<16xi32>
        %gather3A_199 = tpu.vector_load_idx %arg5[%add3A_198] : memref<8192xf32, #tpu.memory_space<vmem>>[vector<16xi32>], vector<16xf32>,
        %swap3A_200 = arith.index_cast %add3A_194 : i32 to index
        %swap3A_201 = tpu.vector_load %arg9[%swap3A_200] {strides = array<i32>} : memref<8192xf32, #tpu.memory_space<vmem>>, vector<16xf32>,
        tpu.vector_store %arg9[%swap3A_200], %gather3A_199 {strides = array<i32>} : memref<8192xf32, #tpu.memory_space<vmem>>, vector<16xf32>,
        %add3A_202 = arith.constant 144 : i32
        %add3A_203 = arith.addi %mul3A_123, %add3A_202 : i32
        %get3A_204 = arith.index_cast %add3A_203 : i32 to index
        %get3A_205 = tpu.vector_load %arg7[%get3A_204] {strides = array<i32>} : memref<8192xi32, #tpu.memory_space<vmem>>, vector<16xi32>,
        %add3A_206 = vector.broadcast %mul3A_123 : i32 to vector<16xi32>
        %add3A_207 = arith.addi %get3A_205, %add3A_206 : vector<16xi32>
        %gather3A_208 = tpu.vector_load_idx %arg5[%add3A_207] : memref<8192xf32, #tpu.memory_space<vmem>>[vector<16xi32>], vector<16xf32>,
        %swap3A_209 = arith.index_cast %add3A_203 : i32 to index
        %swap3A_210 = tpu.vector_load %arg9[%swap3A_209] {strides = array<i32>} : memref<8192xf32, #tpu.memory_space<vmem>>, vector<16xf32>,
        tpu.vector_store %arg9[%swap3A_209], %gather3A_208 {strides = array<i32>} : memref<8192xf32, #tpu.memory_space<vmem>>, vector<16xf32>,
        %add3A_211 = arith.constant 160 : i32
        %add3A_212 = arith.addi %mul3A_123, %add3A_211 : i32
        %get3A_213 = arith.index_cast %add3A_212 : i32 to index
        %get3A_214 = tpu.vector_load %arg7[%get3A_213] {strides = array<i32>} : memref<8192xi32, #tpu.memory_space<vmem>>, vector<16xi32>,
        %add3A_215 = vector.broadcast %mul3A_123 : i32 to vector<16xi32>
        %add3A_216 = arith.addi %get3A_214, %add3A_215 : vector<16xi32>
        %gather3A_217 = tpu.vector_load_idx %arg5[%add3A_216] : memref<8192xf32, #tpu.memory_space<vmem>>[vector<16xi32>], vector<16xf32>,
        %swap3A_218 = arith.index_cast %add3A_212 : i32 to index
        %swap3A_219 = tpu.vector_load %arg9[%swap3A_218] {strides = array<i32>} : memref<8192xf32, #tpu.memory_space<vmem>>, vector<16xf32>,
        tpu.vector_store %arg9[%swap3A_218], %gather3A_217 {strides = array<i32>} : memref<8192xf32, #tpu.memory_space<vmem>>, vector<16xf32>,
        %add3A_220 = arith.constant 176 : i32
        %add3A_221 = arith.addi %mul3A_123, %add3A_220 : i32
        %get3A_222 = arith.index_cast %add3A_221 : i32 to index
        %get3A_223 = tpu.vector_load %arg7[%get3A_222] {strides = array<i32>} : memref<8192xi32, #tpu.memory_space<vmem>>, vector<16xi32>,
        %add3A_224 = vector.broadcast %mul3A_123 : i32 to vector<16xi32>
        %add3A_225 = arith.addi %get3A_223, %add3A_224 : vector<16xi32>
        %gather3A_226 = tpu.vector_load_idx %arg5[%add3A_225] : memref<8192xf32, #tpu.memory_space<vmem>>[vector<16xi32>], vector<16xf32>,
        %swap3A_227 = arith.index_cast %add3A_221 : i32 to index
        %swap3A_228 = tpu.vector_load %arg9[%swap3A_227] {strides = array<i32>} : memref<8192xf32, #tpu.memory_space<vmem>>, vector<16xf32>,
        tpu.vector_store %arg9[%swap3A_227], %gather3A_226 {strides = array<i32>} : memref<8192xf32, #tpu.memory_space<vmem>>, vector<16xf32>,
        %add3A_229 = arith.constant 192 : i32
        %add3A_230 = arith.addi %mul3A_123, %add3A_229 : i32
        %get3A_231 = arith.index_cast %add3A_230 : i32 to index
        %get3A_232 = tpu.vector_load %arg7[%get3A_231] {strides = array<i32>} : memref<8192xi32, #tpu.memory_space<vmem>>, vector<16xi32>,
        %add3A_233 = vector.broadcast %mul3A_123 : i32 to vector<16xi32>
        %add3A_234 = arith.addi %get3A_232, %add3A_233 : vector<16xi32>
        %gather3A_235 = tpu.vector_load_idx %arg5[%add3A_234] : memref<8192xf32, #tpu.memory_space<vmem>>[vector<16xi32>], vector<16xf32>,
        %swap3A_236 = arith.index_cast %add3A_230 : i32 to index
        %swap3A_237 = tpu.vector_load %arg9[%swap3A_236] {strides = array<i32>} : memref<8192xf32, #tpu.memory_space<vmem>>, vector<16xf32>,
        tpu.vector_store %arg9[%swap3A_236], %gather3A_235 {strides = array<i32>} : memref<8192xf32, #tpu.memory_space<vmem>>, vector<16xf32>,
        %add3A_238 = arith.constant 208 : i32
        %add3A_239 = arith.addi %mul3A_123, %add3A_238 : i32
        %get3A_240 = arith.index_cast %add3A_239 : i32 to index
        %get3A_241 = tpu.vector_load %arg7[%get3A_240] {strides = array<i32>} : memref<8192xi32, #tpu.memory_space<vmem>>, vector<16xi32>,
        %add3A_242 = vector.broadcast %mul3A_123 : i32 to vector<16xi32>
        %add3A_243 = arith.addi %get3A_241, %add3A_242 : vector<16xi32>
        %gather3A_244 = tpu.vector_load_idx %arg5[%add3A_243] : memref<8192xf32, #tpu.memory_space<vmem>>[vector<16xi32>], vector<16xf32>,
        %swap3A_245 = arith.index_cast %add3A_239 : i32 to index
        %swap3A_246 = tpu.vector_load %arg9[%swap3A_245] {strides = array<i32>} : memref<8192xf32, #tpu.memory_space<vmem>>, vector<16xf32>,
        tpu.vector_store %arg9[%swap3A_245], %gather3A_244 {strides = array<i32>} : memref<8192xf32, #tpu.memory_space<vmem>>, vector<16xf32>,
        %add3A_247 = arith.constant 224 : i32
        %add3A_248 = arith.addi %mul3A_123, %add3A_247 : i32
        %get3A_249 = arith.index_cast %add3A_248 : i32 to index
        %get3A_250 = tpu.vector_load %arg7[%get3A_249] {strides = array<i32>} : memref<8192xi32, #tpu.memory_space<vmem>>, vector<16xi32>,
        %add3A_251 = vector.broadcast %mul3A_123 : i32 to vector<16xi32>
        %add3A_252 = arith.addi %get3A_250, %add3A_251 : vector<16xi32>
        %gather3A_253 = tpu.vector_load_idx %arg5[%add3A_252] : memref<8192xf32, #tpu.memory_space<vmem>>[vector<16xi32>], vector<16xf32>,
        %swap3A_254 = arith.index_cast %add3A_248 : i32 to index
        %swap3A_255 = tpu.vector_load %arg9[%swap3A_254] {strides = array<i32>} : memref<8192xf32, #tpu.memory_space<vmem>>, vector<16xf32>,
        tpu.vector_store %arg9[%swap3A_254], %gather3A_253 {strides = array<i32>} : memref<8192xf32, #tpu.memory_space<vmem>>, vector<16xf32>,
        %add3A_256 = arith.constant 240 : i32
        %add3A_257 = arith.addi %mul3A_123, %add3A_256 : i32
        %get3A_258 = arith.index_cast %add3A_257 : i32 to index
        %get3A_259 = tpu.vector_load %arg7[%get3A_258] {strides = array<i32>} : memref<8192xi32, #tpu.memory_space<vmem>>, vector<16xi32>,
        %add3A_260 = vector.broadcast %mul3A_123 : i32 to vector<16xi32>
        %add3A_261 = arith.addi %get3A_259, %add3A_260 : vector<16xi32>
        %gather3A_262 = tpu.vector_load_idx %arg5[%add3A_261] : memref<8192xf32, #tpu.memory_space<vmem>>[vector<16xi32>], vector<16xf32>,
        %swap3A_263 = arith.index_cast %add3A_257 : i32 to index
        %swap3A_264 = tpu.vector_load %arg9[%swap3A_263] {strides = array<i32>} : memref<8192xf32, #tpu.memory_space<vmem>>, vector<16xf32>,
        tpu.vector_store %arg9[%swap3A_263], %gather3A_262 {strides = array<i32>} : memref<8192xf32, #tpu.memory_space<vmem>>, vector<16xf32>,
        %add3A_265 = arith.constant 256 : i32
        %add3A_266 = arith.addi %mul3A_123, %add3A_265 : i32
        %get3A_267 = arith.index_cast %add3A_266 : i32 to index
        %get3A_268 = tpu.vector_load %arg7[%get3A_267] {strides = array<i32>} : memref<8192xi32, #tpu.memory_space<vmem>>, vector<16xi32>,
        %add3A_269 = vector.broadcast %mul3A_123 : i32 to vector<16xi32>
        %add3A_270 = arith.addi %get3A_268, %add3A_269 : vector<16xi32>
        %gather3A_271 = tpu.vector_load_idx %arg5[%add3A_270] : memref<8192xf32, #tpu.memory_space<vmem>>[vector<16xi32>], vector<16xf32>,
        %swap3A_272 = arith.index_cast %add3A_266 : i32 to index
        %swap3A_273 = tpu.vector_load %arg9[%swap3A_272] {strides = array<i32>} : memref<8192xf32, #tpu.memory_space<vmem>>, vector<16xf32>,
        tpu.vector_store %arg9[%swap3A_272], %gather3A_271 {strides = array<i32>} : memref<8192xf32, #tpu.memory_space<vmem>>, vector<16xf32>,
        %add3A_274 = arith.constant 272 : i32
        %add3A_275 = arith.addi %mul3A_123, %add3A_274 : i32
        %get3A_276 = arith.index_cast %add3A_275 : i32 to index
        %get3A_277 = tpu.vector_load %arg7[%get3A_276] {strides = array<i32>} : memref<8192xi32, #tpu.memory_space<vmem>>, vector<16xi32>,
        %add3A_278 = vector.broadcast %mul3A_123 : i32 to vector<16xi32>
        %add3A_279 = arith.addi %get3A_277, %add3A_278 : vector<16xi32>
        %gather3A_280 = tpu.vector_load_idx %arg5[%add3A_279] : memref<8192xf32, #tpu.memory_space<vmem>>[vector<16xi32>], vector<16xf32>,
        %swap3A_281 = arith.index_cast %add3A_275 : i32 to index
        %swap3A_282 = tpu.vector_load %arg9[%swap3A_281] {strides = array<i32>} : memref<8192xf32, #tpu.memory_space<vmem>>, vector<16xf32>,
        tpu.vector_store %arg9[%swap3A_281], %gather3A_280 {strides = array<i32>} : memref<8192xf32, #tpu.memory_space<vmem>>, vector<16xf32>,
        %add3A_283 = arith.constant 288 : i32
        %add3A_284 = arith.addi %mul3A_123, %add3A_283 : i32
        %get3A_285 = arith.index_cast %add3A_284 : i32 to index
        %get3A_286 = tpu.vector_load %arg7[%get3A_285] {strides = array<i32>} : memref<8192xi32, #tpu.memory_space<vmem>>, vector<16xi32>,
        %add3A_287 = vector.broadcast %mul3A_123 : i32 to vector<16xi32>
        %add3A_288 = arith.addi %get3A_286, %add3A_287 : vector<16xi32>
        %gather3A_289 = tpu.vector_load_idx %arg5[%add3A_288] : memref<8192xf32, #tpu.memory_space<vmem>>[vector<16xi32>], vector<16xf32>,
        %swap3A_290 = arith.index_cast %add3A_284 : i32 to index
        %swap3A_291 = tpu.vector_load %arg9[%swap3A_290] {strides = array<i32>} : memref<8192xf32, #tpu.memory_space<vmem>>, vector<16xf32>,
        tpu.vector_store %arg9[%swap3A_290], %gather3A_289 {strides = array<i32>} : memref<8192xf32, #tpu.memory_space<vmem>>, vector<16xf32>,
        %add3A_292 = arith.constant 304 : i32
        %add3A_293 = arith.addi %mul3A_123, %add3A_292 : i32
        %get3A_294 = arith.index_cast %add3A_293 : i32 to index
        %get3A_295 = tpu.vector_load %arg7[%get3A_294] {strides = array<i32>} : memref<8192xi32, #tpu.memory_space<vmem>>, vector<16xi32>,
        %add3A_296 = vector.broadcast %mul3A_123 : i32 to vector<16xi32>
        %add3A_297 = arith.addi %get3A_295, %add3A_296 : vector<16xi32>
        %gather3A_298 = tpu.vector_load_idx %arg5[%add3A_297] : memref<8192xf32, #tpu.memory_space<vmem>>[vector<16xi32>], vector<16xf32>,
        %swap3A_299 = arith.index_cast %add3A_293 : i32 to index
        %swap3A_300 = tpu.vector_load %arg9[%swap3A_299] {strides = array<i32>} : memref<8192xf32, #tpu.memory_space<vmem>>, vector<16xf32>,
        tpu.vector_store %arg9[%swap3A_299], %gather3A_298 {strides = array<i32>} : memref<8192xf32, #tpu.memory_space<vmem>>, vector<16xf32>,
        %add3A_301 = arith.constant 320 : i32
        %add3A_302 = arith.addi %mul3A_123, %add3A_301 : i32
        %get3A_303 = arith.index_cast %add3A_302 : i32 to index
        %get3A_304 = tpu.vector_load %arg7[%get3A_303] {strides = array<i32>} : memref<8192xi32, #tpu.memory_space<vmem>>, vector<16xi32>,
        %add3A_305 = vector.broadcast %mul3A_123 : i32 to vector<16xi32>
        %add3A_306 = arith.addi %get3A_304, %add3A_305 : vector<16xi32>
        %gather3A_307 = tpu.vector_load_idx %arg5[%add3A_306] : memref<8192xf32, #tpu.memory_space<vmem>>[vector<16xi32>], vector<16xf32>,
        %swap3A_308 = arith.index_cast %add3A_302 : i32 to index
        %swap3A_309 = tpu.vector_load %arg9[%swap3A_308] {strides = array<i32>} : memref<8192xf32, #tpu.memory_space<vmem>>, vector<16xf32>,
        tpu.vector_store %arg9[%swap3A_308], %gather3A_307 {strides = array<i32>} : memref<8192xf32, #tpu.memory_space<vmem>>, vector<16xf32>,
        %add3A_310 = arith.constant 336 : i32
        %add3A_311 = arith.addi %mul3A_123, %add3A_310 : i32
        %get3A_312 = arith.index_cast %add3A_311 : i32 to index
        %get3A_313 = tpu.vector_load %arg7[%get3A_312] {strides = array<i32>} : memref<8192xi32, #tpu.memory_space<vmem>>, vector<16xi32>,
        %add3A_314 = vector.broadcast %mul3A_123 : i32 to vector<16xi32>
        %add3A_315 = arith.addi %get3A_313, %add3A_314 : vector<16xi32>
        %gather3A_316 = tpu.vector_load_idx %arg5[%add3A_315] : memref<8192xf32, #tpu.memory_space<vmem>>[vector<16xi32>], vector<16xf32>,
        %swap3A_317 = arith.index_cast %add3A_311 : i32 to index
        %swap3A_318 = tpu.vector_load %arg9[%swap3A_317] {strides = array<i32>} : memref<8192xf32, #tpu.memory_space<vmem>>, vector<16xf32>,
        tpu.vector_store %arg9[%swap3A_317], %gather3A_316 {strides = array<i32>} : memref<8192xf32, #tpu.memory_space<vmem>>, vector<16xf32>,
        %add3A_319 = arith.constant 352 : i32
        %add3A_320 = arith.addi %mul3A_123, %add3A_319 : i32
        %get3A_321 = arith.index_cast %add3A_320 : i32 to index
        %get3A_322 = tpu.vector_load %arg7[%get3A_321] {strides = array<i32>} : memref<8192xi32, #tpu.memory_space<vmem>>, vector<16xi32>,
        %add3A_323 = vector.broadcast %mul3A_123 : i32 to vector<16xi32>
        %add3A_324 = arith.addi %get3A_322, %add3A_323 : vector<16xi32>
        %gather3A_325 = tpu.vector_load_idx %arg5[%add3A_324] : memref<8192xf32, #tpu.memory_space<vmem>>[vector<16xi32>], vector<16xf32>,
        %swap3A_326 = arith.index_cast %add3A_320 : i32 to index
        %swap3A_327 = tpu.vector_load %arg9[%swap3A_326] {strides = array<i32>} : memref<8192xf32, #tpu.memory_space<vmem>>, vector<16xf32>,
        tpu.vector_store %arg9[%swap3A_326], %gather3A_325 {strides = array<i32>} : memref<8192xf32, #tpu.memory_space<vmem>>, vector<16xf32>,
        %add3A_328 = arith.constant 368 : i32
        %add3A_329 = arith.addi %mul3A_123, %add3A_328 : i32
        %get3A_330 = arith.index_cast %add3A_329 : i32 to index
        %get3A_331 = tpu.vector_load %arg7[%get3A_330] {strides = array<i32>} : memref<8192xi32, #tpu.memory_space<vmem>>, vector<16xi32>,
        %add3A_332 = vector.broadcast %mul3A_123 : i32 to vector<16xi32>
        %add3A_333 = arith.addi %get3A_331, %add3A_332 : vector<16xi32>
        %gather3A_334 = tpu.vector_load_idx %arg5[%add3A_333] : memref<8192xf32, #tpu.memory_space<vmem>>[vector<16xi32>], vector<16xf32>,
        %swap3A_335 = arith.index_cast %add3A_329 : i32 to index
        %swap3A_336 = tpu.vector_load %arg9[%swap3A_335] {strides = array<i32>} : memref<8192xf32, #tpu.memory_space<vmem>>, vector<16xf32>,
        tpu.vector_store %arg9[%swap3A_335], %gather3A_334 {strides = array<i32>} : memref<8192xf32, #tpu.memory_space<vmem>>, vector<16xf32>,
        %add3A_337 = arith.constant 384 : i32
        %add3A_338 = arith.addi %mul3A_123, %add3A_337 : i32
        %get3A_339 = arith.index_cast %add3A_338 : i32 to index
        %get3A_340 = tpu.vector_load %arg7[%get3A_339] {strides = array<i32>} : memref<8192xi32, #tpu.memory_space<vmem>>, vector<16xi32>,
        %add3A_341 = vector.broadcast %mul3A_123 : i32 to vector<16xi32>
        %add3A_342 = arith.addi %get3A_340, %add3A_341 : vector<16xi32>
        %gather3A_343 = tpu.vector_load_idx %arg5[%add3A_342] : memref<8192xf32, #tpu.memory_space<vmem>>[vector<16xi32>], vector<16xf32>,
        %swap3A_344 = arith.index_cast %add3A_338 : i32 to index
        %swap3A_345 = tpu.vector_load %arg9[%swap3A_344] {strides = array<i32>} : memref<8192xf32, #tpu.memory_space<vmem>>, vector<16xf32>,
        tpu.vector_store %arg9[%swap3A_344], %gather3A_343 {strides = array<i32>} : memref<8192xf32, #tpu.memory_space<vmem>>, vector<16xf32>,
        %add3A_346 = arith.constant 400 : i32
        %add3A_347 = arith.addi %mul3A_123, %add3A_346 : i32
        %get3A_348 = arith.index_cast %add3A_347 : i32 to index
        %get3A_349 = tpu.vector_load %arg7[%get3A_348] {strides = array<i32>} : memref<8192xi32, #tpu.memory_space<vmem>>, vector<16xi32>,
        %add3A_350 = vector.broadcast %mul3A_123 : i32 to vector<16xi32>
        %add3A_351 = arith.addi %get3A_349, %add3A_350 : vector<16xi32>
        %gather3A_352 = tpu.vector_load_idx %arg5[%add3A_351] : memref<8192xf32, #tpu.memory_space<vmem>>[vector<16xi32>], vector<16xf32>,
        %swap3A_353 = arith.index_cast %add3A_347 : i32 to index
        %swap3A_354 = tpu.vector_load %arg9[%swap3A_353] {strides = array<i32>} : memref<8192xf32, #tpu.memory_space<vmem>>, vector<16xf32>,
        tpu.vector_store %arg9[%swap3A_353], %gather3A_352 {strides = array<i32>} : memref<8192xf32, #tpu.memory_space<vmem>>, vector<16xf32>,
        %add3A_355 = arith.constant 416 : i32
        %add3A_356 = arith.addi %mul3A_123, %add3A_355 : i32
        %get3A_357 = arith.index_cast %add3A_356 : i32 to index
        %get3A_358 = tpu.vector_load %arg7[%get3A_357] {strides = array<i32>} : memref<8192xi32, #tpu.memory_space<vmem>>, vector<16xi32>,
        %add3A_359 = vector.broadcast %mul3A_123 : i32 to vector<16xi32>
        %add3A_360 = arith.addi %get3A_358, %add3A_359 : vector<16xi32>
        %gather3A_361 = tpu.vector_load_idx %arg5[%add3A_360] : memref<8192xf32, #tpu.memory_space<vmem>>[vector<16xi32>], vector<16xf32>,
        %swap3A_362 = arith.index_cast %add3A_356 : i32 to index
        %swap3A_363 = tpu.vector_load %arg9[%swap3A_362] {strides = array<i32>} : memref<8192xf32, #tpu.memory_space<vmem>>, vector<16xf32>,
        tpu.vector_store %arg9[%swap3A_362], %gather3A_361 {strides = array<i32>} : memref<8192xf32, #tpu.memory_space<vmem>>, vector<16xf32>,
        %add3A_364 = arith.constant 432 : i32
        %add3A_365 = arith.addi %mul3A_123, %add3A_364 : i32
        %get3A_366 = arith.index_cast %add3A_365 : i32 to index
        %get3A_367 = tpu.vector_load %arg7[%get3A_366] {strides = array<i32>} : memref<8192xi32, #tpu.memory_space<vmem>>, vector<16xi32>,
        %add3A_368 = vector.broadcast %mul3A_123 : i32 to vector<16xi32>
        %add3A_369 = arith.addi %get3A_367, %add3A_368 : vector<16xi32>
        %gather3A_370 = tpu.vector_load_idx %arg5[%add3A_369] : memref<8192xf32, #tpu.memory_space<vmem>>[vector<16xi32>], vector<16xf32>,
        %swap3A_371 = arith.index_cast %add3A_365 : i32 to index
        %swap3A_372 = tpu.vector_load %arg9[%swap3A_371] {strides = array<i32>} : memref<8192xf32, #tpu.memory_space<vmem>>, vector<16xf32>,
        tpu.vector_store %arg9[%swap3A_371], %gather3A_370 {strides = array<i32>} : memref<8192xf32, #tpu.memory_space<vmem>>, vector<16xf32>,
        %add3A_373 = arith.constant 448 : i32
        %add3A_374 = arith.addi %mul3A_123, %add3A_373 : i32
        %get3A_375 = arith.index_cast %add3A_374 : i32 to index
        %get3A_376 = tpu.vector_load %arg7[%get3A_375] {strides = array<i32>} : memref<8192xi32, #tpu.memory_space<vmem>>, vector<16xi32>,
        %add3A_377 = vector.broadcast %mul3A_123 : i32 to vector<16xi32>
        %add3A_378 = arith.addi %get3A_376, %add3A_377 : vector<16xi32>
        %gather3A_379 = tpu.vector_load_idx %arg5[%add3A_378] : memref<8192xf32, #tpu.memory_space<vmem>>[vector<16xi32>], vector<16xf32>,
        %swap3A_380 = arith.index_cast %add3A_374 : i32 to index
        %swap3A_381 = tpu.vector_load %arg9[%swap3A_380] {strides = array<i32>} : memref<8192xf32, #tpu.memory_space<vmem>>, vector<16xf32>,
        tpu.vector_store %arg9[%swap3A_380], %gather3A_379 {strides = array<i32>} : memref<8192xf32, #tpu.memory_space<vmem>>, vector<16xf32>,
        %add3A_382 = arith.constant 464 : i32
        %add3A_383 = arith.addi %mul3A_123, %add3A_382 : i32
        %get3A_384 = arith.index_cast %add3A_383 : i32 to index
        %get3A_385 = tpu.vector_load %arg7[%get3A_384] {strides = array<i32>} : memref<8192xi32, #tpu.memory_space<vmem>>, vector<16xi32>,
        %add3A_386 = vector.broadcast %mul3A_123 : i32 to vector<16xi32>
        %add3A_387 = arith.addi %get3A_385, %add3A_386 : vector<16xi32>
        %gather3A_388 = tpu.vector_load_idx %arg5[%add3A_387] : memref<8192xf32, #tpu.memory_space<vmem>>[vector<16xi32>], vector<16xf32>,
        %swap3A_389 = arith.index_cast %add3A_383 : i32 to index
        %swap3A_390 = tpu.vector_load %arg9[%swap3A_389] {strides = array<i32>} : memref<8192xf32, #tpu.memory_space<vmem>>, vector<16xf32>,
        tpu.vector_store %arg9[%swap3A_389], %gather3A_388 {strides = array<i32>} : memref<8192xf32, #tpu.memory_space<vmem>>, vector<16xf32>,
        %add3A_391 = arith.constant 480 : i32
        %add3A_392 = arith.addi %mul3A_123, %add3A_391 : i32
        %get3A_393 = arith.index_cast %add3A_392 : i32 to index
        %get3A_394 = tpu.vector_load %arg7[%get3A_393] {strides = array<i32>} : memref<8192xi32, #tpu.memory_space<vmem>>, vector<16xi32>,
        %add3A_395 = vector.broadcast %mul3A_123 : i32 to vector<16xi32>
        %add3A_396 = arith.addi %get3A_394, %add3A_395 : vector<16xi32>
        %gather3A_397 = tpu.vector_load_idx %arg5[%add3A_396] : memref<8192xf32, #tpu.memory_space<vmem>>[vector<16xi32>], vector<16xf32>,
        %swap3A_398 = arith.index_cast %add3A_392 : i32 to index
        %swap3A_399 = tpu.vector_load %arg9[%swap3A_398] {strides = array<i32>} : memref<8192xf32, #tpu.memory_space<vmem>>, vector<16xf32>,
        tpu.vector_store %arg9[%swap3A_398], %gather3A_397 {strides = array<i32>} : memref<8192xf32, #tpu.memory_space<vmem>>, vector<16xf32>,
        %add3A_400 = arith.constant 496 : i32
        %add3A_401 = arith.addi %mul3A_123, %add3A_400 : i32
        %get3A_402 = arith.index_cast %add3A_401 : i32 to index
        %get3A_403 = tpu.vector_load %arg7[%get3A_402] {strides = array<i32>} : memref<8192xi32, #tpu.memory_space<vmem>>, vector<16xi32>,
        %add3A_404 = vector.broadcast %mul3A_123 : i32 to vector<16xi32>
        %add3A_405 = arith.addi %get3A_403, %add3A_404 : vector<16xi32>
        %gather3A_406 = tpu.vector_load_idx %arg5[%add3A_405] : memref<8192xf32, #tpu.memory_space<vmem>>[vector<16xi32>], vector<16xf32>,
        %swap3A_407 = arith.index_cast %add3A_401 : i32 to index
        %swap3A_408 = tpu.vector_load %arg9[%swap3A_407] {strides = array<i32>} : memref<8192xf32, #tpu.memory_space<vmem>>, vector<16xf32>,
        tpu.vector_store %arg9[%swap3A_407], %gather3A_406 {strides = array<i32>} : memref<8192xf32, #tpu.memory_space<vmem>>, vector<16xf32>,
      }
      %scan3A_63 = arith.constant 16 : i32
      %mul3A_64 = arith.constant 1024 : i32
      %mul3A_65 = arith.muli %add3A, %mul3A_64 : i32
      %mul3A_66 = arith.constant 16 : i32
      %mul3A_67 = arith.muli %add3A_44, %mul3A_66 : i32
      %add3A_68 = arith.addi %mul3A_65, %mul3A_67 : i32
      %mul3A_69 = arith.constant 512 : i32
      %mul3A_70 = arith.muli %add3A_68, %mul3A_69 : i32
      %dma_start3A_71 = tpu.memref_slice %arg4[%mul3A_70] : memref<16777216xf32, #tpu.memory_space<hbm>> -> memref<8192xf32, #tpu.memory_space<hbm>>
      %dma_start3A_72 = tpu.memref_slice %arg4[%mul3A_70] : memref<16777216xf32, #tpu.memory_space<hbm>> -> memref<8192xf32, #tpu.memory_space<hbm>>
      tpu.enqueue_dma source(%arg9 : memref<8192xf32, #tpu.memory_space<vmem>>) target(%dma_start3A_72 : memref<8192xf32, #tpu.memory_space<hbm>>) target_semaphore(%arg13 : memref<!tpu.dma_semaphore, #tpu.memory_space<semaphore_mem>>)
      %add3A_73 = arith.constant 1 : i32
      %add3A_74 = arith.addi %scan3A_40, %add3A_73 : i32
      %lt3A = arith.constant 32 : i32
      %lt3A_75 = arith.cmpi slt, %add3A_74, %lt3A : i32
      %convert_element_type3A_76 = arith.extui %lt3A_75 : i1 to i32
      %cond3A_77 = arith.constant 0 : i32
      %cond3A_78 = arith.cmpi ne, %convert_element_type3A_76, %cond3A_77 : i32
      scf.if %cond3A_78 {
        %add3A_121 = arith.constant 2 : i32
        %add3A_122 = arith.addi %add3A_44, %add3A_121 : i32
        %mul3A_123 = arith.constant 1024 : i32
        %mul3A_124 = arith.muli %add3A, %mul3A_123 : i32
        %mul3A_125 = arith.constant 16 : i32
        %mul3A_126 = arith.muli %add3A_122, %mul3A_125 : i32
        %add3A_127 = arith.addi %mul3A_124, %mul3A_126 : i32
        %mul3A_128 = arith.constant 512 : i32
        %mul3A_129 = arith.muli %add3A_127, %mul3A_128 : i32
        %dma_start3A_130 = tpu.memref_slice %arg2[%mul3A_129] : memref<16777216xf32, #tpu.memory_space<hbm>> -> memref<8192xf32, #tpu.memory_space<hbm>>
        %dma_start3A_131 = tpu.memref_slice %arg2[%mul3A_129] : memref<16777216xf32, #tpu.memory_space<hbm>> -> memref<8192xf32, #tpu.memory_space<hbm>>
        tpu.enqueue_dma source(%dma_start3A_131 : memref<8192xf32, #tpu.memory_space<hbm>>) target(%arg5 : memref<8192xf32, #tpu.memory_space<vmem>>) target_semaphore(%arg11 : memref<!tpu.dma_semaphore, #tpu.memory_space<semaphore_mem>>)
        %dma_start3A_132 = tpu.memref_slice %arg3[%mul3A_129] : memref<16777216xi32, #tpu.memory_space<hbm>> -> memref<8192xi32, #tpu.memory_space<hbm>>
        %dma_start3A_133 = tpu.memref_slice %arg3[%mul3A_129] : memref<16777216xi32, #tpu.memory_space<hbm>> -> memref<8192xi32, #tpu.memory_space<hbm>>
        tpu.enqueue_dma source(%dma_start3A_133 : memref<8192xi32, #tpu.memory_space<hbm>>) target(%arg7 : memref<8192xi32, #tpu.memory_space<vmem>>) target_semaphore(%arg11 : memref<!tpu.dma_semaphore, #tpu.memory_space<semaphore_mem>>)
      } else {
      }
      %mul3A_79 = arith.constant 2 : i32
      %mul3A_80 = arith.muli %scan3A_40, %mul3A_79 : i32
      %add3A_81 = arith.constant 1 : i32
      %add3A_82 = arith.addi %mul3A_80, %add3A_81 : i32
      %mul3A_83 = arith.constant 1024 : i32
      %mul3A_84 = arith.muli %add3A, %mul3A_83 : i32
      %mul3A_85 = arith.constant 16 : i32
      %mul3A_86 = arith.muli %add3A_82, %mul3A_85 : i32
      %add3A_87 = arith.addi %mul3A_84, %mul3A_86 : i32
      %mul3A_88 = arith.constant 512 : i32
      %mul3A_89 = arith.muli %add3A_87, %mul3A_88 : i32
      %dma_wait3A_90 = tpu.memref_slice %arg2[%mul3A_89] : memref<16777216xf32, #tpu.memory_space<hbm>> -> memref<8192xf32, #tpu.memory_space<hbm>>
      %dma_wait3A_91 = tpu.memref_slice %arg2[%mul3A_89] : memref<16777216xf32, #tpu.memory_space<hbm>> -> memref<8192xf32, #tpu.memory_space<hbm>>
      tpu.wait_dma2 semaphore(%arg12 : memref<!tpu.dma_semaphore, #tpu.memory_space<semaphore_mem>>) src(%dma_wait3A_91 : memref<8192xf32, #tpu.memory_space<hbm>>) dst(%arg6 : memref<8192xf32, #tpu.memory_space<vmem>>)
      %dma_wait3A_92 = tpu.memref_slice %arg3[%mul3A_89] : memref<16777216xi32, #tpu.memory_space<hbm>> -> memref<8192xi32, #tpu.memory_space<hbm>>
      %dma_wait3A_93 = tpu.memref_slice %arg3[%mul3A_89] : memref<16777216xi32, #tpu.memory_space<hbm>> -> memref<8192xi32, #tpu.memory_space<hbm>>
      tpu.wait_dma2 semaphore(%arg12 : memref<!tpu.dma_semaphore, #tpu.memory_space<semaphore_mem>>) src(%dma_wait3A_93 : memref<8192xi32, #tpu.memory_space<hbm>>) dst(%arg8 : memref<8192xi32, #tpu.memory_space<vmem>>)
      %gt3A_94 = arith.constant 0 : i32
      %gt3A_95 = arith.cmpi sgt, %scan3A_40, %gt3A_94 : i32
      %convert_element_type3A_96 = arith.extui %gt3A_95 : i1 to i32
      %cond3A_97 = arith.constant 0 : i32
      %cond3A_98 = arith.cmpi ne, %convert_element_type3A_96, %cond3A_97 : i32
      scf.if %cond3A_98 {
        %sub3A = arith.constant 2 : i32
        %sub3A_121 = arith.subi %add3A_82, %sub3A : i32
        %mul3A_122 = arith.constant 1024 : i32
        %mul3A_123 = arith.muli %add3A, %mul3A_122 : i32
        %mul3A_124 = arith.constant 16 : i32
        %mul3A_125 = arith.muli %sub3A_121, %mul3A_124 : i32
        %add3A_126 = arith.addi %mul3A_123, %mul3A_125 : i32
        %mul3A_127 = arith.constant 512 : i32
        %mul3A_128 = arith.muli %add3A_126, %mul3A_127 : i32
        %dma_wait3A_129 = tpu.memref_slice %arg4[%mul3A_128] : memref<16777216xf32, #tpu.memory_space<hbm>> -> memref<8192xf32, #tpu.memory_space<hbm>>
        %dma_wait3A_130 = tpu.memref_slice %arg4[%mul3A_128] : memref<16777216xf32, #tpu.memory_space<hbm>> -> memref<8192xf32, #tpu.memory_space<hbm>>
        tpu.wait_dma2 semaphore(%arg14 : memref<!tpu.dma_semaphore, #tpu.memory_space<semaphore_mem>>) src(%arg10 : memref<8192xf32, #tpu.memory_space<vmem>>) dst(%dma_wait3A_130 : memref<8192xf32, #tpu.memory_space<hbm>>)
      } else {
      }
      %scan3A_99 = arith.constant 0 : i32
      %scan3A_100 = arith.constant 0 : i32
      %scan3A_101 = arith.constant 16 : i32
      %scan3A_102 = arith.addi %scan3A_100, %scan3A_101 : i32
      %scan3A_103 = arith.constant 1 : i32
      scf.for %scan3A_121 = %scan3A_100 to %scan3A_102 step %scan3A_103  : i32 {
        %mul3A_122 = arith.constant 512 : i32
        %mul3A_123 = arith.muli %scan3A_121, %mul3A_122 : i32
        %add3A_124 = arith.constant 0 : i32
        %add3A_125 = arith.addi %mul3A_123, %add3A_124 : i32
        %get3A = arith.index_cast %add3A_125 : i32 to index
        %get3A_126 = tpu.vector_load %arg8[%get3A] {strides = array<i32>} : memref<8192xi32, #tpu.memory_space<vmem>>, vector<16xi32>,
        %add3A_127 = vector.broadcast %mul3A_123 : i32 to vector<16xi32>
        %add3A_128 = arith.addi %get3A_126, %add3A_127 : vector<16xi32>
        %gather3A = tpu.vector_load_idx %arg6[%add3A_128] : memref<8192xf32, #tpu.memory_space<vmem>>[vector<16xi32>], vector<16xf32>,
        %swap3A = arith.index_cast %add3A_125 : i32 to index
        %swap3A_129 = tpu.vector_load %arg10[%swap3A] {strides = array<i32>} : memref<8192xf32, #tpu.memory_space<vmem>>, vector<16xf32>,
        tpu.vector_store %arg10[%swap3A], %gather3A {strides = array<i32>} : memref<8192xf32, #tpu.memory_space<vmem>>, vector<16xf32>,
        %add3A_130 = arith.constant 16 : i32
        %add3A_131 = arith.addi %mul3A_123, %add3A_130 : i32
        %get3A_132 = arith.index_cast %add3A_131 : i32 to index
        %get3A_133 = tpu.vector_load %arg8[%get3A_132] {strides = array<i32>} : memref<8192xi32, #tpu.memory_space<vmem>>, vector<16xi32>,
        %add3A_134 = vector.broadcast %mul3A_123 : i32 to vector<16xi32>
        %add3A_135 = arith.addi %get3A_133, %add3A_134 : vector<16xi32>
        %gather3A_136 = tpu.vector_load_idx %arg6[%add3A_135] : memref<8192xf32, #tpu.memory_space<vmem>>[vector<16xi32>], vector<16xf32>,
        %swap3A_137 = arith.index_cast %add3A_131 : i32 to index
        %swap3A_138 = tpu.vector_load %arg10[%swap3A_137] {strides = array<i32>} : memref<8192xf32, #tpu.memory_space<vmem>>, vector<16xf32>,
        tpu.vector_store %arg10[%swap3A_137], %gather3A_136 {strides = array<i32>} : memref<8192xf32, #tpu.memory_space<vmem>>, vector<16xf32>,
        %add3A_139 = arith.constant 32 : i32
        %add3A_140 = arith.addi %mul3A_123, %add3A_139 : i32
        %get3A_141 = arith.index_cast %add3A_140 : i32 to index
        %get3A_142 = tpu.vector_load %arg8[%get3A_141] {strides = array<i32>} : memref<8192xi32, #tpu.memory_space<vmem>>, vector<16xi32>,
        %add3A_143 = vector.broadcast %mul3A_123 : i32 to vector<16xi32>
        %add3A_144 = arith.addi %get3A_142, %add3A_143 : vector<16xi32>
        %gather3A_145 = tpu.vector_load_idx %arg6[%add3A_144] : memref<8192xf32, #tpu.memory_space<vmem>>[vector<16xi32>], vector<16xf32>,
        %swap3A_146 = arith.index_cast %add3A_140 : i32 to index
        %swap3A_147 = tpu.vector_load %arg10[%swap3A_146] {strides = array<i32>} : memref<8192xf32, #tpu.memory_space<vmem>>, vector<16xf32>,
        tpu.vector_store %arg10[%swap3A_146], %gather3A_145 {strides = array<i32>} : memref<8192xf32, #tpu.memory_space<vmem>>, vector<16xf32>,
        %add3A_148 = arith.constant 48 : i32
        %add3A_149 = arith.addi %mul3A_123, %add3A_148 : i32
        %get3A_150 = arith.index_cast %add3A_149 : i32 to index
        %get3A_151 = tpu.vector_load %arg8[%get3A_150] {strides = array<i32>} : memref<8192xi32, #tpu.memory_space<vmem>>, vector<16xi32>,
        %add3A_152 = vector.broadcast %mul3A_123 : i32 to vector<16xi32>
        %add3A_153 = arith.addi %get3A_151, %add3A_152 : vector<16xi32>
        %gather3A_154 = tpu.vector_load_idx %arg6[%add3A_153] : memref<8192xf32, #tpu.memory_space<vmem>>[vector<16xi32>], vector<16xf32>,
        %swap3A_155 = arith.index_cast %add3A_149 : i32 to index
        %swap3A_156 = tpu.vector_load %arg10[%swap3A_155] {strides = array<i32>} : memref<8192xf32, #tpu.memory_space<vmem>>, vector<16xf32>,
        tpu.vector_store %arg10[%swap3A_155], %gather3A_154 {strides = array<i32>} : memref<8192xf32, #tpu.memory_space<vmem>>, vector<16xf32>,
        %add3A_157 = arith.constant 64 : i32
        %add3A_158 = arith.addi %mul3A_123, %add3A_157 : i32
        %get3A_159 = arith.index_cast %add3A_158 : i32 to index
        %get3A_160 = tpu.vector_load %arg8[%get3A_159] {strides = array<i32>} : memref<8192xi32, #tpu.memory_space<vmem>>, vector<16xi32>,
        %add3A_161 = vector.broadcast %mul3A_123 : i32 to vector<16xi32>
        %add3A_162 = arith.addi %get3A_160, %add3A_161 : vector<16xi32>
        %gather3A_163 = tpu.vector_load_idx %arg6[%add3A_162] : memref<8192xf32, #tpu.memory_space<vmem>>[vector<16xi32>], vector<16xf32>,
        %swap3A_164 = arith.index_cast %add3A_158 : i32 to index
        %swap3A_165 = tpu.vector_load %arg10[%swap3A_164] {strides = array<i32>} : memref<8192xf32, #tpu.memory_space<vmem>>, vector<16xf32>,
        tpu.vector_store %arg10[%swap3A_164], %gather3A_163 {strides = array<i32>} : memref<8192xf32, #tpu.memory_space<vmem>>, vector<16xf32>,
        %add3A_166 = arith.constant 80 : i32
        %add3A_167 = arith.addi %mul3A_123, %add3A_166 : i32
        %get3A_168 = arith.index_cast %add3A_167 : i32 to index
        %get3A_169 = tpu.vector_load %arg8[%get3A_168] {strides = array<i32>} : memref<8192xi32, #tpu.memory_space<vmem>>, vector<16xi32>,
        %add3A_170 = vector.broadcast %mul3A_123 : i32 to vector<16xi32>
        %add3A_171 = arith.addi %get3A_169, %add3A_170 : vector<16xi32>
        %gather3A_172 = tpu.vector_load_idx %arg6[%add3A_171] : memref<8192xf32, #tpu.memory_space<vmem>>[vector<16xi32>], vector<16xf32>,
        %swap3A_173 = arith.index_cast %add3A_167 : i32 to index
        %swap3A_174 = tpu.vector_load %arg10[%swap3A_173] {strides = array<i32>} : memref<8192xf32, #tpu.memory_space<vmem>>, vector<16xf32>,
        tpu.vector_store %arg10[%swap3A_173], %gather3A_172 {strides = array<i32>} : memref<8192xf32, #tpu.memory_space<vmem>>, vector<16xf32>,
        %add3A_175 = arith.constant 96 : i32
        %add3A_176 = arith.addi %mul3A_123, %add3A_175 : i32
        %get3A_177 = arith.index_cast %add3A_176 : i32 to index
        %get3A_178 = tpu.vector_load %arg8[%get3A_177] {strides = array<i32>} : memref<8192xi32, #tpu.memory_space<vmem>>, vector<16xi32>,
        %add3A_179 = vector.broadcast %mul3A_123 : i32 to vector<16xi32>
        %add3A_180 = arith.addi %get3A_178, %add3A_179 : vector<16xi32>
        %gather3A_181 = tpu.vector_load_idx %arg6[%add3A_180] : memref<8192xf32, #tpu.memory_space<vmem>>[vector<16xi32>], vector<16xf32>,
        %swap3A_182 = arith.index_cast %add3A_176 : i32 to index
        %swap3A_183 = tpu.vector_load %arg10[%swap3A_182] {strides = array<i32>} : memref<8192xf32, #tpu.memory_space<vmem>>, vector<16xf32>,
        tpu.vector_store %arg10[%swap3A_182], %gather3A_181 {strides = array<i32>} : memref<8192xf32, #tpu.memory_space<vmem>>, vector<16xf32>,
        %add3A_184 = arith.constant 112 : i32
        %add3A_185 = arith.addi %mul3A_123, %add3A_184 : i32
        %get3A_186 = arith.index_cast %add3A_185 : i32 to index
        %get3A_187 = tpu.vector_load %arg8[%get3A_186] {strides = array<i32>} : memref<8192xi32, #tpu.memory_space<vmem>>, vector<16xi32>,
        %add3A_188 = vector.broadcast %mul3A_123 : i32 to vector<16xi32>
        %add3A_189 = arith.addi %get3A_187, %add3A_188 : vector<16xi32>
        %gather3A_190 = tpu.vector_load_idx %arg6[%add3A_189] : memref<8192xf32, #tpu.memory_space<vmem>>[vector<16xi32>], vector<16xf32>,
        %swap3A_191 = arith.index_cast %add3A_185 : i32 to index
        %swap3A_192 = tpu.vector_load %arg10[%swap3A_191] {strides = array<i32>} : memref<8192xf32, #tpu.memory_space<vmem>>, vector<16xf32>,
        tpu.vector_store %arg10[%swap3A_191], %gather3A_190 {strides = array<i32>} : memref<8192xf32, #tpu.memory_space<vmem>>, vector<16xf32>,
        %add3A_193 = arith.constant 128 : i32
        %add3A_194 = arith.addi %mul3A_123, %add3A_193 : i32
        %get3A_195 = arith.index_cast %add3A_194 : i32 to index
        %get3A_196 = tpu.vector_load %arg8[%get3A_195] {strides = array<i32>} : memref<8192xi32, #tpu.memory_space<vmem>>, vector<16xi32>,
        %add3A_197 = vector.broadcast %mul3A_123 : i32 to vector<16xi32>
        %add3A_198 = arith.addi %get3A_196, %add3A_197 : vector<16xi32>
        %gather3A_199 = tpu.vector_load_idx %arg6[%add3A_198] : memref<8192xf32, #tpu.memory_space<vmem>>[vector<16xi32>], vector<16xf32>,
        %swap3A_200 = arith.index_cast %add3A_194 : i32 to index
        %swap3A_201 = tpu.vector_load %arg10[%swap3A_200] {strides = array<i32>} : memref<8192xf32, #tpu.memory_space<vmem>>, vector<16xf32>,
        tpu.vector_store %arg10[%swap3A_200], %gather3A_199 {strides = array<i32>} : memref<8192xf32, #tpu.memory_space<vmem>>, vector<16xf32>,
        %add3A_202 = arith.constant 144 : i32
        %add3A_203 = arith.addi %mul3A_123, %add3A_202 : i32
        %get3A_204 = arith.index_cast %add3A_203 : i32 to index
        %get3A_205 = tpu.vector_load %arg8[%get3A_204] {strides = array<i32>} : memref<8192xi32, #tpu.memory_space<vmem>>, vector<16xi32>,
        %add3A_206 = vector.broadcast %mul3A_123 : i32 to vector<16xi32>
        %add3A_207 = arith.addi %get3A_205, %add3A_206 : vector<16xi32>
        %gather3A_208 = tpu.vector_load_idx %arg6[%add3A_207] : memref<8192xf32, #tpu.memory_space<vmem>>[vector<16xi32>], vector<16xf32>,
        %swap3A_209 = arith.index_cast %add3A_203 : i32 to index
        %swap3A_210 = tpu.vector_load %arg10[%swap3A_209] {strides = array<i32>} : memref<8192xf32, #tpu.memory_space<vmem>>, vector<16xf32>,
        tpu.vector_store %arg10[%swap3A_209], %gather3A_208 {strides = array<i32>} : memref<8192xf32, #tpu.memory_space<vmem>>, vector<16xf32>,
        %add3A_211 = arith.constant 160 : i32
        %add3A_212 = arith.addi %mul3A_123, %add3A_211 : i32
        %get3A_213 = arith.index_cast %add3A_212 : i32 to index
        %get3A_214 = tpu.vector_load %arg8[%get3A_213] {strides = array<i32>} : memref<8192xi32, #tpu.memory_space<vmem>>, vector<16xi32>,
        %add3A_215 = vector.broadcast %mul3A_123 : i32 to vector<16xi32>
        %add3A_216 = arith.addi %get3A_214, %add3A_215 : vector<16xi32>
        %gather3A_217 = tpu.vector_load_idx %arg6[%add3A_216] : memref<8192xf32, #tpu.memory_space<vmem>>[vector<16xi32>], vector<16xf32>,
        %swap3A_218 = arith.index_cast %add3A_212 : i32 to index
        %swap3A_219 = tpu.vector_load %arg10[%swap3A_218] {strides = array<i32>} : memref<8192xf32, #tpu.memory_space<vmem>>, vector<16xf32>,
        tpu.vector_store %arg10[%swap3A_218], %gather3A_217 {strides = array<i32>} : memref<8192xf32, #tpu.memory_space<vmem>>, vector<16xf32>,
        %add3A_220 = arith.constant 176 : i32
        %add3A_221 = arith.addi %mul3A_123, %add3A_220 : i32
        %get3A_222 = arith.index_cast %add3A_221 : i32 to index
        %get3A_223 = tpu.vector_load %arg8[%get3A_222] {strides = array<i32>} : memref<8192xi32, #tpu.memory_space<vmem>>, vector<16xi32>,
        %add3A_224 = vector.broadcast %mul3A_123 : i32 to vector<16xi32>
        %add3A_225 = arith.addi %get3A_223, %add3A_224 : vector<16xi32>
        %gather3A_226 = tpu.vector_load_idx %arg6[%add3A_225] : memref<8192xf32, #tpu.memory_space<vmem>>[vector<16xi32>], vector<16xf32>,
        %swap3A_227 = arith.index_cast %add3A_221 : i32 to index
        %swap3A_228 = tpu.vector_load %arg10[%swap3A_227] {strides = array<i32>} : memref<8192xf32, #tpu.memory_space<vmem>>, vector<16xf32>,
        tpu.vector_store %arg10[%swap3A_227], %gather3A_226 {strides = array<i32>} : memref<8192xf32, #tpu.memory_space<vmem>>, vector<16xf32>,
        %add3A_229 = arith.constant 192 : i32
        %add3A_230 = arith.addi %mul3A_123, %add3A_229 : i32
        %get3A_231 = arith.index_cast %add3A_230 : i32 to index
        %get3A_232 = tpu.vector_load %arg8[%get3A_231] {strides = array<i32>} : memref<8192xi32, #tpu.memory_space<vmem>>, vector<16xi32>,
        %add3A_233 = vector.broadcast %mul3A_123 : i32 to vector<16xi32>
        %add3A_234 = arith.addi %get3A_232, %add3A_233 : vector<16xi32>
        %gather3A_235 = tpu.vector_load_idx %arg6[%add3A_234] : memref<8192xf32, #tpu.memory_space<vmem>>[vector<16xi32>], vector<16xf32>,
        %swap3A_236 = arith.index_cast %add3A_230 : i32 to index
        %swap3A_237 = tpu.vector_load %arg10[%swap3A_236] {strides = array<i32>} : memref<8192xf32, #tpu.memory_space<vmem>>, vector<16xf32>,
        tpu.vector_store %arg10[%swap3A_236], %gather3A_235 {strides = array<i32>} : memref<8192xf32, #tpu.memory_space<vmem>>, vector<16xf32>,
        %add3A_238 = arith.constant 208 : i32
        %add3A_239 = arith.addi %mul3A_123, %add3A_238 : i32
        %get3A_240 = arith.index_cast %add3A_239 : i32 to index
        %get3A_241 = tpu.vector_load %arg8[%get3A_240] {strides = array<i32>} : memref<8192xi32, #tpu.memory_space<vmem>>, vector<16xi32>,
        %add3A_242 = vector.broadcast %mul3A_123 : i32 to vector<16xi32>
        %add3A_243 = arith.addi %get3A_241, %add3A_242 : vector<16xi32>
        %gather3A_244 = tpu.vector_load_idx %arg6[%add3A_243] : memref<8192xf32, #tpu.memory_space<vmem>>[vector<16xi32>], vector<16xf32>,
        %swap3A_245 = arith.index_cast %add3A_239 : i32 to index
        %swap3A_246 = tpu.vector_load %arg10[%swap3A_245] {strides = array<i32>} : memref<8192xf32, #tpu.memory_space<vmem>>, vector<16xf32>,
        tpu.vector_store %arg10[%swap3A_245], %gather3A_244 {strides = array<i32>} : memref<8192xf32, #tpu.memory_space<vmem>>, vector<16xf32>,
        %add3A_247 = arith.constant 224 : i32
        %add3A_248 = arith.addi %mul3A_123, %add3A_247 : i32
        %get3A_249 = arith.index_cast %add3A_248 : i32 to index
        %get3A_250 = tpu.vector_load %arg8[%get3A_249] {strides = array<i32>} : memref<8192xi32, #tpu.memory_space<vmem>>, vector<16xi32>,
        %add3A_251 = vector.broadcast %mul3A_123 : i32 to vector<16xi32>
        %add3A_252 = arith.addi %get3A_250, %add3A_251 : vector<16xi32>
        %gather3A_253 = tpu.vector_load_idx %arg6[%add3A_252] : memref<8192xf32, #tpu.memory_space<vmem>>[vector<16xi32>], vector<16xf32>,
        %swap3A_254 = arith.index_cast %add3A_248 : i32 to index
        %swap3A_255 = tpu.vector_load %arg10[%swap3A_254] {strides = array<i32>} : memref<8192xf32, #tpu.memory_space<vmem>>, vector<16xf32>,
        tpu.vector_store %arg10[%swap3A_254], %gather3A_253 {strides = array<i32>} : memref<8192xf32, #tpu.memory_space<vmem>>, vector<16xf32>,
        %add3A_256 = arith.constant 240 : i32
        %add3A_257 = arith.addi %mul3A_123, %add3A_256 : i32
        %get3A_258 = arith.index_cast %add3A_257 : i32 to index
        %get3A_259 = tpu.vector_load %arg8[%get3A_258] {strides = array<i32>} : memref<8192xi32, #tpu.memory_space<vmem>>, vector<16xi32>,
        %add3A_260 = vector.broadcast %mul3A_123 : i32 to vector<16xi32>
        %add3A_261 = arith.addi %get3A_259, %add3A_260 : vector<16xi32>
        %gather3A_262 = tpu.vector_load_idx %arg6[%add3A_261] : memref<8192xf32, #tpu.memory_space<vmem>>[vector<16xi32>], vector<16xf32>,
        %swap3A_263 = arith.index_cast %add3A_257 : i32 to index
        %swap3A_264 = tpu.vector_load %arg10[%swap3A_263] {strides = array<i32>} : memref<8192xf32, #tpu.memory_space<vmem>>, vector<16xf32>,
        tpu.vector_store %arg10[%swap3A_263], %gather3A_262 {strides = array<i32>} : memref<8192xf32, #tpu.memory_space<vmem>>, vector<16xf32>,
        %add3A_265 = arith.constant 256 : i32
        %add3A_266 = arith.addi %mul3A_123, %add3A_265 : i32
        %get3A_267 = arith.index_cast %add3A_266 : i32 to index
        %get3A_268 = tpu.vector_load %arg8[%get3A_267] {strides = array<i32>} : memref<8192xi32, #tpu.memory_space<vmem>>, vector<16xi32>,
        %add3A_269 = vector.broadcast %mul3A_123 : i32 to vector<16xi32>
        %add3A_270 = arith.addi %get3A_268, %add3A_269 : vector<16xi32>
        %gather3A_271 = tpu.vector_load_idx %arg6[%add3A_270] : memref<8192xf32, #tpu.memory_space<vmem>>[vector<16xi32>], vector<16xf32>,
        %swap3A_272 = arith.index_cast %add3A_266 : i32 to index
        %swap3A_273 = tpu.vector_load %arg10[%swap3A_272] {strides = array<i32>} : memref<8192xf32, #tpu.memory_space<vmem>>, vector<16xf32>,
        tpu.vector_store %arg10[%swap3A_272], %gather3A_271 {strides = array<i32>} : memref<8192xf32, #tpu.memory_space<vmem>>, vector<16xf32>,
        %add3A_274 = arith.constant 272 : i32
        %add3A_275 = arith.addi %mul3A_123, %add3A_274 : i32
        %get3A_276 = arith.index_cast %add3A_275 : i32 to index
        %get3A_277 = tpu.vector_load %arg8[%get3A_276] {strides = array<i32>} : memref<8192xi32, #tpu.memory_space<vmem>>, vector<16xi32>,
        %add3A_278 = vector.broadcast %mul3A_123 : i32 to vector<16xi32>
        %add3A_279 = arith.addi %get3A_277, %add3A_278 : vector<16xi32>
        %gather3A_280 = tpu.vector_load_idx %arg6[%add3A_279] : memref<8192xf32, #tpu.memory_space<vmem>>[vector<16xi32>], vector<16xf32>,
        %swap3A_281 = arith.index_cast %add3A_275 : i32 to index
        %swap3A_282 = tpu.vector_load %arg10[%swap3A_281] {strides = array<i32>} : memref<8192xf32, #tpu.memory_space<vmem>>, vector<16xf32>,
        tpu.vector_store %arg10[%swap3A_281], %gather3A_280 {strides = array<i32>} : memref<8192xf32, #tpu.memory_space<vmem>>, vector<16xf32>,
        %add3A_283 = arith.constant 288 : i32
        %add3A_284 = arith.addi %mul3A_123, %add3A_283 : i32
        %get3A_285 = arith.index_cast %add3A_284 : i32 to index
        %get3A_286 = tpu.vector_load %arg8[%get3A_285] {strides = array<i32>} : memref<8192xi32, #tpu.memory_space<vmem>>, vector<16xi32>,
        %add3A_287 = vector.broadcast %mul3A_123 : i32 to vector<16xi32>
        %add3A_288 = arith.addi %get3A_286, %add3A_287 : vector<16xi32>
        %gather3A_289 = tpu.vector_load_idx %arg6[%add3A_288] : memref<8192xf32, #tpu.memory_space<vmem>>[vector<16xi32>], vector<16xf32>,
        %swap3A_290 = arith.index_cast %add3A_284 : i32 to index
        %swap3A_291 = tpu.vector_load %arg10[%swap3A_290] {strides = array<i32>} : memref<8192xf32, #tpu.memory_space<vmem>>, vector<16xf32>,
        tpu.vector_store %arg10[%swap3A_290], %gather3A_289 {strides = array<i32>} : memref<8192xf32, #tpu.memory_space<vmem>>, vector<16xf32>,
        %add3A_292 = arith.constant 304 : i32
        %add3A_293 = arith.addi %mul3A_123, %add3A_292 : i32
        %get3A_294 = arith.index_cast %add3A_293 : i32 to index
        %get3A_295 = tpu.vector_load %arg8[%get3A_294] {strides = array<i32>} : memref<8192xi32, #tpu.memory_space<vmem>>, vector<16xi32>,
        %add3A_296 = vector.broadcast %mul3A_123 : i32 to vector<16xi32>
        %add3A_297 = arith.addi %get3A_295, %add3A_296 : vector<16xi32>
        %gather3A_298 = tpu.vector_load_idx %arg6[%add3A_297] : memref<8192xf32, #tpu.memory_space<vmem>>[vector<16xi32>], vector<16xf32>,
        %swap3A_299 = arith.index_cast %add3A_293 : i32 to index
        %swap3A_300 = tpu.vector_load %arg10[%swap3A_299] {strides = array<i32>} : memref<8192xf32, #tpu.memory_space<vmem>>, vector<16xf32>,
        tpu.vector_store %arg10[%swap3A_299], %gather3A_298 {strides = array<i32>} : memref<8192xf32, #tpu.memory_space<vmem>>, vector<16xf32>,
        %add3A_301 = arith.constant 320 : i32
        %add3A_302 = arith.addi %mul3A_123, %add3A_301 : i32
        %get3A_303 = arith.index_cast %add3A_302 : i32 to index
        %get3A_304 = tpu.vector_load %arg8[%get3A_303] {strides = array<i32>} : memref<8192xi32, #tpu.memory_space<vmem>>, vector<16xi32>,
        %add3A_305 = vector.broadcast %mul3A_123 : i32 to vector<16xi32>
        %add3A_306 = arith.addi %get3A_304, %add3A_305 : vector<16xi32>
        %gather3A_307 = tpu.vector_load_idx %arg6[%add3A_306] : memref<8192xf32, #tpu.memory_space<vmem>>[vector<16xi32>], vector<16xf32>,
        %swap3A_308 = arith.index_cast %add3A_302 : i32 to index
        %swap3A_309 = tpu.vector_load %arg10[%swap3A_308] {strides = array<i32>} : memref<8192xf32, #tpu.memory_space<vmem>>, vector<16xf32>,
        tpu.vector_store %arg10[%swap3A_308], %gather3A_307 {strides = array<i32>} : memref<8192xf32, #tpu.memory_space<vmem>>, vector<16xf32>,
        %add3A_310 = arith.constant 336 : i32
        %add3A_311 = arith.addi %mul3A_123, %add3A_310 : i32
        %get3A_312 = arith.index_cast %add3A_311 : i32 to index
        %get3A_313 = tpu.vector_load %arg8[%get3A_312] {strides = array<i32>} : memref<8192xi32, #tpu.memory_space<vmem>>, vector<16xi32>,
        %add3A_314 = vector.broadcast %mul3A_123 : i32 to vector<16xi32>
        %add3A_315 = arith.addi %get3A_313, %add3A_314 : vector<16xi32>
        %gather3A_316 = tpu.vector_load_idx %arg6[%add3A_315] : memref<8192xf32, #tpu.memory_space<vmem>>[vector<16xi32>], vector<16xf32>,
        %swap3A_317 = arith.index_cast %add3A_311 : i32 to index
        %swap3A_318 = tpu.vector_load %arg10[%swap3A_317] {strides = array<i32>} : memref<8192xf32, #tpu.memory_space<vmem>>, vector<16xf32>,
        tpu.vector_store %arg10[%swap3A_317], %gather3A_316 {strides = array<i32>} : memref<8192xf32, #tpu.memory_space<vmem>>, vector<16xf32>,
        %add3A_319 = arith.constant 352 : i32
        %add3A_320 = arith.addi %mul3A_123, %add3A_319 : i32
        %get3A_321 = arith.index_cast %add3A_320 : i32 to index
        %get3A_322 = tpu.vector_load %arg8[%get3A_321] {strides = array<i32>} : memref<8192xi32, #tpu.memory_space<vmem>>, vector<16xi32>,
        %add3A_323 = vector.broadcast %mul3A_123 : i32 to vector<16xi32>
        %add3A_324 = arith.addi %get3A_322, %add3A_323 : vector<16xi32>
        %gather3A_325 = tpu.vector_load_idx %arg6[%add3A_324] : memref<8192xf32, #tpu.memory_space<vmem>>[vector<16xi32>], vector<16xf32>,
        %swap3A_326 = arith.index_cast %add3A_320 : i32 to index
        %swap3A_327 = tpu.vector_load %arg10[%swap3A_326] {strides = array<i32>} : memref<8192xf32, #tpu.memory_space<vmem>>, vector<16xf32>,
        tpu.vector_store %arg10[%swap3A_326], %gather3A_325 {strides = array<i32>} : memref<8192xf32, #tpu.memory_space<vmem>>, vector<16xf32>,
        %add3A_328 = arith.constant 368 : i32
        %add3A_329 = arith.addi %mul3A_123, %add3A_328 : i32
        %get3A_330 = arith.index_cast %add3A_329 : i32 to index
        %get3A_331 = tpu.vector_load %arg8[%get3A_330] {strides = array<i32>} : memref<8192xi32, #tpu.memory_space<vmem>>, vector<16xi32>,
        %add3A_332 = vector.broadcast %mul3A_123 : i32 to vector<16xi32>
        %add3A_333 = arith.addi %get3A_331, %add3A_332 : vector<16xi32>
        %gather3A_334 = tpu.vector_load_idx %arg6[%add3A_333] : memref<8192xf32, #tpu.memory_space<vmem>>[vector<16xi32>], vector<16xf32>,
        %swap3A_335 = arith.index_cast %add3A_329 : i32 to index
        %swap3A_336 = tpu.vector_load %arg10[%swap3A_335] {strides = array<i32>} : memref<8192xf32, #tpu.memory_space<vmem>>, vector<16xf32>,
        tpu.vector_store %arg10[%swap3A_335], %gather3A_334 {strides = array<i32>} : memref<8192xf32, #tpu.memory_space<vmem>>, vector<16xf32>,
        %add3A_337 = arith.constant 384 : i32
        %add3A_338 = arith.addi %mul3A_123, %add3A_337 : i32
        %get3A_339 = arith.index_cast %add3A_338 : i32 to index
        %get3A_340 = tpu.vector_load %arg8[%get3A_339] {strides = array<i32>} : memref<8192xi32, #tpu.memory_space<vmem>>, vector<16xi32>,
        %add3A_341 = vector.broadcast %mul3A_123 : i32 to vector<16xi32>
        %add3A_342 = arith.addi %get3A_340, %add3A_341 : vector<16xi32>
        %gather3A_343 = tpu.vector_load_idx %arg6[%add3A_342] : memref<8192xf32, #tpu.memory_space<vmem>>[vector<16xi32>], vector<16xf32>,
        %swap3A_344 = arith.index_cast %add3A_338 : i32 to index
        %swap3A_345 = tpu.vector_load %arg10[%swap3A_344] {strides = array<i32>} : memref<8192xf32, #tpu.memory_space<vmem>>, vector<16xf32>,
        tpu.vector_store %arg10[%swap3A_344], %gather3A_343 {strides = array<i32>} : memref<8192xf32, #tpu.memory_space<vmem>>, vector<16xf32>,
        %add3A_346 = arith.constant 400 : i32
        %add3A_347 = arith.addi %mul3A_123, %add3A_346 : i32
        %get3A_348 = arith.index_cast %add3A_347 : i32 to index
        %get3A_349 = tpu.vector_load %arg8[%get3A_348] {strides = array<i32>} : memref<8192xi32, #tpu.memory_space<vmem>>, vector<16xi32>,
        %add3A_350 = vector.broadcast %mul3A_123 : i32 to vector<16xi32>
        %add3A_351 = arith.addi %get3A_349, %add3A_350 : vector<16xi32>
        %gather3A_352 = tpu.vector_load_idx %arg6[%add3A_351] : memref<8192xf32, #tpu.memory_space<vmem>>[vector<16xi32>], vector<16xf32>,
        %swap3A_353 = arith.index_cast %add3A_347 : i32 to index
        %swap3A_354 = tpu.vector_load %arg10[%swap3A_353] {strides = array<i32>} : memref<8192xf32, #tpu.memory_space<vmem>>, vector<16xf32>,
        tpu.vector_store %arg10[%swap3A_353], %gather3A_352 {strides = array<i32>} : memref<8192xf32, #tpu.memory_space<vmem>>, vector<16xf32>,
        %add3A_355 = arith.constant 416 : i32
        %add3A_356 = arith.addi %mul3A_123, %add3A_355 : i32
        %get3A_357 = arith.index_cast %add3A_356 : i32 to index
        %get3A_358 = tpu.vector_load %arg8[%get3A_357] {strides = array<i32>} : memref<8192xi32, #tpu.memory_space<vmem>>, vector<16xi32>,
        %add3A_359 = vector.broadcast %mul3A_123 : i32 to vector<16xi32>
        %add3A_360 = arith.addi %get3A_358, %add3A_359 : vector<16xi32>
        %gather3A_361 = tpu.vector_load_idx %arg6[%add3A_360] : memref<8192xf32, #tpu.memory_space<vmem>>[vector<16xi32>], vector<16xf32>,
        %swap3A_362 = arith.index_cast %add3A_356 : i32 to index
        %swap3A_363 = tpu.vector_load %arg10[%swap3A_362] {strides = array<i32>} : memref<8192xf32, #tpu.memory_space<vmem>>, vector<16xf32>,
        tpu.vector_store %arg10[%swap3A_362], %gather3A_361 {strides = array<i32>} : memref<8192xf32, #tpu.memory_space<vmem>>, vector<16xf32>,
        %add3A_364 = arith.constant 432 : i32
        %add3A_365 = arith.addi %mul3A_123, %add3A_364 : i32
        %get3A_366 = arith.index_cast %add3A_365 : i32 to index
        %get3A_367 = tpu.vector_load %arg8[%get3A_366] {strides = array<i32>} : memref<8192xi32, #tpu.memory_space<vmem>>, vector<16xi32>,
        %add3A_368 = vector.broadcast %mul3A_123 : i32 to vector<16xi32>
        %add3A_369 = arith.addi %get3A_367, %add3A_368 : vector<16xi32>
        %gather3A_370 = tpu.vector_load_idx %arg6[%add3A_369] : memref<8192xf32, #tpu.memory_space<vmem>>[vector<16xi32>], vector<16xf32>,
        %swap3A_371 = arith.index_cast %add3A_365 : i32 to index
        %swap3A_372 = tpu.vector_load %arg10[%swap3A_371] {strides = array<i32>} : memref<8192xf32, #tpu.memory_space<vmem>>, vector<16xf32>,
        tpu.vector_store %arg10[%swap3A_371], %gather3A_370 {strides = array<i32>} : memref<8192xf32, #tpu.memory_space<vmem>>, vector<16xf32>,
        %add3A_373 = arith.constant 448 : i32
        %add3A_374 = arith.addi %mul3A_123, %add3A_373 : i32
        %get3A_375 = arith.index_cast %add3A_374 : i32 to index
        %get3A_376 = tpu.vector_load %arg8[%get3A_375] {strides = array<i32>} : memref<8192xi32, #tpu.memory_space<vmem>>, vector<16xi32>,
        %add3A_377 = vector.broadcast %mul3A_123 : i32 to vector<16xi32>
        %add3A_378 = arith.addi %get3A_376, %add3A_377 : vector<16xi32>
        %gather3A_379 = tpu.vector_load_idx %arg6[%add3A_378] : memref<8192xf32, #tpu.memory_space<vmem>>[vector<16xi32>], vector<16xf32>,
        %swap3A_380 = arith.index_cast %add3A_374 : i32 to index
        %swap3A_381 = tpu.vector_load %arg10[%swap3A_380] {strides = array<i32>} : memref<8192xf32, #tpu.memory_space<vmem>>, vector<16xf32>,
        tpu.vector_store %arg10[%swap3A_380], %gather3A_379 {strides = array<i32>} : memref<8192xf32, #tpu.memory_space<vmem>>, vector<16xf32>,
        %add3A_382 = arith.constant 464 : i32
        %add3A_383 = arith.addi %mul3A_123, %add3A_382 : i32
        %get3A_384 = arith.index_cast %add3A_383 : i32 to index
        %get3A_385 = tpu.vector_load %arg8[%get3A_384] {strides = array<i32>} : memref<8192xi32, #tpu.memory_space<vmem>>, vector<16xi32>,
        %add3A_386 = vector.broadcast %mul3A_123 : i32 to vector<16xi32>
        %add3A_387 = arith.addi %get3A_385, %add3A_386 : vector<16xi32>
        %gather3A_388 = tpu.vector_load_idx %arg6[%add3A_387] : memref<8192xf32, #tpu.memory_space<vmem>>[vector<16xi32>], vector<16xf32>,
        %swap3A_389 = arith.index_cast %add3A_383 : i32 to index
        %swap3A_390 = tpu.vector_load %arg10[%swap3A_389] {strides = array<i32>} : memref<8192xf32, #tpu.memory_space<vmem>>, vector<16xf32>,
        tpu.vector_store %arg10[%swap3A_389], %gather3A_388 {strides = array<i32>} : memref<8192xf32, #tpu.memory_space<vmem>>, vector<16xf32>,
        %add3A_391 = arith.constant 480 : i32
        %add3A_392 = arith.addi %mul3A_123, %add3A_391 : i32
        %get3A_393 = arith.index_cast %add3A_392 : i32 to index
        %get3A_394 = tpu.vector_load %arg8[%get3A_393] {strides = array<i32>} : memref<8192xi32, #tpu.memory_space<vmem>>, vector<16xi32>,
        %add3A_395 = vector.broadcast %mul3A_123 : i32 to vector<16xi32>
        %add3A_396 = arith.addi %get3A_394, %add3A_395 : vector<16xi32>
        %gather3A_397 = tpu.vector_load_idx %arg6[%add3A_396] : memref<8192xf32, #tpu.memory_space<vmem>>[vector<16xi32>], vector<16xf32>,
        %swap3A_398 = arith.index_cast %add3A_392 : i32 to index
        %swap3A_399 = tpu.vector_load %arg10[%swap3A_398] {strides = array<i32>} : memref<8192xf32, #tpu.memory_space<vmem>>, vector<16xf32>,
        tpu.vector_store %arg10[%swap3A_398], %gather3A_397 {strides = array<i32>} : memref<8192xf32, #tpu.memory_space<vmem>>, vector<16xf32>,
        %add3A_400 = arith.constant 496 : i32
        %add3A_401 = arith.addi %mul3A_123, %add3A_400 : i32
        %get3A_402 = arith.index_cast %add3A_401 : i32 to index
        %get3A_403 = tpu.vector_load %arg8[%get3A_402] {strides = array<i32>} : memref<8192xi32, #tpu.memory_space<vmem>>, vector<16xi32>,
        %add3A_404 = vector.broadcast %mul3A_123 : i32 to vector<16xi32>
        %add3A_405 = arith.addi %get3A_403, %add3A_404 : vector<16xi32>
        %gather3A_406 = tpu.vector_load_idx %arg6[%add3A_405] : memref<8192xf32, #tpu.memory_space<vmem>>[vector<16xi32>], vector<16xf32>,
        %swap3A_407 = arith.index_cast %add3A_401 : i32 to index
        %swap3A_408 = tpu.vector_load %arg10[%swap3A_407] {strides = array<i32>} : memref<8192xf32, #tpu.memory_space<vmem>>, vector<16xf32>,
        tpu.vector_store %arg10[%swap3A_407], %gather3A_406 {strides = array<i32>} : memref<8192xf32, #tpu.memory_space<vmem>>, vector<16xf32>,
      }
      %scan3A_104 = arith.constant 16 : i32
      %mul3A_105 = arith.constant 1024 : i32
      %mul3A_106 = arith.muli %add3A, %mul3A_105 : i32
      %mul3A_107 = arith.constant 16 : i32
      %mul3A_108 = arith.muli %add3A_82, %mul3A_107 : i32
      %add3A_109 = arith.addi %mul3A_106, %mul3A_108 : i32
      %mul3A_110 = arith.constant 512 : i32
      %mul3A_111 = arith.muli %add3A_109, %mul3A_110 : i32
      %dma_start3A_112 = tpu.memref_slice %arg4[%mul3A_111] : memref<16777216xf32, #tpu.memory_space<hbm>> -> memref<8192xf32, #tpu.memory_space<hbm>>
      %dma_start3A_113 = tpu.memref_slice %arg4[%mul3A_111] : memref<16777216xf32, #tpu.memory_space<hbm>> -> memref<8192xf32, #tpu.memory_space<hbm>>
      tpu.enqueue_dma source(%arg10 : memref<8192xf32, #tpu.memory_space<vmem>>) target(%dma_start3A_113 : memref<8192xf32, #tpu.memory_space<hbm>>) target_semaphore(%arg14 : memref<!tpu.dma_semaphore, #tpu.memory_space<semaphore_mem>>)
      %add3A_114 = arith.constant 1 : i32
      %add3A_115 = arith.addi %scan3A_40, %add3A_114 : i32
      %lt3A_116 = arith.constant 32 : i32
      %lt3A_117 = arith.cmpi slt, %add3A_115, %lt3A_116 : i32
      %convert_element_type3A_118 = arith.extui %lt3A_117 : i1 to i32
      %cond3A_119 = arith.constant 0 : i32
      %cond3A_120 = arith.cmpi ne, %convert_element_type3A_118, %cond3A_119 : i32
      scf.if %cond3A_120 {
        %add3A_121 = arith.constant 2 : i32
        %add3A_122 = arith.addi %add3A_82, %add3A_121 : i32
        %mul3A_123 = arith.constant 1024 : i32
        %mul3A_124 = arith.muli %add3A, %mul3A_123 : i32
        %mul3A_125 = arith.constant 16 : i32
        %mul3A_126 = arith.muli %add3A_122, %mul3A_125 : i32
        %add3A_127 = arith.addi %mul3A_124, %mul3A_126 : i32
        %mul3A_128 = arith.constant 512 : i32
        %mul3A_129 = arith.muli %add3A_127, %mul3A_128 : i32
        %dma_start3A_130 = tpu.memref_slice %arg2[%mul3A_129] : memref<16777216xf32, #tpu.memory_space<hbm>> -> memref<8192xf32, #tpu.memory_space<hbm>>
        %dma_start3A_131 = tpu.memref_slice %arg2[%mul3A_129] : memref<16777216xf32, #tpu.memory_space<hbm>> -> memref<8192xf32, #tpu.memory_space<hbm>>
        tpu.enqueue_dma source(%dma_start3A_131 : memref<8192xf32, #tpu.memory_space<hbm>>) target(%arg6 : memref<8192xf32, #tpu.memory_space<vmem>>) target_semaphore(%arg12 : memref<!tpu.dma_semaphore, #tpu.memory_space<semaphore_mem>>)
        %dma_start3A_132 = tpu.memref_slice %arg3[%mul3A_129] : memref<16777216xi32, #tpu.memory_space<hbm>> -> memref<8192xi32, #tpu.memory_space<hbm>>
        %dma_start3A_133 = tpu.memref_slice %arg3[%mul3A_129] : memref<16777216xi32, #tpu.memory_space<hbm>> -> memref<8192xi32, #tpu.memory_space<hbm>>
        tpu.enqueue_dma source(%dma_start3A_133 : memref<8192xi32, #tpu.memory_space<hbm>>) target(%arg8 : memref<8192xi32, #tpu.memory_space<vmem>>) target_semaphore(%arg12 : memref<!tpu.dma_semaphore, #tpu.memory_space<semaphore_mem>>)
      } else {
      }
    }
    %scan3A_24 = arith.constant 32 : i32
    %mul3A_25 = arith.constant 1024 : i32
    %mul3A_26 = arith.muli %add3A, %mul3A_25 : i32
    %add3A_27 = arith.constant 992 : i32
    %add3A_28 = arith.addi %mul3A_26, %add3A_27 : i32
    %mul3A_29 = arith.constant 512 : i32
    %mul3A_30 = arith.muli %add3A_28, %mul3A_29 : i32
    %dma_wait3A = tpu.memref_slice %arg4[%mul3A_30] : memref<16777216xf32, #tpu.memory_space<hbm>> -> memref<8192xf32, #tpu.memory_space<hbm>>
    %dma_wait3A_31 = tpu.memref_slice %arg4[%mul3A_30] : memref<16777216xf32, #tpu.memory_space<hbm>> -> memref<8192xf32, #tpu.memory_space<hbm>>
    tpu.wait_dma2 semaphore(%arg13 : memref<!tpu.dma_semaphore, #tpu.memory_space<semaphore_mem>>) src(%arg9 : memref<8192xf32, #tpu.memory_space<vmem>>) dst(%dma_wait3A_31 : memref<8192xf32, #tpu.memory_space<hbm>>)
    %mul3A_32 = arith.constant 1024 : i32
    %mul3A_33 = arith.muli %add3A, %mul3A_32 : i32
    %add3A_34 = arith.constant 1008 : i32
    %add3A_35 = arith.addi %mul3A_33, %add3A_34 : i32
    %mul3A_36 = arith.constant 512 : i32
    %mul3A_37 = arith.muli %add3A_35, %mul3A_36 : i32
    %dma_wait3A_38 = tpu.memref_slice %arg4[%mul3A_37] : memref<16777216xf32, #tpu.memory_space<hbm>> -> memref<8192xf32, #tpu.memory_space<hbm>>
    %dma_wait3A_39 = tpu.memref_slice %arg4[%mul3A_37] : memref<16777216xf32, #tpu.memory_space<hbm>> -> memref<8192xf32, #tpu.memory_space<hbm>>
    tpu.wait_dma2 semaphore(%arg14 : memref<!tpu.dma_semaphore, #tpu.memory_space<semaphore_mem>>) src(%arg10 : memref<8192xf32, #tpu.memory_space<vmem>>) dst(%dma_wait3A_39 : memref<8192xf32, #tpu.memory_space<hbm>>)
    return
  }
}

module attributes {stable_mosaic.version = 14 : i64} {
  func.func @_stats_body(%arg0: memref<64x512xf32, #tpu.memory_space<vmem>>, %arg1: memref<4096x512xf32, #tpu.memory_space<vmem>>, %arg2: memref<8x128xf32, #tpu.memory_space<vmem>>) attributes {dimension_semantics = [], scalar_prefetch = 0 : i64, scratch_operands = 0 : i64, tpu.core_type = #tpu.core_type<tc>} {
    %get3A = arith.constant 0 : index
    %get3A_0 = arith.constant 0 : index
    %get3A_1 = vector.load %arg0[%get3A, %get3A_0] : memref<64x512xf32, #tpu.memory_space<vmem>>, vector<64x512xf32>
    %get3A_2 = arith.constant 0 : index
    %get3A_3 = arith.constant 0 : index
    %get3A_4 = vector.load %arg1[%get3A_2, %get3A_3] : memref<4096x512xf32, #tpu.memory_space<vmem>>, vector<4096x512xf32>
    %dot_general3A = arith.constant dense<0.000000e+00> : vector<64x64xf32>
    %dot_general3A_5 = tpu.matmul %get3A_1, %get3A_1, %dot_general3A {dimension_numbers = #tpu.dot_dimension_numbers<[1], [1], [0], [0], [0, 0, 1, 0], [], []>, precision = #tpu.contract_precision<fp32>, transpose_lhs_hint = false} : vector<64x512xf32>, vector<64x512xf32>, vector<64x64xf32> -> vector<64x64xf32>
    %iota3A = tpu.iota {dimensions = array<i32: 0>} : vector<64x64xi32>
    %iota3A_6 = tpu.iota {dimensions = array<i32: 1>} : vector<64x64xi32>
    %eq3A = arith.cmpi eq, %iota3A, %iota3A_6 : vector<64x64xi32>
    %convert_element_type3A = arith.extui %eq3A : vector<64x64xi1> to vector<64x64xi32>
    %convert_element_type3A_7 = arith.sitofp %convert_element_type3A : vector<64x64xi32> to vector<64x64xf32>
    %sub3A = arith.subf %convert_element_type3A_7, %dot_general3A_5 : vector<64x64xf32>
    %integer_pow3A = arith.mulf %sub3A, %sub3A : vector<64x64xf32>
    %reduce_sum3A = vector.shape_cast %integer_pow3A : vector<64x64xf32> to vector<1x64x64xf32>
    %reduce_sum3A_8 = arith.constant dense<0.000000e+00> : vector<1xf32>
    %reduce_sum3A_9 = vector.multi_reduction <add>, %reduce_sum3A, %reduce_sum3A_8 [1, 2] : vector<1x64x64xf32> to vector<1xf32>
    %reduce_sum3A_10 = vector.shape_cast %reduce_sum3A_9 : vector<1xf32> to vector<1x1x1xf32>
    %reduce_sum3A_11 = vector.extract %reduce_sum3A_10[0, 0, 0] : f32 from vector<1x1x1xf32>
    %sqrt3A = math.sqrt %reduce_sum3A_11 : f32
    %dot_general3A_12 = arith.constant dense<0.000000e+00> : vector<512x512xf32>
    %dot_general3A_13 = tpu.matmul %get3A_4, %get3A_4, %dot_general3A_12 {dimension_numbers = #tpu.dot_dimension_numbers<[0], [0], [1], [1], [0, 1, 1, 1], [], []>, precision = #tpu.contract_precision<fp32>, transpose_lhs_hint = false} : vector<4096x512xf32>, vector<4096x512xf32>, vector<512x512xf32> -> vector<512x512xf32>
    %mul3A = arith.mulf %get3A_4, %get3A_4 : vector<4096x512xf32>
    %reduce_sum3A_14 = vector.shape_cast %mul3A : vector<4096x512xf32> to vector<1x4096x512xf32>
    %reduce_sum3A_15 = arith.constant dense<0.000000e+00> : vector<1xf32>
    %reduce_sum3A_16 = vector.multi_reduction <add>, %reduce_sum3A_14, %reduce_sum3A_15 [1, 2] : vector<1x4096x512xf32> to vector<1xf32>
    %reduce_sum3A_17 = vector.shape_cast %reduce_sum3A_16 : vector<1xf32> to vector<1x1x1xf32>
    %reduce_sum3A_18 = vector.extract %reduce_sum3A_17[0, 0, 0] : f32 from vector<1x1x1xf32>
    %mul3A_19 = arith.mulf %dot_general3A_13, %dot_general3A_13 : vector<512x512xf32>
    %reduce_sum3A_20 = vector.shape_cast %mul3A_19 : vector<512x512xf32> to vector<1x512x512xf32>
    %reduce_sum3A_21 = arith.constant dense<0.000000e+00> : vector<1xf32>
    %reduce_sum3A_22 = vector.multi_reduction <add>, %reduce_sum3A_20, %reduce_sum3A_21 [1, 2] : vector<1x512x512xf32> to vector<1xf32>
    %reduce_sum3A_23 = vector.shape_cast %reduce_sum3A_22 : vector<1xf32> to vector<1x1x1xf32>
    %reduce_sum3A_24 = vector.extract %reduce_sum3A_23[0, 0, 0] : f32 from vector<1x1x1xf32>
    %mul3A_25 = arith.constant 2.000000e+00 : f32
    %mul3A_26 = arith.mulf %mul3A_25, %reduce_sum3A_18 : f32
    %sub3A_27 = arith.constant 4.096000e+03 : f32
    %sub3A_28 = arith.subf %sub3A_27, %mul3A_26 : f32
    %add3A = arith.addf %sub3A_28, %reduce_sum3A_24 : f32
    %max3A = arith.constant 0.000000e+00 : f32
    %max3A_29 = arith.maximumf %add3A, %max3A : f32
    %sqrt3A_30 = math.sqrt %max3A_29 : f32
    %max3A_31 = arith.constant 1.000000e-30 : f32
    %max3A_32 = arith.maximumf %reduce_sum3A_24, %max3A_31 : f32
    %sqrt3A_33 = math.sqrt %max3A_32 : f32
    %div3A = vector.broadcast %sqrt3A_33 : f32 to vector<512x512xf32>
    %div3A_34 = arith.divf %dot_general3A_13, %div3A : vector<512x512xf32>
    %dot_general3A_35 = arith.constant dense<0.000000e+00> : vector<512x512xf32>
    %dot_general3A_36 = tpu.matmul %div3A_34, %div3A_34, %dot_general3A_35 {dimension_numbers = #tpu.dot_dimension_numbers<[1], [0], [0], [1], [0, 0, 1, 1], [], []>, precision = #tpu.contract_precision<fp32>, transpose_lhs_hint = false} : vector<512x512xf32>, vector<512x512xf32>, vector<512x512xf32> -> vector<512x512xf32>
    %mul3A_37 = arith.mulf %dot_general3A_36, %dot_general3A_36 : vector<512x512xf32>
    %reduce_sum3A_38 = vector.shape_cast %mul3A_37 : vector<512x512xf32> to vector<1x512x512xf32>
    %reduce_sum3A_39 = arith.constant dense<0.000000e+00> : vector<1xf32>
    %reduce_sum3A_40 = vector.multi_reduction <add>, %reduce_sum3A_38, %reduce_sum3A_39 [1, 2] : vector<1x512x512xf32> to vector<1xf32>
    %reduce_sum3A_41 = vector.shape_cast %reduce_sum3A_40 : vector<1xf32> to vector<1x1x1xf32>
    %reduce_sum3A_42 = vector.extract %reduce_sum3A_41[0, 0, 0] : f32 from vector<1x1x1xf32>
    %max3A_43 = arith.constant 1.000000e-30 : f32
    %max3A_44 = arith.maximumf %reduce_sum3A_42, %max3A_43 : f32
    %sqrt3A_45 = math.sqrt %max3A_44 : f32
    %div3A_46 = vector.broadcast %sqrt3A_45 : f32 to vector<512x512xf32>
    %div3A_47 = arith.divf %dot_general3A_36, %div3A_46 : vector<512x512xf32>
    %dot_general3A_48 = arith.constant dense<0.000000e+00> : vector<512x512xf32>
    %dot_general3A_49 = tpu.matmul %div3A_47, %div3A_47, %dot_general3A_48 {dimension_numbers = #tpu.dot_dimension_numbers<[1], [0], [0], [1], [0, 0, 1, 1], [], []>, precision = #tpu.contract_precision<fp32>, transpose_lhs_hint = false} : vector<512x512xf32>, vector<512x512xf32>, vector<512x512xf32> -> vector<512x512xf32>
    %mul3A_50 = arith.mulf %dot_general3A_49, %dot_general3A_49 : vector<512x512xf32>
    %reduce_sum3A_51 = vector.shape_cast %mul3A_50 : vector<512x512xf32> to vector<1x512x512xf32>
    %reduce_sum3A_52 = arith.constant dense<0.000000e+00> : vector<1xf32>
    %reduce_sum3A_53 = vector.multi_reduction <add>, %reduce_sum3A_51, %reduce_sum3A_52 [1, 2] : vector<1x512x512xf32> to vector<1xf32>
    %reduce_sum3A_54 = vector.shape_cast %reduce_sum3A_53 : vector<1xf32> to vector<1x1x1xf32>
    %reduce_sum3A_55 = vector.extract %reduce_sum3A_54[0, 0, 0] : f32 from vector<1x1x1xf32>
    %max3A_56 = arith.constant 1.000000e-30 : f32
    %max3A_57 = arith.maximumf %reduce_sum3A_55, %max3A_56 : f32
    %sqrt3A_58 = math.sqrt %max3A_57 : f32
    %div3A_59 = vector.broadcast %sqrt3A_58 : f32 to vector<512x512xf32>
    %div3A_60 = arith.divf %dot_general3A_49, %div3A_59 : vector<512x512xf32>
    %dot_general3A_61 = arith.constant dense<0.000000e+00> : vector<512x512xf32>
    %dot_general3A_62 = tpu.matmul %div3A_60, %div3A_60, %dot_general3A_61 {dimension_numbers = #tpu.dot_dimension_numbers<[1], [0], [0], [1], [0, 0, 1, 1], [], []>, precision = #tpu.contract_precision<fp32>, transpose_lhs_hint = false} : vector<512x512xf32>, vector<512x512xf32>, vector<512x512xf32> -> vector<512x512xf32>
    %mul3A_63 = arith.mulf %dot_general3A_62, %dot_general3A_62 : vector<512x512xf32>
    %reduce_sum3A_64 = vector.shape_cast %mul3A_63 : vector<512x512xf32> to vector<1x512x512xf32>
    %reduce_sum3A_65 = arith.constant dense<0.000000e+00> : vector<1xf32>
    %reduce_sum3A_66 = vector.multi_reduction <add>, %reduce_sum3A_64, %reduce_sum3A_65 [1, 2] : vector<1x512x512xf32> to vector<1xf32>
    %reduce_sum3A_67 = vector.shape_cast %reduce_sum3A_66 : vector<1xf32> to vector<1x1x1xf32>
    %reduce_sum3A_68 = vector.extract %reduce_sum3A_67[0, 0, 0] : f32 from vector<1x1x1xf32>
    %max3A_69 = arith.constant 1.000000e-30 : f32
    %max3A_70 = arith.maximumf %reduce_sum3A_68, %max3A_69 : f32
    %sqrt3A_71 = math.sqrt %max3A_70 : f32
    %div3A_72 = vector.broadcast %sqrt3A_71 : f32 to vector<512x512xf32>
    %div3A_73 = arith.divf %dot_general3A_62, %div3A_72 : vector<512x512xf32>
    %dot_general3A_74 = arith.constant dense<0.000000e+00> : vector<512x512xf32>
    %dot_general3A_75 = tpu.matmul %div3A_73, %div3A_73, %dot_general3A_74 {dimension_numbers = #tpu.dot_dimension_numbers<[1], [0], [0], [1], [0, 0, 1, 1], [], []>, precision = #tpu.contract_precision<fp32>, transpose_lhs_hint = false} : vector<512x512xf32>, vector<512x512xf32>, vector<512x512xf32> -> vector<512x512xf32>
    %mul3A_76 = arith.mulf %dot_general3A_75, %dot_general3A_75 : vector<512x512xf32>
    %reduce_sum3A_77 = vector.shape_cast %mul3A_76 : vector<512x512xf32> to vector<1x512x512xf32>
    %reduce_sum3A_78 = arith.constant dense<0.000000e+00> : vector<1xf32>
    %reduce_sum3A_79 = vector.multi_reduction <add>, %reduce_sum3A_77, %reduce_sum3A_78 [1, 2] : vector<1x512x512xf32> to vector<1xf32>
    %reduce_sum3A_80 = vector.shape_cast %reduce_sum3A_79 : vector<1xf32> to vector<1x1x1xf32>
    %reduce_sum3A_81 = vector.extract %reduce_sum3A_80[0, 0, 0] : f32 from vector<1x1x1xf32>
    %max3A_82 = arith.constant 1.000000e-30 : f32
    %max3A_83 = arith.maximumf %reduce_sum3A_81, %max3A_82 : f32
    %sqrt3A_84 = math.sqrt %max3A_83 : f32
    %div3A_85 = vector.broadcast %sqrt3A_84 : f32 to vector<512x512xf32>
    %div3A_86 = arith.divf %dot_general3A_75, %div3A_85 : vector<512x512xf32>
    %broadcast_in_dim3A = arith.constant 1.000000e+00 : f32
    %broadcast_in_dim3A_87 = vector.broadcast %broadcast_in_dim3A : f32 to vector<512x1xf32>
    %dot_general3A_88 = arith.constant dense<0.000000e+00> : vector<512x1xf32>
    %dot_general3A_89 = tpu.matmul %div3A_86, %broadcast_in_dim3A_87, %dot_general3A_88 {dimension_numbers = #tpu.dot_dimension_numbers<[1], [0], [0], [1], [0, 0, 1, 1], [], []>, precision = #tpu.contract_precision<fp32>, transpose_lhs_hint = false} : vector<512x512xf32>, vector<512x1xf32>, vector<512x1xf32> -> vector<512x1xf32>
    %mul3A_90 = arith.mulf %dot_general3A_89, %dot_general3A_89 : vector<512x1xf32>
    %reduce_sum3A_91 = vector.shape_cast %mul3A_90 : vector<512x1xf32> to vector<1x512x1xf32>
    %reduce_sum3A_92 = arith.constant dense<0.000000e+00> : vector<1xf32>
    %reduce_sum3A_93 = vector.multi_reduction <add>, %reduce_sum3A_91, %reduce_sum3A_92 [1, 2] : vector<1x512x1xf32> to vector<1xf32>
    %reduce_sum3A_94 = vector.shape_cast %reduce_sum3A_93 : vector<1xf32> to vector<1x1x1xf32>
    %reduce_sum3A_95 = vector.extract %reduce_sum3A_94[0, 0, 0] : f32 from vector<1x1x1xf32>
    %max3A_96 = arith.constant 1.000000e-30 : f32
    %max3A_97 = arith.maximumf %reduce_sum3A_95, %max3A_96 : f32
    %sqrt3A_98 = math.sqrt %max3A_97 : f32
    %div3A_99 = vector.broadcast %sqrt3A_98 : f32 to vector<512x1xf32>
    %div3A_100 = arith.divf %dot_general3A_89, %div3A_99 : vector<512x1xf32>
    %dot_general3A_101 = arith.constant dense<0.000000e+00> : vector<512x1xf32>
    %dot_general3A_102 = tpu.matmul %div3A_86, %div3A_100, %dot_general3A_101 {dimension_numbers = #tpu.dot_dimension_numbers<[1], [0], [0], [1], [0, 0, 1, 1], [], []>, precision = #tpu.contract_precision<fp32>, transpose_lhs_hint = false} : vector<512x512xf32>, vector<512x1xf32>, vector<512x1xf32> -> vector<512x1xf32>
    %mul3A_103 = arith.mulf %dot_general3A_102, %dot_general3A_102 : vector<512x1xf32>
    %reduce_sum3A_104 = vector.shape_cast %mul3A_103 : vector<512x1xf32> to vector<1x512x1xf32>
    %reduce_sum3A_105 = arith.constant dense<0.000000e+00> : vector<1xf32>
    %reduce_sum3A_106 = vector.multi_reduction <add>, %reduce_sum3A_104, %reduce_sum3A_105 [1, 2] : vector<1x512x1xf32> to vector<1xf32>
    %reduce_sum3A_107 = vector.shape_cast %reduce_sum3A_106 : vector<1xf32> to vector<1x1x1xf32>
    %reduce_sum3A_108 = vector.extract %reduce_sum3A_107[0, 0, 0] : f32 from vector<1x1x1xf32>
    %max3A_109 = arith.constant 1.000000e-30 : f32
    %max3A_110 = arith.maximumf %reduce_sum3A_108, %max3A_109 : f32
    %sqrt3A_111 = math.sqrt %max3A_110 : f32
    %div3A_112 = vector.broadcast %sqrt3A_111 : f32 to vector<512x1xf32>
    %div3A_113 = arith.divf %dot_general3A_102, %div3A_112 : vector<512x1xf32>
    %dot_general3A_114 = arith.constant dense<0.000000e+00> : vector<512x1xf32>
    %dot_general3A_115 = tpu.matmul %div3A_86, %div3A_113, %dot_general3A_114 {dimension_numbers = #tpu.dot_dimension_numbers<[1], [0], [0], [1], [0, 0, 1, 1], [], []>, precision = #tpu.contract_precision<fp32>, transpose_lhs_hint = false} : vector<512x512xf32>, vector<512x1xf32>, vector<512x1xf32> -> vector<512x1xf32>
    %mul3A_116 = arith.mulf %dot_general3A_115, %dot_general3A_115 : vector<512x1xf32>
    %reduce_sum3A_117 = vector.shape_cast %mul3A_116 : vector<512x1xf32> to vector<1x512x1xf32>
    %reduce_sum3A_118 = arith.constant dense<0.000000e+00> : vector<1xf32>
    %reduce_sum3A_119 = vector.multi_reduction <add>, %reduce_sum3A_117, %reduce_sum3A_118 [1, 2] : vector<1x512x1xf32> to vector<1xf32>
    %reduce_sum3A_120 = vector.shape_cast %reduce_sum3A_119 : vector<1xf32> to vector<1x1x1xf32>
    %reduce_sum3A_121 = vector.extract %reduce_sum3A_120[0, 0, 0] : f32 from vector<1x1x1xf32>
    %max3A_122 = arith.constant 1.000000e-30 : f32
    %max3A_123 = arith.maximumf %reduce_sum3A_121, %max3A_122 : f32
    %sqrt3A_124 = math.sqrt %max3A_123 : f32
    %div3A_125 = vector.broadcast %sqrt3A_124 : f32 to vector<512x1xf32>
    %div3A_126 = arith.divf %dot_general3A_115, %div3A_125 : vector<512x1xf32>
    %dot_general3A_127 = arith.constant dense<0.000000e+00> : vector<512x1xf32>
    %dot_general3A_128 = tpu.matmul %div3A_86, %div3A_126, %dot_general3A_127 {dimension_numbers = #tpu.dot_dimension_numbers<[1], [0], [0], [1], [0, 0, 1, 1], [], []>, precision = #tpu.contract_precision<fp32>, transpose_lhs_hint = false} : vector<512x512xf32>, vector<512x1xf32>, vector<512x1xf32> -> vector<512x1xf32>
    %mul3A_129 = arith.mulf %dot_general3A_128, %dot_general3A_128 : vector<512x1xf32>
    %reduce_sum3A_130 = vector.shape_cast %mul3A_129 : vector<512x1xf32> to vector<1x512x1xf32>
    %reduce_sum3A_131 = arith.constant dense<0.000000e+00> : vector<1xf32>
    %reduce_sum3A_132 = vector.multi_reduction <add>, %reduce_sum3A_130, %reduce_sum3A_131 [1, 2] : vector<1x512x1xf32> to vector<1xf32>
    %reduce_sum3A_133 = vector.shape_cast %reduce_sum3A_132 : vector<1xf32> to vector<1x1x1xf32>
    %reduce_sum3A_134 = vector.extract %reduce_sum3A_133[0, 0, 0] : f32 from vector<1x1x1xf32>
    %max3A_135 = arith.constant 1.000000e-30 : f32
    %max3A_136 = arith.maximumf %reduce_sum3A_134, %max3A_135 : f32
    %sqrt3A_137 = math.sqrt %max3A_136 : f32
    %div3A_138 = vector.broadcast %sqrt3A_137 : f32 to vector<512x1xf32>
    %div3A_139 = arith.divf %dot_general3A_128, %div3A_138 : vector<512x1xf32>
    %dot_general3A_140 = arith.constant dense<0.000000e+00> : vector<512x1xf32>
    %dot_general3A_141 = tpu.matmul %div3A_86, %div3A_139, %dot_general3A_140 {dimension_numbers = #tpu.dot_dimension_numbers<[1], [0], [0], [1], [0, 0, 1, 1], [], []>, precision = #tpu.contract_precision<fp32>, transpose_lhs_hint = false} : vector<512x512xf32>, vector<512x1xf32>, vector<512x1xf32> -> vector<512x1xf32>
    %mul3A_142 = arith.mulf %dot_general3A_141, %dot_general3A_141 : vector<512x1xf32>
    %reduce_sum3A_143 = vector.shape_cast %mul3A_142 : vector<512x1xf32> to vector<1x512x1xf32>
    %reduce_sum3A_144 = arith.constant dense<0.000000e+00> : vector<1xf32>
    %reduce_sum3A_145 = vector.multi_reduction <add>, %reduce_sum3A_143, %reduce_sum3A_144 [1, 2] : vector<1x512x1xf32> to vector<1xf32>
    %reduce_sum3A_146 = vector.shape_cast %reduce_sum3A_145 : vector<1xf32> to vector<1x1x1xf32>
    %reduce_sum3A_147 = vector.extract %reduce_sum3A_146[0, 0, 0] : f32 from vector<1x1x1xf32>
    %max3A_148 = arith.constant 1.000000e-30 : f32
    %max3A_149 = arith.maximumf %reduce_sum3A_147, %max3A_148 : f32
    %sqrt3A_150 = math.sqrt %max3A_149 : f32
    %div3A_151 = vector.broadcast %sqrt3A_150 : f32 to vector<512x1xf32>
    %div3A_152 = arith.divf %dot_general3A_141, %div3A_151 : vector<512x1xf32>
    %dot_general3A_153 = arith.constant dense<0.000000e+00> : vector<512x1xf32>
    %dot_general3A_154 = tpu.matmul %div3A_86, %div3A_152, %dot_general3A_153 {dimension_numbers = #tpu.dot_dimension_numbers<[1], [0], [0], [1], [0, 0, 1, 1], [], []>, precision = #tpu.contract_precision<fp32>, transpose_lhs_hint = false} : vector<512x512xf32>, vector<512x1xf32>, vector<512x1xf32> -> vector<512x1xf32>
    %mul3A_155 = arith.mulf %dot_general3A_154, %dot_general3A_154 : vector<512x1xf32>
    %reduce_sum3A_156 = vector.shape_cast %mul3A_155 : vector<512x1xf32> to vector<1x512x1xf32>
    %reduce_sum3A_157 = arith.constant dense<0.000000e+00> : vector<1xf32>
    %reduce_sum3A_158 = vector.multi_reduction <add>, %reduce_sum3A_156, %reduce_sum3A_157 [1, 2] : vector<1x512x1xf32> to vector<1xf32>
    %reduce_sum3A_159 = vector.shape_cast %reduce_sum3A_158 : vector<1xf32> to vector<1x1x1xf32>
    %reduce_sum3A_160 = vector.extract %reduce_sum3A_159[0, 0, 0] : f32 from vector<1x1x1xf32>
    %max3A_161 = arith.constant 1.000000e-30 : f32
    %max3A_162 = arith.maximumf %reduce_sum3A_160, %max3A_161 : f32
    %sqrt3A_163 = math.sqrt %max3A_162 : f32
    %div3A_164 = vector.broadcast %sqrt3A_163 : f32 to vector<512x1xf32>
    %div3A_165 = arith.divf %dot_general3A_154, %div3A_164 : vector<512x1xf32>
    %dot_general3A_166 = arith.constant dense<0.000000e+00> : vector<512x1xf32>
    %dot_general3A_167 = tpu.matmul %div3A_86, %div3A_165, %dot_general3A_166 {dimension_numbers = #tpu.dot_dimension_numbers<[1], [0], [0], [1], [0, 0, 1, 1], [], []>, precision = #tpu.contract_precision<fp32>, transpose_lhs_hint = false} : vector<512x512xf32>, vector<512x1xf32>, vector<512x1xf32> -> vector<512x1xf32>
    %mul3A_168 = arith.mulf %dot_general3A_167, %dot_general3A_167 : vector<512x1xf32>
    %reduce_sum3A_169 = vector.shape_cast %mul3A_168 : vector<512x1xf32> to vector<1x512x1xf32>
    %reduce_sum3A_170 = arith.constant dense<0.000000e+00> : vector<1xf32>
    %reduce_sum3A_171 = vector.multi_reduction <add>, %reduce_sum3A_169, %reduce_sum3A_170 [1, 2] : vector<1x512x1xf32> to vector<1xf32>
    %reduce_sum3A_172 = vector.shape_cast %reduce_sum3A_171 : vector<1xf32> to vector<1x1x1xf32>
    %reduce_sum3A_173 = vector.extract %reduce_sum3A_172[0, 0, 0] : f32 from vector<1x1x1xf32>
    %max3A_174 = arith.constant 1.000000e-30 : f32
    %max3A_175 = arith.maximumf %reduce_sum3A_173, %max3A_174 : f32
    %sqrt3A_176 = math.sqrt %max3A_175 : f32
    %div3A_177 = vector.broadcast %sqrt3A_176 : f32 to vector<512x1xf32>
    %div3A_178 = arith.divf %dot_general3A_167, %div3A_177 : vector<512x1xf32>
    %dot_general3A_179 = arith.constant dense<0.000000e+00> : vector<512x1xf32>
    %dot_general3A_180 = tpu.matmul %div3A_86, %div3A_178, %dot_general3A_179 {dimension_numbers = #tpu.dot_dimension_numbers<[1], [0], [0], [1], [0, 0, 1, 1], [], []>, precision = #tpu.contract_precision<fp32>, transpose_lhs_hint = false} : vector<512x512xf32>, vector<512x1xf32>, vector<512x1xf32> -> vector<512x1xf32>
    %mul3A_181 = arith.mulf %dot_general3A_180, %dot_general3A_180 : vector<512x1xf32>
    %reduce_sum3A_182 = vector.shape_cast %mul3A_181 : vector<512x1xf32> to vector<1x512x1xf32>
    %reduce_sum3A_183 = arith.constant dense<0.000000e+00> : vector<1xf32>
    %reduce_sum3A_184 = vector.multi_reduction <add>, %reduce_sum3A_182, %reduce_sum3A_183 [1, 2] : vector<1x512x1xf32> to vector<1xf32>
    %reduce_sum3A_185 = vector.shape_cast %reduce_sum3A_184 : vector<1xf32> to vector<1x1x1xf32>
    %reduce_sum3A_186 = vector.extract %reduce_sum3A_185[0, 0, 0] : f32 from vector<1x1x1xf32>
    %max3A_187 = arith.constant 1.000000e-30 : f32
    %max3A_188 = arith.maximumf %reduce_sum3A_186, %max3A_187 : f32
    %sqrt3A_189 = math.sqrt %max3A_188 : f32
    %div3A_190 = vector.broadcast %sqrt3A_189 : f32 to vector<512x1xf32>
    %div3A_191 = arith.divf %dot_general3A_180, %div3A_190 : vector<512x1xf32>
    %dot_general3A_192 = arith.constant dense<0.000000e+00> : vector<512x1xf32>
    %dot_general3A_193 = tpu.matmul %dot_general3A_13, %div3A_191, %dot_general3A_192 {dimension_numbers = #tpu.dot_dimension_numbers<[1], [0], [0], [1], [0, 0, 1, 1], [], []>, precision = #tpu.contract_precision<fp32>, transpose_lhs_hint = false} : vector<512x512xf32>, vector<512x1xf32>, vector<512x1xf32> -> vector<512x1xf32>
    %mul3A_194 = arith.mulf %div3A_191, %dot_general3A_193 : vector<512x1xf32>
    %reduce_sum3A_195 = vector.shape_cast %mul3A_194 : vector<512x1xf32> to vector<1x512x1xf32>
    %reduce_sum3A_196 = arith.constant dense<0.000000e+00> : vector<1xf32>
    %reduce_sum3A_197 = vector.multi_reduction <add>, %reduce_sum3A_195, %reduce_sum3A_196 [1, 2] : vector<1x512x1xf32> to vector<1xf32>
    %reduce_sum3A_198 = vector.shape_cast %reduce_sum3A_197 : vector<1xf32> to vector<1x1x1xf32>
    %reduce_sum3A_199 = vector.extract %reduce_sum3A_198[0, 0, 0] : f32 from vector<1x1x1xf32>
    %mul3A_200 = arith.constant 4.096000e+03 : f32
    %mul3A_201 = arith.constant 1.1920929E-7 : f32
    %mul3A_202 = arith.mulf %mul3A_200, %mul3A_201 : f32
    %integer_pow3A_203 = arith.mulf %mul3A_202, %mul3A_202 : f32
    %mul3A_204 = arith.mulf %reduce_sum3A_199, %integer_pow3A_203 : f32
    %iota3A_205 = tpu.iota {dimensions = array<i32: 0>} : vector<512x512xi32>
    %iota3A_206 = tpu.iota {dimensions = array<i32: 1>} : vector<512x512xi32>
    %eq3A_207 = arith.cmpi eq, %iota3A_205, %iota3A_206 : vector<512x512xi32>
    %convert_element_type3A_208 = arith.extui %eq3A_207 : vector<512x512xi1> to vector<512x512xi32>
    %convert_element_type3A_209 = arith.sitofp %convert_element_type3A_208 : vector<512x512xi32> to vector<512x512xf32>
    %mul3A_210 = vector.broadcast %mul3A_204 : f32 to vector<512x512xf32>
    %mul3A_211 = arith.mulf %mul3A_210, %convert_element_type3A_209 : vector<512x512xf32>
    %sub3A_212 = arith.subf %dot_general3A_13, %mul3A_211 : vector<512x512xf32>
    %scan3A = arith.constant 0.000000e+00 : f32
    %scan3A_213 = arith.constant 0 : i32
    %scan3A_214 = arith.constant 512 : i32
    %scan3A_215 = arith.addi %scan3A_213, %scan3A_214 : i32
    %scan3A_216 = arith.constant 1 : i32
    %scan3A_217:2 = scf.for %scan3A_479 = %scan3A_213 to %scan3A_215 step %scan3A_216 iter_args(%scan3A_480 = %sub3A_212, %scan3A_481 = %scan3A) -> (vector<512x512xf32>, f32)  : i32 {
      %eq3A_482 = vector.broadcast %scan3A_479 : i32 to vector<512x512xi32>
      %eq3A_483 = arith.cmpi eq, %iota3A_205, %eq3A_482 : vector<512x512xi32>
      %eq3A_484 = vector.broadcast %scan3A_479 : i32 to vector<512x512xi32>
      %eq3A_485 = arith.cmpi eq, %iota3A_206, %eq3A_484 : vector<512x512xi32>
      %jit3A_486 = arith.constant 0.000000e+00 : f32
      %broadcast_in_dim3A_487 = vector.broadcast %jit3A_486 : f32 to vector<512x512xf32>
      %select_n3A_488 = arith.select %eq3A_483, %scan3A_480, %broadcast_in_dim3A_487 : vector<512x512xi1>, vector<512x512xf32>
      %reduce_sum3A_489 = arith.constant dense<0.000000e+00> : vector<512xf32>
      %reduce_sum3A_490 = vector.multi_reduction <add>, %select_n3A_488, %reduce_sum3A_489 [0] : vector<512x512xf32> to vector<512xf32>
      %broadcast_in_dim3A_491 = vector.shape_cast %reduce_sum3A_490 : vector<512xf32> to vector<1x512xf32>
      %jit3A_492 = arith.constant 0.000000e+00 : f32
      %broadcast_in_dim3A_493 = vector.broadcast %jit3A_492 : f32 to vector<512x512xf32>
      %select_n3A_494 = arith.select %eq3A_485, %scan3A_480, %broadcast_in_dim3A_493 : vector<512x512xi1>, vector<512x512xf32>
      %reduce_sum3A_495 = arith.constant dense<0.000000e+00> : vector<512xf32>
      %reduce_sum3A_496 = vector.multi_reduction <add>, %select_n3A_494, %reduce_sum3A_495 [1] : vector<512x512xf32> to vector<512xf32>
      %broadcast_in_dim3A_497 = vector.shape_cast %reduce_sum3A_496 : vector<512xf32> to vector<512x1xf32>
      %and3A_498 = arith.andi %eq3A_483, %eq3A_485 : vector<512x512xi1>
      %jit3A_499 = arith.constant 0.000000e+00 : f32
      %broadcast_in_dim3A_500 = vector.broadcast %jit3A_499 : f32 to vector<512x512xf32>
      %select_n3A_501 = arith.select %and3A_498, %scan3A_480, %broadcast_in_dim3A_500 : vector<512x512xi1>, vector<512x512xf32>
      %reduce_sum3A_502 = vector.shape_cast %select_n3A_501 : vector<512x512xf32> to vector<1x512x512xf32>
      %reduce_sum3A_503 = arith.constant dense<0.000000e+00> : vector<1xf32>
      %reduce_sum3A_504 = vector.multi_reduction <add>, %reduce_sum3A_502, %reduce_sum3A_503 [1, 2] : vector<1x512x512xf32> to vector<1xf32>
      %reduce_sum3A_505 = vector.shape_cast %reduce_sum3A_504 : vector<1xf32> to vector<1x1x1xf32>
      %reduce_sum3A_506 = vector.extract %reduce_sum3A_505[0, 0, 0] : f32 from vector<1x1x1xf32>
      %eq3A_507 = arith.constant 0.000000e+00 : f32
      %eq3A_508 = arith.cmpf oeq, %reduce_sum3A_506, %eq3A_507 : f32
      %jit3A_509 = arith.constant 1.000000e-30 : f32
      %select_n3A_510 = arith.select %eq3A_508, %jit3A_509, %reduce_sum3A_506 : f32
      %gt3A = vector.broadcast %scan3A_479 : i32 to vector<512x512xi32>
      %gt3A_511 = arith.cmpi sgt, %iota3A_205, %gt3A : vector<512x512xi32>
      %gt3A_512 = vector.broadcast %scan3A_479 : i32 to vector<512x512xi32>
      %gt3A_513 = arith.cmpi sgt, %iota3A_206, %gt3A_512 : vector<512x512xi32>
      %and3A_514 = arith.andi %gt3A_511, %gt3A_513 : vector<512x512xi1>
      %mul3A_515 = vector.broadcast %broadcast_in_dim3A_497 : vector<512x1xf32> to vector<512x512xf32>
      %mul3A_516 = vector.broadcast %broadcast_in_dim3A_491 : vector<1x512xf32> to vector<512x512xf32>
      %mul3A_517 = arith.mulf %mul3A_515, %mul3A_516 : vector<512x512xf32>
      %div3A_518 = vector.broadcast %select_n3A_510 : f32 to vector<512x512xf32>
      %div3A_519 = arith.divf %mul3A_517, %div3A_518 : vector<512x512xf32>
      %jit3A_520 = arith.constant 0.000000e+00 : f32
      %broadcast_in_dim3A_521 = vector.broadcast %jit3A_520 : f32 to vector<512x512xf32>
      %select_n3A_522 = arith.select %and3A_514, %div3A_519, %broadcast_in_dim3A_521 : vector<512x512xi1>, vector<512x512xf32>
      %sub3A_523 = arith.subf %scan3A_480, %select_n3A_522 : vector<512x512xf32>
      %gt3A_524 = arith.constant 0.000000e+00 : f32
      %gt3A_525 = arith.cmpf ogt, %reduce_sum3A_506, %gt3A_524 : f32
      %convert_element_type3A_526 = arith.extui %gt3A_525 : i1 to i32
      %convert_element_type3A_527 = arith.sitofp %convert_element_type3A_526 : i32 to f32
      %add3A_528 = arith.addf %scan3A_481, %convert_element_type3A_527 : f32
      scf.yield %sub3A_523, %add3A_528 : vector<512x512xf32>, f32
    }
    %scan3A_218 = arith.constant 512 : i32
    %mul3A_219 = arith.mulf %dot_general3A_5, %dot_general3A_5 : vector<64x64xf32>
    %reduce_sum3A_220 = vector.shape_cast %mul3A_219 : vector<64x64xf32> to vector<1x64x64xf32>
    %reduce_sum3A_221 = arith.constant dense<0.000000e+00> : vector<1xf32>
    %reduce_sum3A_222 = vector.multi_reduction <add>, %reduce_sum3A_220, %reduce_sum3A_221 [1, 2] : vector<1x64x64xf32> to vector<1xf32>
    %reduce_sum3A_223 = vector.shape_cast %reduce_sum3A_222 : vector<1xf32> to vector<1x1x1xf32>
    %reduce_sum3A_224 = vector.extract %reduce_sum3A_223[0, 0, 0] : f32 from vector<1x1x1xf32>
    %max3A_225 = arith.constant 1.000000e-30 : f32
    %max3A_226 = arith.maximumf %reduce_sum3A_224, %max3A_225 : f32
    %sqrt3A_227 = math.sqrt %max3A_226 : f32
    %div3A_228 = vector.broadcast %sqrt3A_227 : f32 to vector<64x64xf32>
    %div3A_229 = arith.divf %dot_general3A_5, %div3A_228 : vector<64x64xf32>
    %dot_general3A_230 = arith.constant dense<0.000000e+00> : vector<64x64xf32>
    %dot_general3A_231 = tpu.matmul %div3A_229, %div3A_229, %dot_general3A_230 {dimension_numbers = #tpu.dot_dimension_numbers<[1], [0], [0], [1], [0, 0, 1, 1], [], []>, precision = #tpu.contract_precision<fp32>, transpose_lhs_hint = false} : vector<64x64xf32>, vector<64x64xf32>, vector<64x64xf32> -> vector<64x64xf32>
    %mul3A_232 = arith.mulf %dot_general3A_231, %dot_general3A_231 : vector<64x64xf32>
    %reduce_sum3A_233 = vector.shape_cast %mul3A_232 : vector<64x64xf32> to vector<1x64x64xf32>
    %reduce_sum3A_234 = arith.constant dense<0.000000e+00> : vector<1xf32>
    %reduce_sum3A_235 = vector.multi_reduction <add>, %reduce_sum3A_233, %reduce_sum3A_234 [1, 2] : vector<1x64x64xf32> to vector<1xf32>
    %reduce_sum3A_236 = vector.shape_cast %reduce_sum3A_235 : vector<1xf32> to vector<1x1x1xf32>
    %reduce_sum3A_237 = vector.extract %reduce_sum3A_236[0, 0, 0] : f32 from vector<1x1x1xf32>
    %max3A_238 = arith.constant 1.000000e-30 : f32
    %max3A_239 = arith.maximumf %reduce_sum3A_237, %max3A_238 : f32
    %sqrt3A_240 = math.sqrt %max3A_239 : f32
    %div3A_241 = vector.broadcast %sqrt3A_240 : f32 to vector<64x64xf32>
    %div3A_242 = arith.divf %dot_general3A_231, %div3A_241 : vector<64x64xf32>
    %dot_general3A_243 = arith.constant dense<0.000000e+00> : vector<64x64xf32>
    %dot_general3A_244 = tpu.matmul %div3A_242, %div3A_242, %dot_general3A_243 {dimension_numbers = #tpu.dot_dimension_numbers<[1], [0], [0], [1], [0, 0, 1, 1], [], []>, precision = #tpu.contract_precision<fp32>, transpose_lhs_hint = false} : vector<64x64xf32>, vector<64x64xf32>, vector<64x64xf32> -> vector<64x64xf32>
    %mul3A_245 = arith.mulf %dot_general3A_244, %dot_general3A_244 : vector<64x64xf32>
    %reduce_sum3A_246 = vector.shape_cast %mul3A_245 : vector<64x64xf32> to vector<1x64x64xf32>
    %reduce_sum3A_247 = arith.constant dense<0.000000e+00> : vector<1xf32>
    %reduce_sum3A_248 = vector.multi_reduction <add>, %reduce_sum3A_246, %reduce_sum3A_247 [1, 2] : vector<1x64x64xf32> to vector<1xf32>
    %reduce_sum3A_249 = vector.shape_cast %reduce_sum3A_248 : vector<1xf32> to vector<1x1x1xf32>
    %reduce_sum3A_250 = vector.extract %reduce_sum3A_249[0, 0, 0] : f32 from vector<1x1x1xf32>
    %max3A_251 = arith.constant 1.000000e-30 : f32
    %max3A_252 = arith.maximumf %reduce_sum3A_250, %max3A_251 : f32
    %sqrt3A_253 = math.sqrt %max3A_252 : f32
    %div3A_254 = vector.broadcast %sqrt3A_253 : f32 to vector<64x64xf32>
    %div3A_255 = arith.divf %dot_general3A_244, %div3A_254 : vector<64x64xf32>
    %dot_general3A_256 = arith.constant dense<0.000000e+00> : vector<64x64xf32>
    %dot_general3A_257 = tpu.matmul %div3A_255, %div3A_255, %dot_general3A_256 {dimension_numbers = #tpu.dot_dimension_numbers<[1], [0], [0], [1], [0, 0, 1, 1], [], []>, precision = #tpu.contract_precision<fp32>, transpose_lhs_hint = false} : vector<64x64xf32>, vector<64x64xf32>, vector<64x64xf32> -> vector<64x64xf32>
    %mul3A_258 = arith.mulf %dot_general3A_257, %dot_general3A_257 : vector<64x64xf32>
    %reduce_sum3A_259 = vector.shape_cast %mul3A_258 : vector<64x64xf32> to vector<1x64x64xf32>
    %reduce_sum3A_260 = arith.constant dense<0.000000e+00> : vector<1xf32>
    %reduce_sum3A_261 = vector.multi_reduction <add>, %reduce_sum3A_259, %reduce_sum3A_260 [1, 2] : vector<1x64x64xf32> to vector<1xf32>
    %reduce_sum3A_262 = vector.shape_cast %reduce_sum3A_261 : vector<1xf32> to vector<1x1x1xf32>
    %reduce_sum3A_263 = vector.extract %reduce_sum3A_262[0, 0, 0] : f32 from vector<1x1x1xf32>
    %max3A_264 = arith.constant 1.000000e-30 : f32
    %max3A_265 = arith.maximumf %reduce_sum3A_263, %max3A_264 : f32
    %sqrt3A_266 = math.sqrt %max3A_265 : f32
    %div3A_267 = vector.broadcast %sqrt3A_266 : f32 to vector<64x64xf32>
    %div3A_268 = arith.divf %dot_general3A_257, %div3A_267 : vector<64x64xf32>
    %dot_general3A_269 = arith.constant dense<0.000000e+00> : vector<64x64xf32>
    %dot_general3A_270 = tpu.matmul %div3A_268, %div3A_268, %dot_general3A_269 {dimension_numbers = #tpu.dot_dimension_numbers<[1], [0], [0], [1], [0, 0, 1, 1], [], []>, precision = #tpu.contract_precision<fp32>, transpose_lhs_hint = false} : vector<64x64xf32>, vector<64x64xf32>, vector<64x64xf32> -> vector<64x64xf32>
    %mul3A_271 = arith.mulf %dot_general3A_270, %dot_general3A_270 : vector<64x64xf32>
    %reduce_sum3A_272 = vector.shape_cast %mul3A_271 : vector<64x64xf32> to vector<1x64x64xf32>
    %reduce_sum3A_273 = arith.constant dense<0.000000e+00> : vector<1xf32>
    %reduce_sum3A_274 = vector.multi_reduction <add>, %reduce_sum3A_272, %reduce_sum3A_273 [1, 2] : vector<1x64x64xf32> to vector<1xf32>
    %reduce_sum3A_275 = vector.shape_cast %reduce_sum3A_274 : vector<1xf32> to vector<1x1x1xf32>
    %reduce_sum3A_276 = vector.extract %reduce_sum3A_275[0, 0, 0] : f32 from vector<1x1x1xf32>
    %max3A_277 = arith.constant 1.000000e-30 : f32
    %max3A_278 = arith.maximumf %reduce_sum3A_276, %max3A_277 : f32
    %sqrt3A_279 = math.sqrt %max3A_278 : f32
    %div3A_280 = vector.broadcast %sqrt3A_279 : f32 to vector<64x64xf32>
    %div3A_281 = arith.divf %dot_general3A_270, %div3A_280 : vector<64x64xf32>
    %broadcast_in_dim3A_282 = arith.constant 1.000000e+00 : f32
    %broadcast_in_dim3A_283 = vector.broadcast %broadcast_in_dim3A_282 : f32 to vector<64x1xf32>
    %dot_general3A_284 = arith.constant dense<0.000000e+00> : vector<64x1xf32>
    %dot_general3A_285 = tpu.matmul %div3A_281, %broadcast_in_dim3A_283, %dot_general3A_284 {dimension_numbers = #tpu.dot_dimension_numbers<[1], [0], [0], [1], [0, 0, 1, 1], [], []>, precision = #tpu.contract_precision<fp32>, transpose_lhs_hint = false} : vector<64x64xf32>, vector<64x1xf32>, vector<64x1xf32> -> vector<64x1xf32>
    %mul3A_286 = arith.mulf %dot_general3A_285, %dot_general3A_285 : vector<64x1xf32>
    %reduce_sum3A_287 = vector.shape_cast %mul3A_286 : vector<64x1xf32> to vector<1x64x1xf32>
    %reduce_sum3A_288 = arith.constant dense<0.000000e+00> : vector<1xf32>
    %reduce_sum3A_289 = vector.multi_reduction <add>, %reduce_sum3A_287, %reduce_sum3A_288 [1, 2] : vector<1x64x1xf32> to vector<1xf32>
    %reduce_sum3A_290 = vector.shape_cast %reduce_sum3A_289 : vector<1xf32> to vector<1x1x1xf32>
    %reduce_sum3A_291 = vector.extract %reduce_sum3A_290[0, 0, 0] : f32 from vector<1x1x1xf32>
    %max3A_292 = arith.constant 1.000000e-30 : f32
    %max3A_293 = arith.maximumf %reduce_sum3A_291, %max3A_292 : f32
    %sqrt3A_294 = math.sqrt %max3A_293 : f32
    %div3A_295 = vector.broadcast %sqrt3A_294 : f32 to vector<64x1xf32>
    %div3A_296 = arith.divf %dot_general3A_285, %div3A_295 : vector<64x1xf32>
    %dot_general3A_297 = arith.constant dense<0.000000e+00> : vector<64x1xf32>
    %dot_general3A_298 = tpu.matmul %div3A_281, %div3A_296, %dot_general3A_297 {dimension_numbers = #tpu.dot_dimension_numbers<[1], [0], [0], [1], [0, 0, 1, 1], [], []>, precision = #tpu.contract_precision<fp32>, transpose_lhs_hint = false} : vector<64x64xf32>, vector<64x1xf32>, vector<64x1xf32> -> vector<64x1xf32>
    %mul3A_299 = arith.mulf %dot_general3A_298, %dot_general3A_298 : vector<64x1xf32>
    %reduce_sum3A_300 = vector.shape_cast %mul3A_299 : vector<64x1xf32> to vector<1x64x1xf32>
    %reduce_sum3A_301 = arith.constant dense<0.000000e+00> : vector<1xf32>
    %reduce_sum3A_302 = vector.multi_reduction <add>, %reduce_sum3A_300, %reduce_sum3A_301 [1, 2] : vector<1x64x1xf32> to vector<1xf32>
    %reduce_sum3A_303 = vector.shape_cast %reduce_sum3A_302 : vector<1xf32> to vector<1x1x1xf32>
    %reduce_sum3A_304 = vector.extract %reduce_sum3A_303[0, 0, 0] : f32 from vector<1x1x1xf32>
    %max3A_305 = arith.constant 1.000000e-30 : f32
    %max3A_306 = arith.maximumf %reduce_sum3A_304, %max3A_305 : f32
    %sqrt3A_307 = math.sqrt %max3A_306 : f32
    %div3A_308 = vector.broadcast %sqrt3A_307 : f32 to vector<64x1xf32>
    %div3A_309 = arith.divf %dot_general3A_298, %div3A_308 : vector<64x1xf32>
    %dot_general3A_310 = arith.constant dense<0.000000e+00> : vector<64x1xf32>
    %dot_general3A_311 = tpu.matmul %div3A_281, %div3A_309, %dot_general3A_310 {dimension_numbers = #tpu.dot_dimension_numbers<[1], [0], [0], [1], [0, 0, 1, 1], [], []>, precision = #tpu.contract_precision<fp32>, transpose_lhs_hint = false} : vector<64x64xf32>, vector<64x1xf32>, vector<64x1xf32> -> vector<64x1xf32>
    %mul3A_312 = arith.mulf %dot_general3A_311, %dot_general3A_311 : vector<64x1xf32>
    %reduce_sum3A_313 = vector.shape_cast %mul3A_312 : vector<64x1xf32> to vector<1x64x1xf32>
    %reduce_sum3A_314 = arith.constant dense<0.000000e+00> : vector<1xf32>
    %reduce_sum3A_315 = vector.multi_reduction <add>, %reduce_sum3A_313, %reduce_sum3A_314 [1, 2] : vector<1x64x1xf32> to vector<1xf32>
    %reduce_sum3A_316 = vector.shape_cast %reduce_sum3A_315 : vector<1xf32> to vector<1x1x1xf32>
    %reduce_sum3A_317 = vector.extract %reduce_sum3A_316[0, 0, 0] : f32 from vector<1x1x1xf32>
    %max3A_318 = arith.constant 1.000000e-30 : f32
    %max3A_319 = arith.maximumf %reduce_sum3A_317, %max3A_318 : f32
    %sqrt3A_320 = math.sqrt %max3A_319 : f32
    %div3A_321 = vector.broadcast %sqrt3A_320 : f32 to vector<64x1xf32>
    %div3A_322 = arith.divf %dot_general3A_311, %div3A_321 : vector<64x1xf32>
    %dot_general3A_323 = arith.constant dense<0.000000e+00> : vector<64x1xf32>
    %dot_general3A_324 = tpu.matmul %div3A_281, %div3A_322, %dot_general3A_323 {dimension_numbers = #tpu.dot_dimension_numbers<[1], [0], [0], [1], [0, 0, 1, 1], [], []>, precision = #tpu.contract_precision<fp32>, transpose_lhs_hint = false} : vector<64x64xf32>, vector<64x1xf32>, vector<64x1xf32> -> vector<64x1xf32>
    %mul3A_325 = arith.mulf %dot_general3A_324, %dot_general3A_324 : vector<64x1xf32>
    %reduce_sum3A_326 = vector.shape_cast %mul3A_325 : vector<64x1xf32> to vector<1x64x1xf32>
    %reduce_sum3A_327 = arith.constant dense<0.000000e+00> : vector<1xf32>
    %reduce_sum3A_328 = vector.multi_reduction <add>, %reduce_sum3A_326, %reduce_sum3A_327 [1, 2] : vector<1x64x1xf32> to vector<1xf32>
    %reduce_sum3A_329 = vector.shape_cast %reduce_sum3A_328 : vector<1xf32> to vector<1x1x1xf32>
    %reduce_sum3A_330 = vector.extract %reduce_sum3A_329[0, 0, 0] : f32 from vector<1x1x1xf32>
    %max3A_331 = arith.constant 1.000000e-30 : f32
    %max3A_332 = arith.maximumf %reduce_sum3A_330, %max3A_331 : f32
    %sqrt3A_333 = math.sqrt %max3A_332 : f32
    %div3A_334 = vector.broadcast %sqrt3A_333 : f32 to vector<64x1xf32>
    %div3A_335 = arith.divf %dot_general3A_324, %div3A_334 : vector<64x1xf32>
    %dot_general3A_336 = arith.constant dense<0.000000e+00> : vector<64x1xf32>
    %dot_general3A_337 = tpu.matmul %div3A_281, %div3A_335, %dot_general3A_336 {dimension_numbers = #tpu.dot_dimension_numbers<[1], [0], [0], [1], [0, 0, 1, 1], [], []>, precision = #tpu.contract_precision<fp32>, transpose_lhs_hint = false} : vector<64x64xf32>, vector<64x1xf32>, vector<64x1xf32> -> vector<64x1xf32>
    %mul3A_338 = arith.mulf %dot_general3A_337, %dot_general3A_337 : vector<64x1xf32>
    %reduce_sum3A_339 = vector.shape_cast %mul3A_338 : vector<64x1xf32> to vector<1x64x1xf32>
    %reduce_sum3A_340 = arith.constant dense<0.000000e+00> : vector<1xf32>
    %reduce_sum3A_341 = vector.multi_reduction <add>, %reduce_sum3A_339, %reduce_sum3A_340 [1, 2] : vector<1x64x1xf32> to vector<1xf32>
    %reduce_sum3A_342 = vector.shape_cast %reduce_sum3A_341 : vector<1xf32> to vector<1x1x1xf32>
    %reduce_sum3A_343 = vector.extract %reduce_sum3A_342[0, 0, 0] : f32 from vector<1x1x1xf32>
    %max3A_344 = arith.constant 1.000000e-30 : f32
    %max3A_345 = arith.maximumf %reduce_sum3A_343, %max3A_344 : f32
    %sqrt3A_346 = math.sqrt %max3A_345 : f32
    %div3A_347 = vector.broadcast %sqrt3A_346 : f32 to vector<64x1xf32>
    %div3A_348 = arith.divf %dot_general3A_337, %div3A_347 : vector<64x1xf32>
    %dot_general3A_349 = arith.constant dense<0.000000e+00> : vector<64x1xf32>
    %dot_general3A_350 = tpu.matmul %div3A_281, %div3A_348, %dot_general3A_349 {dimension_numbers = #tpu.dot_dimension_numbers<[1], [0], [0], [1], [0, 0, 1, 1], [], []>, precision = #tpu.contract_precision<fp32>, transpose_lhs_hint = false} : vector<64x64xf32>, vector<64x1xf32>, vector<64x1xf32> -> vector<64x1xf32>
    %mul3A_351 = arith.mulf %dot_general3A_350, %dot_general3A_350 : vector<64x1xf32>
    %reduce_sum3A_352 = vector.shape_cast %mul3A_351 : vector<64x1xf32> to vector<1x64x1xf32>
    %reduce_sum3A_353 = arith.constant dense<0.000000e+00> : vector<1xf32>
    %reduce_sum3A_354 = vector.multi_reduction <add>, %reduce_sum3A_352, %reduce_sum3A_353 [1, 2] : vector<1x64x1xf32> to vector<1xf32>
    %reduce_sum3A_355 = vector.shape_cast %reduce_sum3A_354 : vector<1xf32> to vector<1x1x1xf32>
    %reduce_sum3A_356 = vector.extract %reduce_sum3A_355[0, 0, 0] : f32 from vector<1x1x1xf32>
    %max3A_357 = arith.constant 1.000000e-30 : f32
    %max3A_358 = arith.maximumf %reduce_sum3A_356, %max3A_357 : f32
    %sqrt3A_359 = math.sqrt %max3A_358 : f32
    %div3A_360 = vector.broadcast %sqrt3A_359 : f32 to vector<64x1xf32>
    %div3A_361 = arith.divf %dot_general3A_350, %div3A_360 : vector<64x1xf32>
    %dot_general3A_362 = arith.constant dense<0.000000e+00> : vector<64x1xf32>
    %dot_general3A_363 = tpu.matmul %div3A_281, %div3A_361, %dot_general3A_362 {dimension_numbers = #tpu.dot_dimension_numbers<[1], [0], [0], [1], [0, 0, 1, 1], [], []>, precision = #tpu.contract_precision<fp32>, transpose_lhs_hint = false} : vector<64x64xf32>, vector<64x1xf32>, vector<64x1xf32> -> vector<64x1xf32>
    %mul3A_364 = arith.mulf %dot_general3A_363, %dot_general3A_363 : vector<64x1xf32>
    %reduce_sum3A_365 = vector.shape_cast %mul3A_364 : vector<64x1xf32> to vector<1x64x1xf32>
    %reduce_sum3A_366 = arith.constant dense<0.000000e+00> : vector<1xf32>
    %reduce_sum3A_367 = vector.multi_reduction <add>, %reduce_sum3A_365, %reduce_sum3A_366 [1, 2] : vector<1x64x1xf32> to vector<1xf32>
    %reduce_sum3A_368 = vector.shape_cast %reduce_sum3A_367 : vector<1xf32> to vector<1x1x1xf32>
    %reduce_sum3A_369 = vector.extract %reduce_sum3A_368[0, 0, 0] : f32 from vector<1x1x1xf32>
    %max3A_370 = arith.constant 1.000000e-30 : f32
    %max3A_371 = arith.maximumf %reduce_sum3A_369, %max3A_370 : f32
    %sqrt3A_372 = math.sqrt %max3A_371 : f32
    %div3A_373 = vector.broadcast %sqrt3A_372 : f32 to vector<64x1xf32>
    %div3A_374 = arith.divf %dot_general3A_363, %div3A_373 : vector<64x1xf32>
    %dot_general3A_375 = arith.constant dense<0.000000e+00> : vector<64x1xf32>
    %dot_general3A_376 = tpu.matmul %div3A_281, %div3A_374, %dot_general3A_375 {dimension_numbers = #tpu.dot_dimension_numbers<[1], [0], [0], [1], [0, 0, 1, 1], [], []>, precision = #tpu.contract_precision<fp32>, transpose_lhs_hint = false} : vector<64x64xf32>, vector<64x1xf32>, vector<64x1xf32> -> vector<64x1xf32>
    %mul3A_377 = arith.mulf %dot_general3A_376, %dot_general3A_376 : vector<64x1xf32>
    %reduce_sum3A_378 = vector.shape_cast %mul3A_377 : vector<64x1xf32> to vector<1x64x1xf32>
    %reduce_sum3A_379 = arith.constant dense<0.000000e+00> : vector<1xf32>
    %reduce_sum3A_380 = vector.multi_reduction <add>, %reduce_sum3A_378, %reduce_sum3A_379 [1, 2] : vector<1x64x1xf32> to vector<1xf32>
    %reduce_sum3A_381 = vector.shape_cast %reduce_sum3A_380 : vector<1xf32> to vector<1x1x1xf32>
    %reduce_sum3A_382 = vector.extract %reduce_sum3A_381[0, 0, 0] : f32 from vector<1x1x1xf32>
    %max3A_383 = arith.constant 1.000000e-30 : f32
    %max3A_384 = arith.maximumf %reduce_sum3A_382, %max3A_383 : f32
    %sqrt3A_385 = math.sqrt %max3A_384 : f32
    %div3A_386 = vector.broadcast %sqrt3A_385 : f32 to vector<64x1xf32>
    %div3A_387 = arith.divf %dot_general3A_376, %div3A_386 : vector<64x1xf32>
    %dot_general3A_388 = arith.constant dense<0.000000e+00> : vector<64x1xf32>
    %dot_general3A_389 = tpu.matmul %dot_general3A_5, %div3A_387, %dot_general3A_388 {dimension_numbers = #tpu.dot_dimension_numbers<[1], [0], [0], [1], [0, 0, 1, 1], [], []>, precision = #tpu.contract_precision<fp32>, transpose_lhs_hint = false} : vector<64x64xf32>, vector<64x1xf32>, vector<64x1xf32> -> vector<64x1xf32>
    %mul3A_390 = arith.mulf %div3A_387, %dot_general3A_389 : vector<64x1xf32>
    %reduce_sum3A_391 = vector.shape_cast %mul3A_390 : vector<64x1xf32> to vector<1x64x1xf32>
    %reduce_sum3A_392 = arith.constant dense<0.000000e+00> : vector<1xf32>
    %reduce_sum3A_393 = vector.multi_reduction <add>, %reduce_sum3A_391, %reduce_sum3A_392 [1, 2] : vector<1x64x1xf32> to vector<1xf32>
    %reduce_sum3A_394 = vector.shape_cast %reduce_sum3A_393 : vector<1xf32> to vector<1x1x1xf32>
    %reduce_sum3A_395 = vector.extract %reduce_sum3A_394[0, 0, 0] : f32 from vector<1x1x1xf32>
    %mul3A_396 = arith.constant 5.120000e+02 : f32
    %mul3A_397 = arith.constant 1.1920929E-7 : f32
    %mul3A_398 = arith.mulf %mul3A_396, %mul3A_397 : f32
    %integer_pow3A_399 = arith.mulf %mul3A_398, %mul3A_398 : f32
    %mul3A_400 = arith.mulf %reduce_sum3A_395, %integer_pow3A_399 : f32
    %iota3A_401 = tpu.iota {dimensions = array<i32: 0>} : vector<64x64xi32>
    %iota3A_402 = tpu.iota {dimensions = array<i32: 1>} : vector<64x64xi32>
    %eq3A_403 = arith.cmpi eq, %iota3A_401, %iota3A_402 : vector<64x64xi32>
    %convert_element_type3A_404 = arith.extui %eq3A_403 : vector<64x64xi1> to vector<64x64xi32>
    %convert_element_type3A_405 = arith.sitofp %convert_element_type3A_404 : vector<64x64xi32> to vector<64x64xf32>
    %mul3A_406 = vector.broadcast %mul3A_400 : f32 to vector<64x64xf32>
    %mul3A_407 = arith.mulf %mul3A_406, %convert_element_type3A_405 : vector<64x64xf32>
    %sub3A_408 = arith.subf %dot_general3A_5, %mul3A_407 : vector<64x64xf32>
    %scan3A_409 = arith.constant 0.000000e+00 : f32
    %scan3A_410 = arith.constant 0 : i32
    %scan3A_411 = arith.constant 64 : i32
    %scan3A_412 = arith.addi %scan3A_410, %scan3A_411 : i32
    %scan3A_413 = arith.constant 1 : i32
    %scan3A_414:2 = scf.for %scan3A_479 = %scan3A_410 to %scan3A_412 step %scan3A_413 iter_args(%scan3A_480 = %sub3A_408, %scan3A_481 = %scan3A_409) -> (vector<64x64xf32>, f32)  : i32 {
      %eq3A_482 = vector.broadcast %scan3A_479 : i32 to vector<64x64xi32>
      %eq3A_483 = arith.cmpi eq, %iota3A_401, %eq3A_482 : vector<64x64xi32>
      %eq3A_484 = vector.broadcast %scan3A_479 : i32 to vector<64x64xi32>
      %eq3A_485 = arith.cmpi eq, %iota3A_402, %eq3A_484 : vector<64x64xi32>
      %jit3A_486 = arith.constant 0.000000e+00 : f32
      %broadcast_in_dim3A_487 = vector.broadcast %jit3A_486 : f32 to vector<64x64xf32>
      %select_n3A_488 = arith.select %eq3A_483, %scan3A_480, %broadcast_in_dim3A_487 : vector<64x64xi1>, vector<64x64xf32>
      %reduce_sum3A_489 = arith.constant dense<0.000000e+00> : vector<64xf32>
      %reduce_sum3A_490 = vector.multi_reduction <add>, %select_n3A_488, %reduce_sum3A_489 [0] : vector<64x64xf32> to vector<64xf32>
      %broadcast_in_dim3A_491 = vector.shape_cast %reduce_sum3A_490 : vector<64xf32> to vector<1x64xf32>
      %jit3A_492 = arith.constant 0.000000e+00 : f32
      %broadcast_in_dim3A_493 = vector.broadcast %jit3A_492 : f32 to vector<64x64xf32>
      %select_n3A_494 = arith.select %eq3A_485, %scan3A_480, %broadcast_in_dim3A_493 : vector<64x64xi1>, vector<64x64xf32>
      %reduce_sum3A_495 = arith.constant dense<0.000000e+00> : vector<64xf32>
      %reduce_sum3A_496 = vector.multi_reduction <add>, %select_n3A_494, %reduce_sum3A_495 [1] : vector<64x64xf32> to vector<64xf32>
      %broadcast_in_dim3A_497 = vector.shape_cast %reduce_sum3A_496 : vector<64xf32> to vector<64x1xf32>
      %and3A_498 = arith.andi %eq3A_483, %eq3A_485 : vector<64x64xi1>
      %jit3A_499 = arith.constant 0.000000e+00 : f32
      %broadcast_in_dim3A_500 = vector.broadcast %jit3A_499 : f32 to vector<64x64xf32>
      %select_n3A_501 = arith.select %and3A_498, %scan3A_480, %broadcast_in_dim3A_500 : vector<64x64xi1>, vector<64x64xf32>
      %reduce_sum3A_502 = vector.shape_cast %select_n3A_501 : vector<64x64xf32> to vector<1x64x64xf32>
      %reduce_sum3A_503 = arith.constant dense<0.000000e+00> : vector<1xf32>
      %reduce_sum3A_504 = vector.multi_reduction <add>, %reduce_sum3A_502, %reduce_sum3A_503 [1, 2] : vector<1x64x64xf32> to vector<1xf32>
      %reduce_sum3A_505 = vector.shape_cast %reduce_sum3A_504 : vector<1xf32> to vector<1x1x1xf32>
      %reduce_sum3A_506 = vector.extract %reduce_sum3A_505[0, 0, 0] : f32 from vector<1x1x1xf32>
      %eq3A_507 = arith.constant 0.000000e+00 : f32
      %eq3A_508 = arith.cmpf oeq, %reduce_sum3A_506, %eq3A_507 : f32
      %jit3A_509 = arith.constant 1.000000e-30 : f32
      %select_n3A_510 = arith.select %eq3A_508, %jit3A_509, %reduce_sum3A_506 : f32
      %gt3A = vector.broadcast %scan3A_479 : i32 to vector<64x64xi32>
      %gt3A_511 = arith.cmpi sgt, %iota3A_401, %gt3A : vector<64x64xi32>
      %gt3A_512 = vector.broadcast %scan3A_479 : i32 to vector<64x64xi32>
      %gt3A_513 = arith.cmpi sgt, %iota3A_402, %gt3A_512 : vector<64x64xi32>
      %and3A_514 = arith.andi %gt3A_511, %gt3A_513 : vector<64x64xi1>
      %mul3A_515 = vector.broadcast %broadcast_in_dim3A_497 : vector<64x1xf32> to vector<64x64xf32>
      %mul3A_516 = vector.broadcast %broadcast_in_dim3A_491 : vector<1x64xf32> to vector<64x64xf32>
      %mul3A_517 = arith.mulf %mul3A_515, %mul3A_516 : vector<64x64xf32>
      %div3A_518 = vector.broadcast %select_n3A_510 : f32 to vector<64x64xf32>
      %div3A_519 = arith.divf %mul3A_517, %div3A_518 : vector<64x64xf32>
      %jit3A_520 = arith.constant 0.000000e+00 : f32
      %broadcast_in_dim3A_521 = vector.broadcast %jit3A_520 : f32 to vector<64x64xf32>
      %select_n3A_522 = arith.select %and3A_514, %div3A_519, %broadcast_in_dim3A_521 : vector<64x64xi1>, vector<64x64xf32>
      %sub3A_523 = arith.subf %scan3A_480, %select_n3A_522 : vector<64x64xf32>
      %gt3A_524 = arith.constant 0.000000e+00 : f32
      %gt3A_525 = arith.cmpf ogt, %reduce_sum3A_506, %gt3A_524 : f32
      %convert_element_type3A_526 = arith.extui %gt3A_525 : i1 to i32
      %convert_element_type3A_527 = arith.sitofp %convert_element_type3A_526 : i32 to f32
      %add3A_528 = arith.addf %scan3A_481, %convert_element_type3A_527 : f32
      scf.yield %sub3A_523, %add3A_528 : vector<64x64xf32>, f32
    }
    %scan3A_415 = arith.constant 64 : i32
    %mul3A_416 = arith.constant 0.00999999977 : f32
    %mul3A_417 = arith.mulf %mul3A_416, %sqrt3A : f32
    %mul3A_418 = arith.constant 0.00999999977 : f32
    %mul3A_419 = arith.mulf %mul3A_418, %sqrt3A_30 : f32
    %add3A_420 = arith.addf %mul3A_417, %mul3A_419 : f32
    %sub3A_421 = arith.constant 6.400000e+01 : f32
    %sub3A_422 = arith.subf %sub3A_421, %scan3A_414#1 : f32
    %div3A_423 = arith.constant 6.300000e+01 : f32
    %div3A_424 = arith.divf %sub3A_422, %div3A_423 : f32
    %sub3A_425 = arith.constant 4.096000e+03 : f32
    %sub3A_426 = arith.subf %sub3A_425, %scan3A_217#1 : f32
    %sub3A_427 = arith.constant 4.096000e+03 : f32
    %sub3A_428 = arith.constant 1.000000e+00 : f32
    %sub3A_429 = arith.subf %sub3A_427, %sub3A_428 : f32
    %div3A_430 = arith.divf %sub3A_426, %sub3A_429 : f32
    %iota3A_431 = tpu.iota {dimensions = array<i32: 1>} : vector<8x128xi32>
    %iota3A_432 = tpu.iota {dimensions = array<i32: 0>} : vector<8x128xi32>
    %eq3A_433 = arith.constant 0 : i32
    %eq3A_434 = vector.broadcast %eq3A_433 : i32 to vector<8x128xi32>
    %eq3A_435 = arith.cmpi eq, %iota3A_432, %eq3A_434 : vector<8x128xi32>
    %eq3A_436 = arith.constant 0 : i32
    %eq3A_437 = vector.broadcast %eq3A_436 : i32 to vector<8x128xi32>
    %eq3A_438 = arith.cmpi eq, %iota3A_431, %eq3A_437 : vector<8x128xi32>
    %and3A = arith.andi %eq3A_438, %eq3A_435 : vector<8x128xi1>
    %jit3A = arith.constant 0.000000e+00 : f32
    %broadcast_in_dim3A_439 = vector.broadcast %add3A_420 : f32 to vector<8x128xf32>
    %broadcast_in_dim3A_440 = vector.broadcast %jit3A : f32 to vector<8x128xf32>
    %select_n3A = arith.select %and3A, %broadcast_in_dim3A_439, %broadcast_in_dim3A_440 : vector<8x128xi1>, vector<8x128xf32>
    %eq3A_441 = arith.constant 1 : i32
    %eq3A_442 = vector.broadcast %eq3A_441 : i32 to vector<8x128xi32>
    %eq3A_443 = arith.cmpi eq, %iota3A_431, %eq3A_442 : vector<8x128xi32>
    %and3A_444 = arith.andi %eq3A_443, %eq3A_435 : vector<8x128xi1>
    %jit3A_445 = arith.constant 0.000000e+00 : f32
    %broadcast_in_dim3A_446 = vector.broadcast %sqrt3A : f32 to vector<8x128xf32>
    %broadcast_in_dim3A_447 = vector.broadcast %jit3A_445 : f32 to vector<8x128xf32>
    %select_n3A_448 = arith.select %and3A_444, %broadcast_in_dim3A_446, %broadcast_in_dim3A_447 : vector<8x128xi1>, vector<8x128xf32>
    %add3A_449 = arith.addf %select_n3A, %select_n3A_448 : vector<8x128xf32>
    %eq3A_450 = arith.constant 2 : i32
    %eq3A_451 = vector.broadcast %eq3A_450 : i32 to vector<8x128xi32>
    %eq3A_452 = arith.cmpi eq, %iota3A_431, %eq3A_451 : vector<8x128xi32>
    %and3A_453 = arith.andi %eq3A_452, %eq3A_435 : vector<8x128xi1>
    %jit3A_454 = arith.constant 0.000000e+00 : f32
    %broadcast_in_dim3A_455 = vector.broadcast %sqrt3A_30 : f32 to vector<8x128xf32>
    %broadcast_in_dim3A_456 = vector.broadcast %jit3A_454 : f32 to vector<8x128xf32>
    %select_n3A_457 = arith.select %and3A_453, %broadcast_in_dim3A_455, %broadcast_in_dim3A_456 : vector<8x128xi1>, vector<8x128xf32>
    %add3A_458 = arith.addf %add3A_449, %select_n3A_457 : vector<8x128xf32>
    %eq3A_459 = arith.constant 3 : i32
    %eq3A_460 = vector.broadcast %eq3A_459 : i32 to vector<8x128xi32>
    %eq3A_461 = arith.cmpi eq, %iota3A_431, %eq3A_460 : vector<8x128xi32>
    %and3A_462 = arith.andi %eq3A_461, %eq3A_435 : vector<8x128xi1>
    %jit3A_463 = arith.constant 0.000000e+00 : f32
    %broadcast_in_dim3A_464 = vector.broadcast %div3A_424 : f32 to vector<8x128xf32>
    %broadcast_in_dim3A_465 = vector.broadcast %jit3A_463 : f32 to vector<8x128xf32>
    %select_n3A_466 = arith.select %and3A_462, %broadcast_in_dim3A_464, %broadcast_in_dim3A_465 : vector<8x128xi1>, vector<8x128xf32>
    %add3A_467 = arith.addf %add3A_458, %select_n3A_466 : vector<8x128xf32>
    %eq3A_468 = arith.constant 4 : i32
    %eq3A_469 = vector.broadcast %eq3A_468 : i32 to vector<8x128xi32>
    %eq3A_470 = arith.cmpi eq, %iota3A_431, %eq3A_469 : vector<8x128xi32>
    %and3A_471 = arith.andi %eq3A_470, %eq3A_435 : vector<8x128xi1>
    %jit3A_472 = arith.constant 0.000000e+00 : f32
    %broadcast_in_dim3A_473 = vector.broadcast %div3A_430 : f32 to vector<8x128xf32>
    %broadcast_in_dim3A_474 = vector.broadcast %jit3A_472 : f32 to vector<8x128xf32>
    %select_n3A_475 = arith.select %and3A_471, %broadcast_in_dim3A_473, %broadcast_in_dim3A_474 : vector<8x128xi1>, vector<8x128xf32>
    %add3A_476 = arith.addf %add3A_467, %select_n3A_475 : vector<8x128xf32>
    %swap3A = arith.constant 0 : index
    %swap3A_477 = arith.constant 0 : index
    %swap3A_478 = vector.load %arg2[%swap3A, %swap3A_477] : memref<8x128xf32, #tpu.memory_space<vmem>>, vector<8x128xf32>
    tpu.vector_store %arg2[%swap3A, %swap3A_477], %add3A_476 {strides = array<i32>} : memref<8x128xf32, #tpu.memory_space<vmem>>, vector<8x128xf32>,
    return
  }
}

module attributes {stable_mosaic.version = 14 : i64} {
  func.func @_sort_perm_body(%arg0: i32, %arg1: memref<512x256xf32, #tpu.memory_space<vmem>>, %arg2: memref<512x256xi32, #tpu.memory_space<vmem>>) attributes {dimension_semantics = [#tpu.dimension_semantics<arbitrary>], iteration_bounds = array<i64: 128>, scalar_prefetch = 0 : i64, scratch_operands = 0 : i64, tpu.core_type = #tpu.core_type<tc>, window_params = [{transform_indices = @transform_0, window_bounds = array<i64: 512, 256>}, {transform_indices = @transform_1, window_bounds = array<i64: 512, 256>}]} {
    %get3A = arith.constant 0 : index
    %get3A_0 = arith.constant 0 : index
    %get3A_1 = vector.load %arg1[%get3A, %get3A_0] : memref<512x256xf32, #tpu.memory_space<vmem>>, vector<512x256xf32>
    %iota3A = tpu.iota {dimensions = array<i32: 0>} : vector<512x256xi32>
    %iota3A_2 = tpu.iota {dimensions = array<i32: 0>} : vector<512x1xi32>
    %shift_right_arithmetic3A = arith.constant 0 : i32
    %shift_right_arithmetic3A_3 = vector.broadcast %shift_right_arithmetic3A : i32 to vector<512x1xi32>
    %shift_right_arithmetic3A_4 = arith.shrsi %iota3A_2, %shift_right_arithmetic3A_3 : vector<512x1xi32>
    %and3A = arith.constant 1 : i32
    %and3A_5 = vector.broadcast %and3A : i32 to vector<512x1xi32>
    %and3A_6 = arith.andi %shift_right_arithmetic3A_4, %and3A_5 : vector<512x1xi32>
    %eq3A = arith.constant 1 : i32
    %eq3A_7 = vector.broadcast %eq3A : i32 to vector<512x1xi32>
    %eq3A_8 = arith.cmpi eq, %and3A_6, %eq3A_7 : vector<512x1xi32>
    %shift_right_arithmetic3A_9 = arith.constant 1 : i32
    %shift_right_arithmetic3A_10 = vector.broadcast %shift_right_arithmetic3A_9 : i32 to vector<512x1xi32>
    %shift_right_arithmetic3A_11 = arith.shrsi %iota3A_2, %shift_right_arithmetic3A_10 : vector<512x1xi32>
    %and3A_12 = arith.constant 1 : i32
    %and3A_13 = vector.broadcast %and3A_12 : i32 to vector<512x1xi32>
    %and3A_14 = arith.andi %shift_right_arithmetic3A_11, %and3A_13 : vector<512x1xi32>
    %eq3A_15 = arith.constant 1 : i32
    %eq3A_16 = vector.broadcast %eq3A_15 : i32 to vector<512x1xi32>
    %eq3A_17 = arith.cmpi eq, %and3A_14, %eq3A_16 : vector<512x1xi32>
    %ne3A = arith.xori %eq3A_8, %eq3A_17 : vector<512x1xi1>
    %slice3A = vector.extract_strided_slice %get3A_1 {offsets = [511, 0], sizes = [1, 256], strides = [1, 1]} : vector<512x256xf32> to vector<1x256xf32>
    %slice3A_18 = vector.extract_strided_slice %get3A_1 {offsets = [0, 0], sizes = [511, 256], strides = [1, 1]} : vector<512x256xf32> to vector<511x256xf32>
    %concatenate3A = tpu.concatenate %slice3A, %slice3A_18 in 0 : vector<1x256xf32>, vector<511x256xf32> -> vector<512x256xf32>
    %slice3A_19 = vector.extract_strided_slice %get3A_1 {offsets = [1, 0], sizes = [511, 256], strides = [1, 1]} : vector<512x256xf32> to vector<511x256xf32>
    %slice3A_20 = vector.extract_strided_slice %get3A_1 {offsets = [0, 0], sizes = [1, 256], strides = [1, 1]} : vector<512x256xf32> to vector<1x256xf32>
    %concatenate3A_21 = tpu.concatenate %slice3A_19, %slice3A_20 in 0 : vector<511x256xf32>, vector<1x256xf32> -> vector<512x256xf32>
    %broadcast_in_dim3A = vector.shape_cast %eq3A_8 : vector<512x1xi1> to vector<512x1xi1>
    %broadcast_in_dim3A_22 = vector.broadcast %broadcast_in_dim3A : vector<512x1xi1> to vector<512x256xi1>
    %select_n3A = arith.select %broadcast_in_dim3A_22, %concatenate3A, %concatenate3A_21 : vector<512x256xi1>, vector<512x256xf32>
    %slice3A_23 = vector.extract_strided_slice %iota3A {offsets = [511, 0], sizes = [1, 256], strides = [1, 1]} : vector<512x256xi32> to vector<1x256xi32>
    %slice3A_24 = vector.extract_strided_slice %iota3A {offsets = [0, 0], sizes = [511, 256], strides = [1, 1]} : vector<512x256xi32> to vector<511x256xi32>
    %concatenate3A_25 = tpu.concatenate %slice3A_23, %slice3A_24 in 0 : vector<1x256xi32>, vector<511x256xi32> -> vector<512x256xi32>
    %slice3A_26 = vector.extract_strided_slice %iota3A {offsets = [1, 0], sizes = [511, 256], strides = [1, 1]} : vector<512x256xi32> to vector<511x256xi32>
    %slice3A_27 = vector.extract_strided_slice %iota3A {offsets = [0, 0], sizes = [1, 256], strides = [1, 1]} : vector<512x256xi32> to vector<1x256xi32>
    %concatenate3A_28 = tpu.concatenate %slice3A_26, %slice3A_27 in 0 : vector<511x256xi32>, vector<1x256xi32> -> vector<512x256xi32>
    %broadcast_in_dim3A_29 = vector.shape_cast %eq3A_8 : vector<512x1xi1> to vector<512x1xi1>
    %broadcast_in_dim3A_30 = vector.broadcast %broadcast_in_dim3A_29 : vector<512x1xi1> to vector<512x256xi1>
    %select_n3A_31 = arith.select %broadcast_in_dim3A_30, %concatenate3A_25, %concatenate3A_28 : vector<512x256xi1>, vector<512x256xi32>
    %gt3A = arith.cmpf ogt, %get3A_1, %select_n3A : vector<512x256xf32>
    %eq3A_32 = arith.cmpf oeq, %get3A_1, %select_n3A : vector<512x256xf32>
    %gt3A_33 = arith.cmpi sgt, %iota3A, %select_n3A_31 : vector<512x256xi32>
    %and3A_34 = arith.andi %eq3A_32, %gt3A_33 : vector<512x256xi1>
    %or3A = arith.ori %gt3A, %and3A_34 : vector<512x256xi1>
    %eq3A_35 = vector.broadcast %ne3A : vector<512x1xi1> to vector<512x256xi1>
    %eq3A_36 = vector.broadcast %eq3A_35 : vector<512x256xi1> to vector<512x256xi1>
    %eq3A_37 = arith.xori %or3A, %eq3A_36 : vector<512x256xi1>
    %eq3A_38 = arith.constant dense<true> : vector<512x256xi1>
    %eq3A_39 = arith.xori %eq3A_37, %eq3A_38 : vector<512x256xi1>
    %select_n3A_40 = arith.select %eq3A_39, %iota3A, %select_n3A_31 : vector<512x256xi1>, vector<512x256xi32>
    %select_n3A_41 = arith.select %eq3A_39, %get3A_1, %select_n3A : vector<512x256xi1>, vector<512x256xf32>
    %shift_right_arithmetic3A_42 = arith.constant 1 : i32
    %shift_right_arithmetic3A_43 = vector.broadcast %shift_right_arithmetic3A_42 : i32 to vector<512x1xi32>
    %shift_right_arithmetic3A_44 = arith.shrsi %iota3A_2, %shift_right_arithmetic3A_43 : vector<512x1xi32>
    %and3A_45 = arith.constant 1 : i32
    %and3A_46 = vector.broadcast %and3A_45 : i32 to vector<512x1xi32>
    %and3A_47 = arith.andi %shift_right_arithmetic3A_44, %and3A_46 : vector<512x1xi32>
    %eq3A_48 = arith.constant 1 : i32
    %eq3A_49 = vector.broadcast %eq3A_48 : i32 to vector<512x1xi32>
    %eq3A_50 = arith.cmpi eq, %and3A_47, %eq3A_49 : vector<512x1xi32>
    %shift_right_arithmetic3A_51 = arith.constant 2 : i32
    %shift_right_arithmetic3A_52 = vector.broadcast %shift_right_arithmetic3A_51 : i32 to vector<512x1xi32>
    %shift_right_arithmetic3A_53 = arith.shrsi %iota3A_2, %shift_right_arithmetic3A_52 : vector<512x1xi32>
    %and3A_54 = arith.constant 1 : i32
    %and3A_55 = vector.broadcast %and3A_54 : i32 to vector<512x1xi32>
    %and3A_56 = arith.andi %shift_right_arithmetic3A_53, %and3A_55 : vector<512x1xi32>
    %eq3A_57 = arith.constant 1 : i32
    %eq3A_58 = vector.broadcast %eq3A_57 : i32 to vector<512x1xi32>
    %eq3A_59 = arith.cmpi eq, %and3A_56, %eq3A_58 : vector<512x1xi32>
    %ne3A_60 = arith.xori %eq3A_50, %eq3A_59 : vector<512x1xi1>
    %slice3A_61 = vector.extract_strided_slice %select_n3A_41 {offsets = [510, 0], sizes = [2, 256], strides = [1, 1]} : vector<512x256xf32> to vector<2x256xf32>
    %slice3A_62 = vector.extract_strided_slice %select_n3A_41 {offsets = [0, 0], sizes = [510, 256], strides = [1, 1]} : vector<512x256xf32> to vector<510x256xf32>
    %concatenate3A_63 = tpu.concatenate %slice3A_61, %slice3A_62 in 0 : vector<2x256xf32>, vector<510x256xf32> -> vector<512x256xf32>
    %slice3A_64 = vector.extract_strided_slice %select_n3A_41 {offsets = [2, 0], sizes = [510, 256], strides = [1, 1]} : vector<512x256xf32> to vector<510x256xf32>
    %slice3A_65 = vector.extract_strided_slice %select_n3A_41 {offsets = [0, 0], sizes = [2, 256], strides = [1, 1]} : vector<512x256xf32> to vector<2x256xf32>
    %concatenate3A_66 = tpu.concatenate %slice3A_64, %slice3A_65 in 0 : vector<510x256xf32>, vector<2x256xf32> -> vector<512x256xf32>
    %broadcast_in_dim3A_67 = vector.shape_cast %eq3A_50 : vector<512x1xi1> to vector<512x1xi1>
    %broadcast_in_dim3A_68 = vector.broadcast %broadcast_in_dim3A_67 : vector<512x1xi1> to vector<512x256xi1>
    %select_n3A_69 = arith.select %broadcast_in_dim3A_68, %concatenate3A_63, %concatenate3A_66 : vector<512x256xi1>, vector<512x256xf32>
    %slice3A_70 = vector.extract_strided_slice %select_n3A_40 {offsets = [510, 0], sizes = [2, 256], strides = [1, 1]} : vector<512x256xi32> to vector<2x256xi32>
    %slice3A_71 = vector.extract_strided_slice %select_n3A_40 {offsets = [0, 0], sizes = [510, 256], strides = [1, 1]} : vector<512x256xi32> to vector<510x256xi32>
    %concatenate3A_72 = tpu.concatenate %slice3A_70, %slice3A_71 in 0 : vector<2x256xi32>, vector<510x256xi32> -> vector<512x256xi32>
    %slice3A_73 = vector.extract_strided_slice %select_n3A_40 {offsets = [2, 0], sizes = [510, 256], strides = [1, 1]} : vector<512x256xi32> to vector<510x256xi32>
    %slice3A_74 = vector.extract_strided_slice %select_n3A_40 {offsets = [0, 0], sizes = [2, 256], strides = [1, 1]} : vector<512x256xi32> to vector<2x256xi32>
    %concatenate3A_75 = tpu.concatenate %slice3A_73, %slice3A_74 in 0 : vector<510x256xi32>, vector<2x256xi32> -> vector<512x256xi32>
    %broadcast_in_dim3A_76 = vector.shape_cast %eq3A_50 : vector<512x1xi1> to vector<512x1xi1>
    %broadcast_in_dim3A_77 = vector.broadcast %broadcast_in_dim3A_76 : vector<512x1xi1> to vector<512x256xi1>
    %select_n3A_78 = arith.select %broadcast_in_dim3A_77, %concatenate3A_72, %concatenate3A_75 : vector<512x256xi1>, vector<512x256xi32>
    %gt3A_79 = arith.cmpf ogt, %select_n3A_41, %select_n3A_69 : vector<512x256xf32>
    %eq3A_80 = arith.cmpf oeq, %select_n3A_41, %select_n3A_69 : vector<512x256xf32>
    %gt3A_81 = arith.cmpi sgt, %select_n3A_40, %select_n3A_78 : vector<512x256xi32>
    %and3A_82 = arith.andi %eq3A_80, %gt3A_81 : vector<512x256xi1>
    %or3A_83 = arith.ori %gt3A_79, %and3A_82 : vector<512x256xi1>
    %eq3A_84 = vector.broadcast %ne3A_60 : vector<512x1xi1> to vector<512x256xi1>
    %eq3A_85 = vector.broadcast %eq3A_84 : vector<512x256xi1> to vector<512x256xi1>
    %eq3A_86 = arith.xori %or3A_83, %eq3A_85 : vector<512x256xi1>
    %eq3A_87 = arith.constant dense<true> : vector<512x256xi1>
    %eq3A_88 = arith.xori %eq3A_86, %eq3A_87 : vector<512x256xi1>
    %select_n3A_89 = arith.select %eq3A_88, %select_n3A_40, %select_n3A_78 : vector<512x256xi1>, vector<512x256xi32>
    %select_n3A_90 = arith.select %eq3A_88, %select_n3A_41, %select_n3A_69 : vector<512x256xi1>, vector<512x256xf32>
    %shift_right_arithmetic3A_91 = arith.constant 0 : i32
    %shift_right_arithmetic3A_92 = vector.broadcast %shift_right_arithmetic3A_91 : i32 to vector<512x1xi32>
    %shift_right_arithmetic3A_93 = arith.shrsi %iota3A_2, %shift_right_arithmetic3A_92 : vector<512x1xi32>
    %and3A_94 = arith.constant 1 : i32
    %and3A_95 = vector.broadcast %and3A_94 : i32 to vector<512x1xi32>
    %and3A_96 = arith.andi %shift_right_arithmetic3A_93, %and3A_95 : vector<512x1xi32>
    %eq3A_97 = arith.constant 1 : i32
    %eq3A_98 = vector.broadcast %eq3A_97 : i32 to vector<512x1xi32>
    %eq3A_99 = arith.cmpi eq, %and3A_96, %eq3A_98 : vector<512x1xi32>
    %shift_right_arithmetic3A_100 = arith.constant 2 : i32
    %shift_right_arithmetic3A_101 = vector.broadcast %shift_right_arithmetic3A_100 : i32 to vector<512x1xi32>
    %shift_right_arithmetic3A_102 = arith.shrsi %iota3A_2, %shift_right_arithmetic3A_101 : vector<512x1xi32>
    %and3A_103 = arith.constant 1 : i32
    %and3A_104 = vector.broadcast %and3A_103 : i32 to vector<512x1xi32>
    %and3A_105 = arith.andi %shift_right_arithmetic3A_102, %and3A_104 : vector<512x1xi32>
    %eq3A_106 = arith.constant 1 : i32
    %eq3A_107 = vector.broadcast %eq3A_106 : i32 to vector<512x1xi32>
    %eq3A_108 = arith.cmpi eq, %and3A_105, %eq3A_107 : vector<512x1xi32>
    %ne3A_109 = arith.xori %eq3A_99, %eq3A_108 : vector<512x1xi1>
    %slice3A_110 = vector.extract_strided_slice %select_n3A_90 {offsets = [511, 0], sizes = [1, 256], strides = [1, 1]} : vector<512x256xf32> to vector<1x256xf32>
    %slice3A_111 = vector.extract_strided_slice %select_n3A_90 {offsets = [0, 0], sizes = [511, 256], strides = [1, 1]} : vector<512x256xf32> to vector<511x256xf32>
    %concatenate3A_112 = tpu.concatenate %slice3A_110, %slice3A_111 in 0 : vector<1x256xf32>, vector<511x256xf32> -> vector<512x256xf32>
    %slice3A_113 = vector.extract_strided_slice %select_n3A_90 {offsets = [1, 0], sizes = [511, 256], strides = [1, 1]} : vector<512x256xf32> to vector<511x256xf32>
    %slice3A_114 = vector.extract_strided_slice %select_n3A_90 {offsets = [0, 0], sizes = [1, 256], strides = [1, 1]} : vector<512x256xf32> to vector<1x256xf32>
    %concatenate3A_115 = tpu.concatenate %slice3A_113, %slice3A_114 in 0 : vector<511x256xf32>, vector<1x256xf32> -> vector<512x256xf32>
    %broadcast_in_dim3A_116 = vector.shape_cast %eq3A_99 : vector<512x1xi1> to vector<512x1xi1>
    %broadcast_in_dim3A_117 = vector.broadcast %broadcast_in_dim3A_116 : vector<512x1xi1> to vector<512x256xi1>
    %select_n3A_118 = arith.select %broadcast_in_dim3A_117, %concatenate3A_112, %concatenate3A_115 : vector<512x256xi1>, vector<512x256xf32>
    %slice3A_119 = vector.extract_strided_slice %select_n3A_89 {offsets = [511, 0], sizes = [1, 256], strides = [1, 1]} : vector<512x256xi32> to vector<1x256xi32>
    %slice3A_120 = vector.extract_strided_slice %select_n3A_89 {offsets = [0, 0], sizes = [511, 256], strides = [1, 1]} : vector<512x256xi32> to vector<511x256xi32>
    %concatenate3A_121 = tpu.concatenate %slice3A_119, %slice3A_120 in 0 : vector<1x256xi32>, vector<511x256xi32> -> vector<512x256xi32>
    %slice3A_122 = vector.extract_strided_slice %select_n3A_89 {offsets = [1, 0], sizes = [511, 256], strides = [1, 1]} : vector<512x256xi32> to vector<511x256xi32>
    %slice3A_123 = vector.extract_strided_slice %select_n3A_89 {offsets = [0, 0], sizes = [1, 256], strides = [1, 1]} : vector<512x256xi32> to vector<1x256xi32>
    %concatenate3A_124 = tpu.concatenate %slice3A_122, %slice3A_123 in 0 : vector<511x256xi32>, vector<1x256xi32> -> vector<512x256xi32>
    %broadcast_in_dim3A_125 = vector.shape_cast %eq3A_99 : vector<512x1xi1> to vector<512x1xi1>
    %broadcast_in_dim3A_126 = vector.broadcast %broadcast_in_dim3A_125 : vector<512x1xi1> to vector<512x256xi1>
    %select_n3A_127 = arith.select %broadcast_in_dim3A_126, %concatenate3A_121, %concatenate3A_124 : vector<512x256xi1>, vector<512x256xi32>
    %gt3A_128 = arith.cmpf ogt, %select_n3A_90, %select_n3A_118 : vector<512x256xf32>
    %eq3A_129 = arith.cmpf oeq, %select_n3A_90, %select_n3A_118 : vector<512x256xf32>
    %gt3A_130 = arith.cmpi sgt, %select_n3A_89, %select_n3A_127 : vector<512x256xi32>
    %and3A_131 = arith.andi %eq3A_129, %gt3A_130 : vector<512x256xi1>
    %or3A_132 = arith.ori %gt3A_128, %and3A_131 : vector<512x256xi1>
    %eq3A_133 = vector.broadcast %ne3A_109 : vector<512x1xi1> to vector<512x256xi1>
    %eq3A_134 = vector.broadcast %eq3A_133 : vector<512x256xi1> to vector<512x256xi1>
    %eq3A_135 = arith.xori %or3A_132, %eq3A_134 : vector<512x256xi1>
    %eq3A_136 = arith.constant dense<true> : vector<512x256xi1>
    %eq3A_137 = arith.xori %eq3A_135, %eq3A_136 : vector<512x256xi1>
    %select_n3A_138 = arith.select %eq3A_137, %select_n3A_89, %select_n3A_127 : vector<512x256xi1>, vector<512x256xi32>
    %select_n3A_139 = arith.select %eq3A_137, %select_n3A_90, %select_n3A_118 : vector<512x256xi1>, vector<512x256xf32>
    %shift_right_arithmetic3A_140 = arith.constant 2 : i32
    %shift_right_arithmetic3A_141 = vector.broadcast %shift_right_arithmetic3A_140 : i32 to vector<512x1xi32>
    %shift_right_arithmetic3A_142 = arith.shrsi %iota3A_2, %shift_right_arithmetic3A_141 : vector<512x1xi32>
    %and3A_143 = arith.constant 1 : i32
    %and3A_144 = vector.broadcast %and3A_143 : i32 to vector<512x1xi32>
    %and3A_145 = arith.andi %shift_right_arithmetic3A_142, %and3A_144 : vector<512x1xi32>
    %eq3A_146 = arith.constant 1 : i32
    %eq3A_147 = vector.broadcast %eq3A_146 : i32 to vector<512x1xi32>
    %eq3A_148 = arith.cmpi eq, %and3A_145, %eq3A_147 : vector<512x1xi32>
    %shift_right_arithmetic3A_149 = arith.constant 3 : i32
    %shift_right_arithmetic3A_150 = vector.broadcast %shift_right_arithmetic3A_149 : i32 to vector<512x1xi32>
    %shift_right_arithmetic3A_151 = arith.shrsi %iota3A_2, %shift_right_arithmetic3A_150 : vector<512x1xi32>
    %and3A_152 = arith.constant 1 : i32
    %and3A_153 = vector.broadcast %and3A_152 : i32 to vector<512x1xi32>
    %and3A_154 = arith.andi %shift_right_arithmetic3A_151, %and3A_153 : vector<512x1xi32>
    %eq3A_155 = arith.constant 1 : i32
    %eq3A_156 = vector.broadcast %eq3A_155 : i32 to vector<512x1xi32>
    %eq3A_157 = arith.cmpi eq, %and3A_154, %eq3A_156 : vector<512x1xi32>
    %ne3A_158 = arith.xori %eq3A_148, %eq3A_157 : vector<512x1xi1>
    %slice3A_159 = vector.extract_strided_slice %select_n3A_139 {offsets = [508, 0], sizes = [4, 256], strides = [1, 1]} : vector<512x256xf32> to vector<4x256xf32>
    %slice3A_160 = vector.extract_strided_slice %select_n3A_139 {offsets = [0, 0], sizes = [508, 256], strides = [1, 1]} : vector<512x256xf32> to vector<508x256xf32>
    %concatenate3A_161 = tpu.concatenate %slice3A_159, %slice3A_160 in 0 : vector<4x256xf32>, vector<508x256xf32> -> vector<512x256xf32>
    %slice3A_162 = vector.extract_strided_slice %select_n3A_139 {offsets = [4, 0], sizes = [508, 256], strides = [1, 1]} : vector<512x256xf32> to vector<508x256xf32>
    %slice3A_163 = vector.extract_strided_slice %select_n3A_139 {offsets = [0, 0], sizes = [4, 256], strides = [1, 1]} : vector<512x256xf32> to vector<4x256xf32>
    %concatenate3A_164 = tpu.concatenate %slice3A_162, %slice3A_163 in 0 : vector<508x256xf32>, vector<4x256xf32> -> vector<512x256xf32>
    %broadcast_in_dim3A_165 = vector.shape_cast %eq3A_148 : vector<512x1xi1> to vector<512x1xi1>
    %broadcast_in_dim3A_166 = vector.broadcast %broadcast_in_dim3A_165 : vector<512x1xi1> to vector<512x256xi1>
    %select_n3A_167 = arith.select %broadcast_in_dim3A_166, %concatenate3A_161, %concatenate3A_164 : vector<512x256xi1>, vector<512x256xf32>
    %slice3A_168 = vector.extract_strided_slice %select_n3A_138 {offsets = [508, 0], sizes = [4, 256], strides = [1, 1]} : vector<512x256xi32> to vector<4x256xi32>
    %slice3A_169 = vector.extract_strided_slice %select_n3A_138 {offsets = [0, 0], sizes = [508, 256], strides = [1, 1]} : vector<512x256xi32> to vector<508x256xi32>
    %concatenate3A_170 = tpu.concatenate %slice3A_168, %slice3A_169 in 0 : vector<4x256xi32>, vector<508x256xi32> -> vector<512x256xi32>
    %slice3A_171 = vector.extract_strided_slice %select_n3A_138 {offsets = [4, 0], sizes = [508, 256], strides = [1, 1]} : vector<512x256xi32> to vector<508x256xi32>
    %slice3A_172 = vector.extract_strided_slice %select_n3A_138 {offsets = [0, 0], sizes = [4, 256], strides = [1, 1]} : vector<512x256xi32> to vector<4x256xi32>
    %concatenate3A_173 = tpu.concatenate %slice3A_171, %slice3A_172 in 0 : vector<508x256xi32>, vector<4x256xi32> -> vector<512x256xi32>
    %broadcast_in_dim3A_174 = vector.shape_cast %eq3A_148 : vector<512x1xi1> to vector<512x1xi1>
    %broadcast_in_dim3A_175 = vector.broadcast %broadcast_in_dim3A_174 : vector<512x1xi1> to vector<512x256xi1>
    %select_n3A_176 = arith.select %broadcast_in_dim3A_175, %concatenate3A_170, %concatenate3A_173 : vector<512x256xi1>, vector<512x256xi32>
    %gt3A_177 = arith.cmpf ogt, %select_n3A_139, %select_n3A_167 : vector<512x256xf32>
    %eq3A_178 = arith.cmpf oeq, %select_n3A_139, %select_n3A_167 : vector<512x256xf32>
    %gt3A_179 = arith.cmpi sgt, %select_n3A_138, %select_n3A_176 : vector<512x256xi32>
    %and3A_180 = arith.andi %eq3A_178, %gt3A_179 : vector<512x256xi1>
    %or3A_181 = arith.ori %gt3A_177, %and3A_180 : vector<512x256xi1>
    %eq3A_182 = vector.broadcast %ne3A_158 : vector<512x1xi1> to vector<512x256xi1>
    %eq3A_183 = vector.broadcast %eq3A_182 : vector<512x256xi1> to vector<512x256xi1>
    %eq3A_184 = arith.xori %or3A_181, %eq3A_183 : vector<512x256xi1>
    %eq3A_185 = arith.constant dense<true> : vector<512x256xi1>
    %eq3A_186 = arith.xori %eq3A_184, %eq3A_185 : vector<512x256xi1>
    %select_n3A_187 = arith.select %eq3A_186, %select_n3A_138, %select_n3A_176 : vector<512x256xi1>, vector<512x256xi32>
    %select_n3A_188 = arith.select %eq3A_186, %select_n3A_139, %select_n3A_167 : vector<512x256xi1>, vector<512x256xf32>
    %shift_right_arithmetic3A_189 = arith.constant 1 : i32
    %shift_right_arithmetic3A_190 = vector.broadcast %shift_right_arithmetic3A_189 : i32 to vector<512x1xi32>
    %shift_right_arithmetic3A_191 = arith.shrsi %iota3A_2, %shift_right_arithmetic3A_190 : vector<512x1xi32>
    %and3A_192 = arith.constant 1 : i32
    %and3A_193 = vector.broadcast %and3A_192 : i32 to vector<512x1xi32>
    %and3A_194 = arith.andi %shift_right_arithmetic3A_191, %and3A_193 : vector<512x1xi32>
    %eq3A_195 = arith.constant 1 : i32
    %eq3A_196 = vector.broadcast %eq3A_195 : i32 to vector<512x1xi32>
    %eq3A_197 = arith.cmpi eq, %and3A_194, %eq3A_196 : vector<512x1xi32>
    %shift_right_arithmetic3A_198 = arith.constant 3 : i32
    %shift_right_arithmetic3A_199 = vector.broadcast %shift_right_arithmetic3A_198 : i32 to vector<512x1xi32>
    %shift_right_arithmetic3A_200 = arith.shrsi %iota3A_2, %shift_right_arithmetic3A_199 : vector<512x1xi32>
    %and3A_201 = arith.constant 1 : i32
    %and3A_202 = vector.broadcast %and3A_201 : i32 to vector<512x1xi32>
    %and3A_203 = arith.andi %shift_right_arithmetic3A_200, %and3A_202 : vector<512x1xi32>
    %eq3A_204 = arith.constant 1 : i32
    %eq3A_205 = vector.broadcast %eq3A_204 : i32 to vector<512x1xi32>
    %eq3A_206 = arith.cmpi eq, %and3A_203, %eq3A_205 : vector<512x1xi32>
    %ne3A_207 = arith.xori %eq3A_197, %eq3A_206 : vector<512x1xi1>
    %slice3A_208 = vector.extract_strided_slice %select_n3A_188 {offsets = [510, 0], sizes = [2, 256], strides = [1, 1]} : vector<512x256xf32> to vector<2x256xf32>
    %slice3A_209 = vector.extract_strided_slice %select_n3A_188 {offsets = [0, 0], sizes = [510, 256], strides = [1, 1]} : vector<512x256xf32> to vector<510x256xf32>
    %concatenate3A_210 = tpu.concatenate %slice3A_208, %slice3A_209 in 0 : vector<2x256xf32>, vector<510x256xf32> -> vector<512x256xf32>
    %slice3A_211 = vector.extract_strided_slice %select_n3A_188 {offsets = [2, 0], sizes = [510, 256], strides = [1, 1]} : vector<512x256xf32> to vector<510x256xf32>
    %slice3A_212 = vector.extract_strided_slice %select_n3A_188 {offsets = [0, 0], sizes = [2, 256], strides = [1, 1]} : vector<512x256xf32> to vector<2x256xf32>
    %concatenate3A_213 = tpu.concatenate %slice3A_211, %slice3A_212 in 0 : vector<510x256xf32>, vector<2x256xf32> -> vector<512x256xf32>
    %broadcast_in_dim3A_214 = vector.shape_cast %eq3A_197 : vector<512x1xi1> to vector<512x1xi1>
    %broadcast_in_dim3A_215 = vector.broadcast %broadcast_in_dim3A_214 : vector<512x1xi1> to vector<512x256xi1>
    %select_n3A_216 = arith.select %broadcast_in_dim3A_215, %concatenate3A_210, %concatenate3A_213 : vector<512x256xi1>, vector<512x256xf32>
    %slice3A_217 = vector.extract_strided_slice %select_n3A_187 {offsets = [510, 0], sizes = [2, 256], strides = [1, 1]} : vector<512x256xi32> to vector<2x256xi32>
    %slice3A_218 = vector.extract_strided_slice %select_n3A_187 {offsets = [0, 0], sizes = [510, 256], strides = [1, 1]} : vector<512x256xi32> to vector<510x256xi32>
    %concatenate3A_219 = tpu.concatenate %slice3A_217, %slice3A_218 in 0 : vector<2x256xi32>, vector<510x256xi32> -> vector<512x256xi32>
    %slice3A_220 = vector.extract_strided_slice %select_n3A_187 {offsets = [2, 0], sizes = [510, 256], strides = [1, 1]} : vector<512x256xi32> to vector<510x256xi32>
    %slice3A_221 = vector.extract_strided_slice %select_n3A_187 {offsets = [0, 0], sizes = [2, 256], strides = [1, 1]} : vector<512x256xi32> to vector<2x256xi32>
    %concatenate3A_222 = tpu.concatenate %slice3A_220, %slice3A_221 in 0 : vector<510x256xi32>, vector<2x256xi32> -> vector<512x256xi32>
    %broadcast_in_dim3A_223 = vector.shape_cast %eq3A_197 : vector<512x1xi1> to vector<512x1xi1>
    %broadcast_in_dim3A_224 = vector.broadcast %broadcast_in_dim3A_223 : vector<512x1xi1> to vector<512x256xi1>
    %select_n3A_225 = arith.select %broadcast_in_dim3A_224, %concatenate3A_219, %concatenate3A_222 : vector<512x256xi1>, vector<512x256xi32>
    %gt3A_226 = arith.cmpf ogt, %select_n3A_188, %select_n3A_216 : vector<512x256xf32>
    %eq3A_227 = arith.cmpf oeq, %select_n3A_188, %select_n3A_216 : vector<512x256xf32>
    %gt3A_228 = arith.cmpi sgt, %select_n3A_187, %select_n3A_225 : vector<512x256xi32>
    %and3A_229 = arith.andi %eq3A_227, %gt3A_228 : vector<512x256xi1>
    %or3A_230 = arith.ori %gt3A_226, %and3A_229 : vector<512x256xi1>
    %eq3A_231 = vector.broadcast %ne3A_207 : vector<512x1xi1> to vector<512x256xi1>
    %eq3A_232 = vector.broadcast %eq3A_231 : vector<512x256xi1> to vector<512x256xi1>
    %eq3A_233 = arith.xori %or3A_230, %eq3A_232 : vector<512x256xi1>
    %eq3A_234 = arith.constant dense<true> : vector<512x256xi1>
    %eq3A_235 = arith.xori %eq3A_233, %eq3A_234 : vector<512x256xi1>
    %select_n3A_236 = arith.select %eq3A_235, %select_n3A_187, %select_n3A_225 : vector<512x256xi1>, vector<512x256xi32>
    %select_n3A_237 = arith.select %eq3A_235, %select_n3A_188, %select_n3A_216 : vector<512x256xi1>, vector<512x256xf32>
    %shift_right_arithmetic3A_238 = arith.constant 0 : i32
    %shift_right_arithmetic3A_239 = vector.broadcast %shift_right_arithmetic3A_238 : i32 to vector<512x1xi32>
    %shift_right_arithmetic3A_240 = arith.shrsi %iota3A_2, %shift_right_arithmetic3A_239 : vector<512x1xi32>
    %and3A_241 = arith.constant 1 : i32
    %and3A_242 = vector.broadcast %and3A_241 : i32 to vector<512x1xi32>
    %and3A_243 = arith.andi %shift_right_arithmetic3A_240, %and3A_242 : vector<512x1xi32>
    %eq3A_244 = arith.constant 1 : i32
    %eq3A_245 = vector.broadcast %eq3A_244 : i32 to vector<512x1xi32>
    %eq3A_246 = arith.cmpi eq, %and3A_243, %eq3A_245 : vector<512x1xi32>
    %shift_right_arithmetic3A_247 = arith.constant 3 : i32
    %shift_right_arithmetic3A_248 = vector.broadcast %shift_right_arithmetic3A_247 : i32 to vector<512x1xi32>
    %shift_right_arithmetic3A_249 = arith.shrsi %iota3A_2, %shift_right_arithmetic3A_248 : vector<512x1xi32>
    %and3A_250 = arith.constant 1 : i32
    %and3A_251 = vector.broadcast %and3A_250 : i32 to vector<512x1xi32>
    %and3A_252 = arith.andi %shift_right_arithmetic3A_249, %and3A_251 : vector<512x1xi32>
    %eq3A_253 = arith.constant 1 : i32
    %eq3A_254 = vector.broadcast %eq3A_253 : i32 to vector<512x1xi32>
    %eq3A_255 = arith.cmpi eq, %and3A_252, %eq3A_254 : vector<512x1xi32>
    %ne3A_256 = arith.xori %eq3A_246, %eq3A_255 : vector<512x1xi1>
    %slice3A_257 = vector.extract_strided_slice %select_n3A_237 {offsets = [511, 0], sizes = [1, 256], strides = [1, 1]} : vector<512x256xf32> to vector<1x256xf32>
    %slice3A_258 = vector.extract_strided_slice %select_n3A_237 {offsets = [0, 0], sizes = [511, 256], strides = [1, 1]} : vector<512x256xf32> to vector<511x256xf32>
    %concatenate3A_259 = tpu.concatenate %slice3A_257, %slice3A_258 in 0 : vector<1x256xf32>, vector<511x256xf32> -> vector<512x256xf32>
    %slice3A_260 = vector.extract_strided_slice %select_n3A_237 {offsets = [1, 0], sizes = [511, 256], strides = [1, 1]} : vector<512x256xf32> to vector<511x256xf32>
    %slice3A_261 = vector.extract_strided_slice %select_n3A_237 {offsets = [0, 0], sizes = [1, 256], strides = [1, 1]} : vector<512x256xf32> to vector<1x256xf32>
    %concatenate3A_262 = tpu.concatenate %slice3A_260, %slice3A_261 in 0 : vector<511x256xf32>, vector<1x256xf32> -> vector<512x256xf32>
    %broadcast_in_dim3A_263 = vector.shape_cast %eq3A_246 : vector<512x1xi1> to vector<512x1xi1>
    %broadcast_in_dim3A_264 = vector.broadcast %broadcast_in_dim3A_263 : vector<512x1xi1> to vector<512x256xi1>
    %select_n3A_265 = arith.select %broadcast_in_dim3A_264, %concatenate3A_259, %concatenate3A_262 : vector<512x256xi1>, vector<512x256xf32>
    %slice3A_266 = vector.extract_strided_slice %select_n3A_236 {offsets = [511, 0], sizes = [1, 256], strides = [1, 1]} : vector<512x256xi32> to vector<1x256xi32>
    %slice3A_267 = vector.extract_strided_slice %select_n3A_236 {offsets = [0, 0], sizes = [511, 256], strides = [1, 1]} : vector<512x256xi32> to vector<511x256xi32>
    %concatenate3A_268 = tpu.concatenate %slice3A_266, %slice3A_267 in 0 : vector<1x256xi32>, vector<511x256xi32> -> vector<512x256xi32>
    %slice3A_269 = vector.extract_strided_slice %select_n3A_236 {offsets = [1, 0], sizes = [511, 256], strides = [1, 1]} : vector<512x256xi32> to vector<511x256xi32>
    %slice3A_270 = vector.extract_strided_slice %select_n3A_236 {offsets = [0, 0], sizes = [1, 256], strides = [1, 1]} : vector<512x256xi32> to vector<1x256xi32>
    %concatenate3A_271 = tpu.concatenate %slice3A_269, %slice3A_270 in 0 : vector<511x256xi32>, vector<1x256xi32> -> vector<512x256xi32>
    %broadcast_in_dim3A_272 = vector.shape_cast %eq3A_246 : vector<512x1xi1> to vector<512x1xi1>
    %broadcast_in_dim3A_273 = vector.broadcast %broadcast_in_dim3A_272 : vector<512x1xi1> to vector<512x256xi1>
    %select_n3A_274 = arith.select %broadcast_in_dim3A_273, %concatenate3A_268, %concatenate3A_271 : vector<512x256xi1>, vector<512x256xi32>
    %gt3A_275 = arith.cmpf ogt, %select_n3A_237, %select_n3A_265 : vector<512x256xf32>
    %eq3A_276 = arith.cmpf oeq, %select_n3A_237, %select_n3A_265 : vector<512x256xf32>
    %gt3A_277 = arith.cmpi sgt, %select_n3A_236, %select_n3A_274 : vector<512x256xi32>
    %and3A_278 = arith.andi %eq3A_276, %gt3A_277 : vector<512x256xi1>
    %or3A_279 = arith.ori %gt3A_275, %and3A_278 : vector<512x256xi1>
    %eq3A_280 = vector.broadcast %ne3A_256 : vector<512x1xi1> to vector<512x256xi1>
    %eq3A_281 = vector.broadcast %eq3A_280 : vector<512x256xi1> to vector<512x256xi1>
    %eq3A_282 = arith.xori %or3A_279, %eq3A_281 : vector<512x256xi1>
    %eq3A_283 = arith.constant dense<true> : vector<512x256xi1>
    %eq3A_284 = arith.xori %eq3A_282, %eq3A_283 : vector<512x256xi1>
    %select_n3A_285 = arith.select %eq3A_284, %select_n3A_236, %select_n3A_274 : vector<512x256xi1>, vector<512x256xi32>
    %select_n3A_286 = arith.select %eq3A_284, %select_n3A_237, %select_n3A_265 : vector<512x256xi1>, vector<512x256xf32>
    %reshape3A = vector.shape_cast %select_n3A_286 : vector<512x256xf32> to vector<32x16x256xf32>
    %reshape3A_287 = vector.shape_cast %select_n3A_285 : vector<512x256xi32> to vector<32x16x256xi32>
    %slice3A_288 = vector.extract_strided_slice %reshape3A {offsets = [0, 0, 0], sizes = [32, 8, 256], strides = [1, 1, 1]} : vector<32x16x256xf32> to vector<32x8x256xf32>
    %slice3A_289 = vector.extract_strided_slice %reshape3A {offsets = [0, 8, 0], sizes = [32, 8, 256], strides = [1, 1, 1]} : vector<32x16x256xf32> to vector<32x8x256xf32>
    %slice3A_290 = vector.extract_strided_slice %reshape3A_287 {offsets = [0, 0, 0], sizes = [32, 8, 256], strides = [1, 1, 1]} : vector<32x16x256xi32> to vector<32x8x256xi32>
    %slice3A_291 = vector.extract_strided_slice %reshape3A_287 {offsets = [0, 8, 0], sizes = [32, 8, 256], strides = [1, 1, 1]} : vector<32x16x256xi32> to vector<32x8x256xi32>
    %iota3A_292 = tpu.iota {dimensions = array<i32: 0>} : vector<32x1x1xi32>
    %shift_right_arithmetic3A_293 = arith.constant 0 : i32
    %shift_right_arithmetic3A_294 = vector.broadcast %shift_right_arithmetic3A_293 : i32 to vector<32x1x1xi32>
    %shift_right_arithmetic3A_295 = arith.shrsi %iota3A_292, %shift_right_arithmetic3A_294 : vector<32x1x1xi32>
    %and3A_296 = arith.constant 1 : i32
    %and3A_297 = vector.broadcast %and3A_296 : i32 to vector<32x1x1xi32>
    %and3A_298 = arith.andi %shift_right_arithmetic3A_295, %and3A_297 : vector<32x1x1xi32>
    %eq3A_299 = arith.constant 1 : i32
    %eq3A_300 = vector.broadcast %eq3A_299 : i32 to vector<32x1x1xi32>
    %eq3A_301 = arith.cmpi eq, %and3A_298, %eq3A_300 : vector<32x1x1xi32>
    %gt3A_302 = arith.cmpf ogt, %slice3A_288, %slice3A_289 : vector<32x8x256xf32>
    %eq3A_303 = arith.cmpf oeq, %slice3A_288, %slice3A_289 : vector<32x8x256xf32>
    %gt3A_304 = arith.cmpi sgt, %slice3A_290, %slice3A_291 : vector<32x8x256xi32>
    %and3A_305 = arith.andi %eq3A_303, %gt3A_304 : vector<32x8x256xi1>
    %or3A_306 = arith.ori %gt3A_302, %and3A_305 : vector<32x8x256xi1>
    %xor3A = vector.broadcast %eq3A_301 : vector<32x1x1xi1> to vector<32x8x256xi1>
    %xor3A_307 = arith.xori %or3A_306, %xor3A : vector<32x8x256xi1>
    %select_n3A_308 = arith.select %xor3A_307, %slice3A_291, %slice3A_290 : vector<32x8x256xi1>, vector<32x8x256xi32>
    %select_n3A_309 = arith.select %xor3A_307, %slice3A_290, %slice3A_291 : vector<32x8x256xi1>, vector<32x8x256xi32>
    %concatenate3A_310 = tpu.concatenate %select_n3A_308, %select_n3A_309 in 1 : vector<32x8x256xi32>, vector<32x8x256xi32> -> vector<32x16x256xi32>
    %reshape3A_311 = vector.shape_cast %concatenate3A_310 : vector<32x16x256xi32> to vector<512x256xi32>
    %select_n3A_312 = arith.select %xor3A_307, %slice3A_289, %slice3A_288 : vector<32x8x256xi1>, vector<32x8x256xf32>
    %select_n3A_313 = arith.select %xor3A_307, %slice3A_288, %slice3A_289 : vector<32x8x256xi1>, vector<32x8x256xf32>
    %concatenate3A_314 = tpu.concatenate %select_n3A_312, %select_n3A_313 in 1 : vector<32x8x256xf32>, vector<32x8x256xf32> -> vector<32x16x256xf32>
    %reshape3A_315 = vector.shape_cast %concatenate3A_314 : vector<32x16x256xf32> to vector<512x256xf32>
    %shift_right_arithmetic3A_316 = arith.constant 2 : i32
    %shift_right_arithmetic3A_317 = vector.broadcast %shift_right_arithmetic3A_316 : i32 to vector<512x1xi32>
    %shift_right_arithmetic3A_318 = arith.shrsi %iota3A_2, %shift_right_arithmetic3A_317 : vector<512x1xi32>
    %and3A_319 = arith.constant 1 : i32
    %and3A_320 = vector.broadcast %and3A_319 : i32 to vector<512x1xi32>
    %and3A_321 = arith.andi %shift_right_arithmetic3A_318, %and3A_320 : vector<512x1xi32>
    %eq3A_322 = arith.constant 1 : i32
    %eq3A_323 = vector.broadcast %eq3A_322 : i32 to vector<512x1xi32>
    %eq3A_324 = arith.cmpi eq, %and3A_321, %eq3A_323 : vector<512x1xi32>
    %shift_right_arithmetic3A_325 = arith.constant 4 : i32
    %shift_right_arithmetic3A_326 = vector.broadcast %shift_right_arithmetic3A_325 : i32 to vector<512x1xi32>
    %shift_right_arithmetic3A_327 = arith.shrsi %iota3A_2, %shift_right_arithmetic3A_326 : vector<512x1xi32>
    %and3A_328 = arith.constant 1 : i32
    %and3A_329 = vector.broadcast %and3A_328 : i32 to vector<512x1xi32>
    %and3A_330 = arith.andi %shift_right_arithmetic3A_327, %and3A_329 : vector<512x1xi32>
    %eq3A_331 = arith.constant 1 : i32
    %eq3A_332 = vector.broadcast %eq3A_331 : i32 to vector<512x1xi32>
    %eq3A_333 = arith.cmpi eq, %and3A_330, %eq3A_332 : vector<512x1xi32>
    %ne3A_334 = arith.xori %eq3A_324, %eq3A_333 : vector<512x1xi1>
    %slice3A_335 = vector.extract_strided_slice %reshape3A_315 {offsets = [508, 0], sizes = [4, 256], strides = [1, 1]} : vector<512x256xf32> to vector<4x256xf32>
    %slice3A_336 = vector.extract_strided_slice %reshape3A_315 {offsets = [0, 0], sizes = [508, 256], strides = [1, 1]} : vector<512x256xf32> to vector<508x256xf32>
    %concatenate3A_337 = tpu.concatenate %slice3A_335, %slice3A_336 in 0 : vector<4x256xf32>, vector<508x256xf32> -> vector<512x256xf32>
    %slice3A_338 = vector.extract_strided_slice %reshape3A_315 {offsets = [4, 0], sizes = [508, 256], strides = [1, 1]} : vector<512x256xf32> to vector<508x256xf32>
    %slice3A_339 = vector.extract_strided_slice %reshape3A_315 {offsets = [0, 0], sizes = [4, 256], strides = [1, 1]} : vector<512x256xf32> to vector<4x256xf32>
    %concatenate3A_340 = tpu.concatenate %slice3A_338, %slice3A_339 in 0 : vector<508x256xf32>, vector<4x256xf32> -> vector<512x256xf32>
    %broadcast_in_dim3A_341 = vector.shape_cast %eq3A_324 : vector<512x1xi1> to vector<512x1xi1>
    %broadcast_in_dim3A_342 = vector.broadcast %broadcast_in_dim3A_341 : vector<512x1xi1> to vector<512x256xi1>
    %select_n3A_343 = arith.select %broadcast_in_dim3A_342, %concatenate3A_337, %concatenate3A_340 : vector<512x256xi1>, vector<512x256xf32>
    %slice3A_344 = vector.extract_strided_slice %reshape3A_311 {offsets = [508, 0], sizes = [4, 256], strides = [1, 1]} : vector<512x256xi32> to vector<4x256xi32>
    %slice3A_345 = vector.extract_strided_slice %reshape3A_311 {offsets = [0, 0], sizes = [508, 256], strides = [1, 1]} : vector<512x256xi32> to vector<508x256xi32>
    %concatenate3A_346 = tpu.concatenate %slice3A_344, %slice3A_345 in 0 : vector<4x256xi32>, vector<508x256xi32> -> vector<512x256xi32>
    %slice3A_347 = vector.extract_strided_slice %reshape3A_311 {offsets = [4, 0], sizes = [508, 256], strides = [1, 1]} : vector<512x256xi32> to vector<508x256xi32>
    %slice3A_348 = vector.extract_strided_slice %reshape3A_311 {offsets = [0, 0], sizes = [4, 256], strides = [1, 1]} : vector<512x256xi32> to vector<4x256xi32>
    %concatenate3A_349 = tpu.concatenate %slice3A_347, %slice3A_348 in 0 : vector<508x256xi32>, vector<4x256xi32> -> vector<512x256xi32>
    %broadcast_in_dim3A_350 = vector.shape_cast %eq3A_324 : vector<512x1xi1> to vector<512x1xi1>
    %broadcast_in_dim3A_351 = vector.broadcast %broadcast_in_dim3A_350 : vector<512x1xi1> to vector<512x256xi1>
    %select_n3A_352 = arith.select %broadcast_in_dim3A_351, %concatenate3A_346, %concatenate3A_349 : vector<512x256xi1>, vector<512x256xi32>
    %gt3A_353 = arith.cmpf ogt, %reshape3A_315, %select_n3A_343 : vector<512x256xf32>
    %eq3A_354 = arith.cmpf oeq, %reshape3A_315, %select_n3A_343 : vector<512x256xf32>
    %gt3A_355 = arith.cmpi sgt, %reshape3A_311, %select_n3A_352 : vector<512x256xi32>
    %and3A_356 = arith.andi %eq3A_354, %gt3A_355 : vector<512x256xi1>
    %or3A_357 = arith.ori %gt3A_353, %and3A_356 : vector<512x256xi1>
    %eq3A_358 = vector.broadcast %ne3A_334 : vector<512x1xi1> to vector<512x256xi1>
    %eq3A_359 = vector.broadcast %eq3A_358 : vector<512x256xi1> to vector<512x256xi1>
    %eq3A_360 = arith.xori %or3A_357, %eq3A_359 : vector<512x256xi1>
    %eq3A_361 = arith.constant dense<true> : vector<512x256xi1>
    %eq3A_362 = arith.xori %eq3A_360, %eq3A_361 : vector<512x256xi1>
    %select_n3A_363 = arith.select %eq3A_362, %reshape3A_311, %select_n3A_352 : vector<512x256xi1>, vector<512x256xi32>
    %select_n3A_364 = arith.select %eq3A_362, %reshape3A_315, %select_n3A_343 : vector<512x256xi1>, vector<512x256xf32>
    %shift_right_arithmetic3A_365 = arith.constant 1 : i32
    %shift_right_arithmetic3A_366 = vector.broadcast %shift_right_arithmetic3A_365 : i32 to vector<512x1xi32>
    %shift_right_arithmetic3A_367 = arith.shrsi %iota3A_2, %shift_right_arithmetic3A_366 : vector<512x1xi32>
    %and3A_368 = arith.constant 1 : i32
    %and3A_369 = vector.broadcast %and3A_368 : i32 to vector<512x1xi32>
    %and3A_370 = arith.andi %shift_right_arithmetic3A_367, %and3A_369 : vector<512x1xi32>
    %eq3A_371 = arith.constant 1 : i32
    %eq3A_372 = vector.broadcast %eq3A_371 : i32 to vector<512x1xi32>
    %eq3A_373 = arith.cmpi eq, %and3A_370, %eq3A_372 : vector<512x1xi32>
    %shift_right_arithmetic3A_374 = arith.constant 4 : i32
    %shift_right_arithmetic3A_375 = vector.broadcast %shift_right_arithmetic3A_374 : i32 to vector<512x1xi32>
    %shift_right_arithmetic3A_376 = arith.shrsi %iota3A_2, %shift_right_arithmetic3A_375 : vector<512x1xi32>
    %and3A_377 = arith.constant 1 : i32
    %and3A_378 = vector.broadcast %and3A_377 : i32 to vector<512x1xi32>
    %and3A_379 = arith.andi %shift_right_arithmetic3A_376, %and3A_378 : vector<512x1xi32>
    %eq3A_380 = arith.constant 1 : i32
    %eq3A_381 = vector.broadcast %eq3A_380 : i32 to vector<512x1xi32>
    %eq3A_382 = arith.cmpi eq, %and3A_379, %eq3A_381 : vector<512x1xi32>
    %ne3A_383 = arith.xori %eq3A_373, %eq3A_382 : vector<512x1xi1>
    %slice3A_384 = vector.extract_strided_slice %select_n3A_364 {offsets = [510, 0], sizes = [2, 256], strides = [1, 1]} : vector<512x256xf32> to vector<2x256xf32>
    %slice3A_385 = vector.extract_strided_slice %select_n3A_364 {offsets = [0, 0], sizes = [510, 256], strides = [1, 1]} : vector<512x256xf32> to vector<510x256xf32>
    %concatenate3A_386 = tpu.concatenate %slice3A_384, %slice3A_385 in 0 : vector<2x256xf32>, vector<510x256xf32> -> vector<512x256xf32>
    %slice3A_387 = vector.extract_strided_slice %select_n3A_364 {offsets = [2, 0], sizes = [510, 256], strides = [1, 1]} : vector<512x256xf32> to vector<510x256xf32>
    %slice3A_388 = vector.extract_strided_slice %select_n3A_364 {offsets = [0, 0], sizes = [2, 256], strides = [1, 1]} : vector<512x256xf32> to vector<2x256xf32>
    %concatenate3A_389 = tpu.concatenate %slice3A_387, %slice3A_388 in 0 : vector<510x256xf32>, vector<2x256xf32> -> vector<512x256xf32>
    %broadcast_in_dim3A_390 = vector.shape_cast %eq3A_373 : vector<512x1xi1> to vector<512x1xi1>
    %broadcast_in_dim3A_391 = vector.broadcast %broadcast_in_dim3A_390 : vector<512x1xi1> to vector<512x256xi1>
    %select_n3A_392 = arith.select %broadcast_in_dim3A_391, %concatenate3A_386, %concatenate3A_389 : vector<512x256xi1>, vector<512x256xf32>
    %slice3A_393 = vector.extract_strided_slice %select_n3A_363 {offsets = [510, 0], sizes = [2, 256], strides = [1, 1]} : vector<512x256xi32> to vector<2x256xi32>
    %slice3A_394 = vector.extract_strided_slice %select_n3A_363 {offsets = [0, 0], sizes = [510, 256], strides = [1, 1]} : vector<512x256xi32> to vector<510x256xi32>
    %concatenate3A_395 = tpu.concatenate %slice3A_393, %slice3A_394 in 0 : vector<2x256xi32>, vector<510x256xi32> -> vector<512x256xi32>
    %slice3A_396 = vector.extract_strided_slice %select_n3A_363 {offsets = [2, 0], sizes = [510, 256], strides = [1, 1]} : vector<512x256xi32> to vector<510x256xi32>
    %slice3A_397 = vector.extract_strided_slice %select_n3A_363 {offsets = [0, 0], sizes = [2, 256], strides = [1, 1]} : vector<512x256xi32> to vector<2x256xi32>
    %concatenate3A_398 = tpu.concatenate %slice3A_396, %slice3A_397 in 0 : vector<510x256xi32>, vector<2x256xi32> -> vector<512x256xi32>
    %broadcast_in_dim3A_399 = vector.shape_cast %eq3A_373 : vector<512x1xi1> to vector<512x1xi1>
    %broadcast_in_dim3A_400 = vector.broadcast %broadcast_in_dim3A_399 : vector<512x1xi1> to vector<512x256xi1>
    %select_n3A_401 = arith.select %broadcast_in_dim3A_400, %concatenate3A_395, %concatenate3A_398 : vector<512x256xi1>, vector<512x256xi32>
    %gt3A_402 = arith.cmpf ogt, %select_n3A_364, %select_n3A_392 : vector<512x256xf32>
    %eq3A_403 = arith.cmpf oeq, %select_n3A_364, %select_n3A_392 : vector<512x256xf32>
    %gt3A_404 = arith.cmpi sgt, %select_n3A_363, %select_n3A_401 : vector<512x256xi32>
    %and3A_405 = arith.andi %eq3A_403, %gt3A_404 : vector<512x256xi1>
    %or3A_406 = arith.ori %gt3A_402, %and3A_405 : vector<512x256xi1>
    %eq3A_407 = vector.broadcast %ne3A_383 : vector<512x1xi1> to vector<512x256xi1>
    %eq3A_408 = vector.broadcast %eq3A_407 : vector<512x256xi1> to vector<512x256xi1>
    %eq3A_409 = arith.xori %or3A_406, %eq3A_408 : vector<512x256xi1>
    %eq3A_410 = arith.constant dense<true> : vector<512x256xi1>
    %eq3A_411 = arith.xori %eq3A_409, %eq3A_410 : vector<512x256xi1>
    %select_n3A_412 = arith.select %eq3A_411, %select_n3A_363, %select_n3A_401 : vector<512x256xi1>, vector<512x256xi32>
    %select_n3A_413 = arith.select %eq3A_411, %select_n3A_364, %select_n3A_392 : vector<512x256xi1>, vector<512x256xf32>
    %shift_right_arithmetic3A_414 = arith.constant 0 : i32
    %shift_right_arithmetic3A_415 = vector.broadcast %shift_right_arithmetic3A_414 : i32 to vector<512x1xi32>
    %shift_right_arithmetic3A_416 = arith.shrsi %iota3A_2, %shift_right_arithmetic3A_415 : vector<512x1xi32>
    %and3A_417 = arith.constant 1 : i32
    %and3A_418 = vector.broadcast %and3A_417 : i32 to vector<512x1xi32>
    %and3A_419 = arith.andi %shift_right_arithmetic3A_416, %and3A_418 : vector<512x1xi32>
    %eq3A_420 = arith.constant 1 : i32
    %eq3A_421 = vector.broadcast %eq3A_420 : i32 to vector<512x1xi32>
    %eq3A_422 = arith.cmpi eq, %and3A_419, %eq3A_421 : vector<512x1xi32>
    %shift_right_arithmetic3A_423 = arith.constant 4 : i32
    %shift_right_arithmetic3A_424 = vector.broadcast %shift_right_arithmetic3A_423 : i32 to vector<512x1xi32>
    %shift_right_arithmetic3A_425 = arith.shrsi %iota3A_2, %shift_right_arithmetic3A_424 : vector<512x1xi32>
    %and3A_426 = arith.constant 1 : i32
    %and3A_427 = vector.broadcast %and3A_426 : i32 to vector<512x1xi32>
    %and3A_428 = arith.andi %shift_right_arithmetic3A_425, %and3A_427 : vector<512x1xi32>
    %eq3A_429 = arith.constant 1 : i32
    %eq3A_430 = vector.broadcast %eq3A_429 : i32 to vector<512x1xi32>
    %eq3A_431 = arith.cmpi eq, %and3A_428, %eq3A_430 : vector<512x1xi32>
    %ne3A_432 = arith.xori %eq3A_422, %eq3A_431 : vector<512x1xi1>
    %slice3A_433 = vector.extract_strided_slice %select_n3A_413 {offsets = [511, 0], sizes = [1, 256], strides = [1, 1]} : vector<512x256xf32> to vector<1x256xf32>
    %slice3A_434 = vector.extract_strided_slice %select_n3A_413 {offsets = [0, 0], sizes = [511, 256], strides = [1, 1]} : vector<512x256xf32> to vector<511x256xf32>
    %concatenate3A_435 = tpu.concatenate %slice3A_433, %slice3A_434 in 0 : vector<1x256xf32>, vector<511x256xf32> -> vector<512x256xf32>
    %slice3A_436 = vector.extract_strided_slice %select_n3A_413 {offsets = [1, 0], sizes = [511, 256], strides = [1, 1]} : vector<512x256xf32> to vector<511x256xf32>
    %slice3A_437 = vector.extract_strided_slice %select_n3A_413 {offsets = [0, 0], sizes = [1, 256], strides = [1, 1]} : vector<512x256xf32> to vector<1x256xf32>
    %concatenate3A_438 = tpu.concatenate %slice3A_436, %slice3A_437 in 0 : vector<511x256xf32>, vector<1x256xf32> -> vector<512x256xf32>
    %broadcast_in_dim3A_439 = vector.shape_cast %eq3A_422 : vector<512x1xi1> to vector<512x1xi1>
    %broadcast_in_dim3A_440 = vector.broadcast %broadcast_in_dim3A_439 : vector<512x1xi1> to vector<512x256xi1>
    %select_n3A_441 = arith.select %broadcast_in_dim3A_440, %concatenate3A_435, %concatenate3A_438 : vector<512x256xi1>, vector<512x256xf32>
    %slice3A_442 = vector.extract_strided_slice %select_n3A_412 {offsets = [511, 0], sizes = [1, 256], strides = [1, 1]} : vector<512x256xi32> to vector<1x256xi32>
    %slice3A_443 = vector.extract_strided_slice %select_n3A_412 {offsets = [0, 0], sizes = [511, 256], strides = [1, 1]} : vector<512x256xi32> to vector<511x256xi32>
    %concatenate3A_444 = tpu.concatenate %slice3A_442, %slice3A_443 in 0 : vector<1x256xi32>, vector<511x256xi32> -> vector<512x256xi32>
    %slice3A_445 = vector.extract_strided_slice %select_n3A_412 {offsets = [1, 0], sizes = [511, 256], strides = [1, 1]} : vector<512x256xi32> to vector<511x256xi32>
    %slice3A_446 = vector.extract_strided_slice %select_n3A_412 {offsets = [0, 0], sizes = [1, 256], strides = [1, 1]} : vector<512x256xi32> to vector<1x256xi32>
    %concatenate3A_447 = tpu.concatenate %slice3A_445, %slice3A_446 in 0 : vector<511x256xi32>, vector<1x256xi32> -> vector<512x256xi32>
    %broadcast_in_dim3A_448 = vector.shape_cast %eq3A_422 : vector<512x1xi1> to vector<512x1xi1>
    %broadcast_in_dim3A_449 = vector.broadcast %broadcast_in_dim3A_448 : vector<512x1xi1> to vector<512x256xi1>
    %select_n3A_450 = arith.select %broadcast_in_dim3A_449, %concatenate3A_444, %concatenate3A_447 : vector<512x256xi1>, vector<512x256xi32>
    %gt3A_451 = arith.cmpf ogt, %select_n3A_413, %select_n3A_441 : vector<512x256xf32>
    %eq3A_452 = arith.cmpf oeq, %select_n3A_413, %select_n3A_441 : vector<512x256xf32>
    %gt3A_453 = arith.cmpi sgt, %select_n3A_412, %select_n3A_450 : vector<512x256xi32>
    %and3A_454 = arith.andi %eq3A_452, %gt3A_453 : vector<512x256xi1>
    %or3A_455 = arith.ori %gt3A_451, %and3A_454 : vector<512x256xi1>
    %eq3A_456 = vector.broadcast %ne3A_432 : vector<512x1xi1> to vector<512x256xi1>
    %eq3A_457 = vector.broadcast %eq3A_456 : vector<512x256xi1> to vector<512x256xi1>
    %eq3A_458 = arith.xori %or3A_455, %eq3A_457 : vector<512x256xi1>
    %eq3A_459 = arith.constant dense<true> : vector<512x256xi1>
    %eq3A_460 = arith.xori %eq3A_458, %eq3A_459 : vector<512x256xi1>
    %select_n3A_461 = arith.select %eq3A_460, %select_n3A_412, %select_n3A_450 : vector<512x256xi1>, vector<512x256xi32>
    %select_n3A_462 = arith.select %eq3A_460, %select_n3A_413, %select_n3A_441 : vector<512x256xi1>, vector<512x256xf32>
    %reshape3A_463 = vector.shape_cast %select_n3A_462 : vector<512x256xf32> to vector<16x32x256xf32>
    %reshape3A_464 = vector.shape_cast %select_n3A_461 : vector<512x256xi32> to vector<16x32x256xi32>
    %slice3A_465 = vector.extract_strided_slice %reshape3A_463 {offsets = [0, 0, 0], sizes = [16, 16, 256], strides = [1, 1, 1]} : vector<16x32x256xf32> to vector<16x16x256xf32>
    %slice3A_466 = vector.extract_strided_slice %reshape3A_463 {offsets = [0, 16, 0], sizes = [16, 16, 256], strides = [1, 1, 1]} : vector<16x32x256xf32> to vector<16x16x256xf32>
    %slice3A_467 = vector.extract_strided_slice %reshape3A_464 {offsets = [0, 0, 0], sizes = [16, 16, 256], strides = [1, 1, 1]} : vector<16x32x256xi32> to vector<16x16x256xi32>
    %slice3A_468 = vector.extract_strided_slice %reshape3A_464 {offsets = [0, 16, 0], sizes = [16, 16, 256], strides = [1, 1, 1]} : vector<16x32x256xi32> to vector<16x16x256xi32>
    %iota3A_469 = tpu.iota {dimensions = array<i32: 0>} : vector<16x1x1xi32>
    %shift_right_arithmetic3A_470 = arith.constant 0 : i32
    %shift_right_arithmetic3A_471 = vector.broadcast %shift_right_arithmetic3A_470 : i32 to vector<16x1x1xi32>
    %shift_right_arithmetic3A_472 = arith.shrsi %iota3A_469, %shift_right_arithmetic3A_471 : vector<16x1x1xi32>
    %and3A_473 = arith.constant 1 : i32
    %and3A_474 = vector.broadcast %and3A_473 : i32 to vector<16x1x1xi32>
    %and3A_475 = arith.andi %shift_right_arithmetic3A_472, %and3A_474 : vector<16x1x1xi32>
    %eq3A_476 = arith.constant 1 : i32
    %eq3A_477 = vector.broadcast %eq3A_476 : i32 to vector<16x1x1xi32>
    %eq3A_478 = arith.cmpi eq, %and3A_475, %eq3A_477 : vector<16x1x1xi32>
    %gt3A_479 = arith.cmpf ogt, %slice3A_465, %slice3A_466 : vector<16x16x256xf32>
    %eq3A_480 = arith.cmpf oeq, %slice3A_465, %slice3A_466 : vector<16x16x256xf32>
    %gt3A_481 = arith.cmpi sgt, %slice3A_467, %slice3A_468 : vector<16x16x256xi32>
    %and3A_482 = arith.andi %eq3A_480, %gt3A_481 : vector<16x16x256xi1>
    %or3A_483 = arith.ori %gt3A_479, %and3A_482 : vector<16x16x256xi1>
    %xor3A_484 = vector.broadcast %eq3A_478 : vector<16x1x1xi1> to vector<16x16x256xi1>
    %xor3A_485 = arith.xori %or3A_483, %xor3A_484 : vector<16x16x256xi1>
    %select_n3A_486 = arith.select %xor3A_485, %slice3A_468, %slice3A_467 : vector<16x16x256xi1>, vector<16x16x256xi32>
    %select_n3A_487 = arith.select %xor3A_485, %slice3A_467, %slice3A_468 : vector<16x16x256xi1>, vector<16x16x256xi32>
    %concatenate3A_488 = tpu.concatenate %select_n3A_486, %select_n3A_487 in 1 : vector<16x16x256xi32>, vector<16x16x256xi32> -> vector<16x32x256xi32>
    %reshape3A_489 = vector.shape_cast %concatenate3A_488 : vector<16x32x256xi32> to vector<512x256xi32>
    %select_n3A_490 = arith.select %xor3A_485, %slice3A_466, %slice3A_465 : vector<16x16x256xi1>, vector<16x16x256xf32>
    %select_n3A_491 = arith.select %xor3A_485, %slice3A_465, %slice3A_466 : vector<16x16x256xi1>, vector<16x16x256xf32>
    %concatenate3A_492 = tpu.concatenate %select_n3A_490, %select_n3A_491 in 1 : vector<16x16x256xf32>, vector<16x16x256xf32> -> vector<16x32x256xf32>
    %reshape3A_493 = vector.shape_cast %concatenate3A_492 : vector<16x32x256xf32> to vector<512x256xf32>
    %reshape3A_494 = vector.shape_cast %reshape3A_493 : vector<512x256xf32> to vector<32x16x256xf32>
    %reshape3A_495 = vector.shape_cast %reshape3A_489 : vector<512x256xi32> to vector<32x16x256xi32>
    %slice3A_496 = vector.extract_strided_slice %reshape3A_494 {offsets = [0, 0, 0], sizes = [32, 8, 256], strides = [1, 1, 1]} : vector<32x16x256xf32> to vector<32x8x256xf32>
    %slice3A_497 = vector.extract_strided_slice %reshape3A_494 {offsets = [0, 8, 0], sizes = [32, 8, 256], strides = [1, 1, 1]} : vector<32x16x256xf32> to vector<32x8x256xf32>
    %slice3A_498 = vector.extract_strided_slice %reshape3A_495 {offsets = [0, 0, 0], sizes = [32, 8, 256], strides = [1, 1, 1]} : vector<32x16x256xi32> to vector<32x8x256xi32>
    %slice3A_499 = vector.extract_strided_slice %reshape3A_495 {offsets = [0, 8, 0], sizes = [32, 8, 256], strides = [1, 1, 1]} : vector<32x16x256xi32> to vector<32x8x256xi32>
    %iota3A_500 = tpu.iota {dimensions = array<i32: 0>} : vector<32x1x1xi32>
    %shift_right_arithmetic3A_501 = arith.constant 1 : i32
    %shift_right_arithmetic3A_502 = vector.broadcast %shift_right_arithmetic3A_501 : i32 to vector<32x1x1xi32>
    %shift_right_arithmetic3A_503 = arith.shrsi %iota3A_500, %shift_right_arithmetic3A_502 : vector<32x1x1xi32>
    %and3A_504 = arith.constant 1 : i32
    %and3A_505 = vector.broadcast %and3A_504 : i32 to vector<32x1x1xi32>
    %and3A_506 = arith.andi %shift_right_arithmetic3A_503, %and3A_505 : vector<32x1x1xi32>
    %eq3A_507 = arith.constant 1 : i32
    %eq3A_508 = vector.broadcast %eq3A_507 : i32 to vector<32x1x1xi32>
    %eq3A_509 = arith.cmpi eq, %and3A_506, %eq3A_508 : vector<32x1x1xi32>
    %gt3A_510 = arith.cmpf ogt, %slice3A_496, %slice3A_497 : vector<32x8x256xf32>
    %eq3A_511 = arith.cmpf oeq, %slice3A_496, %slice3A_497 : vector<32x8x256xf32>
    %gt3A_512 = arith.cmpi sgt, %slice3A_498, %slice3A_499 : vector<32x8x256xi32>
    %and3A_513 = arith.andi %eq3A_511, %gt3A_512 : vector<32x8x256xi1>
    %or3A_514 = arith.ori %gt3A_510, %and3A_513 : vector<32x8x256xi1>
    %xor3A_515 = vector.broadcast %eq3A_509 : vector<32x1x1xi1> to vector<32x8x256xi1>
    %xor3A_516 = arith.xori %or3A_514, %xor3A_515 : vector<32x8x256xi1>
    %select_n3A_517 = arith.select %xor3A_516, %slice3A_499, %slice3A_498 : vector<32x8x256xi1>, vector<32x8x256xi32>
    %select_n3A_518 = arith.select %xor3A_516, %slice3A_498, %slice3A_499 : vector<32x8x256xi1>, vector<32x8x256xi32>
    %concatenate3A_519 = tpu.concatenate %select_n3A_517, %select_n3A_518 in 1 : vector<32x8x256xi32>, vector<32x8x256xi32> -> vector<32x16x256xi32>
    %reshape3A_520 = vector.shape_cast %concatenate3A_519 : vector<32x16x256xi32> to vector<512x256xi32>
    %select_n3A_521 = arith.select %xor3A_516, %slice3A_497, %slice3A_496 : vector<32x8x256xi1>, vector<32x8x256xf32>
    %select_n3A_522 = arith.select %xor3A_516, %slice3A_496, %slice3A_497 : vector<32x8x256xi1>, vector<32x8x256xf32>
    %concatenate3A_523 = tpu.concatenate %select_n3A_521, %select_n3A_522 in 1 : vector<32x8x256xf32>, vector<32x8x256xf32> -> vector<32x16x256xf32>
    %reshape3A_524 = vector.shape_cast %concatenate3A_523 : vector<32x16x256xf32> to vector<512x256xf32>
    %shift_right_arithmetic3A_525 = arith.constant 2 : i32
    %shift_right_arithmetic3A_526 = vector.broadcast %shift_right_arithmetic3A_525 : i32 to vector<512x1xi32>
    %shift_right_arithmetic3A_527 = arith.shrsi %iota3A_2, %shift_right_arithmetic3A_526 : vector<512x1xi32>
    %and3A_528 = arith.constant 1 : i32
    %and3A_529 = vector.broadcast %and3A_528 : i32 to vector<512x1xi32>
    %and3A_530 = arith.andi %shift_right_arithmetic3A_527, %and3A_529 : vector<512x1xi32>
    %eq3A_531 = arith.constant 1 : i32
    %eq3A_532 = vector.broadcast %eq3A_531 : i32 to vector<512x1xi32>
    %eq3A_533 = arith.cmpi eq, %and3A_530, %eq3A_532 : vector<512x1xi32>
    %shift_right_arithmetic3A_534 = arith.constant 5 : i32
    %shift_right_arithmetic3A_535 = vector.broadcast %shift_right_arithmetic3A_534 : i32 to vector<512x1xi32>
    %shift_right_arithmetic3A_536 = arith.shrsi %iota3A_2, %shift_right_arithmetic3A_535 : vector<512x1xi32>
    %and3A_537 = arith.constant 1 : i32
    %and3A_538 = vector.broadcast %and3A_537 : i32 to vector<512x1xi32>
    %and3A_539 = arith.andi %shift_right_arithmetic3A_536, %and3A_538 : vector<512x1xi32>
    %eq3A_540 = arith.constant 1 : i32
    %eq3A_541 = vector.broadcast %eq3A_540 : i32 to vector<512x1xi32>
    %eq3A_542 = arith.cmpi eq, %and3A_539, %eq3A_541 : vector<512x1xi32>
    %ne3A_543 = arith.xori %eq3A_533, %eq3A_542 : vector<512x1xi1>
    %slice3A_544 = vector.extract_strided_slice %reshape3A_524 {offsets = [508, 0], sizes = [4, 256], strides = [1, 1]} : vector<512x256xf32> to vector<4x256xf32>
    %slice3A_545 = vector.extract_strided_slice %reshape3A_524 {offsets = [0, 0], sizes = [508, 256], strides = [1, 1]} : vector<512x256xf32> to vector<508x256xf32>
    %concatenate3A_546 = tpu.concatenate %slice3A_544, %slice3A_545 in 0 : vector<4x256xf32>, vector<508x256xf32> -> vector<512x256xf32>
    %slice3A_547 = vector.extract_strided_slice %reshape3A_524 {offsets = [4, 0], sizes = [508, 256], strides = [1, 1]} : vector<512x256xf32> to vector<508x256xf32>
    %slice3A_548 = vector.extract_strided_slice %reshape3A_524 {offsets = [0, 0], sizes = [4, 256], strides = [1, 1]} : vector<512x256xf32> to vector<4x256xf32>
    %concatenate3A_549 = tpu.concatenate %slice3A_547, %slice3A_548 in 0 : vector<508x256xf32>, vector<4x256xf32> -> vector<512x256xf32>
    %broadcast_in_dim3A_550 = vector.shape_cast %eq3A_533 : vector<512x1xi1> to vector<512x1xi1>
    %broadcast_in_dim3A_551 = vector.broadcast %broadcast_in_dim3A_550 : vector<512x1xi1> to vector<512x256xi1>
    %select_n3A_552 = arith.select %broadcast_in_dim3A_551, %concatenate3A_546, %concatenate3A_549 : vector<512x256xi1>, vector<512x256xf32>
    %slice3A_553 = vector.extract_strided_slice %reshape3A_520 {offsets = [508, 0], sizes = [4, 256], strides = [1, 1]} : vector<512x256xi32> to vector<4x256xi32>
    %slice3A_554 = vector.extract_strided_slice %reshape3A_520 {offsets = [0, 0], sizes = [508, 256], strides = [1, 1]} : vector<512x256xi32> to vector<508x256xi32>
    %concatenate3A_555 = tpu.concatenate %slice3A_553, %slice3A_554 in 0 : vector<4x256xi32>, vector<508x256xi32> -> vector<512x256xi32>
    %slice3A_556 = vector.extract_strided_slice %reshape3A_520 {offsets = [4, 0], sizes = [508, 256], strides = [1, 1]} : vector<512x256xi32> to vector<508x256xi32>
    %slice3A_557 = vector.extract_strided_slice %reshape3A_520 {offsets = [0, 0], sizes = [4, 256], strides = [1, 1]} : vector<512x256xi32> to vector<4x256xi32>
    %concatenate3A_558 = tpu.concatenate %slice3A_556, %slice3A_557 in 0 : vector<508x256xi32>, vector<4x256xi32> -> vector<512x256xi32>
    %broadcast_in_dim3A_559 = vector.shape_cast %eq3A_533 : vector<512x1xi1> to vector<512x1xi1>
    %broadcast_in_dim3A_560 = vector.broadcast %broadcast_in_dim3A_559 : vector<512x1xi1> to vector<512x256xi1>
    %select_n3A_561 = arith.select %broadcast_in_dim3A_560, %concatenate3A_555, %concatenate3A_558 : vector<512x256xi1>, vector<512x256xi32>
    %gt3A_562 = arith.cmpf ogt, %reshape3A_524, %select_n3A_552 : vector<512x256xf32>
    %eq3A_563 = arith.cmpf oeq, %reshape3A_524, %select_n3A_552 : vector<512x256xf32>
    %gt3A_564 = arith.cmpi sgt, %reshape3A_520, %select_n3A_561 : vector<512x256xi32>
    %and3A_565 = arith.andi %eq3A_563, %gt3A_564 : vector<512x256xi1>
    %or3A_566 = arith.ori %gt3A_562, %and3A_565 : vector<512x256xi1>
    %eq3A_567 = vector.broadcast %ne3A_543 : vector<512x1xi1> to vector<512x256xi1>
    %eq3A_568 = vector.broadcast %eq3A_567 : vector<512x256xi1> to vector<512x256xi1>
    %eq3A_569 = arith.xori %or3A_566, %eq3A_568 : vector<512x256xi1>
    %eq3A_570 = arith.constant dense<true> : vector<512x256xi1>
    %eq3A_571 = arith.xori %eq3A_569, %eq3A_570 : vector<512x256xi1>
    %select_n3A_572 = arith.select %eq3A_571, %reshape3A_520, %select_n3A_561 : vector<512x256xi1>, vector<512x256xi32>
    %select_n3A_573 = arith.select %eq3A_571, %reshape3A_524, %select_n3A_552 : vector<512x256xi1>, vector<512x256xf32>
    %shift_right_arithmetic3A_574 = arith.constant 1 : i32
    %shift_right_arithmetic3A_575 = vector.broadcast %shift_right_arithmetic3A_574 : i32 to vector<512x1xi32>
    %shift_right_arithmetic3A_576 = arith.shrsi %iota3A_2, %shift_right_arithmetic3A_575 : vector<512x1xi32>
    %and3A_577 = arith.constant 1 : i32
    %and3A_578 = vector.broadcast %and3A_577 : i32 to vector<512x1xi32>
    %and3A_579 = arith.andi %shift_right_arithmetic3A_576, %and3A_578 : vector<512x1xi32>
    %eq3A_580 = arith.constant 1 : i32
    %eq3A_581 = vector.broadcast %eq3A_580 : i32 to vector<512x1xi32>
    %eq3A_582 = arith.cmpi eq, %and3A_579, %eq3A_581 : vector<512x1xi32>
    %shift_right_arithmetic3A_583 = arith.constant 5 : i32
    %shift_right_arithmetic3A_584 = vector.broadcast %shift_right_arithmetic3A_583 : i32 to vector<512x1xi32>
    %shift_right_arithmetic3A_585 = arith.shrsi %iota3A_2, %shift_right_arithmetic3A_584 : vector<512x1xi32>
    %and3A_586 = arith.constant 1 : i32
    %and3A_587 = vector.broadcast %and3A_586 : i32 to vector<512x1xi32>
    %and3A_588 = arith.andi %shift_right_arithmetic3A_585, %and3A_587 : vector<512x1xi32>
    %eq3A_589 = arith.constant 1 : i32
    %eq3A_590 = vector.broadcast %eq3A_589 : i32 to vector<512x1xi32>
    %eq3A_591 = arith.cmpi eq, %and3A_588, %eq3A_590 : vector<512x1xi32>
    %ne3A_592 = arith.xori %eq3A_582, %eq3A_591 : vector<512x1xi1>
    %slice3A_593 = vector.extract_strided_slice %select_n3A_573 {offsets = [510, 0], sizes = [2, 256], strides = [1, 1]} : vector<512x256xf32> to vector<2x256xf32>
    %slice3A_594 = vector.extract_strided_slice %select_n3A_573 {offsets = [0, 0], sizes = [510, 256], strides = [1, 1]} : vector<512x256xf32> to vector<510x256xf32>
    %concatenate3A_595 = tpu.concatenate %slice3A_593, %slice3A_594 in 0 : vector<2x256xf32>, vector<510x256xf32> -> vector<512x256xf32>
    %slice3A_596 = vector.extract_strided_slice %select_n3A_573 {offsets = [2, 0], sizes = [510, 256], strides = [1, 1]} : vector<512x256xf32> to vector<510x256xf32>
    %slice3A_597 = vector.extract_strided_slice %select_n3A_573 {offsets = [0, 0], sizes = [2, 256], strides = [1, 1]} : vector<512x256xf32> to vector<2x256xf32>
    %concatenate3A_598 = tpu.concatenate %slice3A_596, %slice3A_597 in 0 : vector<510x256xf32>, vector<2x256xf32> -> vector<512x256xf32>
    %broadcast_in_dim3A_599 = vector.shape_cast %eq3A_582 : vector<512x1xi1> to vector<512x1xi1>
    %broadcast_in_dim3A_600 = vector.broadcast %broadcast_in_dim3A_599 : vector<512x1xi1> to vector<512x256xi1>
    %select_n3A_601 = arith.select %broadcast_in_dim3A_600, %concatenate3A_595, %concatenate3A_598 : vector<512x256xi1>, vector<512x256xf32>
    %slice3A_602 = vector.extract_strided_slice %select_n3A_572 {offsets = [510, 0], sizes = [2, 256], strides = [1, 1]} : vector<512x256xi32> to vector<2x256xi32>
    %slice3A_603 = vector.extract_strided_slice %select_n3A_572 {offsets = [0, 0], sizes = [510, 256], strides = [1, 1]} : vector<512x256xi32> to vector<510x256xi32>
    %concatenate3A_604 = tpu.concatenate %slice3A_602, %slice3A_603 in 0 : vector<2x256xi32>, vector<510x256xi32> -> vector<512x256xi32>
    %slice3A_605 = vector.extract_strided_slice %select_n3A_572 {offsets = [2, 0], sizes = [510, 256], strides = [1, 1]} : vector<512x256xi32> to vector<510x256xi32>
    %slice3A_606 = vector.extract_strided_slice %select_n3A_572 {offsets = [0, 0], sizes = [2, 256], strides = [1, 1]} : vector<512x256xi32> to vector<2x256xi32>
    %concatenate3A_607 = tpu.concatenate %slice3A_605, %slice3A_606 in 0 : vector<510x256xi32>, vector<2x256xi32> -> vector<512x256xi32>
    %broadcast_in_dim3A_608 = vector.shape_cast %eq3A_582 : vector<512x1xi1> to vector<512x1xi1>
    %broadcast_in_dim3A_609 = vector.broadcast %broadcast_in_dim3A_608 : vector<512x1xi1> to vector<512x256xi1>
    %select_n3A_610 = arith.select %broadcast_in_dim3A_609, %concatenate3A_604, %concatenate3A_607 : vector<512x256xi1>, vector<512x256xi32>
    %gt3A_611 = arith.cmpf ogt, %select_n3A_573, %select_n3A_601 : vector<512x256xf32>
    %eq3A_612 = arith.cmpf oeq, %select_n3A_573, %select_n3A_601 : vector<512x256xf32>
    %gt3A_613 = arith.cmpi sgt, %select_n3A_572, %select_n3A_610 : vector<512x256xi32>
    %and3A_614 = arith.andi %eq3A_612, %gt3A_613 : vector<512x256xi1>
    %or3A_615 = arith.ori %gt3A_611, %and3A_614 : vector<512x256xi1>
    %eq3A_616 = vector.broadcast %ne3A_592 : vector<512x1xi1> to vector<512x256xi1>
    %eq3A_617 = vector.broadcast %eq3A_616 : vector<512x256xi1> to vector<512x256xi1>
    %eq3A_618 = arith.xori %or3A_615, %eq3A_617 : vector<512x256xi1>
    %eq3A_619 = arith.constant dense<true> : vector<512x256xi1>
    %eq3A_620 = arith.xori %eq3A_618, %eq3A_619 : vector<512x256xi1>
    %select_n3A_621 = arith.select %eq3A_620, %select_n3A_572, %select_n3A_610 : vector<512x256xi1>, vector<512x256xi32>
    %select_n3A_622 = arith.select %eq3A_620, %select_n3A_573, %select_n3A_601 : vector<512x256xi1>, vector<512x256xf32>
    %shift_right_arithmetic3A_623 = arith.constant 0 : i32
    %shift_right_arithmetic3A_624 = vector.broadcast %shift_right_arithmetic3A_623 : i32 to vector<512x1xi32>
    %shift_right_arithmetic3A_625 = arith.shrsi %iota3A_2, %shift_right_arithmetic3A_624 : vector<512x1xi32>
    %and3A_626 = arith.constant 1 : i32
    %and3A_627 = vector.broadcast %and3A_626 : i32 to vector<512x1xi32>
    %and3A_628 = arith.andi %shift_right_arithmetic3A_625, %and3A_627 : vector<512x1xi32>
    %eq3A_629 = arith.constant 1 : i32
    %eq3A_630 = vector.broadcast %eq3A_629 : i32 to vector<512x1xi32>
    %eq3A_631 = arith.cmpi eq, %and3A_628, %eq3A_630 : vector<512x1xi32>
    %shift_right_arithmetic3A_632 = arith.constant 5 : i32
    %shift_right_arithmetic3A_633 = vector.broadcast %shift_right_arithmetic3A_632 : i32 to vector<512x1xi32>
    %shift_right_arithmetic3A_634 = arith.shrsi %iota3A_2, %shift_right_arithmetic3A_633 : vector<512x1xi32>
    %and3A_635 = arith.constant 1 : i32
    %and3A_636 = vector.broadcast %and3A_635 : i32 to vector<512x1xi32>
    %and3A_637 = arith.andi %shift_right_arithmetic3A_634, %and3A_636 : vector<512x1xi32>
    %eq3A_638 = arith.constant 1 : i32
    %eq3A_639 = vector.broadcast %eq3A_638 : i32 to vector<512x1xi32>
    %eq3A_640 = arith.cmpi eq, %and3A_637, %eq3A_639 : vector<512x1xi32>
    %ne3A_641 = arith.xori %eq3A_631, %eq3A_640 : vector<512x1xi1>
    %slice3A_642 = vector.extract_strided_slice %select_n3A_622 {offsets = [511, 0], sizes = [1, 256], strides = [1, 1]} : vector<512x256xf32> to vector<1x256xf32>
    %slice3A_643 = vector.extract_strided_slice %select_n3A_622 {offsets = [0, 0], sizes = [511, 256], strides = [1, 1]} : vector<512x256xf32> to vector<511x256xf32>
    %concatenate3A_644 = tpu.concatenate %slice3A_642, %slice3A_643 in 0 : vector<1x256xf32>, vector<511x256xf32> -> vector<512x256xf32>
    %slice3A_645 = vector.extract_strided_slice %select_n3A_622 {offsets = [1, 0], sizes = [511, 256], strides = [1, 1]} : vector<512x256xf32> to vector<511x256xf32>
    %slice3A_646 = vector.extract_strided_slice %select_n3A_622 {offsets = [0, 0], sizes = [1, 256], strides = [1, 1]} : vector<512x256xf32> to vector<1x256xf32>
    %concatenate3A_647 = tpu.concatenate %slice3A_645, %slice3A_646 in 0 : vector<511x256xf32>, vector<1x256xf32> -> vector<512x256xf32>
    %broadcast_in_dim3A_648 = vector.shape_cast %eq3A_631 : vector<512x1xi1> to vector<512x1xi1>
    %broadcast_in_dim3A_649 = vector.broadcast %broadcast_in_dim3A_648 : vector<512x1xi1> to vector<512x256xi1>
    %select_n3A_650 = arith.select %broadcast_in_dim3A_649, %concatenate3A_644, %concatenate3A_647 : vector<512x256xi1>, vector<512x256xf32>
    %slice3A_651 = vector.extract_strided_slice %select_n3A_621 {offsets = [511, 0], sizes = [1, 256], strides = [1, 1]} : vector<512x256xi32> to vector<1x256xi32>
    %slice3A_652 = vector.extract_strided_slice %select_n3A_621 {offsets = [0, 0], sizes = [511, 256], strides = [1, 1]} : vector<512x256xi32> to vector<511x256xi32>
    %concatenate3A_653 = tpu.concatenate %slice3A_651, %slice3A_652 in 0 : vector<1x256xi32>, vector<511x256xi32> -> vector<512x256xi32>
    %slice3A_654 = vector.extract_strided_slice %select_n3A_621 {offsets = [1, 0], sizes = [511, 256], strides = [1, 1]} : vector<512x256xi32> to vector<511x256xi32>
    %slice3A_655 = vector.extract_strided_slice %select_n3A_621 {offsets = [0, 0], sizes = [1, 256], strides = [1, 1]} : vector<512x256xi32> to vector<1x256xi32>
    %concatenate3A_656 = tpu.concatenate %slice3A_654, %slice3A_655 in 0 : vector<511x256xi32>, vector<1x256xi32> -> vector<512x256xi32>
    %broadcast_in_dim3A_657 = vector.shape_cast %eq3A_631 : vector<512x1xi1> to vector<512x1xi1>
    %broadcast_in_dim3A_658 = vector.broadcast %broadcast_in_dim3A_657 : vector<512x1xi1> to vector<512x256xi1>
    %select_n3A_659 = arith.select %broadcast_in_dim3A_658, %concatenate3A_653, %concatenate3A_656 : vector<512x256xi1>, vector<512x256xi32>
    %gt3A_660 = arith.cmpf ogt, %select_n3A_622, %select_n3A_650 : vector<512x256xf32>
    %eq3A_661 = arith.cmpf oeq, %select_n3A_622, %select_n3A_650 : vector<512x256xf32>
    %gt3A_662 = arith.cmpi sgt, %select_n3A_621, %select_n3A_659 : vector<512x256xi32>
    %and3A_663 = arith.andi %eq3A_661, %gt3A_662 : vector<512x256xi1>
    %or3A_664 = arith.ori %gt3A_660, %and3A_663 : vector<512x256xi1>
    %eq3A_665 = vector.broadcast %ne3A_641 : vector<512x1xi1> to vector<512x256xi1>
    %eq3A_666 = vector.broadcast %eq3A_665 : vector<512x256xi1> to vector<512x256xi1>
    %eq3A_667 = arith.xori %or3A_664, %eq3A_666 : vector<512x256xi1>
    %eq3A_668 = arith.constant dense<true> : vector<512x256xi1>
    %eq3A_669 = arith.xori %eq3A_667, %eq3A_668 : vector<512x256xi1>
    %select_n3A_670 = arith.select %eq3A_669, %select_n3A_621, %select_n3A_659 : vector<512x256xi1>, vector<512x256xi32>
    %select_n3A_671 = arith.select %eq3A_669, %select_n3A_622, %select_n3A_650 : vector<512x256xi1>, vector<512x256xf32>
    %reshape3A_672 = vector.shape_cast %select_n3A_671 : vector<512x256xf32> to vector<8x64x256xf32>
    %reshape3A_673 = vector.shape_cast %select_n3A_670 : vector<512x256xi32> to vector<8x64x256xi32>
    %slice3A_674 = vector.extract_strided_slice %reshape3A_672 {offsets = [0, 0, 0], sizes = [8, 32, 256], strides = [1, 1, 1]} : vector<8x64x256xf32> to vector<8x32x256xf32>
    %slice3A_675 = vector.extract_strided_slice %reshape3A_672 {offsets = [0, 32, 0], sizes = [8, 32, 256], strides = [1, 1, 1]} : vector<8x64x256xf32> to vector<8x32x256xf32>
    %slice3A_676 = vector.extract_strided_slice %reshape3A_673 {offsets = [0, 0, 0], sizes = [8, 32, 256], strides = [1, 1, 1]} : vector<8x64x256xi32> to vector<8x32x256xi32>
    %slice3A_677 = vector.extract_strided_slice %reshape3A_673 {offsets = [0, 32, 0], sizes = [8, 32, 256], strides = [1, 1, 1]} : vector<8x64x256xi32> to vector<8x32x256xi32>
    %iota3A_678 = tpu.iota {dimensions = array<i32: 0>} : vector<8x1x1xi32>
    %shift_right_arithmetic3A_679 = arith.constant 0 : i32
    %shift_right_arithmetic3A_680 = vector.broadcast %shift_right_arithmetic3A_679 : i32 to vector<8x1x1xi32>
    %shift_right_arithmetic3A_681 = arith.shrsi %iota3A_678, %shift_right_arithmetic3A_680 : vector<8x1x1xi32>
    %and3A_682 = arith.constant 1 : i32
    %and3A_683 = vector.broadcast %and3A_682 : i32 to vector<8x1x1xi32>
    %and3A_684 = arith.andi %shift_right_arithmetic3A_681, %and3A_683 : vector<8x1x1xi32>
    %eq3A_685 = arith.constant 1 : i32
    %eq3A_686 = vector.broadcast %eq3A_685 : i32 to vector<8x1x1xi32>
    %eq3A_687 = arith.cmpi eq, %and3A_684, %eq3A_686 : vector<8x1x1xi32>
    %gt3A_688 = arith.cmpf ogt, %slice3A_674, %slice3A_675 : vector<8x32x256xf32>
    %eq3A_689 = arith.cmpf oeq, %slice3A_674, %slice3A_675 : vector<8x32x256xf32>
    %gt3A_690 = arith.cmpi sgt, %slice3A_676, %slice3A_677 : vector<8x32x256xi32>
    %and3A_691 = arith.andi %eq3A_689, %gt3A_690 : vector<8x32x256xi1>
    %or3A_692 = arith.ori %gt3A_688, %and3A_691 : vector<8x32x256xi1>
    %xor3A_693 = vector.broadcast %eq3A_687 : vector<8x1x1xi1> to vector<8x32x256xi1>
    %xor3A_694 = arith.xori %or3A_692, %xor3A_693 : vector<8x32x256xi1>
    %select_n3A_695 = arith.select %xor3A_694, %slice3A_677, %slice3A_676 : vector<8x32x256xi1>, vector<8x32x256xi32>
    %select_n3A_696 = arith.select %xor3A_694, %slice3A_676, %slice3A_677 : vector<8x32x256xi1>, vector<8x32x256xi32>
    %concatenate3A_697 = tpu.concatenate %select_n3A_695, %select_n3A_696 in 1 : vector<8x32x256xi32>, vector<8x32x256xi32> -> vector<8x64x256xi32>
    %reshape3A_698 = vector.shape_cast %concatenate3A_697 : vector<8x64x256xi32> to vector<512x256xi32>
    %select_n3A_699 = arith.select %xor3A_694, %slice3A_675, %slice3A_674 : vector<8x32x256xi1>, vector<8x32x256xf32>
    %select_n3A_700 = arith.select %xor3A_694, %slice3A_674, %slice3A_675 : vector<8x32x256xi1>, vector<8x32x256xf32>
    %concatenate3A_701 = tpu.concatenate %select_n3A_699, %select_n3A_700 in 1 : vector<8x32x256xf32>, vector<8x32x256xf32> -> vector<8x64x256xf32>
    %reshape3A_702 = vector.shape_cast %concatenate3A_701 : vector<8x64x256xf32> to vector<512x256xf32>
    %reshape3A_703 = vector.shape_cast %reshape3A_702 : vector<512x256xf32> to vector<16x32x256xf32>
    %reshape3A_704 = vector.shape_cast %reshape3A_698 : vector<512x256xi32> to vector<16x32x256xi32>
    %slice3A_705 = vector.extract_strided_slice %reshape3A_703 {offsets = [0, 0, 0], sizes = [16, 16, 256], strides = [1, 1, 1]} : vector<16x32x256xf32> to vector<16x16x256xf32>
    %slice3A_706 = vector.extract_strided_slice %reshape3A_703 {offsets = [0, 16, 0], sizes = [16, 16, 256], strides = [1, 1, 1]} : vector<16x32x256xf32> to vector<16x16x256xf32>
    %slice3A_707 = vector.extract_strided_slice %reshape3A_704 {offsets = [0, 0, 0], sizes = [16, 16, 256], strides = [1, 1, 1]} : vector<16x32x256xi32> to vector<16x16x256xi32>
    %slice3A_708 = vector.extract_strided_slice %reshape3A_704 {offsets = [0, 16, 0], sizes = [16, 16, 256], strides = [1, 1, 1]} : vector<16x32x256xi32> to vector<16x16x256xi32>
    %iota3A_709 = tpu.iota {dimensions = array<i32: 0>} : vector<16x1x1xi32>
    %shift_right_arithmetic3A_710 = arith.constant 1 : i32
    %shift_right_arithmetic3A_711 = vector.broadcast %shift_right_arithmetic3A_710 : i32 to vector<16x1x1xi32>
    %shift_right_arithmetic3A_712 = arith.shrsi %iota3A_709, %shift_right_arithmetic3A_711 : vector<16x1x1xi32>
    %and3A_713 = arith.constant 1 : i32
    %and3A_714 = vector.broadcast %and3A_713 : i32 to vector<16x1x1xi32>
    %and3A_715 = arith.andi %shift_right_arithmetic3A_712, %and3A_714 : vector<16x1x1xi32>
    %eq3A_716 = arith.constant 1 : i32
    %eq3A_717 = vector.broadcast %eq3A_716 : i32 to vector<16x1x1xi32>
    %eq3A_718 = arith.cmpi eq, %and3A_715, %eq3A_717 : vector<16x1x1xi32>
    %gt3A_719 = arith.cmpf ogt, %slice3A_705, %slice3A_706 : vector<16x16x256xf32>
    %eq3A_720 = arith.cmpf oeq, %slice3A_705, %slice3A_706 : vector<16x16x256xf32>
    %gt3A_721 = arith.cmpi sgt, %slice3A_707, %slice3A_708 : vector<16x16x256xi32>
    %and3A_722 = arith.andi %eq3A_720, %gt3A_721 : vector<16x16x256xi1>
    %or3A_723 = arith.ori %gt3A_719, %and3A_722 : vector<16x16x256xi1>
    %xor3A_724 = vector.broadcast %eq3A_718 : vector<16x1x1xi1> to vector<16x16x256xi1>
    %xor3A_725 = arith.xori %or3A_723, %xor3A_724 : vector<16x16x256xi1>
    %select_n3A_726 = arith.select %xor3A_725, %slice3A_708, %slice3A_707 : vector<16x16x256xi1>, vector<16x16x256xi32>
    %select_n3A_727 = arith.select %xor3A_725, %slice3A_707, %slice3A_708 : vector<16x16x256xi1>, vector<16x16x256xi32>
    %concatenate3A_728 = tpu.concatenate %select_n3A_726, %select_n3A_727 in 1 : vector<16x16x256xi32>, vector<16x16x256xi32> -> vector<16x32x256xi32>
    %reshape3A_729 = vector.shape_cast %concatenate3A_728 : vector<16x32x256xi32> to vector<512x256xi32>
    %select_n3A_730 = arith.select %xor3A_725, %slice3A_706, %slice3A_705 : vector<16x16x256xi1>, vector<16x16x256xf32>
    %select_n3A_731 = arith.select %xor3A_725, %slice3A_705, %slice3A_706 : vector<16x16x256xi1>, vector<16x16x256xf32>
    %concatenate3A_732 = tpu.concatenate %select_n3A_730, %select_n3A_731 in 1 : vector<16x16x256xf32>, vector<16x16x256xf32> -> vector<16x32x256xf32>
    %reshape3A_733 = vector.shape_cast %concatenate3A_732 : vector<16x32x256xf32> to vector<512x256xf32>
    %reshape3A_734 = vector.shape_cast %reshape3A_733 : vector<512x256xf32> to vector<32x16x256xf32>
    %reshape3A_735 = vector.shape_cast %reshape3A_729 : vector<512x256xi32> to vector<32x16x256xi32>
    %slice3A_736 = vector.extract_strided_slice %reshape3A_734 {offsets = [0, 0, 0], sizes = [32, 8, 256], strides = [1, 1, 1]} : vector<32x16x256xf32> to vector<32x8x256xf32>
    %slice3A_737 = vector.extract_strided_slice %reshape3A_734 {offsets = [0, 8, 0], sizes = [32, 8, 256], strides = [1, 1, 1]} : vector<32x16x256xf32> to vector<32x8x256xf32>
    %slice3A_738 = vector.extract_strided_slice %reshape3A_735 {offsets = [0, 0, 0], sizes = [32, 8, 256], strides = [1, 1, 1]} : vector<32x16x256xi32> to vector<32x8x256xi32>
    %slice3A_739 = vector.extract_strided_slice %reshape3A_735 {offsets = [0, 8, 0], sizes = [32, 8, 256], strides = [1, 1, 1]} : vector<32x16x256xi32> to vector<32x8x256xi32>
    %iota3A_740 = tpu.iota {dimensions = array<i32: 0>} : vector<32x1x1xi32>
    %shift_right_arithmetic3A_741 = arith.constant 2 : i32
    %shift_right_arithmetic3A_742 = vector.broadcast %shift_right_arithmetic3A_741 : i32 to vector<32x1x1xi32>
    %shift_right_arithmetic3A_743 = arith.shrsi %iota3A_740, %shift_right_arithmetic3A_742 : vector<32x1x1xi32>
    %and3A_744 = arith.constant 1 : i32
    %and3A_745 = vector.broadcast %and3A_744 : i32 to vector<32x1x1xi32>
    %and3A_746 = arith.andi %shift_right_arithmetic3A_743, %and3A_745 : vector<32x1x1xi32>
    %eq3A_747 = arith.constant 1 : i32
    %eq3A_748 = vector.broadcast %eq3A_747 : i32 to vector<32x1x1xi32>
    %eq3A_749 = arith.cmpi eq, %and3A_746, %eq3A_748 : vector<32x1x1xi32>
    %gt3A_750 = arith.cmpf ogt, %slice3A_736, %slice3A_737 : vector<32x8x256xf32>
    %eq3A_751 = arith.cmpf oeq, %slice3A_736, %slice3A_737 : vector<32x8x256xf32>
    %gt3A_752 = arith.cmpi sgt, %slice3A_738, %slice3A_739 : vector<32x8x256xi32>
    %and3A_753 = arith.andi %eq3A_751, %gt3A_752 : vector<32x8x256xi1>
    %or3A_754 = arith.ori %gt3A_750, %and3A_753 : vector<32x8x256xi1>
    %xor3A_755 = vector.broadcast %eq3A_749 : vector<32x1x1xi1> to vector<32x8x256xi1>
    %xor3A_756 = arith.xori %or3A_754, %xor3A_755 : vector<32x8x256xi1>
    %select_n3A_757 = arith.select %xor3A_756, %slice3A_739, %slice3A_738 : vector<32x8x256xi1>, vector<32x8x256xi32>
    %select_n3A_758 = arith.select %xor3A_756, %slice3A_738, %slice3A_739 : vector<32x8x256xi1>, vector<32x8x256xi32>
    %concatenate3A_759 = tpu.concatenate %select_n3A_757, %select_n3A_758 in 1 : vector<32x8x256xi32>, vector<32x8x256xi32> -> vector<32x16x256xi32>
    %reshape3A_760 = vector.shape_cast %concatenate3A_759 : vector<32x16x256xi32> to vector<512x256xi32>
    %select_n3A_761 = arith.select %xor3A_756, %slice3A_737, %slice3A_736 : vector<32x8x256xi1>, vector<32x8x256xf32>
    %select_n3A_762 = arith.select %xor3A_756, %slice3A_736, %slice3A_737 : vector<32x8x256xi1>, vector<32x8x256xf32>
    %concatenate3A_763 = tpu.concatenate %select_n3A_761, %select_n3A_762 in 1 : vector<32x8x256xf32>, vector<32x8x256xf32> -> vector<32x16x256xf32>
    %reshape3A_764 = vector.shape_cast %concatenate3A_763 : vector<32x16x256xf32> to vector<512x256xf32>
    %shift_right_arithmetic3A_765 = arith.constant 2 : i32
    %shift_right_arithmetic3A_766 = vector.broadcast %shift_right_arithmetic3A_765 : i32 to vector<512x1xi32>
    %shift_right_arithmetic3A_767 = arith.shrsi %iota3A_2, %shift_right_arithmetic3A_766 : vector<512x1xi32>
    %and3A_768 = arith.constant 1 : i32
    %and3A_769 = vector.broadcast %and3A_768 : i32 to vector<512x1xi32>
    %and3A_770 = arith.andi %shift_right_arithmetic3A_767, %and3A_769 : vector<512x1xi32>
    %eq3A_771 = arith.constant 1 : i32
    %eq3A_772 = vector.broadcast %eq3A_771 : i32 to vector<512x1xi32>
    %eq3A_773 = arith.cmpi eq, %and3A_770, %eq3A_772 : vector<512x1xi32>
    %shift_right_arithmetic3A_774 = arith.constant 6 : i32
    %shift_right_arithmetic3A_775 = vector.broadcast %shift_right_arithmetic3A_774 : i32 to vector<512x1xi32>
    %shift_right_arithmetic3A_776 = arith.shrsi %iota3A_2, %shift_right_arithmetic3A_775 : vector<512x1xi32>
    %and3A_777 = arith.constant 1 : i32
    %and3A_778 = vector.broadcast %and3A_777 : i32 to vector<512x1xi32>
    %and3A_779 = arith.andi %shift_right_arithmetic3A_776, %and3A_778 : vector<512x1xi32>
    %eq3A_780 = arith.constant 1 : i32
    %eq3A_781 = vector.broadcast %eq3A_780 : i32 to vector<512x1xi32>
    %eq3A_782 = arith.cmpi eq, %and3A_779, %eq3A_781 : vector<512x1xi32>
    %ne3A_783 = arith.xori %eq3A_773, %eq3A_782 : vector<512x1xi1>
    %slice3A_784 = vector.extract_strided_slice %reshape3A_764 {offsets = [508, 0], sizes = [4, 256], strides = [1, 1]} : vector<512x256xf32> to vector<4x256xf32>
    %slice3A_785 = vector.extract_strided_slice %reshape3A_764 {offsets = [0, 0], sizes = [508, 256], strides = [1, 1]} : vector<512x256xf32> to vector<508x256xf32>
    %concatenate3A_786 = tpu.concatenate %slice3A_784, %slice3A_785 in 0 : vector<4x256xf32>, vector<508x256xf32> -> vector<512x256xf32>
    %slice3A_787 = vector.extract_strided_slice %reshape3A_764 {offsets = [4, 0], sizes = [508, 256], strides = [1, 1]} : vector<512x256xf32> to vector<508x256xf32>
    %slice3A_788 = vector.extract_strided_slice %reshape3A_764 {offsets = [0, 0], sizes = [4, 256], strides = [1, 1]} : vector<512x256xf32> to vector<4x256xf32>
    %concatenate3A_789 = tpu.concatenate %slice3A_787, %slice3A_788 in 0 : vector<508x256xf32>, vector<4x256xf32> -> vector<512x256xf32>
    %broadcast_in_dim3A_790 = vector.shape_cast %eq3A_773 : vector<512x1xi1> to vector<512x1xi1>
    %broadcast_in_dim3A_791 = vector.broadcast %broadcast_in_dim3A_790 : vector<512x1xi1> to vector<512x256xi1>
    %select_n3A_792 = arith.select %broadcast_in_dim3A_791, %concatenate3A_786, %concatenate3A_789 : vector<512x256xi1>, vector<512x256xf32>
    %slice3A_793 = vector.extract_strided_slice %reshape3A_760 {offsets = [508, 0], sizes = [4, 256], strides = [1, 1]} : vector<512x256xi32> to vector<4x256xi32>
    %slice3A_794 = vector.extract_strided_slice %reshape3A_760 {offsets = [0, 0], sizes = [508, 256], strides = [1, 1]} : vector<512x256xi32> to vector<508x256xi32>
    %concatenate3A_795 = tpu.concatenate %slice3A_793, %slice3A_794 in 0 : vector<4x256xi32>, vector<508x256xi32> -> vector<512x256xi32>
    %slice3A_796 = vector.extract_strided_slice %reshape3A_760 {offsets = [4, 0], sizes = [508, 256], strides = [1, 1]} : vector<512x256xi32> to vector<508x256xi32>
    %slice3A_797 = vector.extract_strided_slice %reshape3A_760 {offsets = [0, 0], sizes = [4, 256], strides = [1, 1]} : vector<512x256xi32> to vector<4x256xi32>
    %concatenate3A_798 = tpu.concatenate %slice3A_796, %slice3A_797 in 0 : vector<508x256xi32>, vector<4x256xi32> -> vector<512x256xi32>
    %broadcast_in_dim3A_799 = vector.shape_cast %eq3A_773 : vector<512x1xi1> to vector<512x1xi1>
    %broadcast_in_dim3A_800 = vector.broadcast %broadcast_in_dim3A_799 : vector<512x1xi1> to vector<512x256xi1>
    %select_n3A_801 = arith.select %broadcast_in_dim3A_800, %concatenate3A_795, %concatenate3A_798 : vector<512x256xi1>, vector<512x256xi32>
    %gt3A_802 = arith.cmpf ogt, %reshape3A_764, %select_n3A_792 : vector<512x256xf32>
    %eq3A_803 = arith.cmpf oeq, %reshape3A_764, %select_n3A_792 : vector<512x256xf32>
    %gt3A_804 = arith.cmpi sgt, %reshape3A_760, %select_n3A_801 : vector<512x256xi32>
    %and3A_805 = arith.andi %eq3A_803, %gt3A_804 : vector<512x256xi1>
    %or3A_806 = arith.ori %gt3A_802, %and3A_805 : vector<512x256xi1>
    %eq3A_807 = vector.broadcast %ne3A_783 : vector<512x1xi1> to vector<512x256xi1>
    %eq3A_808 = vector.broadcast %eq3A_807 : vector<512x256xi1> to vector<512x256xi1>
    %eq3A_809 = arith.xori %or3A_806, %eq3A_808 : vector<512x256xi1>
    %eq3A_810 = arith.constant dense<true> : vector<512x256xi1>
    %eq3A_811 = arith.xori %eq3A_809, %eq3A_810 : vector<512x256xi1>
    %select_n3A_812 = arith.select %eq3A_811, %reshape3A_760, %select_n3A_801 : vector<512x256xi1>, vector<512x256xi32>
    %select_n3A_813 = arith.select %eq3A_811, %reshape3A_764, %select_n3A_792 : vector<512x256xi1>, vector<512x256xf32>
    %shift_right_arithmetic3A_814 = arith.constant 1 : i32
    %shift_right_arithmetic3A_815 = vector.broadcast %shift_right_arithmetic3A_814 : i32 to vector<512x1xi32>
    %shift_right_arithmetic3A_816 = arith.shrsi %iota3A_2, %shift_right_arithmetic3A_815 : vector<512x1xi32>
    %and3A_817 = arith.constant 1 : i32
    %and3A_818 = vector.broadcast %and3A_817 : i32 to vector<512x1xi32>
    %and3A_819 = arith.andi %shift_right_arithmetic3A_816, %and3A_818 : vector<512x1xi32>
    %eq3A_820 = arith.constant 1 : i32
    %eq3A_821 = vector.broadcast %eq3A_820 : i32 to vector<512x1xi32>
    %eq3A_822 = arith.cmpi eq, %and3A_819, %eq3A_821 : vector<512x1xi32>
    %shift_right_arithmetic3A_823 = arith.constant 6 : i32
    %shift_right_arithmetic3A_824 = vector.broadcast %shift_right_arithmetic3A_823 : i32 to vector<512x1xi32>
    %shift_right_arithmetic3A_825 = arith.shrsi %iota3A_2, %shift_right_arithmetic3A_824 : vector<512x1xi32>
    %and3A_826 = arith.constant 1 : i32
    %and3A_827 = vector.broadcast %and3A_826 : i32 to vector<512x1xi32>
    %and3A_828 = arith.andi %shift_right_arithmetic3A_825, %and3A_827 : vector<512x1xi32>
    %eq3A_829 = arith.constant 1 : i32
    %eq3A_830 = vector.broadcast %eq3A_829 : i32 to vector<512x1xi32>
    %eq3A_831 = arith.cmpi eq, %and3A_828, %eq3A_830 : vector<512x1xi32>
    %ne3A_832 = arith.xori %eq3A_822, %eq3A_831 : vector<512x1xi1>
    %slice3A_833 = vector.extract_strided_slice %select_n3A_813 {offsets = [510, 0], sizes = [2, 256], strides = [1, 1]} : vector<512x256xf32> to vector<2x256xf32>
    %slice3A_834 = vector.extract_strided_slice %select_n3A_813 {offsets = [0, 0], sizes = [510, 256], strides = [1, 1]} : vector<512x256xf32> to vector<510x256xf32>
    %concatenate3A_835 = tpu.concatenate %slice3A_833, %slice3A_834 in 0 : vector<2x256xf32>, vector<510x256xf32> -> vector<512x256xf32>
    %slice3A_836 = vector.extract_strided_slice %select_n3A_813 {offsets = [2, 0], sizes = [510, 256], strides = [1, 1]} : vector<512x256xf32> to vector<510x256xf32>
    %slice3A_837 = vector.extract_strided_slice %select_n3A_813 {offsets = [0, 0], sizes = [2, 256], strides = [1, 1]} : vector<512x256xf32> to vector<2x256xf32>
    %concatenate3A_838 = tpu.concatenate %slice3A_836, %slice3A_837 in 0 : vector<510x256xf32>, vector<2x256xf32> -> vector<512x256xf32>
    %broadcast_in_dim3A_839 = vector.shape_cast %eq3A_822 : vector<512x1xi1> to vector<512x1xi1>
    %broadcast_in_dim3A_840 = vector.broadcast %broadcast_in_dim3A_839 : vector<512x1xi1> to vector<512x256xi1>
    %select_n3A_841 = arith.select %broadcast_in_dim3A_840, %concatenate3A_835, %concatenate3A_838 : vector<512x256xi1>, vector<512x256xf32>
    %slice3A_842 = vector.extract_strided_slice %select_n3A_812 {offsets = [510, 0], sizes = [2, 256], strides = [1, 1]} : vector<512x256xi32> to vector<2x256xi32>
    %slice3A_843 = vector.extract_strided_slice %select_n3A_812 {offsets = [0, 0], sizes = [510, 256], strides = [1, 1]} : vector<512x256xi32> to vector<510x256xi32>
    %concatenate3A_844 = tpu.concatenate %slice3A_842, %slice3A_843 in 0 : vector<2x256xi32>, vector<510x256xi32> -> vector<512x256xi32>
    %slice3A_845 = vector.extract_strided_slice %select_n3A_812 {offsets = [2, 0], sizes = [510, 256], strides = [1, 1]} : vector<512x256xi32> to vector<510x256xi32>
    %slice3A_846 = vector.extract_strided_slice %select_n3A_812 {offsets = [0, 0], sizes = [2, 256], strides = [1, 1]} : vector<512x256xi32> to vector<2x256xi32>
    %concatenate3A_847 = tpu.concatenate %slice3A_845, %slice3A_846 in 0 : vector<510x256xi32>, vector<2x256xi32> -> vector<512x256xi32>
    %broadcast_in_dim3A_848 = vector.shape_cast %eq3A_822 : vector<512x1xi1> to vector<512x1xi1>
    %broadcast_in_dim3A_849 = vector.broadcast %broadcast_in_dim3A_848 : vector<512x1xi1> to vector<512x256xi1>
    %select_n3A_850 = arith.select %broadcast_in_dim3A_849, %concatenate3A_844, %concatenate3A_847 : vector<512x256xi1>, vector<512x256xi32>
    %gt3A_851 = arith.cmpf ogt, %select_n3A_813, %select_n3A_841 : vector<512x256xf32>
    %eq3A_852 = arith.cmpf oeq, %select_n3A_813, %select_n3A_841 : vector<512x256xf32>
    %gt3A_853 = arith.cmpi sgt, %select_n3A_812, %select_n3A_850 : vector<512x256xi32>
    %and3A_854 = arith.andi %eq3A_852, %gt3A_853 : vector<512x256xi1>
    %or3A_855 = arith.ori %gt3A_851, %and3A_854 : vector<512x256xi1>
    %eq3A_856 = vector.broadcast %ne3A_832 : vector<512x1xi1> to vector<512x256xi1>
    %eq3A_857 = vector.broadcast %eq3A_856 : vector<512x256xi1> to vector<512x256xi1>
    %eq3A_858 = arith.xori %or3A_855, %eq3A_857 : vector<512x256xi1>
    %eq3A_859 = arith.constant dense<true> : vector<512x256xi1>
    %eq3A_860 = arith.xori %eq3A_858, %eq3A_859 : vector<512x256xi1>
    %select_n3A_861 = arith.select %eq3A_860, %select_n3A_812, %select_n3A_850 : vector<512x256xi1>, vector<512x256xi32>
    %select_n3A_862 = arith.select %eq3A_860, %select_n3A_813, %select_n3A_841 : vector<512x256xi1>, vector<512x256xf32>
    %shift_right_arithmetic3A_863 = arith.constant 0 : i32
    %shift_right_arithmetic3A_864 = vector.broadcast %shift_right_arithmetic3A_863 : i32 to vector<512x1xi32>
    %shift_right_arithmetic3A_865 = arith.shrsi %iota3A_2, %shift_right_arithmetic3A_864 : vector<512x1xi32>
    %and3A_866 = arith.constant 1 : i32
    %and3A_867 = vector.broadcast %and3A_866 : i32 to vector<512x1xi32>
    %and3A_868 = arith.andi %shift_right_arithmetic3A_865, %and3A_867 : vector<512x1xi32>
    %eq3A_869 = arith.constant 1 : i32
    %eq3A_870 = vector.broadcast %eq3A_869 : i32 to vector<512x1xi32>
    %eq3A_871 = arith.cmpi eq, %and3A_868, %eq3A_870 : vector<512x1xi32>
    %shift_right_arithmetic3A_872 = arith.constant 6 : i32
    %shift_right_arithmetic3A_873 = vector.broadcast %shift_right_arithmetic3A_872 : i32 to vector<512x1xi32>
    %shift_right_arithmetic3A_874 = arith.shrsi %iota3A_2, %shift_right_arithmetic3A_873 : vector<512x1xi32>
    %and3A_875 = arith.constant 1 : i32
    %and3A_876 = vector.broadcast %and3A_875 : i32 to vector<512x1xi32>
    %and3A_877 = arith.andi %shift_right_arithmetic3A_874, %and3A_876 : vector<512x1xi32>
    %eq3A_878 = arith.constant 1 : i32
    %eq3A_879 = vector.broadcast %eq3A_878 : i32 to vector<512x1xi32>
    %eq3A_880 = arith.cmpi eq, %and3A_877, %eq3A_879 : vector<512x1xi32>
    %ne3A_881 = arith.xori %eq3A_871, %eq3A_880 : vector<512x1xi1>
    %slice3A_882 = vector.extract_strided_slice %select_n3A_862 {offsets = [511, 0], sizes = [1, 256], strides = [1, 1]} : vector<512x256xf32> to vector<1x256xf32>
    %slice3A_883 = vector.extract_strided_slice %select_n3A_862 {offsets = [0, 0], sizes = [511, 256], strides = [1, 1]} : vector<512x256xf32> to vector<511x256xf32>
    %concatenate3A_884 = tpu.concatenate %slice3A_882, %slice3A_883 in 0 : vector<1x256xf32>, vector<511x256xf32> -> vector<512x256xf32>
    %slice3A_885 = vector.extract_strided_slice %select_n3A_862 {offsets = [1, 0], sizes = [511, 256], strides = [1, 1]} : vector<512x256xf32> to vector<511x256xf32>
    %slice3A_886 = vector.extract_strided_slice %select_n3A_862 {offsets = [0, 0], sizes = [1, 256], strides = [1, 1]} : vector<512x256xf32> to vector<1x256xf32>
    %concatenate3A_887 = tpu.concatenate %slice3A_885, %slice3A_886 in 0 : vector<511x256xf32>, vector<1x256xf32> -> vector<512x256xf32>
    %broadcast_in_dim3A_888 = vector.shape_cast %eq3A_871 : vector<512x1xi1> to vector<512x1xi1>
    %broadcast_in_dim3A_889 = vector.broadcast %broadcast_in_dim3A_888 : vector<512x1xi1> to vector<512x256xi1>
    %select_n3A_890 = arith.select %broadcast_in_dim3A_889, %concatenate3A_884, %concatenate3A_887 : vector<512x256xi1>, vector<512x256xf32>
    %slice3A_891 = vector.extract_strided_slice %select_n3A_861 {offsets = [511, 0], sizes = [1, 256], strides = [1, 1]} : vector<512x256xi32> to vector<1x256xi32>
    %slice3A_892 = vector.extract_strided_slice %select_n3A_861 {offsets = [0, 0], sizes = [511, 256], strides = [1, 1]} : vector<512x256xi32> to vector<511x256xi32>
    %concatenate3A_893 = tpu.concatenate %slice3A_891, %slice3A_892 in 0 : vector<1x256xi32>, vector<511x256xi32> -> vector<512x256xi32>
    %slice3A_894 = vector.extract_strided_slice %select_n3A_861 {offsets = [1, 0], sizes = [511, 256], strides = [1, 1]} : vector<512x256xi32> to vector<511x256xi32>
    %slice3A_895 = vector.extract_strided_slice %select_n3A_861 {offsets = [0, 0], sizes = [1, 256], strides = [1, 1]} : vector<512x256xi32> to vector<1x256xi32>
    %concatenate3A_896 = tpu.concatenate %slice3A_894, %slice3A_895 in 0 : vector<511x256xi32>, vector<1x256xi32> -> vector<512x256xi32>
    %broadcast_in_dim3A_897 = vector.shape_cast %eq3A_871 : vector<512x1xi1> to vector<512x1xi1>
    %broadcast_in_dim3A_898 = vector.broadcast %broadcast_in_dim3A_897 : vector<512x1xi1> to vector<512x256xi1>
    %select_n3A_899 = arith.select %broadcast_in_dim3A_898, %concatenate3A_893, %concatenate3A_896 : vector<512x256xi1>, vector<512x256xi32>
    %gt3A_900 = arith.cmpf ogt, %select_n3A_862, %select_n3A_890 : vector<512x256xf32>
    %eq3A_901 = arith.cmpf oeq, %select_n3A_862, %select_n3A_890 : vector<512x256xf32>
    %gt3A_902 = arith.cmpi sgt, %select_n3A_861, %select_n3A_899 : vector<512x256xi32>
    %and3A_903 = arith.andi %eq3A_901, %gt3A_902 : vector<512x256xi1>
    %or3A_904 = arith.ori %gt3A_900, %and3A_903 : vector<512x256xi1>
    %eq3A_905 = vector.broadcast %ne3A_881 : vector<512x1xi1> to vector<512x256xi1>
    %eq3A_906 = vector.broadcast %eq3A_905 : vector<512x256xi1> to vector<512x256xi1>
    %eq3A_907 = arith.xori %or3A_904, %eq3A_906 : vector<512x256xi1>
    %eq3A_908 = arith.constant dense<true> : vector<512x256xi1>
    %eq3A_909 = arith.xori %eq3A_907, %eq3A_908 : vector<512x256xi1>
    %select_n3A_910 = arith.select %eq3A_909, %select_n3A_861, %select_n3A_899 : vector<512x256xi1>, vector<512x256xi32>
    %select_n3A_911 = arith.select %eq3A_909, %select_n3A_862, %select_n3A_890 : vector<512x256xi1>, vector<512x256xf32>
    %reshape3A_912 = vector.shape_cast %select_n3A_911 : vector<512x256xf32> to vector<4x128x256xf32>
    %reshape3A_913 = vector.shape_cast %select_n3A_910 : vector<512x256xi32> to vector<4x128x256xi32>
    %slice3A_914 = vector.extract_strided_slice %reshape3A_912 {offsets = [0, 0, 0], sizes = [4, 64, 256], strides = [1, 1, 1]} : vector<4x128x256xf32> to vector<4x64x256xf32>
    %slice3A_915 = vector.extract_strided_slice %reshape3A_912 {offsets = [0, 64, 0], sizes = [4, 64, 256], strides = [1, 1, 1]} : vector<4x128x256xf32> to vector<4x64x256xf32>
    %slice3A_916 = vector.extract_strided_slice %reshape3A_913 {offsets = [0, 0, 0], sizes = [4, 64, 256], strides = [1, 1, 1]} : vector<4x128x256xi32> to vector<4x64x256xi32>
    %slice3A_917 = vector.extract_strided_slice %reshape3A_913 {offsets = [0, 64, 0], sizes = [4, 64, 256], strides = [1, 1, 1]} : vector<4x128x256xi32> to vector<4x64x256xi32>
    %iota3A_918 = tpu.iota {dimensions = array<i32: 0>} : vector<4x1x1xi32>
    %shift_right_arithmetic3A_919 = arith.constant 0 : i32
    %shift_right_arithmetic3A_920 = vector.broadcast %shift_right_arithmetic3A_919 : i32 to vector<4x1x1xi32>
    %shift_right_arithmetic3A_921 = arith.shrsi %iota3A_918, %shift_right_arithmetic3A_920 : vector<4x1x1xi32>
    %and3A_922 = arith.constant 1 : i32
    %and3A_923 = vector.broadcast %and3A_922 : i32 to vector<4x1x1xi32>
    %and3A_924 = arith.andi %shift_right_arithmetic3A_921, %and3A_923 : vector<4x1x1xi32>
    %eq3A_925 = arith.constant 1 : i32
    %eq3A_926 = vector.broadcast %eq3A_925 : i32 to vector<4x1x1xi32>
    %eq3A_927 = arith.cmpi eq, %and3A_924, %eq3A_926 : vector<4x1x1xi32>
    %gt3A_928 = arith.cmpf ogt, %slice3A_914, %slice3A_915 : vector<4x64x256xf32>
    %eq3A_929 = arith.cmpf oeq, %slice3A_914, %slice3A_915 : vector<4x64x256xf32>
    %gt3A_930 = arith.cmpi sgt, %slice3A_916, %slice3A_917 : vector<4x64x256xi32>
    %and3A_931 = arith.andi %eq3A_929, %gt3A_930 : vector<4x64x256xi1>
    %or3A_932 = arith.ori %gt3A_928, %and3A_931 : vector<4x64x256xi1>
    %xor3A_933 = vector.broadcast %eq3A_927 : vector<4x1x1xi1> to vector<4x64x256xi1>
    %xor3A_934 = arith.xori %or3A_932, %xor3A_933 : vector<4x64x256xi1>
    %select_n3A_935 = arith.select %xor3A_934, %slice3A_917, %slice3A_916 : vector<4x64x256xi1>, vector<4x64x256xi32>
    %select_n3A_936 = arith.select %xor3A_934, %slice3A_916, %slice3A_917 : vector<4x64x256xi1>, vector<4x64x256xi32>
    %concatenate3A_937 = tpu.concatenate %select_n3A_935, %select_n3A_936 in 1 : vector<4x64x256xi32>, vector<4x64x256xi32> -> vector<4x128x256xi32>
    %reshape3A_938 = vector.shape_cast %concatenate3A_937 : vector<4x128x256xi32> to vector<512x256xi32>
    %select_n3A_939 = arith.select %xor3A_934, %slice3A_915, %slice3A_914 : vector<4x64x256xi1>, vector<4x64x256xf32>
    %select_n3A_940 = arith.select %xor3A_934, %slice3A_914, %slice3A_915 : vector<4x64x256xi1>, vector<4x64x256xf32>
    %concatenate3A_941 = tpu.concatenate %select_n3A_939, %select_n3A_940 in 1 : vector<4x64x256xf32>, vector<4x64x256xf32> -> vector<4x128x256xf32>
    %reshape3A_942 = vector.shape_cast %concatenate3A_941 : vector<4x128x256xf32> to vector<512x256xf32>
    %reshape3A_943 = vector.shape_cast %reshape3A_942 : vector<512x256xf32> to vector<8x64x256xf32>
    %reshape3A_944 = vector.shape_cast %reshape3A_938 : vector<512x256xi32> to vector<8x64x256xi32>
    %slice3A_945 = vector.extract_strided_slice %reshape3A_943 {offsets = [0, 0, 0], sizes = [8, 32, 256], strides = [1, 1, 1]} : vector<8x64x256xf32> to vector<8x32x256xf32>
    %slice3A_946 = vector.extract_strided_slice %reshape3A_943 {offsets = [0, 32, 0], sizes = [8, 32, 256], strides = [1, 1, 1]} : vector<8x64x256xf32> to vector<8x32x256xf32>
    %slice3A_947 = vector.extract_strided_slice %reshape3A_944 {offsets = [0, 0, 0], sizes = [8, 32, 256], strides = [1, 1, 1]} : vector<8x64x256xi32> to vector<8x32x256xi32>
    %slice3A_948 = vector.extract_strided_slice %reshape3A_944 {offsets = [0, 32, 0], sizes = [8, 32, 256], strides = [1, 1, 1]} : vector<8x64x256xi32> to vector<8x32x256xi32>
    %iota3A_949 = tpu.iota {dimensions = array<i32: 0>} : vector<8x1x1xi32>
    %shift_right_arithmetic3A_950 = arith.constant 1 : i32
    %shift_right_arithmetic3A_951 = vector.broadcast %shift_right_arithmetic3A_950 : i32 to vector<8x1x1xi32>
    %shift_right_arithmetic3A_952 = arith.shrsi %iota3A_949, %shift_right_arithmetic3A_951 : vector<8x1x1xi32>
    %and3A_953 = arith.constant 1 : i32
    %and3A_954 = vector.broadcast %and3A_953 : i32 to vector<8x1x1xi32>
    %and3A_955 = arith.andi %shift_right_arithmetic3A_952, %and3A_954 : vector<8x1x1xi32>
    %eq3A_956 = arith.constant 1 : i32
    %eq3A_957 = vector.broadcast %eq3A_956 : i32 to vector<8x1x1xi32>
    %eq3A_958 = arith.cmpi eq, %and3A_955, %eq3A_957 : vector<8x1x1xi32>
    %gt3A_959 = arith.cmpf ogt, %slice3A_945, %slice3A_946 : vector<8x32x256xf32>
    %eq3A_960 = arith.cmpf oeq, %slice3A_945, %slice3A_946 : vector<8x32x256xf32>
    %gt3A_961 = arith.cmpi sgt, %slice3A_947, %slice3A_948 : vector<8x32x256xi32>
    %and3A_962 = arith.andi %eq3A_960, %gt3A_961 : vector<8x32x256xi1>
    %or3A_963 = arith.ori %gt3A_959, %and3A_962 : vector<8x32x256xi1>
    %xor3A_964 = vector.broadcast %eq3A_958 : vector<8x1x1xi1> to vector<8x32x256xi1>
    %xor3A_965 = arith.xori %or3A_963, %xor3A_964 : vector<8x32x256xi1>
    %select_n3A_966 = arith.select %xor3A_965, %slice3A_948, %slice3A_947 : vector<8x32x256xi1>, vector<8x32x256xi32>
    %select_n3A_967 = arith.select %xor3A_965, %slice3A_947, %slice3A_948 : vector<8x32x256xi1>, vector<8x32x256xi32>
    %concatenate3A_968 = tpu.concatenate %select_n3A_966, %select_n3A_967 in 1 : vector<8x32x256xi32>, vector<8x32x256xi32> -> vector<8x64x256xi32>
    %reshape3A_969 = vector.shape_cast %concatenate3A_968 : vector<8x64x256xi32> to vector<512x256xi32>
    %select_n3A_970 = arith.select %xor3A_965, %slice3A_946, %slice3A_945 : vector<8x32x256xi1>, vector<8x32x256xf32>
    %select_n3A_971 = arith.select %xor3A_965, %slice3A_945, %slice3A_946 : vector<8x32x256xi1>, vector<8x32x256xf32>
    %concatenate3A_972 = tpu.concatenate %select_n3A_970, %select_n3A_971 in 1 : vector<8x32x256xf32>, vector<8x32x256xf32> -> vector<8x64x256xf32>
    %reshape3A_973 = vector.shape_cast %concatenate3A_972 : vector<8x64x256xf32> to vector<512x256xf32>
    %reshape3A_974 = vector.shape_cast %reshape3A_973 : vector<512x256xf32> to vector<16x32x256xf32>
    %reshape3A_975 = vector.shape_cast %reshape3A_969 : vector<512x256xi32> to vector<16x32x256xi32>
    %slice3A_976 = vector.extract_strided_slice %reshape3A_974 {offsets = [0, 0, 0], sizes = [16, 16, 256], strides = [1, 1, 1]} : vector<16x32x256xf32> to vector<16x16x256xf32>
    %slice3A_977 = vector.extract_strided_slice %reshape3A_974 {offsets = [0, 16, 0], sizes = [16, 16, 256], strides = [1, 1, 1]} : vector<16x32x256xf32> to vector<16x16x256xf32>
    %slice3A_978 = vector.extract_strided_slice %reshape3A_975 {offsets = [0, 0, 0], sizes = [16, 16, 256], strides = [1, 1, 1]} : vector<16x32x256xi32> to vector<16x16x256xi32>
    %slice3A_979 = vector.extract_strided_slice %reshape3A_975 {offsets = [0, 16, 0], sizes = [16, 16, 256], strides = [1, 1, 1]} : vector<16x32x256xi32> to vector<16x16x256xi32>
    %iota3A_980 = tpu.iota {dimensions = array<i32: 0>} : vector<16x1x1xi32>
    %shift_right_arithmetic3A_981 = arith.constant 2 : i32
    %shift_right_arithmetic3A_982 = vector.broadcast %shift_right_arithmetic3A_981 : i32 to vector<16x1x1xi32>
    %shift_right_arithmetic3A_983 = arith.shrsi %iota3A_980, %shift_right_arithmetic3A_982 : vector<16x1x1xi32>
    %and3A_984 = arith.constant 1 : i32
    %and3A_985 = vector.broadcast %and3A_984 : i32 to vector<16x1x1xi32>
    %and3A_986 = arith.andi %shift_right_arithmetic3A_983, %and3A_985 : vector<16x1x1xi32>
    %eq3A_987 = arith.constant 1 : i32
    %eq3A_988 = vector.broadcast %eq3A_987 : i32 to vector<16x1x1xi32>
    %eq3A_989 = arith.cmpi eq, %and3A_986, %eq3A_988 : vector<16x1x1xi32>
    %gt3A_990 = arith.cmpf ogt, %slice3A_976, %slice3A_977 : vector<16x16x256xf32>
    %eq3A_991 = arith.cmpf oeq, %slice3A_976, %slice3A_977 : vector<16x16x256xf32>
    %gt3A_992 = arith.cmpi sgt, %slice3A_978, %slice3A_979 : vector<16x16x256xi32>
    %and3A_993 = arith.andi %eq3A_991, %gt3A_992 : vector<16x16x256xi1>
    %or3A_994 = arith.ori %gt3A_990, %and3A_993 : vector<16x16x256xi1>
    %xor3A_995 = vector.broadcast %eq3A_989 : vector<16x1x1xi1> to vector<16x16x256xi1>
    %xor3A_996 = arith.xori %or3A_994, %xor3A_995 : vector<16x16x256xi1>
    %select_n3A_997 = arith.select %xor3A_996, %slice3A_979, %slice3A_978 : vector<16x16x256xi1>, vector<16x16x256xi32>
    %select_n3A_998 = arith.select %xor3A_996, %slice3A_978, %slice3A_979 : vector<16x16x256xi1>, vector<16x16x256xi32>
    %concatenate3A_999 = tpu.concatenate %select_n3A_997, %select_n3A_998 in 1 : vector<16x16x256xi32>, vector<16x16x256xi32> -> vector<16x32x256xi32>
    %reshape3A_1000 = vector.shape_cast %concatenate3A_999 : vector<16x32x256xi32> to vector<512x256xi32>
    %select_n3A_1001 = arith.select %xor3A_996, %slice3A_977, %slice3A_976 : vector<16x16x256xi1>, vector<16x16x256xf32>
    %select_n3A_1002 = arith.select %xor3A_996, %slice3A_976, %slice3A_977 : vector<16x16x256xi1>, vector<16x16x256xf32>
    %concatenate3A_1003 = tpu.concatenate %select_n3A_1001, %select_n3A_1002 in 1 : vector<16x16x256xf32>, vector<16x16x256xf32> -> vector<16x32x256xf32>
    %reshape3A_1004 = vector.shape_cast %concatenate3A_1003 : vector<16x32x256xf32> to vector<512x256xf32>
    %reshape3A_1005 = vector.shape_cast %reshape3A_1004 : vector<512x256xf32> to vector<32x16x256xf32>
    %reshape3A_1006 = vector.shape_cast %reshape3A_1000 : vector<512x256xi32> to vector<32x16x256xi32>
    %slice3A_1007 = vector.extract_strided_slice %reshape3A_1005 {offsets = [0, 0, 0], sizes = [32, 8, 256], strides = [1, 1, 1]} : vector<32x16x256xf32> to vector<32x8x256xf32>
    %slice3A_1008 = vector.extract_strided_slice %reshape3A_1005 {offsets = [0, 8, 0], sizes = [32, 8, 256], strides = [1, 1, 1]} : vector<32x16x256xf32> to vector<32x8x256xf32>
    %slice3A_1009 = vector.extract_strided_slice %reshape3A_1006 {offsets = [0, 0, 0], sizes = [32, 8, 256], strides = [1, 1, 1]} : vector<32x16x256xi32> to vector<32x8x256xi32>
    %slice3A_1010 = vector.extract_strided_slice %reshape3A_1006 {offsets = [0, 8, 0], sizes = [32, 8, 256], strides = [1, 1, 1]} : vector<32x16x256xi32> to vector<32x8x256xi32>
    %iota3A_1011 = tpu.iota {dimensions = array<i32: 0>} : vector<32x1x1xi32>
    %shift_right_arithmetic3A_1012 = arith.constant 3 : i32
    %shift_right_arithmetic3A_1013 = vector.broadcast %shift_right_arithmetic3A_1012 : i32 to vector<32x1x1xi32>
    %shift_right_arithmetic3A_1014 = arith.shrsi %iota3A_1011, %shift_right_arithmetic3A_1013 : vector<32x1x1xi32>
    %and3A_1015 = arith.constant 1 : i32
    %and3A_1016 = vector.broadcast %and3A_1015 : i32 to vector<32x1x1xi32>
    %and3A_1017 = arith.andi %shift_right_arithmetic3A_1014, %and3A_1016 : vector<32x1x1xi32>
    %eq3A_1018 = arith.constant 1 : i32
    %eq3A_1019 = vector.broadcast %eq3A_1018 : i32 to vector<32x1x1xi32>
    %eq3A_1020 = arith.cmpi eq, %and3A_1017, %eq3A_1019 : vector<32x1x1xi32>
    %gt3A_1021 = arith.cmpf ogt, %slice3A_1007, %slice3A_1008 : vector<32x8x256xf32>
    %eq3A_1022 = arith.cmpf oeq, %slice3A_1007, %slice3A_1008 : vector<32x8x256xf32>
    %gt3A_1023 = arith.cmpi sgt, %slice3A_1009, %slice3A_1010 : vector<32x8x256xi32>
    %and3A_1024 = arith.andi %eq3A_1022, %gt3A_1023 : vector<32x8x256xi1>
    %or3A_1025 = arith.ori %gt3A_1021, %and3A_1024 : vector<32x8x256xi1>
    %xor3A_1026 = vector.broadcast %eq3A_1020 : vector<32x1x1xi1> to vector<32x8x256xi1>
    %xor3A_1027 = arith.xori %or3A_1025, %xor3A_1026 : vector<32x8x256xi1>
    %select_n3A_1028 = arith.select %xor3A_1027, %slice3A_1010, %slice3A_1009 : vector<32x8x256xi1>, vector<32x8x256xi32>
    %select_n3A_1029 = arith.select %xor3A_1027, %slice3A_1009, %slice3A_1010 : vector<32x8x256xi1>, vector<32x8x256xi32>
    %concatenate3A_1030 = tpu.concatenate %select_n3A_1028, %select_n3A_1029 in 1 : vector<32x8x256xi32>, vector<32x8x256xi32> -> vector<32x16x256xi32>
    %reshape3A_1031 = vector.shape_cast %concatenate3A_1030 : vector<32x16x256xi32> to vector<512x256xi32>
    %select_n3A_1032 = arith.select %xor3A_1027, %slice3A_1008, %slice3A_1007 : vector<32x8x256xi1>, vector<32x8x256xf32>
    %select_n3A_1033 = arith.select %xor3A_1027, %slice3A_1007, %slice3A_1008 : vector<32x8x256xi1>, vector<32x8x256xf32>
    %concatenate3A_1034 = tpu.concatenate %select_n3A_1032, %select_n3A_1033 in 1 : vector<32x8x256xf32>, vector<32x8x256xf32> -> vector<32x16x256xf32>
    %reshape3A_1035 = vector.shape_cast %concatenate3A_1034 : vector<32x16x256xf32> to vector<512x256xf32>
    %shift_right_arithmetic3A_1036 = arith.constant 2 : i32
    %shift_right_arithmetic3A_1037 = vector.broadcast %shift_right_arithmetic3A_1036 : i32 to vector<512x1xi32>
    %shift_right_arithmetic3A_1038 = arith.shrsi %iota3A_2, %shift_right_arithmetic3A_1037 : vector<512x1xi32>
    %and3A_1039 = arith.constant 1 : i32
    %and3A_1040 = vector.broadcast %and3A_1039 : i32 to vector<512x1xi32>
    %and3A_1041 = arith.andi %shift_right_arithmetic3A_1038, %and3A_1040 : vector<512x1xi32>
    %eq3A_1042 = arith.constant 1 : i32
    %eq3A_1043 = vector.broadcast %eq3A_1042 : i32 to vector<512x1xi32>
    %eq3A_1044 = arith.cmpi eq, %and3A_1041, %eq3A_1043 : vector<512x1xi32>
    %shift_right_arithmetic3A_1045 = arith.constant 7 : i32
    %shift_right_arithmetic3A_1046 = vector.broadcast %shift_right_arithmetic3A_1045 : i32 to vector<512x1xi32>
    %shift_right_arithmetic3A_1047 = arith.shrsi %iota3A_2, %shift_right_arithmetic3A_1046 : vector<512x1xi32>
    %and3A_1048 = arith.constant 1 : i32
    %and3A_1049 = vector.broadcast %and3A_1048 : i32 to vector<512x1xi32>
    %and3A_1050 = arith.andi %shift_right_arithmetic3A_1047, %and3A_1049 : vector<512x1xi32>
    %eq3A_1051 = arith.constant 1 : i32
    %eq3A_1052 = vector.broadcast %eq3A_1051 : i32 to vector<512x1xi32>
    %eq3A_1053 = arith.cmpi eq, %and3A_1050, %eq3A_1052 : vector<512x1xi32>
    %ne3A_1054 = arith.xori %eq3A_1044, %eq3A_1053 : vector<512x1xi1>
    %slice3A_1055 = vector.extract_strided_slice %reshape3A_1035 {offsets = [508, 0], sizes = [4, 256], strides = [1, 1]} : vector<512x256xf32> to vector<4x256xf32>
    %slice3A_1056 = vector.extract_strided_slice %reshape3A_1035 {offsets = [0, 0], sizes = [508, 256], strides = [1, 1]} : vector<512x256xf32> to vector<508x256xf32>
    %concatenate3A_1057 = tpu.concatenate %slice3A_1055, %slice3A_1056 in 0 : vector<4x256xf32>, vector<508x256xf32> -> vector<512x256xf32>
    %slice3A_1058 = vector.extract_strided_slice %reshape3A_1035 {offsets = [4, 0], sizes = [508, 256], strides = [1, 1]} : vector<512x256xf32> to vector<508x256xf32>
    %slice3A_1059 = vector.extract_strided_slice %reshape3A_1035 {offsets = [0, 0], sizes = [4, 256], strides = [1, 1]} : vector<512x256xf32> to vector<4x256xf32>
    %concatenate3A_1060 = tpu.concatenate %slice3A_1058, %slice3A_1059 in 0 : vector<508x256xf32>, vector<4x256xf32> -> vector<512x256xf32>
    %broadcast_in_dim3A_1061 = vector.shape_cast %eq3A_1044 : vector<512x1xi1> to vector<512x1xi1>
    %broadcast_in_dim3A_1062 = vector.broadcast %broadcast_in_dim3A_1061 : vector<512x1xi1> to vector<512x256xi1>
    %select_n3A_1063 = arith.select %broadcast_in_dim3A_1062, %concatenate3A_1057, %concatenate3A_1060 : vector<512x256xi1>, vector<512x256xf32>
    %slice3A_1064 = vector.extract_strided_slice %reshape3A_1031 {offsets = [508, 0], sizes = [4, 256], strides = [1, 1]} : vector<512x256xi32> to vector<4x256xi32>
    %slice3A_1065 = vector.extract_strided_slice %reshape3A_1031 {offsets = [0, 0], sizes = [508, 256], strides = [1, 1]} : vector<512x256xi32> to vector<508x256xi32>
    %concatenate3A_1066 = tpu.concatenate %slice3A_1064, %slice3A_1065 in 0 : vector<4x256xi32>, vector<508x256xi32> -> vector<512x256xi32>
    %slice3A_1067 = vector.extract_strided_slice %reshape3A_1031 {offsets = [4, 0], sizes = [508, 256], strides = [1, 1]} : vector<512x256xi32> to vector<508x256xi32>
    %slice3A_1068 = vector.extract_strided_slice %reshape3A_1031 {offsets = [0, 0], sizes = [4, 256], strides = [1, 1]} : vector<512x256xi32> to vector<4x256xi32>
    %concatenate3A_1069 = tpu.concatenate %slice3A_1067, %slice3A_1068 in 0 : vector<508x256xi32>, vector<4x256xi32> -> vector<512x256xi32>
    %broadcast_in_dim3A_1070 = vector.shape_cast %eq3A_1044 : vector<512x1xi1> to vector<512x1xi1>
    %broadcast_in_dim3A_1071 = vector.broadcast %broadcast_in_dim3A_1070 : vector<512x1xi1> to vector<512x256xi1>
    %select_n3A_1072 = arith.select %broadcast_in_dim3A_1071, %concatenate3A_1066, %concatenate3A_1069 : vector<512x256xi1>, vector<512x256xi32>
    %gt3A_1073 = arith.cmpf ogt, %reshape3A_1035, %select_n3A_1063 : vector<512x256xf32>
    %eq3A_1074 = arith.cmpf oeq, %reshape3A_1035, %select_n3A_1063 : vector<512x256xf32>
    %gt3A_1075 = arith.cmpi sgt, %reshape3A_1031, %select_n3A_1072 : vector<512x256xi32>
    %and3A_1076 = arith.andi %eq3A_1074, %gt3A_1075 : vector<512x256xi1>
    %or3A_1077 = arith.ori %gt3A_1073, %and3A_1076 : vector<512x256xi1>
    %eq3A_1078 = vector.broadcast %ne3A_1054 : vector<512x1xi1> to vector<512x256xi1>
    %eq3A_1079 = vector.broadcast %eq3A_1078 : vector<512x256xi1> to vector<512x256xi1>
    %eq3A_1080 = arith.xori %or3A_1077, %eq3A_1079 : vector<512x256xi1>
    %eq3A_1081 = arith.constant dense<true> : vector<512x256xi1>
    %eq3A_1082 = arith.xori %eq3A_1080, %eq3A_1081 : vector<512x256xi1>
    %select_n3A_1083 = arith.select %eq3A_1082, %reshape3A_1031, %select_n3A_1072 : vector<512x256xi1>, vector<512x256xi32>
    %select_n3A_1084 = arith.select %eq3A_1082, %reshape3A_1035, %select_n3A_1063 : vector<512x256xi1>, vector<512x256xf32>
    %shift_right_arithmetic3A_1085 = arith.constant 1 : i32
    %shift_right_arithmetic3A_1086 = vector.broadcast %shift_right_arithmetic3A_1085 : i32 to vector<512x1xi32>
    %shift_right_arithmetic3A_1087 = arith.shrsi %iota3A_2, %shift_right_arithmetic3A_1086 : vector<512x1xi32>
    %and3A_1088 = arith.constant 1 : i32
    %and3A_1089 = vector.broadcast %and3A_1088 : i32 to vector<512x1xi32>
    %and3A_1090 = arith.andi %shift_right_arithmetic3A_1087, %and3A_1089 : vector<512x1xi32>
    %eq3A_1091 = arith.constant 1 : i32
    %eq3A_1092 = vector.broadcast %eq3A_1091 : i32 to vector<512x1xi32>
    %eq3A_1093 = arith.cmpi eq, %and3A_1090, %eq3A_1092 : vector<512x1xi32>
    %shift_right_arithmetic3A_1094 = arith.constant 7 : i32
    %shift_right_arithmetic3A_1095 = vector.broadcast %shift_right_arithmetic3A_1094 : i32 to vector<512x1xi32>
    %shift_right_arithmetic3A_1096 = arith.shrsi %iota3A_2, %shift_right_arithmetic3A_1095 : vector<512x1xi32>
    %and3A_1097 = arith.constant 1 : i32
    %and3A_1098 = vector.broadcast %and3A_1097 : i32 to vector<512x1xi32>
    %and3A_1099 = arith.andi %shift_right_arithmetic3A_1096, %and3A_1098 : vector<512x1xi32>
    %eq3A_1100 = arith.constant 1 : i32
    %eq3A_1101 = vector.broadcast %eq3A_1100 : i32 to vector<512x1xi32>
    %eq3A_1102 = arith.cmpi eq, %and3A_1099, %eq3A_1101 : vector<512x1xi32>
    %ne3A_1103 = arith.xori %eq3A_1093, %eq3A_1102 : vector<512x1xi1>
    %slice3A_1104 = vector.extract_strided_slice %select_n3A_1084 {offsets = [510, 0], sizes = [2, 256], strides = [1, 1]} : vector<512x256xf32> to vector<2x256xf32>
    %slice3A_1105 = vector.extract_strided_slice %select_n3A_1084 {offsets = [0, 0], sizes = [510, 256], strides = [1, 1]} : vector<512x256xf32> to vector<510x256xf32>
    %concatenate3A_1106 = tpu.concatenate %slice3A_1104, %slice3A_1105 in 0 : vector<2x256xf32>, vector<510x256xf32> -> vector<512x256xf32>
    %slice3A_1107 = vector.extract_strided_slice %select_n3A_1084 {offsets = [2, 0], sizes = [510, 256], strides = [1, 1]} : vector<512x256xf32> to vector<510x256xf32>
    %slice3A_1108 = vector.extract_strided_slice %select_n3A_1084 {offsets = [0, 0], sizes = [2, 256], strides = [1, 1]} : vector<512x256xf32> to vector<2x256xf32>
    %concatenate3A_1109 = tpu.concatenate %slice3A_1107, %slice3A_1108 in 0 : vector<510x256xf32>, vector<2x256xf32> -> vector<512x256xf32>
    %broadcast_in_dim3A_1110 = vector.shape_cast %eq3A_1093 : vector<512x1xi1> to vector<512x1xi1>
    %broadcast_in_dim3A_1111 = vector.broadcast %broadcast_in_dim3A_1110 : vector<512x1xi1> to vector<512x256xi1>
    %select_n3A_1112 = arith.select %broadcast_in_dim3A_1111, %concatenate3A_1106, %concatenate3A_1109 : vector<512x256xi1>, vector<512x256xf32>
    %slice3A_1113 = vector.extract_strided_slice %select_n3A_1083 {offsets = [510, 0], sizes = [2, 256], strides = [1, 1]} : vector<512x256xi32> to vector<2x256xi32>
    %slice3A_1114 = vector.extract_strided_slice %select_n3A_1083 {offsets = [0, 0], sizes = [510, 256], strides = [1, 1]} : vector<512x256xi32> to vector<510x256xi32>
    %concatenate3A_1115 = tpu.concatenate %slice3A_1113, %slice3A_1114 in 0 : vector<2x256xi32>, vector<510x256xi32> -> vector<512x256xi32>
    %slice3A_1116 = vector.extract_strided_slice %select_n3A_1083 {offsets = [2, 0], sizes = [510, 256], strides = [1, 1]} : vector<512x256xi32> to vector<510x256xi32>
    %slice3A_1117 = vector.extract_strided_slice %select_n3A_1083 {offsets = [0, 0], sizes = [2, 256], strides = [1, 1]} : vector<512x256xi32> to vector<2x256xi32>
    %concatenate3A_1118 = tpu.concatenate %slice3A_1116, %slice3A_1117 in 0 : vector<510x256xi32>, vector<2x256xi32> -> vector<512x256xi32>
    %broadcast_in_dim3A_1119 = vector.shape_cast %eq3A_1093 : vector<512x1xi1> to vector<512x1xi1>
    %broadcast_in_dim3A_1120 = vector.broadcast %broadcast_in_dim3A_1119 : vector<512x1xi1> to vector<512x256xi1>
    %select_n3A_1121 = arith.select %broadcast_in_dim3A_1120, %concatenate3A_1115, %concatenate3A_1118 : vector<512x256xi1>, vector<512x256xi32>
    %gt3A_1122 = arith.cmpf ogt, %select_n3A_1084, %select_n3A_1112 : vector<512x256xf32>
    %eq3A_1123 = arith.cmpf oeq, %select_n3A_1084, %select_n3A_1112 : vector<512x256xf32>
    %gt3A_1124 = arith.cmpi sgt, %select_n3A_1083, %select_n3A_1121 : vector<512x256xi32>
    %and3A_1125 = arith.andi %eq3A_1123, %gt3A_1124 : vector<512x256xi1>
    %or3A_1126 = arith.ori %gt3A_1122, %and3A_1125 : vector<512x256xi1>
    %eq3A_1127 = vector.broadcast %ne3A_1103 : vector<512x1xi1> to vector<512x256xi1>
    %eq3A_1128 = vector.broadcast %eq3A_1127 : vector<512x256xi1> to vector<512x256xi1>
    %eq3A_1129 = arith.xori %or3A_1126, %eq3A_1128 : vector<512x256xi1>
    %eq3A_1130 = arith.constant dense<true> : vector<512x256xi1>
    %eq3A_1131 = arith.xori %eq3A_1129, %eq3A_1130 : vector<512x256xi1>
    %select_n3A_1132 = arith.select %eq3A_1131, %select_n3A_1083, %select_n3A_1121 : vector<512x256xi1>, vector<512x256xi32>
    %select_n3A_1133 = arith.select %eq3A_1131, %select_n3A_1084, %select_n3A_1112 : vector<512x256xi1>, vector<512x256xf32>
    %shift_right_arithmetic3A_1134 = arith.constant 0 : i32
    %shift_right_arithmetic3A_1135 = vector.broadcast %shift_right_arithmetic3A_1134 : i32 to vector<512x1xi32>
    %shift_right_arithmetic3A_1136 = arith.shrsi %iota3A_2, %shift_right_arithmetic3A_1135 : vector<512x1xi32>
    %and3A_1137 = arith.constant 1 : i32
    %and3A_1138 = vector.broadcast %and3A_1137 : i32 to vector<512x1xi32>
    %and3A_1139 = arith.andi %shift_right_arithmetic3A_1136, %and3A_1138 : vector<512x1xi32>
    %eq3A_1140 = arith.constant 1 : i32
    %eq3A_1141 = vector.broadcast %eq3A_1140 : i32 to vector<512x1xi32>
    %eq3A_1142 = arith.cmpi eq, %and3A_1139, %eq3A_1141 : vector<512x1xi32>
    %shift_right_arithmetic3A_1143 = arith.constant 7 : i32
    %shift_right_arithmetic3A_1144 = vector.broadcast %shift_right_arithmetic3A_1143 : i32 to vector<512x1xi32>
    %shift_right_arithmetic3A_1145 = arith.shrsi %iota3A_2, %shift_right_arithmetic3A_1144 : vector<512x1xi32>
    %and3A_1146 = arith.constant 1 : i32
    %and3A_1147 = vector.broadcast %and3A_1146 : i32 to vector<512x1xi32>
    %and3A_1148 = arith.andi %shift_right_arithmetic3A_1145, %and3A_1147 : vector<512x1xi32>
    %eq3A_1149 = arith.constant 1 : i32
    %eq3A_1150 = vector.broadcast %eq3A_1149 : i32 to vector<512x1xi32>
    %eq3A_1151 = arith.cmpi eq, %and3A_1148, %eq3A_1150 : vector<512x1xi32>
    %ne3A_1152 = arith.xori %eq3A_1142, %eq3A_1151 : vector<512x1xi1>
    %slice3A_1153 = vector.extract_strided_slice %select_n3A_1133 {offsets = [511, 0], sizes = [1, 256], strides = [1, 1]} : vector<512x256xf32> to vector<1x256xf32>
    %slice3A_1154 = vector.extract_strided_slice %select_n3A_1133 {offsets = [0, 0], sizes = [511, 256], strides = [1, 1]} : vector<512x256xf32> to vector<511x256xf32>
    %concatenate3A_1155 = tpu.concatenate %slice3A_1153, %slice3A_1154 in 0 : vector<1x256xf32>, vector<511x256xf32> -> vector<512x256xf32>
    %slice3A_1156 = vector.extract_strided_slice %select_n3A_1133 {offsets = [1, 0], sizes = [511, 256], strides = [1, 1]} : vector<512x256xf32> to vector<511x256xf32>
    %slice3A_1157 = vector.extract_strided_slice %select_n3A_1133 {offsets = [0, 0], sizes = [1, 256], strides = [1, 1]} : vector<512x256xf32> to vector<1x256xf32>
    %concatenate3A_1158 = tpu.concatenate %slice3A_1156, %slice3A_1157 in 0 : vector<511x256xf32>, vector<1x256xf32> -> vector<512x256xf32>
    %broadcast_in_dim3A_1159 = vector.shape_cast %eq3A_1142 : vector<512x1xi1> to vector<512x1xi1>
    %broadcast_in_dim3A_1160 = vector.broadcast %broadcast_in_dim3A_1159 : vector<512x1xi1> to vector<512x256xi1>
    %select_n3A_1161 = arith.select %broadcast_in_dim3A_1160, %concatenate3A_1155, %concatenate3A_1158 : vector<512x256xi1>, vector<512x256xf32>
    %slice3A_1162 = vector.extract_strided_slice %select_n3A_1132 {offsets = [511, 0], sizes = [1, 256], strides = [1, 1]} : vector<512x256xi32> to vector<1x256xi32>
    %slice3A_1163 = vector.extract_strided_slice %select_n3A_1132 {offsets = [0, 0], sizes = [511, 256], strides = [1, 1]} : vector<512x256xi32> to vector<511x256xi32>
    %concatenate3A_1164 = tpu.concatenate %slice3A_1162, %slice3A_1163 in 0 : vector<1x256xi32>, vector<511x256xi32> -> vector<512x256xi32>
    %slice3A_1165 = vector.extract_strided_slice %select_n3A_1132 {offsets = [1, 0], sizes = [511, 256], strides = [1, 1]} : vector<512x256xi32> to vector<511x256xi32>
    %slice3A_1166 = vector.extract_strided_slice %select_n3A_1132 {offsets = [0, 0], sizes = [1, 256], strides = [1, 1]} : vector<512x256xi32> to vector<1x256xi32>
    %concatenate3A_1167 = tpu.concatenate %slice3A_1165, %slice3A_1166 in 0 : vector<511x256xi32>, vector<1x256xi32> -> vector<512x256xi32>
    %broadcast_in_dim3A_1168 = vector.shape_cast %eq3A_1142 : vector<512x1xi1> to vector<512x1xi1>
    %broadcast_in_dim3A_1169 = vector.broadcast %broadcast_in_dim3A_1168 : vector<512x1xi1> to vector<512x256xi1>
    %select_n3A_1170 = arith.select %broadcast_in_dim3A_1169, %concatenate3A_1164, %concatenate3A_1167 : vector<512x256xi1>, vector<512x256xi32>
    %gt3A_1171 = arith.cmpf ogt, %select_n3A_1133, %select_n3A_1161 : vector<512x256xf32>
    %eq3A_1172 = arith.cmpf oeq, %select_n3A_1133, %select_n3A_1161 : vector<512x256xf32>
    %gt3A_1173 = arith.cmpi sgt, %select_n3A_1132, %select_n3A_1170 : vector<512x256xi32>
    %and3A_1174 = arith.andi %eq3A_1172, %gt3A_1173 : vector<512x256xi1>
    %or3A_1175 = arith.ori %gt3A_1171, %and3A_1174 : vector<512x256xi1>
    %eq3A_1176 = vector.broadcast %ne3A_1152 : vector<512x1xi1> to vector<512x256xi1>
    %eq3A_1177 = vector.broadcast %eq3A_1176 : vector<512x256xi1> to vector<512x256xi1>
    %eq3A_1178 = arith.xori %or3A_1175, %eq3A_1177 : vector<512x256xi1>
    %eq3A_1179 = arith.constant dense<true> : vector<512x256xi1>
    %eq3A_1180 = arith.xori %eq3A_1178, %eq3A_1179 : vector<512x256xi1>
    %select_n3A_1181 = arith.select %eq3A_1180, %select_n3A_1132, %select_n3A_1170 : vector<512x256xi1>, vector<512x256xi32>
    %select_n3A_1182 = arith.select %eq3A_1180, %select_n3A_1133, %select_n3A_1161 : vector<512x256xi1>, vector<512x256xf32>
    %reshape3A_1183 = vector.shape_cast %select_n3A_1182 : vector<512x256xf32> to vector<2x256x256xf32>
    %reshape3A_1184 = vector.shape_cast %select_n3A_1181 : vector<512x256xi32> to vector<2x256x256xi32>
    %slice3A_1185 = vector.extract_strided_slice %reshape3A_1183 {offsets = [0, 0, 0], sizes = [2, 128, 256], strides = [1, 1, 1]} : vector<2x256x256xf32> to vector<2x128x256xf32>
    %slice3A_1186 = vector.extract_strided_slice %reshape3A_1183 {offsets = [0, 128, 0], sizes = [2, 128, 256], strides = [1, 1, 1]} : vector<2x256x256xf32> to vector<2x128x256xf32>
    %slice3A_1187 = vector.extract_strided_slice %reshape3A_1184 {offsets = [0, 0, 0], sizes = [2, 128, 256], strides = [1, 1, 1]} : vector<2x256x256xi32> to vector<2x128x256xi32>
    %slice3A_1188 = vector.extract_strided_slice %reshape3A_1184 {offsets = [0, 128, 0], sizes = [2, 128, 256], strides = [1, 1, 1]} : vector<2x256x256xi32> to vector<2x128x256xi32>
    %iota3A_1189 = tpu.iota {dimensions = array<i32: 0>} : vector<2x1x1xi32>
    %shift_right_arithmetic3A_1190 = arith.constant 0 : i32
    %shift_right_arithmetic3A_1191 = vector.broadcast %shift_right_arithmetic3A_1190 : i32 to vector<2x1x1xi32>
    %shift_right_arithmetic3A_1192 = arith.shrsi %iota3A_1189, %shift_right_arithmetic3A_1191 : vector<2x1x1xi32>
    %and3A_1193 = arith.constant 1 : i32
    %and3A_1194 = vector.broadcast %and3A_1193 : i32 to vector<2x1x1xi32>
    %and3A_1195 = arith.andi %shift_right_arithmetic3A_1192, %and3A_1194 : vector<2x1x1xi32>
    %eq3A_1196 = arith.constant 1 : i32
    %eq3A_1197 = vector.broadcast %eq3A_1196 : i32 to vector<2x1x1xi32>
    %eq3A_1198 = arith.cmpi eq, %and3A_1195, %eq3A_1197 : vector<2x1x1xi32>
    %gt3A_1199 = arith.cmpf ogt, %slice3A_1185, %slice3A_1186 : vector<2x128x256xf32>
    %eq3A_1200 = arith.cmpf oeq, %slice3A_1185, %slice3A_1186 : vector<2x128x256xf32>
    %gt3A_1201 = arith.cmpi sgt, %slice3A_1187, %slice3A_1188 : vector<2x128x256xi32>
    %and3A_1202 = arith.andi %eq3A_1200, %gt3A_1201 : vector<2x128x256xi1>
    %or3A_1203 = arith.ori %gt3A_1199, %and3A_1202 : vector<2x128x256xi1>
    %xor3A_1204 = vector.broadcast %eq3A_1198 : vector<2x1x1xi1> to vector<2x128x256xi1>
    %xor3A_1205 = arith.xori %or3A_1203, %xor3A_1204 : vector<2x128x256xi1>
    %select_n3A_1206 = arith.select %xor3A_1205, %slice3A_1188, %slice3A_1187 : vector<2x128x256xi1>, vector<2x128x256xi32>
    %select_n3A_1207 = arith.select %xor3A_1205, %slice3A_1187, %slice3A_1188 : vector<2x128x256xi1>, vector<2x128x256xi32>
    %concatenate3A_1208 = tpu.concatenate %select_n3A_1206, %select_n3A_1207 in 1 : vector<2x128x256xi32>, vector<2x128x256xi32> -> vector<2x256x256xi32>
    %reshape3A_1209 = vector.shape_cast %concatenate3A_1208 : vector<2x256x256xi32> to vector<512x256xi32>
    %select_n3A_1210 = arith.select %xor3A_1205, %slice3A_1186, %slice3A_1185 : vector<2x128x256xi1>, vector<2x128x256xf32>
    %select_n3A_1211 = arith.select %xor3A_1205, %slice3A_1185, %slice3A_1186 : vector<2x128x256xi1>, vector<2x128x256xf32>
    %concatenate3A_1212 = tpu.concatenate %select_n3A_1210, %select_n3A_1211 in 1 : vector<2x128x256xf32>, vector<2x128x256xf32> -> vector<2x256x256xf32>
    %reshape3A_1213 = vector.shape_cast %concatenate3A_1212 : vector<2x256x256xf32> to vector<512x256xf32>
    %reshape3A_1214 = vector.shape_cast %reshape3A_1213 : vector<512x256xf32> to vector<4x128x256xf32>
    %reshape3A_1215 = vector.shape_cast %reshape3A_1209 : vector<512x256xi32> to vector<4x128x256xi32>
    %slice3A_1216 = vector.extract_strided_slice %reshape3A_1214 {offsets = [0, 0, 0], sizes = [4, 64, 256], strides = [1, 1, 1]} : vector<4x128x256xf32> to vector<4x64x256xf32>
    %slice3A_1217 = vector.extract_strided_slice %reshape3A_1214 {offsets = [0, 64, 0], sizes = [4, 64, 256], strides = [1, 1, 1]} : vector<4x128x256xf32> to vector<4x64x256xf32>
    %slice3A_1218 = vector.extract_strided_slice %reshape3A_1215 {offsets = [0, 0, 0], sizes = [4, 64, 256], strides = [1, 1, 1]} : vector<4x128x256xi32> to vector<4x64x256xi32>
    %slice3A_1219 = vector.extract_strided_slice %reshape3A_1215 {offsets = [0, 64, 0], sizes = [4, 64, 256], strides = [1, 1, 1]} : vector<4x128x256xi32> to vector<4x64x256xi32>
    %iota3A_1220 = tpu.iota {dimensions = array<i32: 0>} : vector<4x1x1xi32>
    %shift_right_arithmetic3A_1221 = arith.constant 1 : i32
    %shift_right_arithmetic3A_1222 = vector.broadcast %shift_right_arithmetic3A_1221 : i32 to vector<4x1x1xi32>
    %shift_right_arithmetic3A_1223 = arith.shrsi %iota3A_1220, %shift_right_arithmetic3A_1222 : vector<4x1x1xi32>
    %and3A_1224 = arith.constant 1 : i32
    %and3A_1225 = vector.broadcast %and3A_1224 : i32 to vector<4x1x1xi32>
    %and3A_1226 = arith.andi %shift_right_arithmetic3A_1223, %and3A_1225 : vector<4x1x1xi32>
    %eq3A_1227 = arith.constant 1 : i32
    %eq3A_1228 = vector.broadcast %eq3A_1227 : i32 to vector<4x1x1xi32>
    %eq3A_1229 = arith.cmpi eq, %and3A_1226, %eq3A_1228 : vector<4x1x1xi32>
    %gt3A_1230 = arith.cmpf ogt, %slice3A_1216, %slice3A_1217 : vector<4x64x256xf32>
    %eq3A_1231 = arith.cmpf oeq, %slice3A_1216, %slice3A_1217 : vector<4x64x256xf32>
    %gt3A_1232 = arith.cmpi sgt, %slice3A_1218, %slice3A_1219 : vector<4x64x256xi32>
    %and3A_1233 = arith.andi %eq3A_1231, %gt3A_1232 : vector<4x64x256xi1>
    %or3A_1234 = arith.ori %gt3A_1230, %and3A_1233 : vector<4x64x256xi1>
    %xor3A_1235 = vector.broadcast %eq3A_1229 : vector<4x1x1xi1> to vector<4x64x256xi1>
    %xor3A_1236 = arith.xori %or3A_1234, %xor3A_1235 : vector<4x64x256xi1>
    %select_n3A_1237 = arith.select %xor3A_1236, %slice3A_1219, %slice3A_1218 : vector<4x64x256xi1>, vector<4x64x256xi32>
    %select_n3A_1238 = arith.select %xor3A_1236, %slice3A_1218, %slice3A_1219 : vector<4x64x256xi1>, vector<4x64x256xi32>
    %concatenate3A_1239 = tpu.concatenate %select_n3A_1237, %select_n3A_1238 in 1 : vector<4x64x256xi32>, vector<4x64x256xi32> -> vector<4x128x256xi32>
    %reshape3A_1240 = vector.shape_cast %concatenate3A_1239 : vector<4x128x256xi32> to vector<512x256xi32>
    %select_n3A_1241 = arith.select %xor3A_1236, %slice3A_1217, %slice3A_1216 : vector<4x64x256xi1>, vector<4x64x256xf32>
    %select_n3A_1242 = arith.select %xor3A_1236, %slice3A_1216, %slice3A_1217 : vector<4x64x256xi1>, vector<4x64x256xf32>
    %concatenate3A_1243 = tpu.concatenate %select_n3A_1241, %select_n3A_1242 in 1 : vector<4x64x256xf32>, vector<4x64x256xf32> -> vector<4x128x256xf32>
    %reshape3A_1244 = vector.shape_cast %concatenate3A_1243 : vector<4x128x256xf32> to vector<512x256xf32>
    %reshape3A_1245 = vector.shape_cast %reshape3A_1244 : vector<512x256xf32> to vector<8x64x256xf32>
    %reshape3A_1246 = vector.shape_cast %reshape3A_1240 : vector<512x256xi32> to vector<8x64x256xi32>
    %slice3A_1247 = vector.extract_strided_slice %reshape3A_1245 {offsets = [0, 0, 0], sizes = [8, 32, 256], strides = [1, 1, 1]} : vector<8x64x256xf32> to vector<8x32x256xf32>
    %slice3A_1248 = vector.extract_strided_slice %reshape3A_1245 {offsets = [0, 32, 0], sizes = [8, 32, 256], strides = [1, 1, 1]} : vector<8x64x256xf32> to vector<8x32x256xf32>
    %slice3A_1249 = vector.extract_strided_slice %reshape3A_1246 {offsets = [0, 0, 0], sizes = [8, 32, 256], strides = [1, 1, 1]} : vector<8x64x256xi32> to vector<8x32x256xi32>
    %slice3A_1250 = vector.extract_strided_slice %reshape3A_1246 {offsets = [0, 32, 0], sizes = [8, 32, 256], strides = [1, 1, 1]} : vector<8x64x256xi32> to vector<8x32x256xi32>
    %iota3A_1251 = tpu.iota {dimensions = array<i32: 0>} : vector<8x1x1xi32>
    %shift_right_arithmetic3A_1252 = arith.constant 2 : i32
    %shift_right_arithmetic3A_1253 = vector.broadcast %shift_right_arithmetic3A_1252 : i32 to vector<8x1x1xi32>
    %shift_right_arithmetic3A_1254 = arith.shrsi %iota3A_1251, %shift_right_arithmetic3A_1253 : vector<8x1x1xi32>
    %and3A_1255 = arith.constant 1 : i32
    %and3A_1256 = vector.broadcast %and3A_1255 : i32 to vector<8x1x1xi32>
    %and3A_1257 = arith.andi %shift_right_arithmetic3A_1254, %and3A_1256 : vector<8x1x1xi32>
    %eq3A_1258 = arith.constant 1 : i32
    %eq3A_1259 = vector.broadcast %eq3A_1258 : i32 to vector<8x1x1xi32>
    %eq3A_1260 = arith.cmpi eq, %and3A_1257, %eq3A_1259 : vector<8x1x1xi32>
    %gt3A_1261 = arith.cmpf ogt, %slice3A_1247, %slice3A_1248 : vector<8x32x256xf32>
    %eq3A_1262 = arith.cmpf oeq, %slice3A_1247, %slice3A_1248 : vector<8x32x256xf32>
    %gt3A_1263 = arith.cmpi sgt, %slice3A_1249, %slice3A_1250 : vector<8x32x256xi32>
    %and3A_1264 = arith.andi %eq3A_1262, %gt3A_1263 : vector<8x32x256xi1>
    %or3A_1265 = arith.ori %gt3A_1261, %and3A_1264 : vector<8x32x256xi1>
    %xor3A_1266 = vector.broadcast %eq3A_1260 : vector<8x1x1xi1> to vector<8x32x256xi1>
    %xor3A_1267 = arith.xori %or3A_1265, %xor3A_1266 : vector<8x32x256xi1>
    %select_n3A_1268 = arith.select %xor3A_1267, %slice3A_1250, %slice3A_1249 : vector<8x32x256xi1>, vector<8x32x256xi32>
    %select_n3A_1269 = arith.select %xor3A_1267, %slice3A_1249, %slice3A_1250 : vector<8x32x256xi1>, vector<8x32x256xi32>
    %concatenate3A_1270 = tpu.concatenate %select_n3A_1268, %select_n3A_1269 in 1 : vector<8x32x256xi32>, vector<8x32x256xi32> -> vector<8x64x256xi32>
    %reshape3A_1271 = vector.shape_cast %concatenate3A_1270 : vector<8x64x256xi32> to vector<512x256xi32>
    %select_n3A_1272 = arith.select %xor3A_1267, %slice3A_1248, %slice3A_1247 : vector<8x32x256xi1>, vector<8x32x256xf32>
    %select_n3A_1273 = arith.select %xor3A_1267, %slice3A_1247, %slice3A_1248 : vector<8x32x256xi1>, vector<8x32x256xf32>
    %concatenate3A_1274 = tpu.concatenate %select_n3A_1272, %select_n3A_1273 in 1 : vector<8x32x256xf32>, vector<8x32x256xf32> -> vector<8x64x256xf32>
    %reshape3A_1275 = vector.shape_cast %concatenate3A_1274 : vector<8x64x256xf32> to vector<512x256xf32>
    %reshape3A_1276 = vector.shape_cast %reshape3A_1275 : vector<512x256xf32> to vector<16x32x256xf32>
    %reshape3A_1277 = vector.shape_cast %reshape3A_1271 : vector<512x256xi32> to vector<16x32x256xi32>
    %slice3A_1278 = vector.extract_strided_slice %reshape3A_1276 {offsets = [0, 0, 0], sizes = [16, 16, 256], strides = [1, 1, 1]} : vector<16x32x256xf32> to vector<16x16x256xf32>
    %slice3A_1279 = vector.extract_strided_slice %reshape3A_1276 {offsets = [0, 16, 0], sizes = [16, 16, 256], strides = [1, 1, 1]} : vector<16x32x256xf32> to vector<16x16x256xf32>
    %slice3A_1280 = vector.extract_strided_slice %reshape3A_1277 {offsets = [0, 0, 0], sizes = [16, 16, 256], strides = [1, 1, 1]} : vector<16x32x256xi32> to vector<16x16x256xi32>
    %slice3A_1281 = vector.extract_strided_slice %reshape3A_1277 {offsets = [0, 16, 0], sizes = [16, 16, 256], strides = [1, 1, 1]} : vector<16x32x256xi32> to vector<16x16x256xi32>
    %iota3A_1282 = tpu.iota {dimensions = array<i32: 0>} : vector<16x1x1xi32>
    %shift_right_arithmetic3A_1283 = arith.constant 3 : i32
    %shift_right_arithmetic3A_1284 = vector.broadcast %shift_right_arithmetic3A_1283 : i32 to vector<16x1x1xi32>
    %shift_right_arithmetic3A_1285 = arith.shrsi %iota3A_1282, %shift_right_arithmetic3A_1284 : vector<16x1x1xi32>
    %and3A_1286 = arith.constant 1 : i32
    %and3A_1287 = vector.broadcast %and3A_1286 : i32 to vector<16x1x1xi32>
    %and3A_1288 = arith.andi %shift_right_arithmetic3A_1285, %and3A_1287 : vector<16x1x1xi32>
    %eq3A_1289 = arith.constant 1 : i32
    %eq3A_1290 = vector.broadcast %eq3A_1289 : i32 to vector<16x1x1xi32>
    %eq3A_1291 = arith.cmpi eq, %and3A_1288, %eq3A_1290 : vector<16x1x1xi32>
    %gt3A_1292 = arith.cmpf ogt, %slice3A_1278, %slice3A_1279 : vector<16x16x256xf32>
    %eq3A_1293 = arith.cmpf oeq, %slice3A_1278, %slice3A_1279 : vector<16x16x256xf32>
    %gt3A_1294 = arith.cmpi sgt, %slice3A_1280, %slice3A_1281 : vector<16x16x256xi32>
    %and3A_1295 = arith.andi %eq3A_1293, %gt3A_1294 : vector<16x16x256xi1>
    %or3A_1296 = arith.ori %gt3A_1292, %and3A_1295 : vector<16x16x256xi1>
    %xor3A_1297 = vector.broadcast %eq3A_1291 : vector<16x1x1xi1> to vector<16x16x256xi1>
    %xor3A_1298 = arith.xori %or3A_1296, %xor3A_1297 : vector<16x16x256xi1>
    %select_n3A_1299 = arith.select %xor3A_1298, %slice3A_1281, %slice3A_1280 : vector<16x16x256xi1>, vector<16x16x256xi32>
    %select_n3A_1300 = arith.select %xor3A_1298, %slice3A_1280, %slice3A_1281 : vector<16x16x256xi1>, vector<16x16x256xi32>
    %concatenate3A_1301 = tpu.concatenate %select_n3A_1299, %select_n3A_1300 in 1 : vector<16x16x256xi32>, vector<16x16x256xi32> -> vector<16x32x256xi32>
    %reshape3A_1302 = vector.shape_cast %concatenate3A_1301 : vector<16x32x256xi32> to vector<512x256xi32>
    %select_n3A_1303 = arith.select %xor3A_1298, %slice3A_1279, %slice3A_1278 : vector<16x16x256xi1>, vector<16x16x256xf32>
    %select_n3A_1304 = arith.select %xor3A_1298, %slice3A_1278, %slice3A_1279 : vector<16x16x256xi1>, vector<16x16x256xf32>
    %concatenate3A_1305 = tpu.concatenate %select_n3A_1303, %select_n3A_1304 in 1 : vector<16x16x256xf32>, vector<16x16x256xf32> -> vector<16x32x256xf32>
    %reshape3A_1306 = vector.shape_cast %concatenate3A_1305 : vector<16x32x256xf32> to vector<512x256xf32>
    %reshape3A_1307 = vector.shape_cast %reshape3A_1306 : vector<512x256xf32> to vector<32x16x256xf32>
    %reshape3A_1308 = vector.shape_cast %reshape3A_1302 : vector<512x256xi32> to vector<32x16x256xi32>
    %slice3A_1309 = vector.extract_strided_slice %reshape3A_1307 {offsets = [0, 0, 0], sizes = [32, 8, 256], strides = [1, 1, 1]} : vector<32x16x256xf32> to vector<32x8x256xf32>
    %slice3A_1310 = vector.extract_strided_slice %reshape3A_1307 {offsets = [0, 8, 0], sizes = [32, 8, 256], strides = [1, 1, 1]} : vector<32x16x256xf32> to vector<32x8x256xf32>
    %slice3A_1311 = vector.extract_strided_slice %reshape3A_1308 {offsets = [0, 0, 0], sizes = [32, 8, 256], strides = [1, 1, 1]} : vector<32x16x256xi32> to vector<32x8x256xi32>
    %slice3A_1312 = vector.extract_strided_slice %reshape3A_1308 {offsets = [0, 8, 0], sizes = [32, 8, 256], strides = [1, 1, 1]} : vector<32x16x256xi32> to vector<32x8x256xi32>
    %iota3A_1313 = tpu.iota {dimensions = array<i32: 0>} : vector<32x1x1xi32>
    %shift_right_arithmetic3A_1314 = arith.constant 4 : i32
    %shift_right_arithmetic3A_1315 = vector.broadcast %shift_right_arithmetic3A_1314 : i32 to vector<32x1x1xi32>
    %shift_right_arithmetic3A_1316 = arith.shrsi %iota3A_1313, %shift_right_arithmetic3A_1315 : vector<32x1x1xi32>
    %and3A_1317 = arith.constant 1 : i32
    %and3A_1318 = vector.broadcast %and3A_1317 : i32 to vector<32x1x1xi32>
    %and3A_1319 = arith.andi %shift_right_arithmetic3A_1316, %and3A_1318 : vector<32x1x1xi32>
    %eq3A_1320 = arith.constant 1 : i32
    %eq3A_1321 = vector.broadcast %eq3A_1320 : i32 to vector<32x1x1xi32>
    %eq3A_1322 = arith.cmpi eq, %and3A_1319, %eq3A_1321 : vector<32x1x1xi32>
    %gt3A_1323 = arith.cmpf ogt, %slice3A_1309, %slice3A_1310 : vector<32x8x256xf32>
    %eq3A_1324 = arith.cmpf oeq, %slice3A_1309, %slice3A_1310 : vector<32x8x256xf32>
    %gt3A_1325 = arith.cmpi sgt, %slice3A_1311, %slice3A_1312 : vector<32x8x256xi32>
    %and3A_1326 = arith.andi %eq3A_1324, %gt3A_1325 : vector<32x8x256xi1>
    %or3A_1327 = arith.ori %gt3A_1323, %and3A_1326 : vector<32x8x256xi1>
    %xor3A_1328 = vector.broadcast %eq3A_1322 : vector<32x1x1xi1> to vector<32x8x256xi1>
    %xor3A_1329 = arith.xori %or3A_1327, %xor3A_1328 : vector<32x8x256xi1>
    %select_n3A_1330 = arith.select %xor3A_1329, %slice3A_1312, %slice3A_1311 : vector<32x8x256xi1>, vector<32x8x256xi32>
    %select_n3A_1331 = arith.select %xor3A_1329, %slice3A_1311, %slice3A_1312 : vector<32x8x256xi1>, vector<32x8x256xi32>
    %concatenate3A_1332 = tpu.concatenate %select_n3A_1330, %select_n3A_1331 in 1 : vector<32x8x256xi32>, vector<32x8x256xi32> -> vector<32x16x256xi32>
    %reshape3A_1333 = vector.shape_cast %concatenate3A_1332 : vector<32x16x256xi32> to vector<512x256xi32>
    %select_n3A_1334 = arith.select %xor3A_1329, %slice3A_1310, %slice3A_1309 : vector<32x8x256xi1>, vector<32x8x256xf32>
    %select_n3A_1335 = arith.select %xor3A_1329, %slice3A_1309, %slice3A_1310 : vector<32x8x256xi1>, vector<32x8x256xf32>
    %concatenate3A_1336 = tpu.concatenate %select_n3A_1334, %select_n3A_1335 in 1 : vector<32x8x256xf32>, vector<32x8x256xf32> -> vector<32x16x256xf32>
    %reshape3A_1337 = vector.shape_cast %concatenate3A_1336 : vector<32x16x256xf32> to vector<512x256xf32>
    %shift_right_arithmetic3A_1338 = arith.constant 2 : i32
    %shift_right_arithmetic3A_1339 = vector.broadcast %shift_right_arithmetic3A_1338 : i32 to vector<512x1xi32>
    %shift_right_arithmetic3A_1340 = arith.shrsi %iota3A_2, %shift_right_arithmetic3A_1339 : vector<512x1xi32>
    %and3A_1341 = arith.constant 1 : i32
    %and3A_1342 = vector.broadcast %and3A_1341 : i32 to vector<512x1xi32>
    %and3A_1343 = arith.andi %shift_right_arithmetic3A_1340, %and3A_1342 : vector<512x1xi32>
    %eq3A_1344 = arith.constant 1 : i32
    %eq3A_1345 = vector.broadcast %eq3A_1344 : i32 to vector<512x1xi32>
    %eq3A_1346 = arith.cmpi eq, %and3A_1343, %eq3A_1345 : vector<512x1xi32>
    %shift_right_arithmetic3A_1347 = arith.constant 8 : i32
    %shift_right_arithmetic3A_1348 = vector.broadcast %shift_right_arithmetic3A_1347 : i32 to vector<512x1xi32>
    %shift_right_arithmetic3A_1349 = arith.shrsi %iota3A_2, %shift_right_arithmetic3A_1348 : vector<512x1xi32>
    %and3A_1350 = arith.constant 1 : i32
    %and3A_1351 = vector.broadcast %and3A_1350 : i32 to vector<512x1xi32>
    %and3A_1352 = arith.andi %shift_right_arithmetic3A_1349, %and3A_1351 : vector<512x1xi32>
    %eq3A_1353 = arith.constant 1 : i32
    %eq3A_1354 = vector.broadcast %eq3A_1353 : i32 to vector<512x1xi32>
    %eq3A_1355 = arith.cmpi eq, %and3A_1352, %eq3A_1354 : vector<512x1xi32>
    %ne3A_1356 = arith.xori %eq3A_1346, %eq3A_1355 : vector<512x1xi1>
    %slice3A_1357 = vector.extract_strided_slice %reshape3A_1337 {offsets = [508, 0], sizes = [4, 256], strides = [1, 1]} : vector<512x256xf32> to vector<4x256xf32>
    %slice3A_1358 = vector.extract_strided_slice %reshape3A_1337 {offsets = [0, 0], sizes = [508, 256], strides = [1, 1]} : vector<512x256xf32> to vector<508x256xf32>
    %concatenate3A_1359 = tpu.concatenate %slice3A_1357, %slice3A_1358 in 0 : vector<4x256xf32>, vector<508x256xf32> -> vector<512x256xf32>
    %slice3A_1360 = vector.extract_strided_slice %reshape3A_1337 {offsets = [4, 0], sizes = [508, 256], strides = [1, 1]} : vector<512x256xf32> to vector<508x256xf32>
    %slice3A_1361 = vector.extract_strided_slice %reshape3A_1337 {offsets = [0, 0], sizes = [4, 256], strides = [1, 1]} : vector<512x256xf32> to vector<4x256xf32>
    %concatenate3A_1362 = tpu.concatenate %slice3A_1360, %slice3A_1361 in 0 : vector<508x256xf32>, vector<4x256xf32> -> vector<512x256xf32>
    %broadcast_in_dim3A_1363 = vector.shape_cast %eq3A_1346 : vector<512x1xi1> to vector<512x1xi1>
    %broadcast_in_dim3A_1364 = vector.broadcast %broadcast_in_dim3A_1363 : vector<512x1xi1> to vector<512x256xi1>
    %select_n3A_1365 = arith.select %broadcast_in_dim3A_1364, %concatenate3A_1359, %concatenate3A_1362 : vector<512x256xi1>, vector<512x256xf32>
    %slice3A_1366 = vector.extract_strided_slice %reshape3A_1333 {offsets = [508, 0], sizes = [4, 256], strides = [1, 1]} : vector<512x256xi32> to vector<4x256xi32>
    %slice3A_1367 = vector.extract_strided_slice %reshape3A_1333 {offsets = [0, 0], sizes = [508, 256], strides = [1, 1]} : vector<512x256xi32> to vector<508x256xi32>
    %concatenate3A_1368 = tpu.concatenate %slice3A_1366, %slice3A_1367 in 0 : vector<4x256xi32>, vector<508x256xi32> -> vector<512x256xi32>
    %slice3A_1369 = vector.extract_strided_slice %reshape3A_1333 {offsets = [4, 0], sizes = [508, 256], strides = [1, 1]} : vector<512x256xi32> to vector<508x256xi32>
    %slice3A_1370 = vector.extract_strided_slice %reshape3A_1333 {offsets = [0, 0], sizes = [4, 256], strides = [1, 1]} : vector<512x256xi32> to vector<4x256xi32>
    %concatenate3A_1371 = tpu.concatenate %slice3A_1369, %slice3A_1370 in 0 : vector<508x256xi32>, vector<4x256xi32> -> vector<512x256xi32>
    %broadcast_in_dim3A_1372 = vector.shape_cast %eq3A_1346 : vector<512x1xi1> to vector<512x1xi1>
    %broadcast_in_dim3A_1373 = vector.broadcast %broadcast_in_dim3A_1372 : vector<512x1xi1> to vector<512x256xi1>
    %select_n3A_1374 = arith.select %broadcast_in_dim3A_1373, %concatenate3A_1368, %concatenate3A_1371 : vector<512x256xi1>, vector<512x256xi32>
    %gt3A_1375 = arith.cmpf ogt, %reshape3A_1337, %select_n3A_1365 : vector<512x256xf32>
    %eq3A_1376 = arith.cmpf oeq, %reshape3A_1337, %select_n3A_1365 : vector<512x256xf32>
    %gt3A_1377 = arith.cmpi sgt, %reshape3A_1333, %select_n3A_1374 : vector<512x256xi32>
    %and3A_1378 = arith.andi %eq3A_1376, %gt3A_1377 : vector<512x256xi1>
    %or3A_1379 = arith.ori %gt3A_1375, %and3A_1378 : vector<512x256xi1>
    %eq3A_1380 = vector.broadcast %ne3A_1356 : vector<512x1xi1> to vector<512x256xi1>
    %eq3A_1381 = vector.broadcast %eq3A_1380 : vector<512x256xi1> to vector<512x256xi1>
    %eq3A_1382 = arith.xori %or3A_1379, %eq3A_1381 : vector<512x256xi1>
    %eq3A_1383 = arith.constant dense<true> : vector<512x256xi1>
    %eq3A_1384 = arith.xori %eq3A_1382, %eq3A_1383 : vector<512x256xi1>
    %select_n3A_1385 = arith.select %eq3A_1384, %reshape3A_1333, %select_n3A_1374 : vector<512x256xi1>, vector<512x256xi32>
    %select_n3A_1386 = arith.select %eq3A_1384, %reshape3A_1337, %select_n3A_1365 : vector<512x256xi1>, vector<512x256xf32>
    %shift_right_arithmetic3A_1387 = arith.constant 1 : i32
    %shift_right_arithmetic3A_1388 = vector.broadcast %shift_right_arithmetic3A_1387 : i32 to vector<512x1xi32>
    %shift_right_arithmetic3A_1389 = arith.shrsi %iota3A_2, %shift_right_arithmetic3A_1388 : vector<512x1xi32>
    %and3A_1390 = arith.constant 1 : i32
    %and3A_1391 = vector.broadcast %and3A_1390 : i32 to vector<512x1xi32>
    %and3A_1392 = arith.andi %shift_right_arithmetic3A_1389, %and3A_1391 : vector<512x1xi32>
    %eq3A_1393 = arith.constant 1 : i32
    %eq3A_1394 = vector.broadcast %eq3A_1393 : i32 to vector<512x1xi32>
    %eq3A_1395 = arith.cmpi eq, %and3A_1392, %eq3A_1394 : vector<512x1xi32>
    %shift_right_arithmetic3A_1396 = arith.constant 8 : i32
    %shift_right_arithmetic3A_1397 = vector.broadcast %shift_right_arithmetic3A_1396 : i32 to vector<512x1xi32>
    %shift_right_arithmetic3A_1398 = arith.shrsi %iota3A_2, %shift_right_arithmetic3A_1397 : vector<512x1xi32>
    %and3A_1399 = arith.constant 1 : i32
    %and3A_1400 = vector.broadcast %and3A_1399 : i32 to vector<512x1xi32>
    %and3A_1401 = arith.andi %shift_right_arithmetic3A_1398, %and3A_1400 : vector<512x1xi32>
    %eq3A_1402 = arith.constant 1 : i32
    %eq3A_1403 = vector.broadcast %eq3A_1402 : i32 to vector<512x1xi32>
    %eq3A_1404 = arith.cmpi eq, %and3A_1401, %eq3A_1403 : vector<512x1xi32>
    %ne3A_1405 = arith.xori %eq3A_1395, %eq3A_1404 : vector<512x1xi1>
    %slice3A_1406 = vector.extract_strided_slice %select_n3A_1386 {offsets = [510, 0], sizes = [2, 256], strides = [1, 1]} : vector<512x256xf32> to vector<2x256xf32>
    %slice3A_1407 = vector.extract_strided_slice %select_n3A_1386 {offsets = [0, 0], sizes = [510, 256], strides = [1, 1]} : vector<512x256xf32> to vector<510x256xf32>
    %concatenate3A_1408 = tpu.concatenate %slice3A_1406, %slice3A_1407 in 0 : vector<2x256xf32>, vector<510x256xf32> -> vector<512x256xf32>
    %slice3A_1409 = vector.extract_strided_slice %select_n3A_1386 {offsets = [2, 0], sizes = [510, 256], strides = [1, 1]} : vector<512x256xf32> to vector<510x256xf32>
    %slice3A_1410 = vector.extract_strided_slice %select_n3A_1386 {offsets = [0, 0], sizes = [2, 256], strides = [1, 1]} : vector<512x256xf32> to vector<2x256xf32>
    %concatenate3A_1411 = tpu.concatenate %slice3A_1409, %slice3A_1410 in 0 : vector<510x256xf32>, vector<2x256xf32> -> vector<512x256xf32>
    %broadcast_in_dim3A_1412 = vector.shape_cast %eq3A_1395 : vector<512x1xi1> to vector<512x1xi1>
    %broadcast_in_dim3A_1413 = vector.broadcast %broadcast_in_dim3A_1412 : vector<512x1xi1> to vector<512x256xi1>
    %select_n3A_1414 = arith.select %broadcast_in_dim3A_1413, %concatenate3A_1408, %concatenate3A_1411 : vector<512x256xi1>, vector<512x256xf32>
    %slice3A_1415 = vector.extract_strided_slice %select_n3A_1385 {offsets = [510, 0], sizes = [2, 256], strides = [1, 1]} : vector<512x256xi32> to vector<2x256xi32>
    %slice3A_1416 = vector.extract_strided_slice %select_n3A_1385 {offsets = [0, 0], sizes = [510, 256], strides = [1, 1]} : vector<512x256xi32> to vector<510x256xi32>
    %concatenate3A_1417 = tpu.concatenate %slice3A_1415, %slice3A_1416 in 0 : vector<2x256xi32>, vector<510x256xi32> -> vector<512x256xi32>
    %slice3A_1418 = vector.extract_strided_slice %select_n3A_1385 {offsets = [2, 0], sizes = [510, 256], strides = [1, 1]} : vector<512x256xi32> to vector<510x256xi32>
    %slice3A_1419 = vector.extract_strided_slice %select_n3A_1385 {offsets = [0, 0], sizes = [2, 256], strides = [1, 1]} : vector<512x256xi32> to vector<2x256xi32>
    %concatenate3A_1420 = tpu.concatenate %slice3A_1418, %slice3A_1419 in 0 : vector<510x256xi32>, vector<2x256xi32> -> vector<512x256xi32>
    %broadcast_in_dim3A_1421 = vector.shape_cast %eq3A_1395 : vector<512x1xi1> to vector<512x1xi1>
    %broadcast_in_dim3A_1422 = vector.broadcast %broadcast_in_dim3A_1421 : vector<512x1xi1> to vector<512x256xi1>
    %select_n3A_1423 = arith.select %broadcast_in_dim3A_1422, %concatenate3A_1417, %concatenate3A_1420 : vector<512x256xi1>, vector<512x256xi32>
    %gt3A_1424 = arith.cmpf ogt, %select_n3A_1386, %select_n3A_1414 : vector<512x256xf32>
    %eq3A_1425 = arith.cmpf oeq, %select_n3A_1386, %select_n3A_1414 : vector<512x256xf32>
    %gt3A_1426 = arith.cmpi sgt, %select_n3A_1385, %select_n3A_1423 : vector<512x256xi32>
    %and3A_1427 = arith.andi %eq3A_1425, %gt3A_1426 : vector<512x256xi1>
    %or3A_1428 = arith.ori %gt3A_1424, %and3A_1427 : vector<512x256xi1>
    %eq3A_1429 = vector.broadcast %ne3A_1405 : vector<512x1xi1> to vector<512x256xi1>
    %eq3A_1430 = vector.broadcast %eq3A_1429 : vector<512x256xi1> to vector<512x256xi1>
    %eq3A_1431 = arith.xori %or3A_1428, %eq3A_1430 : vector<512x256xi1>
    %eq3A_1432 = arith.constant dense<true> : vector<512x256xi1>
    %eq3A_1433 = arith.xori %eq3A_1431, %eq3A_1432 : vector<512x256xi1>
    %select_n3A_1434 = arith.select %eq3A_1433, %select_n3A_1385, %select_n3A_1423 : vector<512x256xi1>, vector<512x256xi32>
    %select_n3A_1435 = arith.select %eq3A_1433, %select_n3A_1386, %select_n3A_1414 : vector<512x256xi1>, vector<512x256xf32>
    %shift_right_arithmetic3A_1436 = arith.constant 0 : i32
    %shift_right_arithmetic3A_1437 = vector.broadcast %shift_right_arithmetic3A_1436 : i32 to vector<512x1xi32>
    %shift_right_arithmetic3A_1438 = arith.shrsi %iota3A_2, %shift_right_arithmetic3A_1437 : vector<512x1xi32>
    %and3A_1439 = arith.constant 1 : i32
    %and3A_1440 = vector.broadcast %and3A_1439 : i32 to vector<512x1xi32>
    %and3A_1441 = arith.andi %shift_right_arithmetic3A_1438, %and3A_1440 : vector<512x1xi32>
    %eq3A_1442 = arith.constant 1 : i32
    %eq3A_1443 = vector.broadcast %eq3A_1442 : i32 to vector<512x1xi32>
    %eq3A_1444 = arith.cmpi eq, %and3A_1441, %eq3A_1443 : vector<512x1xi32>
    %shift_right_arithmetic3A_1445 = arith.constant 8 : i32
    %shift_right_arithmetic3A_1446 = vector.broadcast %shift_right_arithmetic3A_1445 : i32 to vector<512x1xi32>
    %shift_right_arithmetic3A_1447 = arith.shrsi %iota3A_2, %shift_right_arithmetic3A_1446 : vector<512x1xi32>
    %and3A_1448 = arith.constant 1 : i32
    %and3A_1449 = vector.broadcast %and3A_1448 : i32 to vector<512x1xi32>
    %and3A_1450 = arith.andi %shift_right_arithmetic3A_1447, %and3A_1449 : vector<512x1xi32>
    %eq3A_1451 = arith.constant 1 : i32
    %eq3A_1452 = vector.broadcast %eq3A_1451 : i32 to vector<512x1xi32>
    %eq3A_1453 = arith.cmpi eq, %and3A_1450, %eq3A_1452 : vector<512x1xi32>
    %ne3A_1454 = arith.xori %eq3A_1444, %eq3A_1453 : vector<512x1xi1>
    %slice3A_1455 = vector.extract_strided_slice %select_n3A_1435 {offsets = [511, 0], sizes = [1, 256], strides = [1, 1]} : vector<512x256xf32> to vector<1x256xf32>
    %slice3A_1456 = vector.extract_strided_slice %select_n3A_1435 {offsets = [0, 0], sizes = [511, 256], strides = [1, 1]} : vector<512x256xf32> to vector<511x256xf32>
    %concatenate3A_1457 = tpu.concatenate %slice3A_1455, %slice3A_1456 in 0 : vector<1x256xf32>, vector<511x256xf32> -> vector<512x256xf32>
    %slice3A_1458 = vector.extract_strided_slice %select_n3A_1435 {offsets = [1, 0], sizes = [511, 256], strides = [1, 1]} : vector<512x256xf32> to vector<511x256xf32>
    %slice3A_1459 = vector.extract_strided_slice %select_n3A_1435 {offsets = [0, 0], sizes = [1, 256], strides = [1, 1]} : vector<512x256xf32> to vector<1x256xf32>
    %concatenate3A_1460 = tpu.concatenate %slice3A_1458, %slice3A_1459 in 0 : vector<511x256xf32>, vector<1x256xf32> -> vector<512x256xf32>
    %broadcast_in_dim3A_1461 = vector.shape_cast %eq3A_1444 : vector<512x1xi1> to vector<512x1xi1>
    %broadcast_in_dim3A_1462 = vector.broadcast %broadcast_in_dim3A_1461 : vector<512x1xi1> to vector<512x256xi1>
    %select_n3A_1463 = arith.select %broadcast_in_dim3A_1462, %concatenate3A_1457, %concatenate3A_1460 : vector<512x256xi1>, vector<512x256xf32>
    %slice3A_1464 = vector.extract_strided_slice %select_n3A_1434 {offsets = [511, 0], sizes = [1, 256], strides = [1, 1]} : vector<512x256xi32> to vector<1x256xi32>
    %slice3A_1465 = vector.extract_strided_slice %select_n3A_1434 {offsets = [0, 0], sizes = [511, 256], strides = [1, 1]} : vector<512x256xi32> to vector<511x256xi32>
    %concatenate3A_1466 = tpu.concatenate %slice3A_1464, %slice3A_1465 in 0 : vector<1x256xi32>, vector<511x256xi32> -> vector<512x256xi32>
    %slice3A_1467 = vector.extract_strided_slice %select_n3A_1434 {offsets = [1, 0], sizes = [511, 256], strides = [1, 1]} : vector<512x256xi32> to vector<511x256xi32>
    %slice3A_1468 = vector.extract_strided_slice %select_n3A_1434 {offsets = [0, 0], sizes = [1, 256], strides = [1, 1]} : vector<512x256xi32> to vector<1x256xi32>
    %concatenate3A_1469 = tpu.concatenate %slice3A_1467, %slice3A_1468 in 0 : vector<511x256xi32>, vector<1x256xi32> -> vector<512x256xi32>
    %broadcast_in_dim3A_1470 = vector.shape_cast %eq3A_1444 : vector<512x1xi1> to vector<512x1xi1>
    %broadcast_in_dim3A_1471 = vector.broadcast %broadcast_in_dim3A_1470 : vector<512x1xi1> to vector<512x256xi1>
    %select_n3A_1472 = arith.select %broadcast_in_dim3A_1471, %concatenate3A_1466, %concatenate3A_1469 : vector<512x256xi1>, vector<512x256xi32>
    %gt3A_1473 = arith.cmpf ogt, %select_n3A_1435, %select_n3A_1463 : vector<512x256xf32>
    %eq3A_1474 = arith.cmpf oeq, %select_n3A_1435, %select_n3A_1463 : vector<512x256xf32>
    %gt3A_1475 = arith.cmpi sgt, %select_n3A_1434, %select_n3A_1472 : vector<512x256xi32>
    %and3A_1476 = arith.andi %eq3A_1474, %gt3A_1475 : vector<512x256xi1>
    %or3A_1477 = arith.ori %gt3A_1473, %and3A_1476 : vector<512x256xi1>
    %eq3A_1478 = vector.broadcast %ne3A_1454 : vector<512x1xi1> to vector<512x256xi1>
    %eq3A_1479 = vector.broadcast %eq3A_1478 : vector<512x256xi1> to vector<512x256xi1>
    %eq3A_1480 = arith.xori %or3A_1477, %eq3A_1479 : vector<512x256xi1>
    %eq3A_1481 = arith.constant dense<true> : vector<512x256xi1>
    %eq3A_1482 = arith.xori %eq3A_1480, %eq3A_1481 : vector<512x256xi1>
    %select_n3A_1483 = arith.select %eq3A_1482, %select_n3A_1434, %select_n3A_1472 : vector<512x256xi1>, vector<512x256xi32>
    %select_n3A_1484 = arith.select %eq3A_1482, %select_n3A_1435, %select_n3A_1463 : vector<512x256xi1>, vector<512x256xf32>
    %reshape3A_1485 = vector.shape_cast %select_n3A_1484 : vector<512x256xf32> to vector<1x512x256xf32>
    %reshape3A_1486 = vector.shape_cast %select_n3A_1483 : vector<512x256xi32> to vector<1x512x256xi32>
    %slice3A_1487 = vector.extract_strided_slice %reshape3A_1485 {offsets = [0, 0, 0], sizes = [1, 256, 256], strides = [1, 1, 1]} : vector<1x512x256xf32> to vector<1x256x256xf32>
    %slice3A_1488 = vector.extract_strided_slice %reshape3A_1485 {offsets = [0, 256, 0], sizes = [1, 256, 256], strides = [1, 1, 1]} : vector<1x512x256xf32> to vector<1x256x256xf32>
    %slice3A_1489 = vector.extract_strided_slice %reshape3A_1486 {offsets = [0, 0, 0], sizes = [1, 256, 256], strides = [1, 1, 1]} : vector<1x512x256xi32> to vector<1x256x256xi32>
    %slice3A_1490 = vector.extract_strided_slice %reshape3A_1486 {offsets = [0, 256, 0], sizes = [1, 256, 256], strides = [1, 1, 1]} : vector<1x512x256xi32> to vector<1x256x256xi32>
    %iota3A_1491 = tpu.iota {dimensions = array<i32: 0>} : vector<1x1x1xi32>
    %shift_right_arithmetic3A_1492 = arith.constant 0 : i32
    %shift_right_arithmetic3A_1493 = vector.broadcast %shift_right_arithmetic3A_1492 : i32 to vector<1x1x1xi32>
    %shift_right_arithmetic3A_1494 = arith.shrsi %iota3A_1491, %shift_right_arithmetic3A_1493 : vector<1x1x1xi32>
    %and3A_1495 = arith.constant 1 : i32
    %and3A_1496 = vector.broadcast %and3A_1495 : i32 to vector<1x1x1xi32>
    %and3A_1497 = arith.andi %shift_right_arithmetic3A_1494, %and3A_1496 : vector<1x1x1xi32>
    %eq3A_1498 = arith.constant 1 : i32
    %eq3A_1499 = vector.broadcast %eq3A_1498 : i32 to vector<1x1x1xi32>
    %eq3A_1500 = arith.cmpi eq, %and3A_1497, %eq3A_1499 : vector<1x1x1xi32>
    %gt3A_1501 = arith.cmpf ogt, %slice3A_1487, %slice3A_1488 : vector<1x256x256xf32>
    %eq3A_1502 = arith.cmpf oeq, %slice3A_1487, %slice3A_1488 : vector<1x256x256xf32>
    %gt3A_1503 = arith.cmpi sgt, %slice3A_1489, %slice3A_1490 : vector<1x256x256xi32>
    %and3A_1504 = arith.andi %eq3A_1502, %gt3A_1503 : vector<1x256x256xi1>
    %or3A_1505 = arith.ori %gt3A_1501, %and3A_1504 : vector<1x256x256xi1>
    %xor3A_1506 = vector.broadcast %eq3A_1500 : vector<1x1x1xi1> to vector<1x256x256xi1>
    %xor3A_1507 = arith.xori %or3A_1505, %xor3A_1506 : vector<1x256x256xi1>
    %select_n3A_1508 = arith.select %xor3A_1507, %slice3A_1490, %slice3A_1489 : vector<1x256x256xi1>, vector<1x256x256xi32>
    %select_n3A_1509 = arith.select %xor3A_1507, %slice3A_1489, %slice3A_1490 : vector<1x256x256xi1>, vector<1x256x256xi32>
    %concatenate3A_1510 = tpu.concatenate %select_n3A_1508, %select_n3A_1509 in 1 : vector<1x256x256xi32>, vector<1x256x256xi32> -> vector<1x512x256xi32>
    %reshape3A_1511 = vector.shape_cast %concatenate3A_1510 : vector<1x512x256xi32> to vector<512x256xi32>
    %select_n3A_1512 = arith.select %xor3A_1507, %slice3A_1488, %slice3A_1487 : vector<1x256x256xi1>, vector<1x256x256xf32>
    %select_n3A_1513 = arith.select %xor3A_1507, %slice3A_1487, %slice3A_1488 : vector<1x256x256xi1>, vector<1x256x256xf32>
    %concatenate3A_1514 = tpu.concatenate %select_n3A_1512, %select_n3A_1513 in 1 : vector<1x256x256xf32>, vector<1x256x256xf32> -> vector<1x512x256xf32>
    %reshape3A_1515 = vector.shape_cast %concatenate3A_1514 : vector<1x512x256xf32> to vector<512x256xf32>
    %reshape3A_1516 = vector.shape_cast %reshape3A_1515 : vector<512x256xf32> to vector<2x256x256xf32>
    %reshape3A_1517 = vector.shape_cast %reshape3A_1511 : vector<512x256xi32> to vector<2x256x256xi32>
    %slice3A_1518 = vector.extract_strided_slice %reshape3A_1516 {offsets = [0, 0, 0], sizes = [2, 128, 256], strides = [1, 1, 1]} : vector<2x256x256xf32> to vector<2x128x256xf32>
    %slice3A_1519 = vector.extract_strided_slice %reshape3A_1516 {offsets = [0, 128, 0], sizes = [2, 128, 256], strides = [1, 1, 1]} : vector<2x256x256xf32> to vector<2x128x256xf32>
    %slice3A_1520 = vector.extract_strided_slice %reshape3A_1517 {offsets = [0, 0, 0], sizes = [2, 128, 256], strides = [1, 1, 1]} : vector<2x256x256xi32> to vector<2x128x256xi32>
    %slice3A_1521 = vector.extract_strided_slice %reshape3A_1517 {offsets = [0, 128, 0], sizes = [2, 128, 256], strides = [1, 1, 1]} : vector<2x256x256xi32> to vector<2x128x256xi32>
    %iota3A_1522 = tpu.iota {dimensions = array<i32: 0>} : vector<2x1x1xi32>
    %shift_right_arithmetic3A_1523 = arith.constant 1 : i32
    %shift_right_arithmetic3A_1524 = vector.broadcast %shift_right_arithmetic3A_1523 : i32 to vector<2x1x1xi32>
    %shift_right_arithmetic3A_1525 = arith.shrsi %iota3A_1522, %shift_right_arithmetic3A_1524 : vector<2x1x1xi32>
    %and3A_1526 = arith.constant 1 : i32
    %and3A_1527 = vector.broadcast %and3A_1526 : i32 to vector<2x1x1xi32>
    %and3A_1528 = arith.andi %shift_right_arithmetic3A_1525, %and3A_1527 : vector<2x1x1xi32>
    %eq3A_1529 = arith.constant 1 : i32
    %eq3A_1530 = vector.broadcast %eq3A_1529 : i32 to vector<2x1x1xi32>
    %eq3A_1531 = arith.cmpi eq, %and3A_1528, %eq3A_1530 : vector<2x1x1xi32>
    %gt3A_1532 = arith.cmpf ogt, %slice3A_1518, %slice3A_1519 : vector<2x128x256xf32>
    %eq3A_1533 = arith.cmpf oeq, %slice3A_1518, %slice3A_1519 : vector<2x128x256xf32>
    %gt3A_1534 = arith.cmpi sgt, %slice3A_1520, %slice3A_1521 : vector<2x128x256xi32>
    %and3A_1535 = arith.andi %eq3A_1533, %gt3A_1534 : vector<2x128x256xi1>
    %or3A_1536 = arith.ori %gt3A_1532, %and3A_1535 : vector<2x128x256xi1>
    %xor3A_1537 = vector.broadcast %eq3A_1531 : vector<2x1x1xi1> to vector<2x128x256xi1>
    %xor3A_1538 = arith.xori %or3A_1536, %xor3A_1537 : vector<2x128x256xi1>
    %select_n3A_1539 = arith.select %xor3A_1538, %slice3A_1521, %slice3A_1520 : vector<2x128x256xi1>, vector<2x128x256xi32>
    %select_n3A_1540 = arith.select %xor3A_1538, %slice3A_1520, %slice3A_1521 : vector<2x128x256xi1>, vector<2x128x256xi32>
    %concatenate3A_1541 = tpu.concatenate %select_n3A_1539, %select_n3A_1540 in 1 : vector<2x128x256xi32>, vector<2x128x256xi32> -> vector<2x256x256xi32>
    %reshape3A_1542 = vector.shape_cast %concatenate3A_1541 : vector<2x256x256xi32> to vector<512x256xi32>
    %select_n3A_1543 = arith.select %xor3A_1538, %slice3A_1519, %slice3A_1518 : vector<2x128x256xi1>, vector<2x128x256xf32>
    %select_n3A_1544 = arith.select %xor3A_1538, %slice3A_1518, %slice3A_1519 : vector<2x128x256xi1>, vector<2x128x256xf32>
    %concatenate3A_1545 = tpu.concatenate %select_n3A_1543, %select_n3A_1544 in 1 : vector<2x128x256xf32>, vector<2x128x256xf32> -> vector<2x256x256xf32>
    %reshape3A_1546 = vector.shape_cast %concatenate3A_1545 : vector<2x256x256xf32> to vector<512x256xf32>
    %reshape3A_1547 = vector.shape_cast %reshape3A_1546 : vector<512x256xf32> to vector<4x128x256xf32>
    %reshape3A_1548 = vector.shape_cast %reshape3A_1542 : vector<512x256xi32> to vector<4x128x256xi32>
    %slice3A_1549 = vector.extract_strided_slice %reshape3A_1547 {offsets = [0, 0, 0], sizes = [4, 64, 256], strides = [1, 1, 1]} : vector<4x128x256xf32> to vector<4x64x256xf32>
    %slice3A_1550 = vector.extract_strided_slice %reshape3A_1547 {offsets = [0, 64, 0], sizes = [4, 64, 256], strides = [1, 1, 1]} : vector<4x128x256xf32> to vector<4x64x256xf32>
    %slice3A_1551 = vector.extract_strided_slice %reshape3A_1548 {offsets = [0, 0, 0], sizes = [4, 64, 256], strides = [1, 1, 1]} : vector<4x128x256xi32> to vector<4x64x256xi32>
    %slice3A_1552 = vector.extract_strided_slice %reshape3A_1548 {offsets = [0, 64, 0], sizes = [4, 64, 256], strides = [1, 1, 1]} : vector<4x128x256xi32> to vector<4x64x256xi32>
    %iota3A_1553 = tpu.iota {dimensions = array<i32: 0>} : vector<4x1x1xi32>
    %shift_right_arithmetic3A_1554 = arith.constant 2 : i32
    %shift_right_arithmetic3A_1555 = vector.broadcast %shift_right_arithmetic3A_1554 : i32 to vector<4x1x1xi32>
    %shift_right_arithmetic3A_1556 = arith.shrsi %iota3A_1553, %shift_right_arithmetic3A_1555 : vector<4x1x1xi32>
    %and3A_1557 = arith.constant 1 : i32
    %and3A_1558 = vector.broadcast %and3A_1557 : i32 to vector<4x1x1xi32>
    %and3A_1559 = arith.andi %shift_right_arithmetic3A_1556, %and3A_1558 : vector<4x1x1xi32>
    %eq3A_1560 = arith.constant 1 : i32
    %eq3A_1561 = vector.broadcast %eq3A_1560 : i32 to vector<4x1x1xi32>
    %eq3A_1562 = arith.cmpi eq, %and3A_1559, %eq3A_1561 : vector<4x1x1xi32>
    %gt3A_1563 = arith.cmpf ogt, %slice3A_1549, %slice3A_1550 : vector<4x64x256xf32>
    %eq3A_1564 = arith.cmpf oeq, %slice3A_1549, %slice3A_1550 : vector<4x64x256xf32>
    %gt3A_1565 = arith.cmpi sgt, %slice3A_1551, %slice3A_1552 : vector<4x64x256xi32>
    %and3A_1566 = arith.andi %eq3A_1564, %gt3A_1565 : vector<4x64x256xi1>
    %or3A_1567 = arith.ori %gt3A_1563, %and3A_1566 : vector<4x64x256xi1>
    %xor3A_1568 = vector.broadcast %eq3A_1562 : vector<4x1x1xi1> to vector<4x64x256xi1>
    %xor3A_1569 = arith.xori %or3A_1567, %xor3A_1568 : vector<4x64x256xi1>
    %select_n3A_1570 = arith.select %xor3A_1569, %slice3A_1552, %slice3A_1551 : vector<4x64x256xi1>, vector<4x64x256xi32>
    %select_n3A_1571 = arith.select %xor3A_1569, %slice3A_1551, %slice3A_1552 : vector<4x64x256xi1>, vector<4x64x256xi32>
    %concatenate3A_1572 = tpu.concatenate %select_n3A_1570, %select_n3A_1571 in 1 : vector<4x64x256xi32>, vector<4x64x256xi32> -> vector<4x128x256xi32>
    %reshape3A_1573 = vector.shape_cast %concatenate3A_1572 : vector<4x128x256xi32> to vector<512x256xi32>
    %select_n3A_1574 = arith.select %xor3A_1569, %slice3A_1550, %slice3A_1549 : vector<4x64x256xi1>, vector<4x64x256xf32>
    %select_n3A_1575 = arith.select %xor3A_1569, %slice3A_1549, %slice3A_1550 : vector<4x64x256xi1>, vector<4x64x256xf32>
    %concatenate3A_1576 = tpu.concatenate %select_n3A_1574, %select_n3A_1575 in 1 : vector<4x64x256xf32>, vector<4x64x256xf32> -> vector<4x128x256xf32>
    %reshape3A_1577 = vector.shape_cast %concatenate3A_1576 : vector<4x128x256xf32> to vector<512x256xf32>
    %reshape3A_1578 = vector.shape_cast %reshape3A_1577 : vector<512x256xf32> to vector<8x64x256xf32>
    %reshape3A_1579 = vector.shape_cast %reshape3A_1573 : vector<512x256xi32> to vector<8x64x256xi32>
    %slice3A_1580 = vector.extract_strided_slice %reshape3A_1578 {offsets = [0, 0, 0], sizes = [8, 32, 256], strides = [1, 1, 1]} : vector<8x64x256xf32> to vector<8x32x256xf32>
    %slice3A_1581 = vector.extract_strided_slice %reshape3A_1578 {offsets = [0, 32, 0], sizes = [8, 32, 256], strides = [1, 1, 1]} : vector<8x64x256xf32> to vector<8x32x256xf32>
    %slice3A_1582 = vector.extract_strided_slice %reshape3A_1579 {offsets = [0, 0, 0], sizes = [8, 32, 256], strides = [1, 1, 1]} : vector<8x64x256xi32> to vector<8x32x256xi32>
    %slice3A_1583 = vector.extract_strided_slice %reshape3A_1579 {offsets = [0, 32, 0], sizes = [8, 32, 256], strides = [1, 1, 1]} : vector<8x64x256xi32> to vector<8x32x256xi32>
    %iota3A_1584 = tpu.iota {dimensions = array<i32: 0>} : vector<8x1x1xi32>
    %shift_right_arithmetic3A_1585 = arith.constant 3 : i32
    %shift_right_arithmetic3A_1586 = vector.broadcast %shift_right_arithmetic3A_1585 : i32 to vector<8x1x1xi32>
    %shift_right_arithmetic3A_1587 = arith.shrsi %iota3A_1584, %shift_right_arithmetic3A_1586 : vector<8x1x1xi32>
    %and3A_1588 = arith.constant 1 : i32
    %and3A_1589 = vector.broadcast %and3A_1588 : i32 to vector<8x1x1xi32>
    %and3A_1590 = arith.andi %shift_right_arithmetic3A_1587, %and3A_1589 : vector<8x1x1xi32>
    %eq3A_1591 = arith.constant 1 : i32
    %eq3A_1592 = vector.broadcast %eq3A_1591 : i32 to vector<8x1x1xi32>
    %eq3A_1593 = arith.cmpi eq, %and3A_1590, %eq3A_1592 : vector<8x1x1xi32>
    %gt3A_1594 = arith.cmpf ogt, %slice3A_1580, %slice3A_1581 : vector<8x32x256xf32>
    %eq3A_1595 = arith.cmpf oeq, %slice3A_1580, %slice3A_1581 : vector<8x32x256xf32>
    %gt3A_1596 = arith.cmpi sgt, %slice3A_1582, %slice3A_1583 : vector<8x32x256xi32>
    %and3A_1597 = arith.andi %eq3A_1595, %gt3A_1596 : vector<8x32x256xi1>
    %or3A_1598 = arith.ori %gt3A_1594, %and3A_1597 : vector<8x32x256xi1>
    %xor3A_1599 = vector.broadcast %eq3A_1593 : vector<8x1x1xi1> to vector<8x32x256xi1>
    %xor3A_1600 = arith.xori %or3A_1598, %xor3A_1599 : vector<8x32x256xi1>
    %select_n3A_1601 = arith.select %xor3A_1600, %slice3A_1583, %slice3A_1582 : vector<8x32x256xi1>, vector<8x32x256xi32>
    %select_n3A_1602 = arith.select %xor3A_1600, %slice3A_1582, %slice3A_1583 : vector<8x32x256xi1>, vector<8x32x256xi32>
    %concatenate3A_1603 = tpu.concatenate %select_n3A_1601, %select_n3A_1602 in 1 : vector<8x32x256xi32>, vector<8x32x256xi32> -> vector<8x64x256xi32>
    %reshape3A_1604 = vector.shape_cast %concatenate3A_1603 : vector<8x64x256xi32> to vector<512x256xi32>
    %select_n3A_1605 = arith.select %xor3A_1600, %slice3A_1581, %slice3A_1580 : vector<8x32x256xi1>, vector<8x32x256xf32>
    %select_n3A_1606 = arith.select %xor3A_1600, %slice3A_1580, %slice3A_1581 : vector<8x32x256xi1>, vector<8x32x256xf32>
    %concatenate3A_1607 = tpu.concatenate %select_n3A_1605, %select_n3A_1606 in 1 : vector<8x32x256xf32>, vector<8x32x256xf32> -> vector<8x64x256xf32>
    %reshape3A_1608 = vector.shape_cast %concatenate3A_1607 : vector<8x64x256xf32> to vector<512x256xf32>
    %reshape3A_1609 = vector.shape_cast %reshape3A_1608 : vector<512x256xf32> to vector<16x32x256xf32>
    %reshape3A_1610 = vector.shape_cast %reshape3A_1604 : vector<512x256xi32> to vector<16x32x256xi32>
    %slice3A_1611 = vector.extract_strided_slice %reshape3A_1609 {offsets = [0, 0, 0], sizes = [16, 16, 256], strides = [1, 1, 1]} : vector<16x32x256xf32> to vector<16x16x256xf32>
    %slice3A_1612 = vector.extract_strided_slice %reshape3A_1609 {offsets = [0, 16, 0], sizes = [16, 16, 256], strides = [1, 1, 1]} : vector<16x32x256xf32> to vector<16x16x256xf32>
    %slice3A_1613 = vector.extract_strided_slice %reshape3A_1610 {offsets = [0, 0, 0], sizes = [16, 16, 256], strides = [1, 1, 1]} : vector<16x32x256xi32> to vector<16x16x256xi32>
    %slice3A_1614 = vector.extract_strided_slice %reshape3A_1610 {offsets = [0, 16, 0], sizes = [16, 16, 256], strides = [1, 1, 1]} : vector<16x32x256xi32> to vector<16x16x256xi32>
    %iota3A_1615 = tpu.iota {dimensions = array<i32: 0>} : vector<16x1x1xi32>
    %shift_right_arithmetic3A_1616 = arith.constant 4 : i32
    %shift_right_arithmetic3A_1617 = vector.broadcast %shift_right_arithmetic3A_1616 : i32 to vector<16x1x1xi32>
    %shift_right_arithmetic3A_1618 = arith.shrsi %iota3A_1615, %shift_right_arithmetic3A_1617 : vector<16x1x1xi32>
    %and3A_1619 = arith.constant 1 : i32
    %and3A_1620 = vector.broadcast %and3A_1619 : i32 to vector<16x1x1xi32>
    %and3A_1621 = arith.andi %shift_right_arithmetic3A_1618, %and3A_1620 : vector<16x1x1xi32>
    %eq3A_1622 = arith.constant 1 : i32
    %eq3A_1623 = vector.broadcast %eq3A_1622 : i32 to vector<16x1x1xi32>
    %eq3A_1624 = arith.cmpi eq, %and3A_1621, %eq3A_1623 : vector<16x1x1xi32>
    %gt3A_1625 = arith.cmpf ogt, %slice3A_1611, %slice3A_1612 : vector<16x16x256xf32>
    %eq3A_1626 = arith.cmpf oeq, %slice3A_1611, %slice3A_1612 : vector<16x16x256xf32>
    %gt3A_1627 = arith.cmpi sgt, %slice3A_1613, %slice3A_1614 : vector<16x16x256xi32>
    %and3A_1628 = arith.andi %eq3A_1626, %gt3A_1627 : vector<16x16x256xi1>
    %or3A_1629 = arith.ori %gt3A_1625, %and3A_1628 : vector<16x16x256xi1>
    %xor3A_1630 = vector.broadcast %eq3A_1624 : vector<16x1x1xi1> to vector<16x16x256xi1>
    %xor3A_1631 = arith.xori %or3A_1629, %xor3A_1630 : vector<16x16x256xi1>
    %select_n3A_1632 = arith.select %xor3A_1631, %slice3A_1614, %slice3A_1613 : vector<16x16x256xi1>, vector<16x16x256xi32>
    %select_n3A_1633 = arith.select %xor3A_1631, %slice3A_1613, %slice3A_1614 : vector<16x16x256xi1>, vector<16x16x256xi32>
    %concatenate3A_1634 = tpu.concatenate %select_n3A_1632, %select_n3A_1633 in 1 : vector<16x16x256xi32>, vector<16x16x256xi32> -> vector<16x32x256xi32>
    %reshape3A_1635 = vector.shape_cast %concatenate3A_1634 : vector<16x32x256xi32> to vector<512x256xi32>
    %select_n3A_1636 = arith.select %xor3A_1631, %slice3A_1612, %slice3A_1611 : vector<16x16x256xi1>, vector<16x16x256xf32>
    %select_n3A_1637 = arith.select %xor3A_1631, %slice3A_1611, %slice3A_1612 : vector<16x16x256xi1>, vector<16x16x256xf32>
    %concatenate3A_1638 = tpu.concatenate %select_n3A_1636, %select_n3A_1637 in 1 : vector<16x16x256xf32>, vector<16x16x256xf32> -> vector<16x32x256xf32>
    %reshape3A_1639 = vector.shape_cast %concatenate3A_1638 : vector<16x32x256xf32> to vector<512x256xf32>
    %reshape3A_1640 = vector.shape_cast %reshape3A_1639 : vector<512x256xf32> to vector<32x16x256xf32>
    %reshape3A_1641 = vector.shape_cast %reshape3A_1635 : vector<512x256xi32> to vector<32x16x256xi32>
    %slice3A_1642 = vector.extract_strided_slice %reshape3A_1640 {offsets = [0, 0, 0], sizes = [32, 8, 256], strides = [1, 1, 1]} : vector<32x16x256xf32> to vector<32x8x256xf32>
    %slice3A_1643 = vector.extract_strided_slice %reshape3A_1640 {offsets = [0, 8, 0], sizes = [32, 8, 256], strides = [1, 1, 1]} : vector<32x16x256xf32> to vector<32x8x256xf32>
    %slice3A_1644 = vector.extract_strided_slice %reshape3A_1641 {offsets = [0, 0, 0], sizes = [32, 8, 256], strides = [1, 1, 1]} : vector<32x16x256xi32> to vector<32x8x256xi32>
    %slice3A_1645 = vector.extract_strided_slice %reshape3A_1641 {offsets = [0, 8, 0], sizes = [32, 8, 256], strides = [1, 1, 1]} : vector<32x16x256xi32> to vector<32x8x256xi32>
    %iota3A_1646 = tpu.iota {dimensions = array<i32: 0>} : vector<32x1x1xi32>
    %shift_right_arithmetic3A_1647 = arith.constant 5 : i32
    %shift_right_arithmetic3A_1648 = vector.broadcast %shift_right_arithmetic3A_1647 : i32 to vector<32x1x1xi32>
    %shift_right_arithmetic3A_1649 = arith.shrsi %iota3A_1646, %shift_right_arithmetic3A_1648 : vector<32x1x1xi32>
    %and3A_1650 = arith.constant 1 : i32
    %and3A_1651 = vector.broadcast %and3A_1650 : i32 to vector<32x1x1xi32>
    %and3A_1652 = arith.andi %shift_right_arithmetic3A_1649, %and3A_1651 : vector<32x1x1xi32>
    %eq3A_1653 = arith.constant 1 : i32
    %eq3A_1654 = vector.broadcast %eq3A_1653 : i32 to vector<32x1x1xi32>
    %eq3A_1655 = arith.cmpi eq, %and3A_1652, %eq3A_1654 : vector<32x1x1xi32>
    %gt3A_1656 = arith.cmpf ogt, %slice3A_1642, %slice3A_1643 : vector<32x8x256xf32>
    %eq3A_1657 = arith.cmpf oeq, %slice3A_1642, %slice3A_1643 : vector<32x8x256xf32>
    %gt3A_1658 = arith.cmpi sgt, %slice3A_1644, %slice3A_1645 : vector<32x8x256xi32>
    %and3A_1659 = arith.andi %eq3A_1657, %gt3A_1658 : vector<32x8x256xi1>
    %or3A_1660 = arith.ori %gt3A_1656, %and3A_1659 : vector<32x8x256xi1>
    %xor3A_1661 = vector.broadcast %eq3A_1655 : vector<32x1x1xi1> to vector<32x8x256xi1>
    %xor3A_1662 = arith.xori %or3A_1660, %xor3A_1661 : vector<32x8x256xi1>
    %select_n3A_1663 = arith.select %xor3A_1662, %slice3A_1645, %slice3A_1644 : vector<32x8x256xi1>, vector<32x8x256xi32>
    %select_n3A_1664 = arith.select %xor3A_1662, %slice3A_1644, %slice3A_1645 : vector<32x8x256xi1>, vector<32x8x256xi32>
    %concatenate3A_1665 = tpu.concatenate %select_n3A_1663, %select_n3A_1664 in 1 : vector<32x8x256xi32>, vector<32x8x256xi32> -> vector<32x16x256xi32>
    %reshape3A_1666 = vector.shape_cast %concatenate3A_1665 : vector<32x16x256xi32> to vector<512x256xi32>
    %select_n3A_1667 = arith.select %xor3A_1662, %slice3A_1643, %slice3A_1642 : vector<32x8x256xi1>, vector<32x8x256xf32>
    %select_n3A_1668 = arith.select %xor3A_1662, %slice3A_1642, %slice3A_1643 : vector<32x8x256xi1>, vector<32x8x256xf32>
    %concatenate3A_1669 = tpu.concatenate %select_n3A_1667, %select_n3A_1668 in 1 : vector<32x8x256xf32>, vector<32x8x256xf32> -> vector<32x16x256xf32>
    %reshape3A_1670 = vector.shape_cast %concatenate3A_1669 : vector<32x16x256xf32> to vector<512x256xf32>
    %shift_right_arithmetic3A_1671 = arith.constant 2 : i32
    %shift_right_arithmetic3A_1672 = vector.broadcast %shift_right_arithmetic3A_1671 : i32 to vector<512x1xi32>
    %shift_right_arithmetic3A_1673 = arith.shrsi %iota3A_2, %shift_right_arithmetic3A_1672 : vector<512x1xi32>
    %and3A_1674 = arith.constant 1 : i32
    %and3A_1675 = vector.broadcast %and3A_1674 : i32 to vector<512x1xi32>
    %and3A_1676 = arith.andi %shift_right_arithmetic3A_1673, %and3A_1675 : vector<512x1xi32>
    %eq3A_1677 = arith.constant 1 : i32
    %eq3A_1678 = vector.broadcast %eq3A_1677 : i32 to vector<512x1xi32>
    %eq3A_1679 = arith.cmpi eq, %and3A_1676, %eq3A_1678 : vector<512x1xi32>
    %shift_right_arithmetic3A_1680 = arith.constant 9 : i32
    %shift_right_arithmetic3A_1681 = vector.broadcast %shift_right_arithmetic3A_1680 : i32 to vector<512x1xi32>
    %shift_right_arithmetic3A_1682 = arith.shrsi %iota3A_2, %shift_right_arithmetic3A_1681 : vector<512x1xi32>
    %and3A_1683 = arith.constant 1 : i32
    %and3A_1684 = vector.broadcast %and3A_1683 : i32 to vector<512x1xi32>
    %and3A_1685 = arith.andi %shift_right_arithmetic3A_1682, %and3A_1684 : vector<512x1xi32>
    %eq3A_1686 = arith.constant 1 : i32
    %eq3A_1687 = vector.broadcast %eq3A_1686 : i32 to vector<512x1xi32>
    %eq3A_1688 = arith.cmpi eq, %and3A_1685, %eq3A_1687 : vector<512x1xi32>
    %ne3A_1689 = arith.xori %eq3A_1679, %eq3A_1688 : vector<512x1xi1>
    %slice3A_1690 = vector.extract_strided_slice %reshape3A_1670 {offsets = [508, 0], sizes = [4, 256], strides = [1, 1]} : vector<512x256xf32> to vector<4x256xf32>
    %slice3A_1691 = vector.extract_strided_slice %reshape3A_1670 {offsets = [0, 0], sizes = [508, 256], strides = [1, 1]} : vector<512x256xf32> to vector<508x256xf32>
    %concatenate3A_1692 = tpu.concatenate %slice3A_1690, %slice3A_1691 in 0 : vector<4x256xf32>, vector<508x256xf32> -> vector<512x256xf32>
    %slice3A_1693 = vector.extract_strided_slice %reshape3A_1670 {offsets = [4, 0], sizes = [508, 256], strides = [1, 1]} : vector<512x256xf32> to vector<508x256xf32>
    %slice3A_1694 = vector.extract_strided_slice %reshape3A_1670 {offsets = [0, 0], sizes = [4, 256], strides = [1, 1]} : vector<512x256xf32> to vector<4x256xf32>
    %concatenate3A_1695 = tpu.concatenate %slice3A_1693, %slice3A_1694 in 0 : vector<508x256xf32>, vector<4x256xf32> -> vector<512x256xf32>
    %broadcast_in_dim3A_1696 = vector.shape_cast %eq3A_1679 : vector<512x1xi1> to vector<512x1xi1>
    %broadcast_in_dim3A_1697 = vector.broadcast %broadcast_in_dim3A_1696 : vector<512x1xi1> to vector<512x256xi1>
    %select_n3A_1698 = arith.select %broadcast_in_dim3A_1697, %concatenate3A_1692, %concatenate3A_1695 : vector<512x256xi1>, vector<512x256xf32>
    %slice3A_1699 = vector.extract_strided_slice %reshape3A_1666 {offsets = [508, 0], sizes = [4, 256], strides = [1, 1]} : vector<512x256xi32> to vector<4x256xi32>
    %slice3A_1700 = vector.extract_strided_slice %reshape3A_1666 {offsets = [0, 0], sizes = [508, 256], strides = [1, 1]} : vector<512x256xi32> to vector<508x256xi32>
    %concatenate3A_1701 = tpu.concatenate %slice3A_1699, %slice3A_1700 in 0 : vector<4x256xi32>, vector<508x256xi32> -> vector<512x256xi32>
    %slice3A_1702 = vector.extract_strided_slice %reshape3A_1666 {offsets = [4, 0], sizes = [508, 256], strides = [1, 1]} : vector<512x256xi32> to vector<508x256xi32>
    %slice3A_1703 = vector.extract_strided_slice %reshape3A_1666 {offsets = [0, 0], sizes = [4, 256], strides = [1, 1]} : vector<512x256xi32> to vector<4x256xi32>
    %concatenate3A_1704 = tpu.concatenate %slice3A_1702, %slice3A_1703 in 0 : vector<508x256xi32>, vector<4x256xi32> -> vector<512x256xi32>
    %broadcast_in_dim3A_1705 = vector.shape_cast %eq3A_1679 : vector<512x1xi1> to vector<512x1xi1>
    %broadcast_in_dim3A_1706 = vector.broadcast %broadcast_in_dim3A_1705 : vector<512x1xi1> to vector<512x256xi1>
    %select_n3A_1707 = arith.select %broadcast_in_dim3A_1706, %concatenate3A_1701, %concatenate3A_1704 : vector<512x256xi1>, vector<512x256xi32>
    %gt3A_1708 = arith.cmpf ogt, %reshape3A_1670, %select_n3A_1698 : vector<512x256xf32>
    %eq3A_1709 = arith.cmpf oeq, %reshape3A_1670, %select_n3A_1698 : vector<512x256xf32>
    %gt3A_1710 = arith.cmpi sgt, %reshape3A_1666, %select_n3A_1707 : vector<512x256xi32>
    %and3A_1711 = arith.andi %eq3A_1709, %gt3A_1710 : vector<512x256xi1>
    %or3A_1712 = arith.ori %gt3A_1708, %and3A_1711 : vector<512x256xi1>
    %eq3A_1713 = vector.broadcast %ne3A_1689 : vector<512x1xi1> to vector<512x256xi1>
    %eq3A_1714 = vector.broadcast %eq3A_1713 : vector<512x256xi1> to vector<512x256xi1>
    %eq3A_1715 = arith.xori %or3A_1712, %eq3A_1714 : vector<512x256xi1>
    %eq3A_1716 = arith.constant dense<true> : vector<512x256xi1>
    %eq3A_1717 = arith.xori %eq3A_1715, %eq3A_1716 : vector<512x256xi1>
    %select_n3A_1718 = arith.select %eq3A_1717, %reshape3A_1666, %select_n3A_1707 : vector<512x256xi1>, vector<512x256xi32>
    %select_n3A_1719 = arith.select %eq3A_1717, %reshape3A_1670, %select_n3A_1698 : vector<512x256xi1>, vector<512x256xf32>
    %shift_right_arithmetic3A_1720 = arith.constant 1 : i32
    %shift_right_arithmetic3A_1721 = vector.broadcast %shift_right_arithmetic3A_1720 : i32 to vector<512x1xi32>
    %shift_right_arithmetic3A_1722 = arith.shrsi %iota3A_2, %shift_right_arithmetic3A_1721 : vector<512x1xi32>
    %and3A_1723 = arith.constant 1 : i32
    %and3A_1724 = vector.broadcast %and3A_1723 : i32 to vector<512x1xi32>
    %and3A_1725 = arith.andi %shift_right_arithmetic3A_1722, %and3A_1724 : vector<512x1xi32>
    %eq3A_1726 = arith.constant 1 : i32
    %eq3A_1727 = vector.broadcast %eq3A_1726 : i32 to vector<512x1xi32>
    %eq3A_1728 = arith.cmpi eq, %and3A_1725, %eq3A_1727 : vector<512x1xi32>
    %shift_right_arithmetic3A_1729 = arith.constant 9 : i32
    %shift_right_arithmetic3A_1730 = vector.broadcast %shift_right_arithmetic3A_1729 : i32 to vector<512x1xi32>
    %shift_right_arithmetic3A_1731 = arith.shrsi %iota3A_2, %shift_right_arithmetic3A_1730 : vector<512x1xi32>
    %and3A_1732 = arith.constant 1 : i32
    %and3A_1733 = vector.broadcast %and3A_1732 : i32 to vector<512x1xi32>
    %and3A_1734 = arith.andi %shift_right_arithmetic3A_1731, %and3A_1733 : vector<512x1xi32>
    %eq3A_1735 = arith.constant 1 : i32
    %eq3A_1736 = vector.broadcast %eq3A_1735 : i32 to vector<512x1xi32>
    %eq3A_1737 = arith.cmpi eq, %and3A_1734, %eq3A_1736 : vector<512x1xi32>
    %ne3A_1738 = arith.xori %eq3A_1728, %eq3A_1737 : vector<512x1xi1>
    %slice3A_1739 = vector.extract_strided_slice %select_n3A_1719 {offsets = [510, 0], sizes = [2, 256], strides = [1, 1]} : vector<512x256xf32> to vector<2x256xf32>
    %slice3A_1740 = vector.extract_strided_slice %select_n3A_1719 {offsets = [0, 0], sizes = [510, 256], strides = [1, 1]} : vector<512x256xf32> to vector<510x256xf32>
    %concatenate3A_1741 = tpu.concatenate %slice3A_1739, %slice3A_1740 in 0 : vector<2x256xf32>, vector<510x256xf32> -> vector<512x256xf32>
    %slice3A_1742 = vector.extract_strided_slice %select_n3A_1719 {offsets = [2, 0], sizes = [510, 256], strides = [1, 1]} : vector<512x256xf32> to vector<510x256xf32>
    %slice3A_1743 = vector.extract_strided_slice %select_n3A_1719 {offsets = [0, 0], sizes = [2, 256], strides = [1, 1]} : vector<512x256xf32> to vector<2x256xf32>
    %concatenate3A_1744 = tpu.concatenate %slice3A_1742, %slice3A_1743 in 0 : vector<510x256xf32>, vector<2x256xf32> -> vector<512x256xf32>
    %broadcast_in_dim3A_1745 = vector.shape_cast %eq3A_1728 : vector<512x1xi1> to vector<512x1xi1>
    %broadcast_in_dim3A_1746 = vector.broadcast %broadcast_in_dim3A_1745 : vector<512x1xi1> to vector<512x256xi1>
    %select_n3A_1747 = arith.select %broadcast_in_dim3A_1746, %concatenate3A_1741, %concatenate3A_1744 : vector<512x256xi1>, vector<512x256xf32>
    %slice3A_1748 = vector.extract_strided_slice %select_n3A_1718 {offsets = [510, 0], sizes = [2, 256], strides = [1, 1]} : vector<512x256xi32> to vector<2x256xi32>
    %slice3A_1749 = vector.extract_strided_slice %select_n3A_1718 {offsets = [0, 0], sizes = [510, 256], strides = [1, 1]} : vector<512x256xi32> to vector<510x256xi32>
    %concatenate3A_1750 = tpu.concatenate %slice3A_1748, %slice3A_1749 in 0 : vector<2x256xi32>, vector<510x256xi32> -> vector<512x256xi32>
    %slice3A_1751 = vector.extract_strided_slice %select_n3A_1718 {offsets = [2, 0], sizes = [510, 256], strides = [1, 1]} : vector<512x256xi32> to vector<510x256xi32>
    %slice3A_1752 = vector.extract_strided_slice %select_n3A_1718 {offsets = [0, 0], sizes = [2, 256], strides = [1, 1]} : vector<512x256xi32> to vector<2x256xi32>
    %concatenate3A_1753 = tpu.concatenate %slice3A_1751, %slice3A_1752 in 0 : vector<510x256xi32>, vector<2x256xi32> -> vector<512x256xi32>
    %broadcast_in_dim3A_1754 = vector.shape_cast %eq3A_1728 : vector<512x1xi1> to vector<512x1xi1>
    %broadcast_in_dim3A_1755 = vector.broadcast %broadcast_in_dim3A_1754 : vector<512x1xi1> to vector<512x256xi1>
    %select_n3A_1756 = arith.select %broadcast_in_dim3A_1755, %concatenate3A_1750, %concatenate3A_1753 : vector<512x256xi1>, vector<512x256xi32>
    %gt3A_1757 = arith.cmpf ogt, %select_n3A_1719, %select_n3A_1747 : vector<512x256xf32>
    %eq3A_1758 = arith.cmpf oeq, %select_n3A_1719, %select_n3A_1747 : vector<512x256xf32>
    %gt3A_1759 = arith.cmpi sgt, %select_n3A_1718, %select_n3A_1756 : vector<512x256xi32>
    %and3A_1760 = arith.andi %eq3A_1758, %gt3A_1759 : vector<512x256xi1>
    %or3A_1761 = arith.ori %gt3A_1757, %and3A_1760 : vector<512x256xi1>
    %eq3A_1762 = vector.broadcast %ne3A_1738 : vector<512x1xi1> to vector<512x256xi1>
    %eq3A_1763 = vector.broadcast %eq3A_1762 : vector<512x256xi1> to vector<512x256xi1>
    %eq3A_1764 = arith.xori %or3A_1761, %eq3A_1763 : vector<512x256xi1>
    %eq3A_1765 = arith.constant dense<true> : vector<512x256xi1>
    %eq3A_1766 = arith.xori %eq3A_1764, %eq3A_1765 : vector<512x256xi1>
    %select_n3A_1767 = arith.select %eq3A_1766, %select_n3A_1718, %select_n3A_1756 : vector<512x256xi1>, vector<512x256xi32>
    %select_n3A_1768 = arith.select %eq3A_1766, %select_n3A_1719, %select_n3A_1747 : vector<512x256xi1>, vector<512x256xf32>
    %shift_right_arithmetic3A_1769 = arith.constant 0 : i32
    %shift_right_arithmetic3A_1770 = vector.broadcast %shift_right_arithmetic3A_1769 : i32 to vector<512x1xi32>
    %shift_right_arithmetic3A_1771 = arith.shrsi %iota3A_2, %shift_right_arithmetic3A_1770 : vector<512x1xi32>
    %and3A_1772 = arith.constant 1 : i32
    %and3A_1773 = vector.broadcast %and3A_1772 : i32 to vector<512x1xi32>
    %and3A_1774 = arith.andi %shift_right_arithmetic3A_1771, %and3A_1773 : vector<512x1xi32>
    %eq3A_1775 = arith.constant 1 : i32
    %eq3A_1776 = vector.broadcast %eq3A_1775 : i32 to vector<512x1xi32>
    %eq3A_1777 = arith.cmpi eq, %and3A_1774, %eq3A_1776 : vector<512x1xi32>
    %shift_right_arithmetic3A_1778 = arith.constant 9 : i32
    %shift_right_arithmetic3A_1779 = vector.broadcast %shift_right_arithmetic3A_1778 : i32 to vector<512x1xi32>
    %shift_right_arithmetic3A_1780 = arith.shrsi %iota3A_2, %shift_right_arithmetic3A_1779 : vector<512x1xi32>
    %and3A_1781 = arith.constant 1 : i32
    %and3A_1782 = vector.broadcast %and3A_1781 : i32 to vector<512x1xi32>
    %and3A_1783 = arith.andi %shift_right_arithmetic3A_1780, %and3A_1782 : vector<512x1xi32>
    %eq3A_1784 = arith.constant 1 : i32
    %eq3A_1785 = vector.broadcast %eq3A_1784 : i32 to vector<512x1xi32>
    %eq3A_1786 = arith.cmpi eq, %and3A_1783, %eq3A_1785 : vector<512x1xi32>
    %ne3A_1787 = arith.xori %eq3A_1777, %eq3A_1786 : vector<512x1xi1>
    %slice3A_1788 = vector.extract_strided_slice %select_n3A_1768 {offsets = [511, 0], sizes = [1, 256], strides = [1, 1]} : vector<512x256xf32> to vector<1x256xf32>
    %slice3A_1789 = vector.extract_strided_slice %select_n3A_1768 {offsets = [0, 0], sizes = [511, 256], strides = [1, 1]} : vector<512x256xf32> to vector<511x256xf32>
    %concatenate3A_1790 = tpu.concatenate %slice3A_1788, %slice3A_1789 in 0 : vector<1x256xf32>, vector<511x256xf32> -> vector<512x256xf32>
    %slice3A_1791 = vector.extract_strided_slice %select_n3A_1768 {offsets = [1, 0], sizes = [511, 256], strides = [1, 1]} : vector<512x256xf32> to vector<511x256xf32>
    %slice3A_1792 = vector.extract_strided_slice %select_n3A_1768 {offsets = [0, 0], sizes = [1, 256], strides = [1, 1]} : vector<512x256xf32> to vector<1x256xf32>
    %concatenate3A_1793 = tpu.concatenate %slice3A_1791, %slice3A_1792 in 0 : vector<511x256xf32>, vector<1x256xf32> -> vector<512x256xf32>
    %broadcast_in_dim3A_1794 = vector.shape_cast %eq3A_1777 : vector<512x1xi1> to vector<512x1xi1>
    %broadcast_in_dim3A_1795 = vector.broadcast %broadcast_in_dim3A_1794 : vector<512x1xi1> to vector<512x256xi1>
    %select_n3A_1796 = arith.select %broadcast_in_dim3A_1795, %concatenate3A_1790, %concatenate3A_1793 : vector<512x256xi1>, vector<512x256xf32>
    %slice3A_1797 = vector.extract_strided_slice %select_n3A_1767 {offsets = [511, 0], sizes = [1, 256], strides = [1, 1]} : vector<512x256xi32> to vector<1x256xi32>
    %slice3A_1798 = vector.extract_strided_slice %select_n3A_1767 {offsets = [0, 0], sizes = [511, 256], strides = [1, 1]} : vector<512x256xi32> to vector<511x256xi32>
    %concatenate3A_1799 = tpu.concatenate %slice3A_1797, %slice3A_1798 in 0 : vector<1x256xi32>, vector<511x256xi32> -> vector<512x256xi32>
    %slice3A_1800 = vector.extract_strided_slice %select_n3A_1767 {offsets = [1, 0], sizes = [511, 256], strides = [1, 1]} : vector<512x256xi32> to vector<511x256xi32>
    %slice3A_1801 = vector.extract_strided_slice %select_n3A_1767 {offsets = [0, 0], sizes = [1, 256], strides = [1, 1]} : vector<512x256xi32> to vector<1x256xi32>
    %concatenate3A_1802 = tpu.concatenate %slice3A_1800, %slice3A_1801 in 0 : vector<511x256xi32>, vector<1x256xi32> -> vector<512x256xi32>
    %broadcast_in_dim3A_1803 = vector.shape_cast %eq3A_1777 : vector<512x1xi1> to vector<512x1xi1>
    %broadcast_in_dim3A_1804 = vector.broadcast %broadcast_in_dim3A_1803 : vector<512x1xi1> to vector<512x256xi1>
    %select_n3A_1805 = arith.select %broadcast_in_dim3A_1804, %concatenate3A_1799, %concatenate3A_1802 : vector<512x256xi1>, vector<512x256xi32>
    %gt3A_1806 = arith.cmpf ogt, %select_n3A_1768, %select_n3A_1796 : vector<512x256xf32>
    %eq3A_1807 = arith.cmpf oeq, %select_n3A_1768, %select_n3A_1796 : vector<512x256xf32>
    %gt3A_1808 = arith.cmpi sgt, %select_n3A_1767, %select_n3A_1805 : vector<512x256xi32>
    %and3A_1809 = arith.andi %eq3A_1807, %gt3A_1808 : vector<512x256xi1>
    %or3A_1810 = arith.ori %gt3A_1806, %and3A_1809 : vector<512x256xi1>
    %eq3A_1811 = vector.broadcast %ne3A_1787 : vector<512x1xi1> to vector<512x256xi1>
    %eq3A_1812 = vector.broadcast %eq3A_1811 : vector<512x256xi1> to vector<512x256xi1>
    %eq3A_1813 = arith.xori %or3A_1810, %eq3A_1812 : vector<512x256xi1>
    %eq3A_1814 = arith.constant dense<true> : vector<512x256xi1>
    %eq3A_1815 = arith.xori %eq3A_1813, %eq3A_1814 : vector<512x256xi1>
    %select_n3A_1816 = arith.select %eq3A_1815, %select_n3A_1767, %select_n3A_1805 : vector<512x256xi1>, vector<512x256xi32>
    %swap3A = arith.constant 0 : index
    %swap3A_1817 = arith.constant 0 : index
    %swap3A_1818 = vector.load %arg2[%swap3A, %swap3A_1817] : memref<512x256xi32, #tpu.memory_space<vmem>>, vector<512x256xi32>
    tpu.vector_store %arg2[%swap3A, %swap3A_1817], %select_n3A_1816 {strides = array<i32>} : memref<512x256xi32, #tpu.memory_space<vmem>>, vector<512x256xi32>,
    return
  }
  func.func @transform_0(%arg0: i32) -> (i32, i32) {
    %c0_i32 = arith.constant 0 : i32
    %c0_i32_0 = arith.constant 0 : i32
    return %c0_i32, %arg0 : i32, i32
  }
  func.func @transform_1(%arg0: i32) -> (i32, i32) {
    %c0_i32 = arith.constant 0 : i32
    %c0_i32_0 = arith.constant 0 : i32
    return %c0_i32, %arg0 : i32, i32
  }
}

</mosaic_0001>

<sc_bundles>
// kernel: kernel.5.cloned.1.call-start
scs
__scs_entry_jumppad:
0x0: {  	(pc) =	sbr.rel $0x88, $3  }
0x1: {  	(tag) =	ssettag $0x0;
	lr =	simm.s32 $0x1  }
0x2: {  	[smem:$0x3F9D] =	sst lr;
	_ =	strace $0xD0000000  }
0x3: {  	_ = 	snop  }
0x4: {  	_ = 	snop  }
0x5: {  	_ = 	snop  }
0x6: {  	_ = 	snop  }
0x7: {  	_ = 	snop  }
__scs_overlays_trampoline_lowered:
0x8: {  	[smem:$0x3FAC] =	sst s0  }
0x9: {  	[smem:$0x3FAD] =	sst s1  }
0xa: {  	[smem:$0x3FAE] =	sst s2  }
0xb: {  	[smem:$0x3FAF] =	sst s3  }
0xc: {  	[smem:$0x3FB0] =	sst s4  }
0xd: {  	[smem:$0x3FB1] =	sst s5  }
0xe: {  	[smem:$0x3FB2] =	sst s6  }
0xf: {  	[smem:$0x3FB3] =	sst s7  }
0x10: {  	[smem:$0x3FB4] =	sst s8  }
0x11: {  	[smem:$0x3FB5] =	sst s9;
	s0 =	simm.s32 @!p0 $0x0  }
0x12: {  	s1 =	sld [smem:$0x3F9B];
	s0 =	simm.s32 @p0 $0x1  }
0x13: {  	[smem:$0x3FB6] =	sst s0;
	s0 =	simm.s32 @!p1 $0x0  }
0x14: {  	s2 =	sld [smem:$0x3F9A];
	s0 =	simm.s32 @p1 $0x1  }
0x15: {  	[smem:$0x3FB7] =	sst s0;
	s0 =	simm.s32 @!p2 $0x0  }
0x16: {  	s3 =	sld [smem:$0x3FDB];
	s0 =	simm.s32 @p2 $0x1  }
0x17: {  	s4 =	simm.s32 $0x1BF5;
	[smem:$0x3FB9] =	sst s0  }
0x18: {  	s0 =	sld [smem:$0x3F9C];
	_ =	swait.ge [sflag:s4], $0x0  }
0x19: {  	s7 =	sld [smem:$0x3F9D]  }
0x1a: {  	s8 =	sadd.s32 $0xFFFFE003, lr  }
0x1b: {  	s9 =	sadd.s32 $0xFFFFFEF7, lr;
	s5 =	simm.s32 $0xFFFFFFFF;
	p2 =	slt.u32 s8, $0xFFFFF086  }
0x1c: {  	p1 =	slt.u32 s9, $0xF7A;
	s5 =	simm.s32 @!p2 $0x0  }
0x1d: {  	s5 =	simm.s32 @p1 $0x1;
	p0 =	seq.s32 s7, s2  }
0x1e: {  	s7 =	smul.u32 @!p0 $0xF7A, s2;
	p2 =	seq.s32 @!p0 s5, $0x0  }
0x1f: {  	s9 =	smul.u32 $0xF7A, s1;
	s8 =	simm.s32 @!p0 $0x1BF5;
	p2 =	por !p2, p0  }
0x20: {  	[sflag:s8] =	ssyncset.s32 @!p0 $0xFFFFF086;
	s6 =	sadd.s32 @!p0 s3, s7;
	s7 =	simm.s32 @!p0 $0x108  }
0x21: {  	s3 =	sadd.s32 s3, s9;
	s6 =	sadd.s32 @!p0 $0x88, s6;
	s7 =	simm.s32 @p2 $0x1082  }
0x22: {  	[simem:s7], [sflag:s8] =	dma.local @!p0 [hbm:s6], $0xF7A  }
0x23: {  	s9 =	sor.u32 $0xD0000000, s2;
	s6 =	simm.s32 $0x108;
	_ =	swait.ge @!p0 [sflag:s8], $0x0  }
0x24: {  	s3 =	sadd.s32 $0x88, s3;
	s6 =	simm.s32 @!p1 $0x1082;
	[sflag:s4] =	ssyncset.s32 $0xFFFFF086  }
0x25: {  	[simem:s6], [sflag:s4] =	dma.local [hbm:s3], $0xF7A  }
0x26: {  	[smem:$0x3F9D] =	sst s1;
	(tag) =	ssettag s2;
	_ =	strace s9  }
0x27: {  	s1 =	sld [smem:$0x3FAD]  }
0x28: {  	s2 =	sld [smem:$0x3FAE]  }
0x29: {  	s4 =	sld [smem:$0x3FB0]  }
0x2a: {  	p0 =	seq.s32 s5, $0x0;
	s5 =	sld [smem:$0x3FB1]  }
0x2b: {  	s6 =	sld [smem:$0x3FB2]  }
0x2c: {  	s7 =	sld [smem:$0x3FB3]  }
0x2d: {  	s3 =	simm.s32 $0x108;
	s8 =	sld [smem:$0x3FB4]  }
0x2e: {  	s3 =	simm.s32 @!p0 $0x1082;
	s9 =	sld [smem:$0x3FB5]  }
0x2f: {  	lr =	sadd.s32 s0, s3;
	s0 =	sld [smem:$0x3FAC]  }
0x30: {  	s3 =	sld [smem:$0x3FAF]  }
0x31: {  	[smem:$0x3FB8] =	sst s10  }
0x32: {  	s10 =	sld [smem:$0x3FB6];
	_ =	sdelay $0x3  }
0x33: {  	p0 =	seq.s32 s10, $0x1;
	s10 =	sld [smem:$0x3FB8];
	_ =	sdelay $0x3  }
0x34: {  	[smem:$0x3FB8] =	sst s10  }
0x35: {  	s10 =	sld [smem:$0x3FB7];
	_ =	sdelay $0x3  }
0x36: {  	p1 =	seq.s32 s10, $0x1;
	s10 =	sld [smem:$0x3FB8];
	_ =	sdelay $0x3  }
0x37: {  	[smem:$0x3FB8] =	sst s10  }
0x38: {  	s10 =	sld [smem:$0x3FB9]  }
0x39: {  	_ = 	snop;
	(pc) =	sbr.ind lr, $3  }
0x3a: {  	_ = 	snop  }
0x3b: {  	_ = 	snop  }
0x3c: {  	p2 =	seq.s32 s10, $0x1;
	s10 =	sld [smem:$0x3FB8]  }
0x3d: {  	_ =	shalt  }
0x3e: {  	_ =	shalt  }
0x3f: {  	_ =	shalt  }
0x40: {  	_ =	shalt  }
0x41: {  	_ =	shalt  }
0x42: {  	_ =	shalt  }
0x43: {  	_ =	shalt  }
0x44: {  	_ =	shalt  }
0x45: {  	_ =	shalt  }
0x46: {  	_ =	shalt  }
0x47: {  	_ =	shalt  }
0x48: {  	_ =	shalt  }
0x49: {  	_ =	shalt  }
0x4a: {  	_ =	shalt  }
0x4b: {  	_ =	shalt  }
0x4c: {  	_ =	shalt  }
0x4d: {  	_ =	shalt  }
0x4e: {  	_ =	shalt  }
0x4f: {  	_ =	shalt  }
0x50: {  	_ =	shalt  }
0x51: {  	_ =	shalt  }
0x52: {  	_ =	shalt  }
0x53: {  	_ =	shalt  }
0x54: {  	_ =	shalt  }
0x55: {  	_ =	shalt  }
0x56: {  	_ =	shalt  }
0x57: {  	_ =	shalt  }
0x58: {  	_ =	shalt  }
0x59: {  	_ =	shalt  }
0x5a: {  	_ =	shalt  }
0x5b: {  	_ =	shalt  }
0x5c: {  	_ =	shalt  }
0x5d: {  	_ =	shalt  }
0x5e: {  	_ =	shalt  }
0x5f: {  	_ =	shalt  }
0x60: {  	_ =	shalt  }
0x61: {  	_ =	shalt  }
0x62: {  	_ =	shalt  }
0x63: {  	_ =	shalt  }
0x64: {  	_ =	shalt  }
0x65: {  	_ =	shalt  }
0x66: {  	_ =	shalt  }
0x67: {  	_ =	shalt  }
0x68: {  	_ =	shalt  }
0x69: {  	_ =	shalt  }
0x6a: {  	_ =	shalt  }
0x6b: {  	_ =	shalt  }
0x6c: {  	_ =	shalt  }
0x6d: {  	_ =	shalt  }
0x6e: {  	_ =	shalt  }
0x6f: {  	_ =	shalt  }
0x70: {  	_ =	shalt  }
0x71: {  	_ =	shalt  }
0x72: {  	_ =	shalt  }
0x73: {  	_ =	shalt  }
0x74: {  	_ =	shalt  }
0x75: {  	_ =	shalt  }
0x76: {  	_ =	shalt  }
0x77: {  	_ =	shalt  }
0x78: {  	_ =	shalt  }
0x79: {  	_ =	shalt  }
0x7a: {  	_ =	shalt  }
0x7b: {  	_ =	shalt  }
0x7c: {  	_ =	shalt  }
0x7d: {  	_ =	shalt  }
0x7e: {  	_ =	shalt  }
0x7f: {  	_ =	shalt  }
0x80: {  	_ =	shalt  }
0x81: {  	_ =	shalt  }
0x82: {  	_ =	shalt  }
0x83: {  	_ =	shalt  }
0x84: {  	_ =	shalt  }
0x85: {  	_ =	shalt  }
0x86: {  	_ =	shalt  }
0x87: {  	_ =	shalt  }
.Lfunc_end0:
.L_simem_size_0:
called_computation.4_lowered:
.L_overlay_start_0:
0x88: {  	s2 =	sld [smem:$0x3FD9]  }
0x89: {  	s3 =	sld [smem:$0x3FFE];
	_ =	sdelay $0x1  }
0x8a: {  	s1 =	srdreg.scid  }
0x8b: {  	s0 =	sand.u32 $0x1, s1  }
0x8c: {  	s14 =	sshll.u32 s0, $0xA;
	s2 =	sadd.s32 s3, s2  }
0x8d: {  	s2 =	sadd.s32 s2, s14  }
0x8e: {  	[smem:$0x3FC4] =	sst s2  }
0x8f: {  	_ = 	snop  }
0x90: {  	s2 =	sld [smem:$0x3FD0];
	_ =	sdelay $0x2  }
0x91: {  	s15 =	simm.s32 $0xB;
	s4 =	simm.s32 $0x10  }
0x92: {  	[smem:s4], [sflag:s15] =	dma.local [hbm:s2], $0x1  }
0x93: {  	_ =	swait.eq [sflag:s15], $0x1  }
0x94: {  	[sflag:s15] =	ssyncset.done $0x0  }
0x95: {  	s16 =	sld [smem:$0x10];
	[sflag:s15] =	ssyncadd.s32 $0xFFFFFFFF  }
0x96: {  	s17 =	sld [smem:$0x11];
	(tm) =	ssettm $0x1  }
0x97: {  	s18 =	sld [smem:$0x3FFB];
	_ =	sdelay $0x3  }
0x98: {  	_ =	strace s18  }
0x99: {  	s4 =	sld [smem:$0x3FFC];
	_ =	sdelay $0x3  }
0x9a: {  	_ =	strace s4  }
0x9b: {  	s4 =	sld [smem:$0x3FFD];
	_ =	sdelay $0x3  }
0x9c: {  	_ =	strace s4  }
0x9d: {  	_ =	strace $0x8FFFFFFF  }
0x9e: {  	s19 =	sld [smem:$0x3FDB];
	_ =	sdelay $0x1  }
0x9f: {  	s5 =	simm.s32 $_scs_section_size  }
0xa0: {  	s6 =	simm.s32 $_size__tile_overlayer_lowered;
	s7 =	simm.s32 $_tile_overlayer_lowered  }
0xa1: {  	s22 =	simm.s32 $0x1BFF;
	s21 =	sshll.u32 s7, $0x1;
	s4 =	sadd.s32 s5, s19  }
0xa2: {  	s8 =	simm.s32 $0x0;
	s20 =	sshll.u32 s6, $0x1;
	s6 =	sadd.s32 s21, s4  }
0xa3: {  	[timem:s8], [sflag:s22] =	dma.local [hbm:s6], s20  }
0xa4: {  	_ =	swait.ge [sflag:s22], s20  }
0xa5: {  	s5 =	ssub.s32 $0x0, s20;
	[sflag:s22] =	ssyncset.done $0x0  }
0xa6: {  	[sflag:s22] =	ssyncadd.s32 s5;
	_ =	sdelay $0x1  }
0xa7: {  	s23 =	simm.s32 $0x1B8B  }
0xa8: {  	_ =	swait.ge [sflag:s23], $0x1  }
0xa9: {  	[sflag:s23] =	ssyncset.done $0x0  }
0xaa: {  	s25 =	simm.s32 $0x1B8E;
	s24 =	sld [smem:$0x3FFE];
	[sflag:s23] =	ssyncadd.s32 $0xFFFFFFFF  }
0xab: {  	s26 =	simm.s32 $execute0_lowered;
	[smem:$0x3FD2] =	sst s25  }
0xac: {  	s6 =	sshll.u32 s26, $0x1;
	_ =	strace $0x80000052;
	[dreg:$0x1] =	wrdreg $0xFFFFFFFF  }
0xad: {  	s28 =	simm.s32 $_size_execute0_lowered;
	s4 =	sadd.s32 s4, s6;
	[dreg:$0x0] =	wrdreg $0x0  }
0xae: {  	s6 =	sshll.u32 s28, $0x1;
	[dreg:$0x2] =	wrdreg s4  }
0xaf: {  	[dreg:$0x3] =	wrdreg s6  }
0xb0: {  	[dreg:$0x4] =	wrdreg $0xC0  }
0xb1: {  	_ =	task [dreg:s8], $0x5FFFF  }
0xb2: {  	[dreg:$0x1] =	wrdreg $0xFFFFFFFF  }
0xb3: {  	[dreg:$0x0] =	wrdreg $0x60  }
0xb4: {  	[dreg:$0x2] =	wrdreg s16  }
0xb5: {  	[dreg:$0x3] =	wrdreg s17  }
0xb6: {  	[dreg:$0x4] =	wrdreg s24  }
0xb7: {  	[dreg:$0x5] =	wrdreg $0x9  }
0xb8: {  	_ =	task.clear_ibuf [dreg:s8], $0x6FFFF;
	_ =	strace $0x90000052  }
0xb9: {  	s29 =	simm.s32 $0x9;
	_ =	strace $0x80000054  }
0xba: {  	_ =	swait.ge [sflag:s29], $0x1  }
0xbb: {  	[sflag:s29] =	ssyncadd.s32 $0xFFFFFFFF  }
0xbc: {  	_ =	strace $0x90000054  }
0xbd: {  	_ =	sfence  }
0xbe: {  	s30 =	sld [smem:$0x0];
	_ =	sdelay $0x2  }
0xbf: {  	s31 =	sshll.u32 s1, $0xD;
	s1 =	sshrl.u32 s1, $0x2  }
0xc0: {  	s3 =	sand.u32 $0x4000, s31;
	s1 =	sadd.s32 s1, s30  }
0xc1: {  	s0 =	sor.u32 s3, s0;
	s1 =	sshll.u32 s1, $0x11  }
0xc2: {  	s0 =	sor.u32 s1, s0  }
0xc3: {  	s0 =	sadd.s32 $0x8F2B, s0  }
0xc4: {  	[sflag:s0] =	ssyncadd.remote.s32 $0x1  }
0xc5: {  	_ =	sfence.sel $0xFFFF  }
0xc6: {  	[dreg:$0x0] =	wrdreg $0xFFFFFFFF;
	(pc) =	sbr.abs _section_cstart, $3  }
0xc7: {  	[dreg:$0x1] =	wrdreg $0xFFFFFFFF  }
0xc8: {  	_ =	task.clear_ibuf [dreg:s8], $0x2FFFF;
	_ =	strace $0x9FFFFFFF  }
0xc9: {  	(tm) =	ssettm $0x7FFFFFFF  }
tec
execute0_lowered:
.L_overlay_start_1:
0x0: {  	(tag) =	ssettag $0x1  }
0x1: {  	s1 =	rddreg [dreg:$0x0]  }
0x2: {  	s2 =	rddreg [dreg:$0x1]  }
0x3: {  	s5 =	rddreg [dreg:$0x2]  }
0x4: {  	s0 =	rddreg [dreg:$0x3]  }
0x5: {  	s4 =	simm.s32 $0x0;
	s6 =	srdreg.scid;
	s3 =	stileid.u32  }
0x6: {  	s15 =	simm.s32 $0x4000;
	s16 =	simm.s32 $0x2000;
	s17 =	simm.s32 $0x6000  }
0x7: {  	s18 =	simm.s32 $0x1;
	s19 =	simm.s32 $0x8000;
	s20 =	simm.s32 $0x2  }
0x8: {  	s21 =	simm.s32 $0xA000;
	s22 =	simm.s32 $0x3;
	s23 =	simm.s32 $0x4  }
0x9: {  	s24 =	simm.s32 $0x0;
	s6 =	sand.u32 $0x1, s6;
	s7 =	sshll.u32 s3, $0x1  }
0xa: {  	[smem:$0x7FF] =	sst s4;
	s8 =	ssub.s32 $0x2, s6;
	s9 =	sor.u32 s6, s7  }
0xb: {  	s5 =	sadd.s32 $0x1A00, s5;
	s31 =	sshrl.u32 s8, $0x1;
	s11 =	sshll.u32 s9, $0x10  }
0xc: {  	_ =	strace $0x80000053;
	s14 =	ssub.s32 s8, s31;
	s6 =	sadd.s32 s1, s11  }
0xd: {  	s10 =	sor.u32 $0x400, s11;
	s7 =	sadd.s32 s2, s11;
	s8 =	sshll.u32 s9, $0xA  }
0xe: {  	s11 =	sadd.s32 s5, s11;
	s9 =	sadd.s32 s1, s10;
	s10 =	sadd.s32 s2, s10  }
0xf: {  	s12 =	sor.u32 $0x20, s8;
	s13 =	sor.u32 $0x30, s8;
	s14 =	smax.u32 s14, $0x1  }
.LBB2_1:
0x10: {  	[tilespmem:s4], [sflag:$0x1] =	stream.linear.gather [hbm4b:s6+s4], $0x2000, $0x38;
	[tilespmem:$0xC000] =	vst v63  }
0x11: {  	_ = 	snop  }
0x12: {  	[tilespmem:s15], [sflag:$0x1] =	stream.linear.gather [hbm4b:s7+s4], $0x2000, $0x38;
	[tilespmem:$0xC000] =	vst v63  }
0x13: {  	_ = 	snop  }
0x14: {  	[tilespmem:s16], [sflag:$0x2] =	stream.linear.gather [hbm4b:s9+s4], $0x2000, $0x38;
	[tilespmem:$0xC000] =	vst v63  }
0x15: {  	s26 =	simm.s32 $0x0  }
0x16: {  	[tilespmem:s17], [sflag:$0x2] =	stream.linear.gather [hbm4b:s10+s4], $0x2000, $0x38;
	[tilespmem:$0xC000] =	vst v63  }
.LBB2_2:
0x17: {  	_ =	swait.ge [sflag:s18], $0x2000  }
0x18: {  	[sflag:s18] =	ssyncset.done $0x0  }
0x19: {  	[sflag:s18] =	ssyncadd.s32 $0xFFFFE000  }
0x1a: {  	_ =	swait.ge [sflag:s18], $0x2000  }
0x1b: {  	p1 =	seq.s32 s26, $0x0;
	[sflag:s18] =	ssyncset.done $0x0  }
0x1c: {  	s29 =	simm.s32 @!p1 $0x3;
	[sflag:s18] =	ssyncadd.s32 $0xFFFFE000  }
0x1d: {  	s25 =	sshll.u32 s26, $0x5;
	_ =	swait.ge @!p1 [sflag:s29], $0x2000  }
0x1e: {  	s28 =	sshll.u32 s26, $0xB;
	s30 =	simm.s32 $0x8100;
	[sflag:s29] =	ssyncset.done @!p1 $0x0  }
0x1f: {  	s31 =	simm.s32 $0x4100;
	[sflag:s29] =	ssyncadd.s32 @!p1 $0xFFFFE000;
	s29 =	simm.s32 $0x0  }
.LBB2_3:
0x20: {  	v0 =	vld [tilespmem:s31+$0xFFFFFF00];
	_ =	sdelay $0x4  }
0x21: {  	v0 =	vadd.s32 s29, v0;
	_ =	sdelay $0x4  }
0x22: {  	v0 =	vld.idx.msk [tilespmem:v0+s4+$0x0], $0xffff;
	_ =	sdelay $0x4  }
0x23: {  	[tilespmem:s30+$0xFFFFFF00] =	vst v0  }
0x24: {  	v0 =	vld [tilespmem:s31+$0xFFFFFF10];
	_ =	sdelay $0x4  }
0x25: {  	v0 =	vadd.s32 s29, v0;
	_ =	sdelay $0x4  }
0x26: {  	v0 =	vld.idx.msk [tilespmem:v0+s4+$0x0], $0xffff;
	_ =	sdelay $0x4  }
0x27: {  	[tilespmem:s30+$0xFFFFFF10] =	vst v0  }
0x28: {  	v0 =	vld [tilespmem:s31+$0xFFFFFF20];
	_ =	sdelay $0x4  }
0x29: {  	v0 =	vadd.s32 s29, v0;
	_ =	sdelay $0x4  }
0x2a: {  	v0 =	vld.idx.msk [tilespmem:v0+s4+$0x0], $0xffff;
	_ =	sdelay $0x4  }
0x2b: {  	[tilespmem:s30+$0xFFFFFF20] =	vst v0  }
0x2c: {  	v0 =	vld [tilespmem:s31+$0xFFFFFF30];
	_ =	sdelay $0x4  }
0x2d: {  	v0 =	vadd.s32 s29, v0;
	_ =	sdelay $0x4  }
0x2e: {  	v0 =	vld.idx.msk [tilespmem:v0+s4+$0x0], $0xffff;
	_ =	sdelay $0x4  }
0x2f: {  	[tilespmem:s30+$0xFFFFFF30] =	vst v0  }
0x30: {  	v0 =	vld [tilespmem:s31+$0xFFFFFF40];
	_ =	sdelay $0x4  }
0x31: {  	v0 =	vadd.s32 s29, v0;
	_ =	sdelay $0x4  }
0x32: {  	v0 =	vld.idx.msk [tilespmem:v0+s4+$0x0], $0xffff;
	_ =	sdelay $0x4  }
0x33: {  	[tilespmem:s30+$0xFFFFFF40] =	vst v0  }
0x34: {  	v0 =	vld [tilespmem:s31+$0xFFFFFF50];
	_ =	sdelay $0x4  }
0x35: {  	v0 =	vadd.s32 s29, v0;
	_ =	sdelay $0x4  }
0x36: {  	v0 =	vld.idx.msk [tilespmem:v0+s4+$0x0], $0xffff;
	_ =	sdelay $0x4  }
0x37: {  	[tilespmem:s30+$0xFFFFFF50] =	vst v0  }
0x38: {  	v0 =	vld [tilespmem:s31+$0xFFFFFF60];
	_ =	sdelay $0x4  }
0x39: {  	v0 =	vadd.s32 s29, v0;
	_ =	sdelay $0x4  }
0x3a: {  	v0 =	vld.idx.msk [tilespmem:v0+s4+$0x0], $0xffff;
	_ =	sdelay $0x4  }
0x3b: {  	[tilespmem:s30+$0xFFFFFF60] =	vst v0  }
0x3c: {  	v0 =	vld [tilespmem:s31+$0xFFFFFF70];
	_ =	sdelay $0x4  }
0x3d: {  	v0 =	vadd.s32 s29, v0;
	_ =	sdelay $0x4  }
0x3e: {  	v0 =	vld.idx.msk [tilespmem:v0+s4+$0x0], $0xffff;
	_ =	sdelay $0x4  }
0x3f: {  	[tilespmem:s30+$0xFFFFFF70] =	vst v0  }
0x40: {  	v0 =	vld [tilespmem:s31+$0xFFFFFF80];
	_ =	sdelay $0x4  }
0x41: {  	v0 =	vadd.s32 s29, v0;
	_ =	sdelay $0x4  }
0x42: {  	v0 =	vld.idx.msk [tilespmem:v0+s4+$0x0], $0xffff;
	_ =	sdelay $0x4  }
0x43: {  	[tilespmem:s30+$0xFFFFFF80] =	vst v0  }
0x44: {  	v0 =	vld [tilespmem:s31+$0xFFFFFF90];
	_ =	sdelay $0x4  }
0x45: {  	v0 =	vadd.s32 s29, v0;
	_ =	sdelay $0x4  }
0x46: {  	v0 =	vld.idx.msk [tilespmem:v0+s4+$0x0], $0xffff;
	_ =	sdelay $0x4  }
0x47: {  	[tilespmem:s30+$0xFFFFFF90] =	vst v0  }
0x48: {  	v0 =	vld [tilespmem:s31+$0xFFFFFFA0];
	_ =	sdelay $0x4  }
0x49: {  	v0 =	vadd.s32 s29, v0;
	_ =	sdelay $0x4  }
0x4a: {  	v0 =	vld.idx.msk [tilespmem:v0+s4+$0x0], $0xffff;
	_ =	sdelay $0x4  }
0x4b: {  	[tilespmem:s30+$0xFFFFFFA0] =	vst v0  }
0x4c: {  	v0 =	vld [tilespmem:s31+$0xFFFFFFB0];
	_ =	sdelay $0x4  }
0x4d: {  	v0 =	vadd.s32 s29, v0;
	_ =	sdelay $0x4  }
0x4e: {  	v0 =	vld.idx.msk [tilespmem:v0+s4+$0x0], $0xffff;
	_ =	sdelay $0x4  }
0x4f: {  	[tilespmem:s30+$0xFFFFFFB0] =	vst v0  }
0x50: {  	v0 =	vld [tilespmem:s31+$0xFFFFFFC0];
	_ =	sdelay $0x4  }
0x51: {  	v0 =	vadd.s32 s29, v0;
	_ =	sdelay $0x4  }
0x52: {  	v0 =	vld.idx.msk [tilespmem:v0+s4+$0x0], $0xffff;
	_ =	sdelay $0x4  }
0x53: {  	[tilespmem:s30+$0xFFFFFFC0] =	vst v0  }
0x54: {  	v0 =	vld [tilespmem:s31+$0xFFFFFFD0];
	_ =	sdelay $0x4  }
0x55: {  	v0 =	vadd.s32 s29, v0;
	_ =	sdelay $0x4  }
0x56: {  	v0 =	vld.idx.msk [tilespmem:v0+s4+$0x0], $0xffff;
	_ =	sdelay $0x4  }
0x57: {  	[tilespmem:s30+$0xFFFFFFD0] =	vst v0  }
0x58: {  	v0 =	vld [tilespmem:s31+$0xFFFFFFE0];
	_ =	sdelay $0x4  }
0x59: {  	v0 =	vadd.s32 s29, v0;
	_ =	sdelay $0x4  }
0x5a: {  	v0 =	vld.idx.msk [tilespmem:v0+s4+$0x0], $0xffff;
	_ =	sdelay $0x4  }
0x5b: {  	[tilespmem:s30+$0xFFFFFFE0] =	vst v0  }
0x5c: {  	v0 =	vld [tilespmem:s31+$0xFFFFFFF0];
	_ =	sdelay $0x4  }
0x5d: {  	v0 =	vadd.s32 s29, v0;
	_ =	sdelay $0x4  }
0x5e: {  	v0 =	vld.idx.msk [tilespmem:v0+s4+$0x0], $0xffff;
	_ =	sdelay $0x4  }
0x5f: {  	[tilespmem:s30+$0xFFFFFFF0] =	vst v0  }
0x60: {  	v0 =	vld [tilespmem:s31+$0x0];
	_ =	sdelay $0x4  }
0x61: {  	v0 =	vadd.s32 s29, v0;
	_ =	sdelay $0x4  }
0x62: {  	v0 =	vld.idx.msk [tilespmem:v0+s4+$0x0], $0xffff;
	_ =	sdelay $0x4  }
0x63: {  	[tilespmem:s30+$0x0] =	vst v0  }
0x64: {  	v0 =	vld [tilespmem:s31+$0x10];
	_ =	sdelay $0x4  }
0x65: {  	v0 =	vadd.s32 s29, v0;
	_ =	sdelay $0x4  }
0x66: {  	v0 =	vld.idx.msk [tilespmem:v0+s4+$0x0], $0xffff;
	_ =	sdelay $0x4  }
0x67: {  	[tilespmem:s30+$0x10] =	vst v0  }
0x68: {  	v0 =	vld [tilespmem:s31+$0x20];
	_ =	sdelay $0x4  }
0x69: {  	v0 =	vadd.s32 s29, v0;
	_ =	sdelay $0x4  }
0x6a: {  	v0 =	vld.idx.msk [tilespmem:v0+s4+$0x0], $0xffff;
	_ =	sdelay $0x4  }
0x6b: {  	[tilespmem:s30+$0x20] =	vst v0  }
0x6c: {  	v0 =	vld [tilespmem:s31+$0x30];
	_ =	sdelay $0x4  }
0x6d: {  	v0 =	vadd.s32 s29, v0;
	_ =	sdelay $0x4  }
0x6e: {  	v0 =	vld.idx.msk [tilespmem:v0+s4+$0x0], $0xffff;
	_ =	sdelay $0x4  }
0x6f: {  	[tilespmem:s30+$0x30] =	vst v0  }
0x70: {  	v0 =	vld [tilespmem:s31+$0x40];
	_ =	sdelay $0x4  }
0x71: {  	v0 =	vadd.s32 s29, v0;
	_ =	sdelay $0x4  }
0x72: {  	v0 =	vld.idx.msk [tilespmem:v0+s4+$0x0], $0xffff;
	_ =	sdelay $0x4  }
0x73: {  	[tilespmem:s30+$0x40] =	vst v0  }
0x74: {  	v0 =	vld [tilespmem:s31+$0x50];
	_ =	sdelay $0x4  }
0x75: {  	v0 =	vadd.s32 s29, v0;
	_ =	sdelay $0x4  }
0x76: {  	v0 =	vld.idx.msk [tilespmem:v0+s4+$0x0], $0xffff;
	_ =	sdelay $0x4  }
0x77: {  	[tilespmem:s30+$0x50] =	vst v0  }
0x78: {  	v0 =	vld [tilespmem:s31+$0x60];
	_ =	sdelay $0x4  }
0x79: {  	v0 =	vadd.s32 s29, v0;
	_ =	sdelay $0x4  }
0x7a: {  	v0 =	vld.idx.msk [tilespmem:v0+s4+$0x0], $0xffff;
	_ =	sdelay $0x4  }
0x7b: {  	[tilespmem:s30+$0x60] =	vst v0  }
0x7c: {  	v0 =	vld [tilespmem:s31+$0x70];
	_ =	sdelay $0x4  }
0x7d: {  	v0 =	vadd.s32 s29, v0;
	_ =	sdelay $0x4  }
0x7e: {  	v0 =	vld.idx.msk [tilespmem:v0+s4+$0x0], $0xffff;
	_ =	sdelay $0x4  }
0x7f: {  	[tilespmem:s30+$0x70] =	vst v0  }
0x80: {  	v0 =	vld [tilespmem:s31+$0x80];
	_ =	sdelay $0x4  }
0x81: {  	v0 =	vadd.s32 s29, v0;
	_ =	sdelay $0x4  }
0x82: {  	v0 =	vld.idx.msk [tilespmem:v0+s4+$0x0], $0xffff;
	_ =	sdelay $0x4  }
0x83: {  	[tilespmem:s30+$0x80] =	vst v0  }
0x84: {  	v0 =	vld [tilespmem:s31+$0x90];
	_ =	sdelay $0x4  }
0x85: {  	v0 =	vadd.s32 s29, v0;
	_ =	sdelay $0x4  }
0x86: {  	v0 =	vld.idx.msk [tilespmem:v0+s4+$0x0], $0xffff;
	_ =	sdelay $0x4  }
0x87: {  	[tilespmem:s30+$0x90] =	vst v0  }
0x88: {  	v0 =	vld [tilespmem:s31+$0xA0];
	_ =	sdelay $0x4  }
0x89: {  	v0 =	vadd.s32 s29, v0;
	_ =	sdelay $0x4  }
0x8a: {  	v0 =	vld.idx.msk [tilespmem:v0+s4+$0x0], $0xffff;
	_ =	sdelay $0x4  }
0x8b: {  	[tilespmem:s30+$0xA0] =	vst v0  }
0x8c: {  	v0 =	vld [tilespmem:s31+$0xB0];
	_ =	sdelay $0x4  }
0x8d: {  	v0 =	vadd.s32 s29, v0;
	_ =	sdelay $0x4  }
0x8e: {  	v0 =	vld.idx.msk [tilespmem:v0+s4+$0x0], $0xffff;
	_ =	sdelay $0x4  }
0x8f: {  	[tilespmem:s30+$0xB0] =	vst v0  }
0x90: {  	v0 =	vld [tilespmem:s31+$0xC0];
	_ =	sdelay $0x4  }
0x91: {  	v0 =	vadd.s32 s29, v0;
	_ =	sdelay $0x4  }
0x92: {  	v0 =	vld.idx.msk [tilespmem:v0+s4+$0x0], $0xffff;
	_ =	sdelay $0x4  }
0x93: {  	[tilespmem:s30+$0xC0] =	vst v0  }
0x94: {  	v0 =	vld [tilespmem:s31+$0xD0];
	_ =	sdelay $0x4  }
0x95: {  	v0 =	vadd.s32 s29, v0;
	_ =	sdelay $0x4  }
0x96: {  	v0 =	vld.idx.msk [tilespmem:v0+s4+$0x0], $0xffff;
	_ =	sdelay $0x4  }
0x97: {  	[tilespmem:s30+$0xD0] =	vst v0  }
0x98: {  	v0 =	vld [tilespmem:s31+$0xE0];
	_ =	sdelay $0x4  }
0x99: {  	v0 =	vadd.s32 s29, v0;
	_ =	sdelay $0x4  }
0x9a: {  	v0 =	vld.idx.msk [tilespmem:v0+s4+$0x0], $0xffff;
	_ =	sdelay $0x4  }
0x9b: {  	[tilespmem:s30+$0xE0] =	vst v0  }
0x9c: {  	v0 =	vld [tilespmem:s31+$0xF0];
	_ =	sdelay $0x4  }
0x9d: {  	v0 =	vadd.s32 s29, v0;
	_ =	sdelay $0x4  }
0x9e: {  	p0 =	sne.s32 s29, $0x1E00;
	v0 =	vld.idx.msk [tilespmem:v0+s4+$0x0], $0xffff  }
.Ltmp0:
0x9f: {  	_ = 	snop;
	(pc) =	sbr.rel @p0 .LBB2_3-.Ltmp0, $2  }
0xa0: {  	_ =	sdelay $0x2  }
0xa1: {  	s31 =	sadd.s32 $0x200, s31;
	s29 =	sadd.s32 $0x200, s29;
	[tilespmem:s30+$0xF0] =	vst v0;
	s30 =	sadd.s32 $0x200, s30  }
0xa2: {  	s28 =	sadd.s32 s28, s11;
	p0 =	seq.s32 s26, $0x1F  }
0xa3: {  	[hbm4b:s28+s4] =	stream.linear.scatter [tilespmem:s19], [sflag:$0x3], $0x2000, $0x38;
	[tilespmem:$0xC000] =	vst v63  }
0xa4: {  	s28 =	sadd.s32 @!p0 s25, s12  }
0xa5: {  	s28 =	sshll.u32 @!p0 s28, $0x6  }
0xa6: {  	s28 =	sand.u32 @!p0 $0x1FFFF800, s28  }
0xa7: {  	s30 =	simm.s32 @!p0 $0x0;
	s29 =	sadd.s32 @!p0 s1, s28  }
0xa8: {  	[tilespmem:s30], [sflag:$0x1] =	stream.linear.gather @!p0 [hbm4b:s29+s30], $0x2000, $0x38;
	[tilespmem:$0xC000] =	vst v63  }
0xa9: {  	s28 =	sadd.s32 @!p0 s2, s28;
	s29 =	simm.s32 @!p0 $0x4000  }
0xaa: {  	[tilespmem:s29], [sflag:$0x1] =	stream.linear.gather @!p0 [hbm4b:s28+s30], $0x2000, $0x38;
	[tilespmem:$0xC000] =	vst v63  }
0xab: {  	_ =	swait.ge [sflag:s20], $0x2000  }
0xac: {  	[sflag:s20] =	ssyncset.done $0x0  }
0xad: {  	[sflag:s20] =	ssyncadd.s32 $0xFFFFE000  }
0xae: {  	_ =	swait.ge [sflag:s20], $0x2000  }
0xaf: {  	[sflag:s20] =	ssyncset.done $0x0  }
0xb0: {  	s29 =	simm.s32 @!p1 $0x4;
	[sflag:s20] =	ssyncadd.s32 $0xFFFFE000  }
0xb1: {  	s26 =	sadd.s32 $0x1, s26;
	s31 =	simm.s32 $0x6100;
	_ =	swait.ge @!p1 [sflag:s29], $0x2000  }
0xb2: {  	s28 =	sadd.s32 s25, s8;
	s30 =	simm.s32 $0xA100;
	[sflag:s29] =	ssyncset.done @!p1 $0x0  }
0xb3: {  	s28 =	sadd.s32 $0x10, s28;
	[sflag:s29] =	ssyncadd.s32 @!p1 $0xFFFFE000;
	s29 =	simm.s32 $0x0  }
.LBB2_5:
0xb4: {  	v0 =	vld [tilespmem:s31+$0xFFFFFF00];
	_ =	sdelay $0x4  }
0xb5: {  	v0 =	vadd.s32 s29, v0;
	_ =	sdelay $0x4  }
0xb6: {  	v0 =	vld.idx.msk [tilespmem:v0+s16+$0x0], $0xffff;
	_ =	sdelay $0x4  }
0xb7: {  	[tilespmem:s30+$0xFFFFFF00] =	vst v0  }
0xb8: {  	v0 =	vld [tilespmem:s31+$0xFFFFFF10];
	_ =	sdelay $0x4  }
0xb9: {  	v0 =	vadd.s32 s29, v0;
	_ =	sdelay $0x4  }
0xba: {  	v0 =	vld.idx.msk [tilespmem:v0+s16+$0x0], $0xffff;
	_ =	sdelay $0x4  }
0xbb: {  	[tilespmem:s30+$0xFFFFFF10] =	vst v0  }
0xbc: {  	v0 =	vld [tilespmem:s31+$0xFFFFFF20];
	_ =	sdelay $0x4  }
0xbd: {  	v0 =	vadd.s32 s29, v0;
	_ =	sdelay $0x4  }
0xbe: {  	v0 =	vld.idx.msk [tilespmem:v0+s16+$0x0], $0xffff;
	_ =	sdelay $0x4  }
0xbf: {  	[tilespmem:s30+$0xFFFFFF20] =	vst v0  }
0xc0: {  	v0 =	vld [tilespmem:s31+$0xFFFFFF30];
	_ =	sdelay $0x4  }
0xc1: {  	v0 =	vadd.s32 s29, v0;
	_ =	sdelay $0x4  }
0xc2: {  	v0 =	vld.idx.msk [tilespmem:v0+s16+$0x0], $0xffff;
	_ =	sdelay $0x4  }
0xc3: {  	[tilespmem:s30+$0xFFFFFF30] =	vst v0  }
0xc4: {  	v0 =	vld [tilespmem:s31+$0xFFFFFF40];
	_ =	sdelay $0x4  }
0xc5: {  	v0 =	vadd.s32 s29, v0;
	_ =	sdelay $0x4  }
0xc6: {  	v0 =	vld.idx.msk [tilespmem:v0+s16+$0x0], $0xffff;
	_ =	sdelay $0x4  }
0xc7: {  	[tilespmem:s30+$0xFFFFFF40] =	vst v0  }
0xc8: {  	v0 =	vld [tilespmem:s31+$0xFFFFFF50];
	_ =	sdelay $0x4  }
0xc9: {  	v0 =	vadd.s32 s29, v0;
	_ =	sdelay $0x4  }
0xca: {  	v0 =	vld.idx.msk [tilespmem:v0+s16+$0x0], $0xffff;
	_ =	sdelay $0x4  }
0xcb: {  	[tilespmem:s30+$0xFFFFFF50] =	vst v0  }
0xcc: {  	v0 =	vld [tilespmem:s31+$0xFFFFFF60];
	_ =	sdelay $0x4  }
0xcd: {  	v0 =	vadd.s32 s29, v0;
	_ =	sdelay $0x4  }
0xce: {  	v0 =	vld.idx.msk [tilespmem:v0+s16+$0x0], $0xffff;
	_ =	sdelay $0x4  }
0xcf: {  	[tilespmem:s30+$0xFFFFFF60] =	vst v0  }
0xd0: {  	v0 =	vld [tilespmem:s31+$0xFFFFFF70];
	_ =	sdelay $0x4  }
0xd1: {  	v0 =	vadd.s32 s29, v0;
	_ =	sdelay $0x4  }
0xd2: {  	v0 =	vld.idx.msk [tilespmem:v0+s16+$0x0], $0xffff;
	_ =	sdelay $0x4  }
0xd3: {  	[tilespmem:s30+$0xFFFFFF70] =	vst v0  }
0xd4: {  	v0 =	vld [tilespmem:s31+$0xFFFFFF80];
	_ =	sdelay $0x4  }
0xd5: {  	v0 =	vadd.s32 s29, v0;
	_ =	sdelay $0x4  }
0xd6: {  	v0 =	vld.idx.msk [tilespmem:v0+s16+$0x0], $0xffff;
	_ =	sdelay $0x4  }
0xd7: {  	[tilespmem:s30+$0xFFFFFF80] =	vst v0  }
0xd8: {  	v0 =	vld [tilespmem:s31+$0xFFFFFF90];
	_ =	sdelay $0x4  }
0xd9: {  	v0 =	vadd.s32 s29, v0;
	_ =	sdelay $0x4  }
0xda: {  	v0 =	vld.idx.msk [tilespmem:v0+s16+$0x0], $0xffff;
	_ =	sdelay $0x4  }
0xdb: {  	[tilespmem:s30+$0xFFFFFF90] =	vst v0  }
0xdc: {  	v0 =	vld [tilespmem:s31+$0xFFFFFFA0];
	_ =	sdelay $0x4  }
0xdd: {  	v0 =	vadd.s32 s29, v0;
	_ =	sdelay $0x4  }
0xde: {  	v0 =	vld.idx.msk [tilespmem:v0+s16+$0x0], $0xffff;
	_ =	sdelay $0x4  }
0xdf: {  	[tilespmem:s30+$0xFFFFFFA0] =	vst v0  }
0xe0: {  	v0 =	vld [tilespmem:s31+$0xFFFFFFB0];
	_ =	sdelay $0x4  }
0xe1: {  	v0 =	vadd.s32 s29, v0;
	_ =	sdelay $0x4  }
0xe2: {  	v0 =	vld.idx.msk [tilespmem:v0+s16+$0x0], $0xffff;
	_ =	sdelay $0x4  }
0xe3: {  	[tilespmem:s30+$0xFFFFFFB0] =	vst v0  }
0xe4: {  	v0 =	vld [tilespmem:s31+$0xFFFFFFC0];
	_ =	sdelay $0x4  }
0xe5: {  	v0 =	vadd.s32 s29, v0;
	_ =	sdelay $0x4  }
0xe6: {  	v0 =	vld.idx.msk [tilespmem:v0+s16+$0x0], $0xffff;
	_ =	sdelay $0x4  }
0xe7: {  	[tilespmem:s30+$0xFFFFFFC0] =	vst v0  }
0xe8: {  	v0 =	vld [tilespmem:s31+$0xFFFFFFD0];
	_ =	sdelay $0x4  }
0xe9: {  	v0 =	vadd.s32 s29, v0;
	_ =	sdelay $0x4  }
0xea: {  	v0 =	vld.idx.msk [tilespmem:v0+s16+$0x0], $0xffff;
	_ =	sdelay $0x4  }
0xeb: {  	[tilespmem:s30+$0xFFFFFFD0] =	vst v0  }
0xec: {  	v0 =	vld [tilespmem:s31+$0xFFFFFFE0];
	_ =	sdelay $0x4  }
0xed: {  	v0 =	vadd.s32 s29, v0;
	_ =	sdelay $0x4  }
0xee: {  	v0 =	vld.idx.msk [tilespmem:v0+s16+$0x0], $0xffff;
	_ =	sdelay $0x4  }
0xef: {  	[tilespmem:s30+$0xFFFFFFE0] =	vst v0  }
0xf0: {  	v0 =	vld [tilespmem:s31+$0xFFFFFFF0];
	_ =	sdelay $0x4  }
0xf1: {  	v0 =	vadd.s32 s29, v0;
	_ =	sdelay $0x4  }
0xf2: {  	v0 =	vld.idx.msk [tilespmem:v0+s16+$0x0], $0xffff;
	_ =	sdelay $0x4  }
0xf3: {  	[tilespmem:s30+$0xFFFFFFF0] =	vst v0  }
0xf4: {  	v0 =	vld [tilespmem:s31+$0x0];
	_ =	sdelay $0x4  }
0xf5: {  	v0 =	vadd.s32 s29, v0;
	_ =	sdelay $0x4  }
0xf6: {  	v0 =	vld.idx.msk [tilespmem:v0+s16+$0x0], $0xffff;
	_ =	sdelay $0x4  }
0xf7: {  	[tilespmem:s30+$0x0] =	vst v0  }
0xf8: {  	v0 =	vld [tilespmem:s31+$0x10];
	_ =	sdelay $0x4  }
0xf9: {  	v0 =	vadd.s32 s29, v0;
	_ =	sdelay $0x4  }
0xfa: {  	v0 =	vld.idx.msk [tilespmem:v0+s16+$0x0], $0xffff;
	_ =	sdelay $0x4  }
0xfb: {  	[tilespmem:s30+$0x10] =	vst v0  }
0xfc: {  	v0 =	vld [tilespmem:s31+$0x20];
	_ =	sdelay $0x4  }
0xfd: {  	v0 =	vadd.s32 s29, v0;
	_ =	sdelay $0x4  }
0xfe: {  	v0 =	vld.idx.msk [tilespmem:v0+s16+$0x0], $0xffff;
	_ =	sdelay $0x4  }
0xff: {  	[tilespmem:s30+$0x20] =	vst v0  }
0x100: {  	v0 =	vld [tilespmem:s31+$0x30];
	_ =	sdelay $0x4  }
0x101: {  	v0 =	vadd.s32 s29, v0;
	_ =	sdelay $0x4  }
0x102: {  	v0 =	vld.idx.msk [tilespmem:v0+s16+$0x0], $0xffff;
	_ =	sdelay $0x4  }
0x103: {  	[tilespmem:s30+$0x30] =	vst v0  }
0x104: {  	v0 =	vld [tilespmem:s31+$0x40];
	_ =	sdelay $0x4  }
0x105: {  	v0 =	vadd.s32 s29, v0;
	_ =	sdelay $0x4  }
0x106: {  	v0 =	vld.idx.msk [tilespmem:v0+s16+$0x0], $0xffff;
	_ =	sdelay $0x4  }
0x107: {  	[tilespmem:s30+$0x40] =	vst v0  }
0x108: {  	v0 =	vld [tilespmem:s31+$0x50];
	_ =	sdelay $0x4  }
0x109: {  	v0 =	vadd.s32 s29, v0;
	_ =	sdelay $0x4  }
0x10a: {  	v0 =	vld.idx.msk [tilespmem:v0+s16+$0x0], $0xffff;
	_ =	sdelay $0x4  }
0x10b: {  	[tilespmem:s30+$0x50] =	vst v0  }
0x10c: {  	v0 =	vld [tilespmem:s31+$0x60];
	_ =	sdelay $0x4  }
0x10d: {  	v0 =	vadd.s32 s29, v0;
	_ =	sdelay $0x4  }
0x10e: {  	v0 =	vld.idx.msk [tilespmem:v0+s16+$0x0], $0xffff;
	_ =	sdelay $0x4  }
0x10f: {  	[tilespmem:s30+$0x60] =	vst v0  }
0x110: {  	v0 =	vld [tilespmem:s31+$0x70];
	_ =	sdelay $0x4  }
0x111: {  	v0 =	vadd.s32 s29, v0;
	_ =	sdelay $0x4  }
0x112: {  	v0 =	vld.idx.msk [tilespmem:v0+s16+$0x0], $0xffff;
	_ =	sdelay $0x4  }
0x113: {  	[tilespmem:s30+$0x70] =	vst v0  }
0x114: {  	v0 =	vld [tilespmem:s31+$0x80];
	_ =	sdelay $0x4  }
0x115: {  	v0 =	vadd.s32 s29, v0;
	_ =	sdelay $0x4  }
0x116: {  	v0 =	vld.idx.msk [tilespmem:v0+s16+$0x0], $0xffff;
	_ =	sdelay $0x4  }
0x117: {  	[tilespmem:s30+$0x80] =	vst v0  }
0x118: {  	v0 =	vld [tilespmem:s31+$0x90];
	_ =	sdelay $0x4  }
0x119: {  	v0 =	vadd.s32 s29, v0;
	_ =	sdelay $0x4  }
0x11a: {  	v0 =	vld.idx.msk [tilespmem:v0+s16+$0x0], $0xffff;
	_ =	sdelay $0x4  }
0x11b: {  	[tilespmem:s30+$0x90] =	vst v0  }
0x11c: {  	v0 =	vld [tilespmem:s31+$0xA0];
	_ =	sdelay $0x4  }
0x11d: {  	v0 =	vadd.s32 s29, v0;
	_ =	sdelay $0x4  }
0x11e: {  	v0 =	vld.idx.msk [tilespmem:v0+s16+$0x0], $0xffff;
	_ =	sdelay $0x4  }
0x11f: {  	[tilespmem:s30+$0xA0] =	vst v0  }
0x120: {  	v0 =	vld [tilespmem:s31+$0xB0];
	_ =	sdelay $0x4  }
0x121: {  	v0 =	vadd.s32 s29, v0;
	_ =	sdelay $0x4  }
0x122: {  	v0 =	vld.idx.msk [tilespmem:v0+s16+$0x0], $0xffff;
	_ =	sdelay $0x4  }
0x123: {  	[tilespmem:s30+$0xB0] =	vst v0  }
0x124: {  	v0 =	vld [tilespmem:s31+$0xC0];
	_ =	sdelay $0x4  }
0x125: {  	v0 =	vadd.s32 s29, v0;
	_ =	sdelay $0x4  }
0x126: {  	v0 =	vld.idx.msk [tilespmem:v0+s16+$0x0], $0xffff;
	_ =	sdelay $0x4  }
0x127: {  	[tilespmem:s30+$0xC0] =	vst v0  }
0x128: {  	v0 =	vld [tilespmem:s31+$0xD0];
	_ =	sdelay $0x4  }
0x129: {  	v0 =	vadd.s32 s29, v0;
	_ =	sdelay $0x4  }
0x12a: {  	v0 =	vld.idx.msk [tilespmem:v0+s16+$0x0], $0xffff;
	_ =	sdelay $0x4  }
0x12b: {  	[tilespmem:s30+$0xD0] =	vst v0  }
0x12c: {  	v0 =	vld [tilespmem:s31+$0xE0];
	_ =	sdelay $0x4  }
0x12d: {  	v0 =	vadd.s32 s29, v0;
	_ =	sdelay $0x4  }
0x12e: {  	v0 =	vld.idx.msk [tilespmem:v0+s16+$0x0], $0xffff;
	_ =	sdelay $0x4  }
0x12f: {  	[tilespmem:s30+$0xE0] =	vst v0  }
0x130: {  	v0 =	vld [tilespmem:s31+$0xF0];
	_ =	sdelay $0x4  }
0x131: {  	v0 =	vadd.s32 s29, v0;
	_ =	sdelay $0x4  }
0x132: {  	p1 =	sne.s32 s29, $0x1E00;
	v0 =	vld.idx.msk [tilespmem:v0+s16+$0x0], $0xffff  }
.Ltmp1:
0x133: {  	_ = 	snop;
	(pc) =	sbr.rel @p1 .LBB2_5-.Ltmp1, $2  }
0x134: {  	_ =	sdelay $0x2  }
0x135: {  	s31 =	sadd.s32 $0x200, s31;
	s29 =	sadd.s32 $0x200, s29;
	[tilespmem:s30+$0xF0] =	vst v0;
	s30 =	sadd.s32 $0x200, s30  }
0x136: {  	s28 =	sshll.u32 s28, $0x6;
	s25 =	sadd.s32 @!p0 s25, s13  }
0x137: {  	s28 =	sand.u32 $0x1FFFFC00, s28;
	s25 =	sshll.u32 @!p0 s25, $0x6  }
0x138: {  	s28 =	sadd.s32 s5, s28;
	s25 =	sand.u32 @!p0 $0x1FFFFC00, s25  }
0x139: {  	[hbm4b:s28+s4] =	stream.linear.scatter [tilespmem:s21], [sflag:$0x4], $0x2000, $0x38;
	[tilespmem:$0xC000] =	vst v63  }
0x13a: {  	s29 =	simm.s32 @!p0 $0x0;
	s30 =	simm.s32 @!p0 $0x2000;
	s28 =	sadd.s32 @!p0 s1, s25  }
0x13b: {  	[tilespmem:s30], [sflag:$0x2] =	stream.linear.gather @!p0 [hbm4b:s28+s29], $0x2000, $0x38;
	[tilespmem:$0xC000] =	vst v63  }
0x13c: {  	p1 =	sne.s32 @!p0 s26, $0x20;
	s25 =	sadd.s32 @!p0 s2, s25;
	s28 =	simm.s32 @!p0 $0x6000  }
0x13d: {  	[tilespmem:s28], [sflag:$0x2] =	stream.linear.gather @!p0 [hbm4b:s25+s29], $0x2000, $0x38;
	[tilespmem:$0xC000] =	vst v63  }
0x13e: {  	p0 =	por p0, !p1  }
.Ltmp2:
0x13f: {  	_ = 	snop;
	(pc) =	sbr.rel @!p0 .LBB2_2-.Ltmp2, $1  }
0x140: {  	_ =	sdelay $0x3  }
0x141: {  	s24 =	sadd.s32 $0x1, s24  }
0x142: {  	_ =	swait.ge [sflag:s22], $0x2000;
	p0 =	sne.s32 s24, s14  }
.Ltmp3:
0x143: {  	[sflag:s22] =	ssyncset.done $0x0;
	(pc) =	sbr.rel @p0 .LBB2_1-.Ltmp3, $4  }
0x144: {  	[sflag:s22] =	ssyncadd.s32 $0xFFFFE000  }
0x145: {  	_ =	swait.ge [sflag:s23], $0x2000  }
0x146: {  	[sflag:s23] =	ssyncset.done $0x0  }
0x147: {  	[sflag:s23] =	ssyncadd.s32 $0xFFFFE000  }
0x148: {  	_ =	sfence.sel $0x180000  }
0x149: {  	[bflag:$0x0] =	sbarrier.arrive $0xFFFF  }
0x14a: {  	p0 =	sne.s32 s3, $0x0;
	_ =	strace $0x90000053  }
0x14b: {  	s0 =	sadd.s32 @!p0 $0x100000, s0;
	[bflag:$0x2] =	sbarrier.arrive $0xFFFF  }
0x14c: {  	[sflag:s0] =	ssyncadd.tile.s32 @!p0 $0x1;
	_ =	shalt  }
.Lfunc_end2:
_tile_overlayer_lowered:
.L_overlay_start_2:
0x14d: {  	(tag) =	ssettag $0x2  }
0x14e: {  	s0 =	rddreg [dreg:$0x0];
	s2 =	stileid.u32  }
0x14f: {  	s1 =	rddreg [dreg:$0x1];
	p0 =	sne.s32 s2, $0x0  }
0x150: {  	s3 =	rddreg [dreg:$0x2];
	[bflag:$0x3] =	sbarrier.arrive $0xFFFF;
	s2 =	simm.s32 @!p0 $0x1C05  }
0x151: {  	[timem:s3], [sflag:s2] =	dma.local @!p0 [hbm:s0], s1  }
0x152: {  	s0 =	simm.s32 @!p0 $0x5  }
0x153: {  	_ =	swait.ge @!p0 [sflag:s0], s1  }
0x154: {  	s1 =	ssub.s32 @!p0 $0x0, s1;
	[sflag:s0] =	ssyncset.done @!p0 $0x0  }
0x155: {  	[sflag:s0] =	ssyncadd.s32 @!p0 s1  }
0x156: {  	[bflag:$0x3] =	sbarrier.arrive $0xFFFF  }
0x157: {  	_ =	shalt  }

// kernel: sparse-core-data-format-call.1.cloned.1.call-start
scs
called_computation.1_lowered:
.L_overlay_start_0:
0x0: {  	s2 =	sld [smem:$0x3FD9]  }
0x1: {  	s3 =	sld [smem:$0x3FFE];
	_ =	sdelay $0x1  }
0x2: {  	s1 =	srdreg.scid  }
0x3: {  	s0 =	sand.u32 $0x1, s1  }
0x4: {  	s15 =	sshll.u32 s0, $0xA;
	s2 =	sadd.s32 s3, s2  }
0x5: {  	s2 =	sadd.s32 s2, s15  }
0x6: {  	[smem:$0x3FC4] =	sst s2  }
0x7: {  	_ = 	snop  }
0x8: {  	s2 =	sld [smem:$0x3FD0];
	_ =	sdelay $0x2  }
0x9: {  	s16 =	simm.s32 $0xB;
	s4 =	simm.s32 $0x10  }
0xa: {  	[smem:s4], [sflag:s16] =	dma.local [hbm:s2], $0x1  }
0xb: {  	_ =	swait.eq [sflag:s16], $0x1  }
0xc: {  	[sflag:s16] =	ssyncset.done $0x0  }
0xd: {  	[sflag:s16] =	ssyncadd.s32 $0xFFFFFFFF  }
0xe: {  	s17 =	sld [smem:$0x11];
	(tm) =	ssettm $0x1  }
0xf: {  	s18 =	sld [smem:$0x3FFB];
	_ =	sdelay $0x3  }
0x10: {  	_ =	strace s18  }
0x11: {  	s3 =	sld [smem:$0x3FFC];
	_ =	sdelay $0x3  }
0x12: {  	_ =	strace s3  }
0x13: {  	s3 =	sld [smem:$0x3FFD];
	_ =	sdelay $0x3  }
0x14: {  	_ =	strace s3  }
0x15: {  	_ =	strace $0x8FFFFFFF  }
0x16: {  	s19 =	sld [smem:$0x3FDB];
	_ =	sdelay $0x1  }
0x17: {  	s20 =	simm.s32 $_scs_section_size  }
0x18: {  	s5 =	simm.s32 $_size__tile_overlayer_lowered;
	s6 =	simm.s32 $_tile_overlayer_lowered  }
0x19: {  	s23 =	simm.s32 $0x1BFF;
	s22 =	sshll.u32 s6, $0x1;
	s3 =	sadd.s32 s20, s19  }
0x1a: {  	s7 =	simm.s32 $0x0;
	s21 =	sshll.u32 s5, $0x1;
	s5 =	sadd.s32 s22, s3  }
0x1b: {  	[timem:s7], [sflag:s23] =	dma.local [hbm:s5], s21  }
0x1c: {  	_ =	swait.ge [sflag:s23], s21  }
0x1d: {  	s4 =	ssub.s32 $0x0, s21;
	[sflag:s23] =	ssyncset.done $0x0  }
0x1e: {  	[sflag:s23] =	ssyncadd.s32 s4;
	_ =	sdelay $0x1  }
0x1f: {  	s24 =	simm.s32 $0x1B8B  }
0x20: {  	_ =	swait.ge [sflag:s24], $0x1  }
0x21: {  	[sflag:s24] =	ssyncset.done $0x0  }
0x22: {  	s26 =	simm.s32 $0x1B8E;
	s25 =	sld [smem:$0x3FFE];
	[sflag:s24] =	ssyncadd.s32 $0xFFFFFFFF  }
0x23: {  	s27 =	simm.s32 $execute0_lowered;
	[smem:$0x3FD2] =	sst s26  }
0x24: {  	s5 =	sshll.u32 s27, $0x1;
	_ =	strace $0x80000049;
	[dreg:$0x1] =	wrdreg $0xFFFFFFFF  }
0x25: {  	s28 =	simm.s32 $_size_execute0_lowered;
	s3 =	sadd.s32 s3, s5;
	[dreg:$0x0] =	wrdreg $0x0  }
0x26: {  	s5 =	sshll.u32 s28, $0x1;
	[dreg:$0x2] =	wrdreg s3  }
0x27: {  	[dreg:$0x3] =	wrdreg s5  }
0x28: {  	[dreg:$0x4] =	wrdreg $0xC0  }
0x29: {  	_ =	task [dreg:s7], $0x5FFFF  }
0x2a: {  	[dreg:$0x1] =	wrdreg $0xFFFFFFFF  }
0x2b: {  	[dreg:$0x0] =	wrdreg $0x60  }
0x2c: {  	[dreg:$0x2] =	wrdreg s17  }
0x2d: {  	[dreg:$0x3] =	wrdreg s25  }
0x2e: {  	[dreg:$0x4] =	wrdreg $0xA  }
0x2f: {  	_ =	task.clear_ibuf [dreg:s7], $0x5FFFF;
	_ =	strace $0x90000049  }
0x30: {  	s29 =	simm.s32 $0xA;
	_ =	strace $0x8000004B  }
0x31: {  	_ =	swait.ge [sflag:s29], $0x1  }
0x32: {  	[sflag:s29] =	ssyncadd.s32 $0xFFFFFFFF  }
0x33: {  	_ =	strace $0x9000004B  }
0x34: {  	_ =	sfence  }
0x35: {  	s30 =	sld [smem:$0x0];
	_ =	sdelay $0x2  }
0x36: {  	s31 =	sshll.u32 s1, $0xD;
	s1 =	sshrl.u32 s1, $0x2  }
0x37: {  	s3 =	sand.u32 $0x4000, s31;
	s1 =	sadd.s32 s1, s30  }
0x38: {  	s0 =	sor.u32 s3, s0;
	s1 =	sshll.u32 s1, $0x11  }
0x39: {  	s0 =	sor.u32 s1, s0  }
0x3a: {  	s0 =	sadd.s32 $0x8F2B, s0  }
0x3b: {  	[sflag:s0] =	ssyncadd.remote.s32 $0x1  }
0x3c: {  	_ =	sfence.sel $0xFFFF  }
0x3d: {  	[dreg:$0x0] =	wrdreg $0xFFFFFFFF;
	(pc) =	sbr.abs _section_cstart, $3  }
0x3e: {  	[dreg:$0x1] =	wrdreg $0xFFFFFFFF  }
0x3f: {  	_ =	task.clear_ibuf [dreg:s7], $0x2FFFF;
	_ =	strace $0x9FFFFFFF  }
0x40: {  	(tm) =	ssettm $0x7FFFFFFF  }
0x41: {  	_ =	shalt  }
tec
execute0_lowered:
.L_overlay_start_1:
0x0: {  	(tag) =	ssettag $0x1  }
0x1: {  	s2 =	rddreg [dreg:$0x0];
	s0 =	stileid.u32  }
0x2: {  	s1 =	srdreg.scid;
	s7 =	rddreg [dreg:$0x1];
	s31 =	simm.s32 $0x2  }
0x3: {  	s14 =	simm.s32 $0x0;
	s13 =	simm.s32 $0x0;
	s12 =	simm.s32 $0x0  }
0x4: {  	s3 =	sshll.u32 s0, $0x7;
	s4 =	sshll.u32 s0, $0x5;
	s1 =	sshll.u32 s1, $0x9  }
0x5: {  	s3 =	sand.u32 $0x180, s3;
	s4 =	sor.u32 s4, s1;
	s1 =	rddreg [dreg:$0x2]  }
0x6: {  	_ =	strace $0x8000004A;
	s4 =	sand.u32 $0x380, s4;
	s5 =	ssub.s32 $0x200, s3  }
0x7: {  	s6 =	sand.u32 $0x180, s5;
	s8 =	ssub.s32 $0x8000, s4;
	s10 =	sshrl.u32 s5, $0x9  }
0x8: {  	p0 =	sne.s32 s6, $0x0;
	s6 =	simm.s32 $0x1;
	s9 =	sand.u32 $0x380, s8  }
0x9: {  	s6 =	simm.s32 @!p0 $0x0;
	p0 =	sne.s32 s9, $0x0;
	s9 =	simm.s32 $0x1  }
.Ltmp0:
0xa: {  	s8 =	sshrl.u32 s8, $0xA;
	s9 =	simm.s32 @!p0 $0x0;
	(pc) =	sbr.rel .LBB1_1-.Ltmp0, $4  }
0xb: {  	s5 =	simm.s32 $0x1;
	s6 =	sadd.s32 s6, s10;
	s8 =	sadd.s32 s9, s8  }
0xc: {  	s7 =	sadd.s32 $0x1A00, s7;
	[sflag:s5] =	ssyncpa.u1 $0x0;
	s6 =	smul.u32 s6, s8  }
0xd: {  	s11 =	smov.u32 s3;
	[sflag:s31] =	ssyncpa.u1 $0x0;
	p0 =	por $0x0, $0x0  }
0xe: {  	s10 =	smov.u32 s4;
	s9 =	simm.s32 $0x1000;
	s8 =	sadd.s32 $0x1, s6  }
.LBB1_4:
0xf: {  	v5 =	vld [tilespmem:s18+$0xFFFFFFD0];
	[tilespmem:s17+$0x2040 ss:$0x81] =	vst.msk $0xffff, v1  }
0x10: {  	v58 =	vld [tilespmem:s18+$0xFFFFFFE0];
	[tilespmem:s17+$0x2850 ss:$0x81] =	vst.msk $0xffff, v2  }
0x11: {  	s19 =	sshra.s32 s19, $0x2;
	v59 =	vld [tilespmem:s18+$0xFFFFFFF0];
	[tilespmem:s17+$0x3060 ss:$0x81] =	vst.msk $0xffff, v3  }
0x12: {  	v60 =	vld [tilespmem:s18+$0x0];
	[tilespmem:s17+$0x0 ss:$0x81] =	vst.msk $0xffff, v0;
	s16 =	sadd.s32 s19, s16  }
0x13: {  	v61 =	vld [tilespmem:s18+$0x10];
	[tilespmem:s16+$0x3870 ss:$0x81] =	vst.msk $0xffff, v4  }
0x14: {  	v62 =	vld [tilespmem:s18+$0x20];
	s26 =	sshll.u32 s14, $0x9;
	s27 =	sshll.u32 s13, $0x3;
	[tilespmem:s16+$0x810 ss:$0x81] =	vst.msk $0xffff, v5  }
0x15: {  	v63 =	vld [tilespmem:s18+$0xFFFFFFC0];
	s29 =	sshll.u32 s14, $0x7;
	s17 =	sand.u32 $0xFFF000, s26;
	s28 =	sand.u32 $0xFFFC00, s27;
	[tilespmem:s16+$0x1020 ss:$0x81] =	vst.msk $0xffff, v58  }
0x16: {  	s30 =	sand.u32 $0x78, s13;
	s14 =	sand.u32 $0x380, s29;
	s17 =	sadd.s32 s28, s17;
	[tilespmem:s16+$0x1830 ss:$0x81] =	vst.msk $0xffff, v59  }
0x17: {  	s14 =	sor.u32 s30, s14;
	s17 =	sand.u32 $0xFFFC00, s17;
	[tilespmem:s16+$0x2040 ss:$0x81] =	vst.msk $0xffff, v60  }
0x18: {  	s31 =	sand.u32 $0x7, s13;
	s14 =	sor.u32 s17, s14;
	[tilespmem:s16+$0x2850 ss:$0x81] =	vst.msk $0xffff, v61  }
0x19: {  	s13 =	sshll.u32 s31, $0x12;
	[tilespmem:s16+$0x3060 ss:$0x81] =	vst.msk $0xffff, v62;
	s14 =	sshrl.u32 s14, $0x3  }
0x1a: {  	s13 =	sor.u32 $0x400, s13;
	[tilespmem:s16+$0x0 ss:$0x81] =	vst.msk $0xffff, v63;
	s14 =	sadd.s32 s7, s14  }
0x1b: {  	[hbm4b:s14+s13] =	stream.strided.scatter [tilespmem:s15], [sflag:$0x2], $0x4000, s9, s13, $0x20;
	[tilespmem:$0x10100] =	vst v63  }
.LBB1_5:
0x1c: {  	s15 =	sadd.s32 $0x400, s10  }
0x1d: {  	s13 =	sadd.s32 $0x200, s11;
	s17 =	smov.u32 s11;
	p2 =	sgt.s32 s15, $0x7FFF  }
0x1e: {  	s17 =	smov.u32 @p2 s13  }
0x1f: {  	s15 =	smov.u32 @p2 s4;
	p2 =	sgt.s32 s17, $0x1FF  }
0x20: {  	s17 =	smov.u32 @p2 s3;
	p2 =	sne.s32 s12, s8  }
.Ltmp1:
0x21: {  	p1 =	slt.u32 s12, $0x2;
	(pc) =	sbr.rel @!p2 .LBB1_6-.Ltmp1, $4  }
0x22: {  	s16 =	simm.s32 @!p1 $0x2  }
0x23: {  	s14 =	smov.u32 s10;
	p0 =	por !p0, !p0;
	_ =	swait.ge @!p1 [sflag:s16], $0x4000  }
0x24: {  	s13 =	smov.u32 s11;
	[sflag:s16] =	ssyncset.done @!p1 $0x0;
	s10 =	smov.u32 s15  }
0x25: {  	s12 =	sadd.s32 $0x1, s12;
	[sflag:s16] =	ssyncadd.s32 @!p1 $0xFFFFC000;
	s11 =	smov.u32 s17  }
.LBB1_1:
0x26: {  	p1 =	sge.u32 s12, s6;
	s31 =	sadd.s32 $0xFFFFFFFF, s12  }
0x27: {  	s15 =	sand.u32 @!p1 $0x78, s10;
	s16 =	sshll.u32 @!p1 s11, $0xF;
	s17 =	sshll.u32 @!p1 s11, $0x7  }
0x28: {  	s18 =	sshll.u32 @!p1 s10, $0x3;
	s16 =	sand.u32 @!p1 $0xFC0000, s16;
	s17 =	sand.u32 @!p1 $0x380, s17  }
0x29: {  	s16 =	sadd.s32 @!p1 s16, s18;
	s18 =	sand.u32 @!p1 $0x7C00, s18;
	s15 =	sor.u32 @!p1 s17, s15  }
0x2a: {  	s17 =	sxor.u32 @!p1 $0xFFFFFFFF, s12;
	s16 =	sand.u32 @!p1 $0xFF8000, s16;
	s15 =	sor.u32 @!p1 s18, s15  }
0x2b: {  	s17 =	sshll.u32 @!p1 s17, $0xE;
	s15 =	sor.u32 @!p1 s16, s15;
	s16 =	sand.u32 @!p1 $0x7, s10  }
0x2c: {  	s18 =	simm.s32 @!p1 $0x40000;
	s15 =	sshrl.u32 @!p1 s15, $0x3;
	s16 =	sshll.u32 @!p1 s16, $0x12  }
0x2d: {  	s17 =	sand.u32 @!p1 $0x4000, s17;
	s15 =	sadd.s32 @!p1 s2, s15;
	s16 =	sor.u32 @!p1 $0x400, s16  }
0x2e: {  	[tilespmem:s17], [sflag:$0x1] =	stream.strided.gather @!p1 [hbm4b:s15+s16], $0x4000, s18, s16, $0x38;
	[tilespmem:$0x10100] =	vst v63  }
0x2f: {  	p1 =	sge.u32 s31, s6  }
.Ltmp2:
0x30: {  	_ = 	snop;
	(pc) =	sbr.rel @p1 .LBB1_5-.Ltmp2, $1  }
0x31: {  	_ =	sdelay $0x3  }
0x32: {  	s15 =	simm.s32 $0x1  }
0x33: {  	_ =	swait.ge [sflag:s5], $0x4000;
	s15 =	simm.s32 @!p0 $0x0  }
0x34: {  	[sflag:s5] =	ssyncset.done $0x0;
	s16 =	sshll.u32 s15, $0xE  }
0x35: {  	[sflag:s5] =	ssyncadd.s32 $0xFFFFC000;
	s18 =	sor.u32 $0x40, s16  }
0x36: {  	s15 =	smul.u32 $0x10200, s15;
	v0 =	vld [tilespmem:s18+$0x30]  }
0x37: {  	v3 =	vld [tilespmem:s18+$0xFFFFFFD0]  }
0x38: {  	s15 =	sshrl.u32 s15, $0x2;
	v4 =	vld [tilespmem:s18+$0xFFFFFFE0]  }
0x39: {  	v5 =	vld [tilespmem:s18+$0xFFFFFFF0];
	s16 =	sor.u32 $0x8000, s15  }
0x3a: {  	s31 =	sand.u32 $0x1, s12;
	v1 =	vld [tilespmem:s18+$0x0];
	s17 =	sadd.s32 $0x0, s16  }
0x3b: {  	v2 =	vld [tilespmem:s18+$0x10];
	s15 =	smul.u32 $0x10200, s31;
	[tilespmem:s17+$0x3870 ss:$0x81] =	vst.msk $0xffff, v0  }
0x3c: {  	[tilespmem:s17+$0x810 ss:$0x81] =	vst.msk $0xffff, v3;
	v3 =	vld [tilespmem:s18+$0x20]  }
0x3d: {  	s15 =	sshrl.u32 s15, $0x2;
	v0 =	vld [tilespmem:s18+$0xFFFFFFC0];
	[tilespmem:s17+$0x1020 ss:$0x81] =	vst.msk $0xffff, v4;
	s18 =	sadd.s32 $0x80, s18  }
0x3e: {  	s19 =	simm.s32 $0x4;
	s20 =	simm.s32 $0x8;
	s15 =	sor.u32 $0x8000, s15;
	[tilespmem:s17+$0x1830 ss:$0x81] =	vst.msk $0xffff, v5;
	v4 =	vld [tilespmem:s18+$0x30]  }
.LBB1_3:
0x3f: {  	p1 =	sne.s32 s20, $0x1FC;
	v5 =	vld [tilespmem:s18+$0xFFFFFFD0];
	[tilespmem:s17+$0x2040 ss:$0x81] =	vst.msk $0xffff, v1  }
0x40: {  	v6 =	vld [tilespmem:s18+$0xFFFFFFE0];
	[tilespmem:s17+$0x2850 ss:$0x81] =	vst.msk $0xffff, v2  }
0x41: {  	s21 =	sshra.s32 s19, $0x2;
	s19 =	smov.u32 s20;
	v7 =	vld [tilespmem:s18+$0xFFFFFFF0];
	[tilespmem:s17+$0x3060 ss:$0x81] =	vst.msk $0xffff, v3  }
.Ltmp3:
0x42: {  	v1 =	vld [tilespmem:s18+$0x0];
	[tilespmem:s17+$0x0 ss:$0x81] =	vst.msk $0xffff, v0;
	s17 =	sadd.s32 s21, s16;
	(pc) =	sbr.rel @p1 .LBB1_3-.Ltmp3, $4  }
0x43: {  	v2 =	vld [tilespmem:s18+$0x10];
	[tilespmem:s17+$0x3870 ss:$0x81] =	vst.msk $0xffff, v4  }
0x44: {  	[tilespmem:s17+$0x810 ss:$0x81] =	vst.msk $0xffff, v5;
	v3 =	vld [tilespmem:s18+$0x20]  }
0x45: {  	v0 =	vld [tilespmem:s18+$0xFFFFFFC0];
	[tilespmem:s17+$0x1020 ss:$0x81] =	vst.msk $0xffff, v6;
	s18 =	sadd.s32 $0x80, s18  }
0x46: {  	s20 =	sadd.s32 $0x4, s20;
	v4 =	vld [tilespmem:s18+$0x30];
	[tilespmem:s17+$0x1830 ss:$0x81] =	vst.msk $0xffff, v7  }
.Ltmp4:
0x47: {  	_ = 	snop;
	(pc) =	sbr.rel .LBB1_4-.Ltmp4, $1  }
0x48: {  	_ =	sdelay $0x3  }
.LBB1_6:
0x49: {  	_ =	sfence.sel $0x180000  }
0x4a: {  	s2 =	simm.s32 $0x1;
	[bflag:$0x0] =	sbarrier.arrive $0xFFFF  }
0x4b: {  	s31 =	simm.s32 $0x2;
	[sflag:s2] =	ssyncpa.u1 $0x1  }
0x4c: {  	[sflag:s31] =	ssyncpa.u1 $0x1  }
0x4d: {  	p0 =	sne.s32 s0, $0x0;
	_ =	strace $0x9000004A  }
0x4e: {  	s0 =	sadd.s32 @!p0 $0x100000, s1;
	[bflag:$0x2] =	sbarrier.arrive $0xFFFF  }
0x4f: {  	[sflag:s0] =	ssyncadd.tile.s32 @!p0 $0x1;
	_ =	shalt  }
.Lfunc_end1:
_tile_overlayer_lowered:
.L_overlay_start_2:
0x50: {  	(tag) =	ssettag $0x2  }
0x51: {  	s0 =	rddreg [dreg:$0x0];
	s2 =	stileid.u32  }
0x52: {  	s1 =	rddreg [dreg:$0x1];
	p0 =	sne.s32 s2, $0x0  }
0x53: {  	s3 =	rddreg [dreg:$0x2];
	[bflag:$0x3] =	sbarrier.arrive $0xFFFF;
	s2 =	simm.s32 @!p0 $0x1C01  }
0x54: {  	[timem:s3], [sflag:s2] =	dma.local @!p0 [hbm:s0], s1  }
0x55: {  	s0 =	simm.s32 @!p0 $0x1  }
0x56: {  	_ =	swait.ge @!p0 [sflag:s0], s1  }
0x57: {  	s1 =	ssub.s32 @!p0 $0x0, s1;
	[sflag:s0] =	ssyncset.done @!p0 $0x0  }
0x58: {  	[sflag:s0] =	ssyncadd.s32 @!p0 s1  }
0x59: {  	[bflag:$0x3] =	sbarrier.arrive $0xFFFF  }
0x5a: {  	_ =	shalt  }

// kernel: sparse-core-data-format-call.2.cloned.1.call-start
scs
called_computation.2_lowered:
.L_overlay_start_0:
0x0: {  	s2 =	sld [smem:$0x3FD9]  }
0x1: {  	s3 =	sld [smem:$0x3FFE];
	_ =	sdelay $0x1  }
0x2: {  	s1 =	srdreg.scid  }
0x3: {  	s0 =	sand.u32 $0x1, s1  }
0x4: {  	s16 =	sshll.u32 s0, $0xA;
	s2 =	sadd.s32 s3, s2  }
0x5: {  	s2 =	sadd.s32 s2, s16  }
0x6: {  	[smem:$0x3FC4] =	sst s2  }
0x7: {  	_ = 	snop  }
0x8: {  	s2 =	sld [smem:$0x3FD0];
	_ =	sdelay $0x2  }
0x9: {  	s4 =	simm.s32 $0xB;
	s5 =	simm.s32 $0x10;
	s17 =	sld [smem:$0x3FC9]  }
0xa: {  	[smem:s5], [sflag:s4] =	dma.local [hbm:s2], $0x1  }
0xb: {  	_ =	swait.eq [sflag:s4], $0x1  }
0xc: {  	[sflag:s4] =	ssyncset.done $0x0  }
0xd: {  	[sflag:s4] =	ssyncadd.s32 $0xFFFFFFFF  }
0xe: {  	s18 =	sld [smem:$0x10];
	(tm) =	ssettm $0x1  }
0xf: {  	s19 =	sld [smem:$0x3FFB];
	_ =	sdelay $0x3  }
0x10: {  	_ =	strace s19  }
0x11: {  	s4 =	sld [smem:$0x3FFC];
	_ =	sdelay $0x3  }
0x12: {  	_ =	strace s4  }
0x13: {  	s4 =	sld [smem:$0x3FFD];
	_ =	sdelay $0x3  }
0x14: {  	_ =	strace s4  }
0x15: {  	_ =	strace $0x8FFFFFFF  }
0x16: {  	s20 =	sld [smem:$0x3FDB];
	_ =	sdelay $0x1  }
0x17: {  	s21 =	simm.s32 $_scs_section_size  }
0x18: {  	s6 =	simm.s32 $_size__tile_overlayer_lowered;
	s7 =	simm.s32 $_tile_overlayer_lowered  }
0x19: {  	s24 =	simm.s32 $0x1BFF;
	s23 =	sshll.u32 s7, $0x1;
	s4 =	sadd.s32 s21, s20  }
0x1a: {  	s8 =	simm.s32 $0x0;
	s22 =	sshll.u32 s6, $0x1;
	s6 =	sadd.s32 s23, s4  }
0x1b: {  	[timem:s8], [sflag:s24] =	dma.local [hbm:s6], s22  }
0x1c: {  	_ =	swait.ge [sflag:s24], s22  }
0x1d: {  	s5 =	ssub.s32 $0x0, s22;
	[sflag:s24] =	ssyncset.done $0x0  }
0x1e: {  	[sflag:s24] =	ssyncadd.s32 s5;
	_ =	sdelay $0x1  }
0x1f: {  	s25 =	simm.s32 $0x1B8B  }
0x20: {  	_ =	swait.ge [sflag:s25], $0x1  }
0x21: {  	[sflag:s25] =	ssyncset.done $0x0  }
0x22: {  	s26 =	simm.s32 $0x1B8E;
	[sflag:s25] =	ssyncadd.s32 $0xFFFFFFFF  }
0x23: {  	s27 =	simm.s32 $execute0_lowered;
	[smem:$0x3FD2] =	sst s26  }
0x24: {  	s5 =	sshll.u32 s27, $0x1;
	_ =	strace $0x80000046;
	[dreg:$0x1] =	wrdreg $0xFFFFFFFF  }
0x25: {  	s28 =	simm.s32 $_size_execute0_lowered;
	s4 =	sadd.s32 s4, s5;
	[dreg:$0x0] =	wrdreg $0x0  }
0x26: {  	s5 =	sshll.u32 s28, $0x1;
	[dreg:$0x2] =	wrdreg s4  }
0x27: {  	[dreg:$0x3] =	wrdreg s5  }
0x28: {  	[dreg:$0x4] =	wrdreg $0xC0  }
0x29: {  	_ =	task [dreg:s8], $0x5FFFF  }
0x2a: {  	[dreg:$0x1] =	wrdreg $0xFFFFFFFF  }
0x2b: {  	[dreg:$0x0] =	wrdreg $0x60  }
0x2c: {  	[dreg:$0x2] =	wrdreg s17  }
0x2d: {  	[dreg:$0x3] =	wrdreg s18  }
0x2e: {  	[dreg:$0x4] =	wrdreg $0x9  }
0x2f: {  	_ =	task.clear_ibuf [dreg:s8], $0x5FFFF;
	_ =	strace $0x90000046  }
0x30: {  	s29 =	simm.s32 $0x9;
	_ =	strace $0x80000048  }
0x31: {  	_ =	swait.ge [sflag:s29], $0x1  }
0x32: {  	[sflag:s29] =	ssyncadd.s32 $0xFFFFFFFF  }
0x33: {  	_ =	strace $0x90000048  }
0x34: {  	_ =	sfence  }
0x35: {  	s30 =	sld [smem:$0x0];
	_ =	sdelay $0x2  }
0x36: {  	s31 =	sshll.u32 s1, $0xD;
	s1 =	sshrl.u32 s1, $0x2  }
0x37: {  	s3 =	sand.u32 $0x4000, s31;
	s1 =	sadd.s32 s1, s30  }
0x38: {  	s0 =	sor.u32 s3, s0;
	s1 =	sshll.u32 s1, $0x11  }
0x39: {  	s0 =	sor.u32 s1, s0  }
0x3a: {  	s0 =	sadd.s32 $0x8F2B, s0  }
0x3b: {  	[sflag:s0] =	ssyncadd.remote.s32 $0x1  }
0x3c: {  	_ =	sfence.sel $0xFFFF  }
0x3d: {  	[dreg:$0x0] =	wrdreg $0xFFFFFFFF;
	(pc) =	sbr.abs _section_cstart, $3  }
0x3e: {  	[dreg:$0x1] =	wrdreg $0xFFFFFFFF  }
0x3f: {  	_ =	task.clear_ibuf [dreg:s8], $0x2FFFF;
	_ =	strace $0x9FFFFFFF  }
0x40: {  	(tm) =	ssettm $0x7FFFFFFF  }
0x41: {  	_ =	shalt  }
tec
execute0_lowered:
.L_overlay_start_1:
0x0: {  	(tag) =	ssettag $0x1  }
0x1: {  	s0 =	srdreg.scid  }
0x2: {  	s1 =	sshll.u32 s0, $0x4  }
0x3: {  	s3 =	rddreg [dreg:$0x0];
	s0 =	stileid.u32;
	s1 =	sand.u32 $0x10, s1  }
0x4: {  	s4 =	rddreg [dreg:$0x1];
	s1 =	sor.u32 s0, s1  }
0x5: {  	s6 =	simm.s32 $0x1;
	s31 =	simm.s32 $0x2;
	s2 =	sshll.u32 s1, $0x7  }
0x6: {  	s13 =	simm.s32 $0x0;
	s8 =	simm.s32 $0x40000;
	s5 =	ssub.s32 $0x8000, s2  }
0x7: {  	s12 =	simm.s32 $0x0;
	s9 =	simm.s32 $0x0;
	s30 =	sand.u32 $0xF80, s5  }
.Ltmp0:
0x8: {  	s11 =	simm.s32 $0x0;
	p0 =	sne.s32 s30, $0x0;
	(pc) =	sbr.rel .LBB1_1-.Ltmp0, $4  }
0x9: {  	s1 =	rddreg [dreg:$0x2];
	s7 =	sshrl.u32 s5, $0xC;
	s6 =	simm.s32 @!p0 $0x0  }
0xa: {  	_ =	strace $0x80000047;
	s5 =	simm.s32 $0x1;
	s6 =	sadd.s32 s6, s7  }
0xb: {  	s10 =	smov.u32 s2;
	[sflag:s5] =	ssyncpa.u1 $0x0;
	s6 =	sshll.u32 s6, $0x2  }
0xc: {  	[sflag:s31] =	ssyncpa.u1 $0x0;
	p0 =	por $0x0, $0x0;
	s7 =	sor.u32 $0x1, s6  }
.LBB1_4:
0xd: {  	v5 =	vld [tilespmem:s16+$0xFFFFFFD0]  }
0xe: {  	[tilespmem:s17+$0x2040 ss:$0x81] =	vst.msk $0xffff, v1;
	v58 =	vld [tilespmem:s16+$0xFFFFFFE0]  }
0xf: {  	[tilespmem:s17+$0x2850 ss:$0x81] =	vst.msk $0xffff, v2;
	v59 =	vld [tilespmem:s16+$0xFFFFFFF0]  }
0x10: {  	s18 =	sshra.s32 s18, $0x2;
	[tilespmem:s17+$0x3060 ss:$0x81] =	vst.msk $0xffff, v3;
	v60 =	vld [tilespmem:s16+$0x0]  }
0x11: {  	[tilespmem:s17+$0x0 ss:$0x81] =	vst.msk $0xffff, v0;
	v61 =	vld [tilespmem:s16+$0x10];
	s15 =	sadd.s32 s18, s15  }
0x12: {  	s26 =	sshll.u32 s13, $0xF;
	v62 =	vld [tilespmem:s16+$0x20];
	[tilespmem:s15+$0x3870 ss:$0x81] =	vst.msk $0xffff, v4  }
0x13: {  	s27 =	sand.u32 $0x78, s12;
	s19 =	sshll.u32 s12, $0x3;
	v63 =	vld [tilespmem:s16+$0xFFFFFFC0];
	s29 =	sshll.u32 s13, $0x7;
	[tilespmem:s15+$0x810 ss:$0x81] =	vst.msk $0xffff, v5  }
0x14: {  	s17 =	sand.u32 $0xFC0000, s26;
	s28 =	sand.u32 $0xFFFC00, s19;
	s19 =	sand.u32 $0x7C00, s19;
	[tilespmem:s15+$0x1020 ss:$0x81] =	vst.msk $0xffff, v58  }
0x15: {  	s13 =	sand.u32 $0x380, s29;
	s16 =	sadd.s32 s28, s17;
	s30 =	sor.u32 s27, s19;
	[tilespmem:s15+$0x1830 ss:$0x81] =	vst.msk $0xffff, v59  }
0x16: {  	s16 =	sand.u32 $0xFF8000, s16;
	s13 =	sor.u32 s13, s30;
	[tilespmem:s15+$0x2040 ss:$0x81] =	vst.msk $0xffff, v60  }
0x17: {  	s31 =	sand.u32 $0x7, s12;
	s13 =	sor.u32 s16, s13;
	[tilespmem:s15+$0x2850 ss:$0x81] =	vst.msk $0xffff, v61  }
0x18: {  	s12 =	sshll.u32 s31, $0x12;
	[tilespmem:s15+$0x3060 ss:$0x81] =	vst.msk $0xffff, v62;
	s13 =	sshrl.u32 s13, $0x3  }
0x19: {  	s12 =	sor.u32 $0x400, s12;
	[tilespmem:s15+$0x0 ss:$0x81] =	vst.msk $0xffff, v63;
	s13 =	sadd.s32 s4, s13  }
0x1a: {  	[hbm4b:s13+s12] =	stream.strided.scatter [tilespmem:s14], [sflag:$0x2], $0x4000, s8, s12, $0x20;
	[tilespmem:$0x10100] =	vst v63  }
.LBB1_5:
0x1b: {  	s14 =	sadd.s32 $0x80, s9  }
0x1c: {  	s12 =	sadd.s32 $0x1000, s10;
	s16 =	smov.u32 s10;
	p2 =	sgt.s32 s14, $0x1FF  }
0x1d: {  	s16 =	smov.u32 @p2 s12  }
0x1e: {  	s14 =	simm.s32 @p2 $0x0;
	p2 =	sgt.s32 s16, $0x7FFF  }
0x1f: {  	s16 =	smov.u32 @p2 s2;
	p2 =	sne.s32 s11, s7  }
.Ltmp1:
0x20: {  	p1 =	slt.u32 s11, $0x2;
	(pc) =	sbr.rel @!p2 .LBB1_6-.Ltmp1, $4  }
0x21: {  	s15 =	simm.s32 @!p1 $0x2  }
0x22: {  	s13 =	smov.u32 s9;
	p0 =	por !p0, !p0;
	_ =	swait.ge @!p1 [sflag:s15], $0x4000  }
0x23: {  	s12 =	smov.u32 s10;
	[sflag:s15] =	ssyncset.done @!p1 $0x0;
	s9 =	smov.u32 s14  }
0x24: {  	s11 =	sadd.s32 $0x1, s11;
	[sflag:s15] =	ssyncadd.s32 @!p1 $0xFFFFC000;
	s10 =	smov.u32 s16  }
.LBB1_1:
0x25: {  	p1 =	sge.u32 s11, s6  }
0x26: {  	s31 =	sadd.s32 $0xFFFFFFFF, s11;
	s14 =	sshll.u32 @!p1 s10, $0x9  }
0x27: {  	s15 =	sshll.u32 @!p1 s9, $0x3;
	s16 =	sshll.u32 @!p1 s10, $0x7;
	s14 =	sand.u32 @!p1 $0xFFF000, s14  }
0x28: {  	s17 =	sand.u32 @!p1 $0x78, s9;
	s14 =	sadd.s32 @!p1 s14, s15;
	s15 =	sand.u32 @!p1 $0x380, s16  }
0x29: {  	s16 =	sxor.u32 @!p1 $0xFFFFFFFF, s11;
	s14 =	sand.u32 @!p1 $0xFFFC00, s14;
	s15 =	sor.u32 @!p1 s15, s17  }
0x2a: {  	s16 =	sshll.u32 @!p1 s16, $0xE;
	s14 =	sor.u32 @!p1 s14, s15;
	s15 =	sand.u32 @!p1 $0x7, s9  }
0x2b: {  	s17 =	simm.s32 @!p1 $0x1000;
	s14 =	sshrl.u32 @!p1 s14, $0x3;
	s15 =	sshll.u32 @!p1 s15, $0x12  }
0x2c: {  	s16 =	sand.u32 @!p1 $0x4000, s16;
	s14 =	sadd.s32 @!p1 s3, s14;
	s15 =	sor.u32 @!p1 $0x400, s15  }
0x2d: {  	[tilespmem:s16], [sflag:$0x1] =	stream.strided.gather @!p1 [hbm4b:s14+s15], $0x4000, s17, s15, $0x38;
	[tilespmem:$0x10100] =	vst v63  }
0x2e: {  	p1 =	sge.u32 s31, s6  }
.Ltmp2:
0x2f: {  	_ = 	snop;
	(pc) =	sbr.rel @p1 .LBB1_5-.Ltmp2, $1  }
0x30: {  	_ =	sdelay $0x3  }
0x31: {  	s14 =	simm.s32 $0x1  }
0x32: {  	_ =	swait.ge [sflag:s5], $0x4000;
	s14 =	simm.s32 @!p0 $0x0  }
0x33: {  	[sflag:s5] =	ssyncset.done $0x0;
	s15 =	sshll.u32 s14, $0xE  }
0x34: {  	[sflag:s5] =	ssyncadd.s32 $0xFFFFC000;
	s16 =	sor.u32 $0x40, s15  }
0x35: {  	s14 =	smul.u32 $0x10200, s14;
	v0 =	vld [tilespmem:s16+$0x30]  }
0x36: {  	v3 =	vld [tilespmem:s16+$0xFFFFFFD0]  }
0x37: {  	s14 =	sshrl.u32 s14, $0x2;
	v4 =	vld [tilespmem:s16+$0xFFFFFFE0]  }
0x38: {  	v5 =	vld [tilespmem:s16+$0xFFFFFFF0];
	s15 =	sor.u32 $0x8000, s14  }
0x39: {  	s31 =	sand.u32 $0x1, s11;
	v1 =	vld [tilespmem:s16+$0x0];
	s17 =	sadd.s32 $0x0, s15  }
0x3a: {  	v2 =	vld [tilespmem:s16+$0x10];
	s14 =	smul.u32 $0x10200, s31;
	[tilespmem:s17+$0x3870 ss:$0x81] =	vst.msk $0xffff, v0  }
0x3b: {  	[tilespmem:s17+$0x810 ss:$0x81] =	vst.msk $0xffff, v3;
	v3 =	vld [tilespmem:s16+$0x20]  }
0x3c: {  	s14 =	sshrl.u32 s14, $0x2;
	v0 =	vld [tilespmem:s16+$0xFFFFFFC0];
	[tilespmem:s17+$0x1020 ss:$0x81] =	vst.msk $0xffff, v4;
	s16 =	sadd.s32 $0x80, s16  }
0x3d: {  	s18 =	simm.s32 $0x4;
	s19 =	simm.s32 $0x8;
	s14 =	sor.u32 $0x8000, s14;
	[tilespmem:s17+$0x1830 ss:$0x81] =	vst.msk $0xffff, v5;
	v4 =	vld [tilespmem:s16+$0x30]  }
.LBB1_3:
0x3e: {  	p1 =	sne.s32 s19, $0x1FC;
	v5 =	vld [tilespmem:s16+$0xFFFFFFD0];
	[tilespmem:s17+$0x2040 ss:$0x81] =	vst.msk $0xffff, v1  }
0x3f: {  	v6 =	vld [tilespmem:s16+$0xFFFFFFE0];
	[tilespmem:s17+$0x2850 ss:$0x81] =	vst.msk $0xffff, v2  }
0x40: {  	s20 =	sshra.s32 s18, $0x2;
	s18 =	smov.u32 s19;
	v7 =	vld [tilespmem:s16+$0xFFFFFFF0];
	[tilespmem:s17+$0x3060 ss:$0x81] =	vst.msk $0xffff, v3  }
.Ltmp3:
0x41: {  	v1 =	vld [tilespmem:s16+$0x0];
	[tilespmem:s17+$0x0 ss:$0x81] =	vst.msk $0xffff, v0;
	s17 =	sadd.s32 s20, s15;
	(pc) =	sbr.rel @p1 .LBB1_3-.Ltmp3, $4  }
0x42: {  	v2 =	vld [tilespmem:s16+$0x10];
	[tilespmem:s17+$0x3870 ss:$0x81] =	vst.msk $0xffff, v4  }
0x43: {  	[tilespmem:s17+$0x810 ss:$0x81] =	vst.msk $0xffff, v5;
	v3 =	vld [tilespmem:s16+$0x20]  }
0x44: {  	v0 =	vld [tilespmem:s16+$0xFFFFFFC0];
	[tilespmem:s17+$0x1020 ss:$0x81] =	vst.msk $0xffff, v6;
	s16 =	sadd.s32 $0x80, s16  }
0x45: {  	s19 =	sadd.s32 $0x4, s19;
	v4 =	vld [tilespmem:s16+$0x30];
	[tilespmem:s17+$0x1830 ss:$0x81] =	vst.msk $0xffff, v7  }
.Ltmp4:
0x46: {  	_ = 	snop;
	(pc) =	sbr.rel .LBB1_4-.Ltmp4, $1  }
0x47: {  	_ =	sdelay $0x3  }
.LBB1_6:
0x48: {  	_ =	sfence.sel $0x180000  }
0x49: {  	s2 =	simm.s32 $0x1;
	[bflag:$0x0] =	sbarrier.arrive $0xFFFF  }
0x4a: {  	s31 =	simm.s32 $0x2;
	[sflag:s2] =	ssyncpa.u1 $0x1  }
0x4b: {  	[sflag:s31] =	ssyncpa.u1 $0x1  }
0x4c: {  	p0 =	sne.s32 s0, $0x0;
	_ =	strace $0x90000047  }
0x4d: {  	s0 =	sadd.s32 @!p0 $0x100000, s1;
	[bflag:$0x2] =	sbarrier.arrive $0xFFFF  }
0x4e: {  	[sflag:s0] =	ssyncadd.tile.s32 @!p0 $0x1;
	_ =	shalt  }
.Lfunc_end1:
_tile_overlayer_lowered:
.L_overlay_start_2:
0x4f: {  	(tag) =	ssettag $0x2  }
0x50: {  	s0 =	rddreg [dreg:$0x0];
	s2 =	stileid.u32  }
0x51: {  	s1 =	rddreg [dreg:$0x1];
	p0 =	sne.s32 s2, $0x0  }
0x52: {  	s3 =	rddreg [dreg:$0x2];
	[bflag:$0x3] =	sbarrier.arrive $0xFFFF;
	s2 =	simm.s32 @!p0 $0x1C01  }
0x53: {  	[timem:s3], [sflag:s2] =	dma.local @!p0 [hbm:s0], s1  }
0x54: {  	s0 =	simm.s32 @!p0 $0x1  }
0x55: {  	_ =	swait.ge @!p0 [sflag:s0], s1  }
0x56: {  	s1 =	ssub.s32 @!p0 $0x0, s1;
	[sflag:s0] =	ssyncset.done @!p0 $0x0  }
0x57: {  	[sflag:s0] =	ssyncadd.s32 @!p0 s1  }
0x58: {  	[bflag:$0x3] =	sbarrier.arrive $0xFFFF  }
0x59: {  	_ =	shalt  }

// kernel: sparse-core-data-format-call.3.cloned.1.call-start
scs
called_computation.3_lowered:
.L_overlay_start_0:
0x0: {  	s2 =	sld [smem:$0x3FD9]  }
0x1: {  	s3 =	sld [smem:$0x3FFE];
	_ =	sdelay $0x1  }
0x2: {  	s1 =	srdreg.scid  }
0x3: {  	s0 =	sand.u32 $0x1, s1  }
0x4: {  	s17 =	sshll.u32 s0, $0xA;
	s2 =	sadd.s32 s3, s2  }
0x5: {  	s2 =	sadd.s32 s2, s17  }
0x6: {  	[smem:$0x3FC4] =	sst s2  }
0x7: {  	_ = 	snop  }
0x8: {  	s18 =	sld [smem:$0x3FD0];
	_ =	sdelay $0x2  }
0x9: {  	s4 =	simm.s32 $0xB;
	s5 =	simm.s32 $0x10;
	s2 =	sld [smem:$0x3FC8]  }
0xa: {  	[smem:s5], [sflag:s4] =	dma.local [hbm:s18], $0x1  }
0xb: {  	_ =	swait.eq [sflag:s4], $0x1  }
0xc: {  	[sflag:s4] =	ssyncset.done $0x0  }
0xd: {  	[sflag:s4] =	ssyncadd.s32 $0xFFFFFFFF  }
0xe: {  	s19 =	sld [smem:$0x10];
	(tm) =	ssettm $0x1  }
0xf: {  	s20 =	sld [smem:$0x3FFB];
	_ =	sdelay $0x3  }
0x10: {  	_ =	strace s20  }
0x11: {  	s3 =	sld [smem:$0x3FFC];
	_ =	sdelay $0x3  }
0x12: {  	_ =	strace s3  }
0x13: {  	s3 =	sld [smem:$0x3FFD];
	_ =	sdelay $0x3  }
0x14: {  	_ =	strace s3  }
0x15: {  	_ =	strace $0x8FFFFFFF  }
0x16: {  	s21 =	sld [smem:$0x3FDB];
	_ =	sdelay $0x1  }
0x17: {  	s22 =	simm.s32 $_scs_section_size  }
0x18: {  	s6 =	simm.s32 $_size__tile_overlayer_lowered;
	s7 =	simm.s32 $_tile_overlayer_lowered  }
0x19: {  	s8 =	simm.s32 $0x1BFF;
	s23 =	sshll.u32 s7, $0x1;
	s5 =	sadd.s32 s22, s21  }
0x1a: {  	s24 =	simm.s32 $0x0;
	s6 =	sshll.u32 s6, $0x1;
	s7 =	sadd.s32 s23, s5  }
0x1b: {  	[timem:s24], [sflag:s8] =	dma.local [hbm:s7], s6  }
0x1c: {  	_ =	swait.ge [sflag:s8], s6  }
0x1d: {  	s6 =	ssub.s32 $0x0, s6;
	[sflag:s8] =	ssyncset.done $0x0  }
0x1e: {  	[sflag:s8] =	ssyncadd.s32 s6;
	_ =	sdelay $0x1  }
0x1f: {  	s25 =	simm.s32 $0x1B8B  }
0x20: {  	_ =	swait.ge [sflag:s25], $0x1  }
0x21: {  	[sflag:s25] =	ssyncset.done $0x0  }
0x22: {  	[sflag:s25] =	ssyncadd.s32 $0xFFFFFFFF  }
0x23: {  	s6 =	sld [smem:$0x0]  }
0x24: {  	s7 =	sand.u32 $0xFFFFFFFE, s1  }
0x25: {  	p0 =	sne.s32 s1, s7  }
0x26: {  	s7 =	sshll.u32 @p0 s7, $0xE  }
0x27: {  	s7 =	sadd.s32 @p0 $0x11B8D, s7;
	s8 =	sshll.u32 @p0 s6, $0x11  }
0x28: {  	s7 =	sor.u32 @p0 s8, s7  }
0x29: {  	[sflag:s7] =	ssyncadd.remote.s32 @p0 $0x1;
	_ =	sdelay $0x1  }
0x2a: {  	s7 =	simm.s32 @p0 $0x1B8D  }
0x2b: {  	_ =	swait.eq @p0 [sflag:s7], $0x1  }
0x2c: {  	[sflag:s7] =	ssyncadd.s32 @p0 $0xFFFFFFFF  }
0x2d: {  	s8 =	sshll.u32 @!p0 s1, $0xE  }
0x2e: {  	s8 =	sor.u32 @!p0 $0x4000, s8;
	s7 =	simm.s32 @!p0 $0x1B8D  }
0x2f: {  	s6 =	sshll.u32 @!p0 s6, $0x11;
	s8 =	sadd.s32 @!p0 $0x11B8D, s8;
	_ =	swait.eq @!p0 [sflag:s7], $0x1  }
0x30: {  	s6 =	sor.u32 @!p0 s6, s8;
	[sflag:s7] =	ssyncadd.s32 @!p0 $0xFFFFFFFF  }
0x31: {  	s26 =	simm.s32 $0x1B8E;
	[sflag:s6] =	ssyncadd.remote.s32 @!p0 $0x1  }
0x32: {  	s27 =	simm.s32 $execute0_lowered;
	[smem:$0x3FD2] =	sst s26  }
0x33: {  	s6 =	sshll.u32 s27, $0x1;
	_ =	strace $0x8000004C;
	[dreg:$0x1] =	wrdreg $0xFFFFFFFF  }
0x34: {  	s28 =	simm.s32 $_size_execute0_lowered;
	s5 =	sadd.s32 s5, s6;
	[dreg:$0x0] =	wrdreg $0x0  }
0x35: {  	s6 =	sshll.u32 s28, $0x1;
	[dreg:$0x2] =	wrdreg s5  }
0x36: {  	[dreg:$0x3] =	wrdreg s6  }
0x37: {  	[dreg:$0x4] =	wrdreg $0xC0  }
0x38: {  	_ =	task [dreg:s24], $0x5FFFF  }
0x39: {  	[dreg:$0x1] =	wrdreg $0xFFFFFFFF  }
0x3a: {  	[dreg:$0x0] =	wrdreg $0x60  }
0x3b: {  	[dreg:$0x2] =	wrdreg s2  }
0x3c: {  	[dreg:$0x3] =	wrdreg s19  }
0x3d: {  	[dreg:$0x4] =	wrdreg $0x9  }
0x3e: {  	_ =	task.clear_ibuf [dreg:s24], $0x5FFFF;
	_ =	strace $0x9000004C  }
0x3f: {  	s29 =	simm.s32 $0x9;
	_ =	strace $0x8000004E  }
0x40: {  	_ =	swait.ge [sflag:s29], $0x1  }
0x41: {  	[sflag:s29] =	ssyncadd.s32 $0xFFFFFFFF  }
0x42: {  	_ =	strace $0x9000004E  }
0x43: {  	_ =	sfence  }
0x44: {  	s30 =	sld [smem:$0x0];
	_ =	sdelay $0x2  }
0x45: {  	s31 =	sshll.u32 s1, $0xD;
	s1 =	sshrl.u32 s1, $0x2  }
0x46: {  	s4 =	sand.u32 $0x4000, s31;
	s1 =	sadd.s32 s1, s30  }
0x47: {  	s0 =	sor.u32 s4, s0;
	s1 =	sshll.u32 s1, $0x11  }
0x48: {  	s0 =	sor.u32 s1, s0  }
0x49: {  	s0 =	sadd.s32 $0x8F2B, s0  }
0x4a: {  	[sflag:s0] =	ssyncadd.remote.s32 $0x1  }
0x4b: {  	_ =	sfence.sel $0xFFFF  }
0x4c: {  	[dreg:$0x0] =	wrdreg $0xFFFFFFFF;
	(pc) =	sbr.abs _section_cstart, $3  }
0x4d: {  	[dreg:$0x1] =	wrdreg $0xFFFFFFFF  }
0x4e: {  	_ =	task.clear_ibuf [dreg:s24], $0x2FFFF;
	_ =	strace $0x9FFFFFFF  }
0x4f: {  	(tm) =	ssettm $0x7FFFFFFF  }
tec
execute0_lowered:
.L_overlay_start_1:
0x0: {  	(tag) =	ssettag $0x1  }
0x1: {  	s0 =	srdreg.scid  }
0x2: {  	s1 =	sshll.u32 s0, $0x4  }
0x3: {  	s2 =	rddreg [dreg:$0x0];
	s0 =	stileid.u32;
	s1 =	sand.u32 $0x10, s1  }
0x4: {  	s4 =	rddreg [dreg:$0x1];
	s1 =	sor.u32 s0, s1  }
0x5: {  	s7 =	simm.s32 $0x1;
	s8 =	simm.s32 $0x2;
	s3 =	sshll.u32 s1, $0x2  }
0x6: {  	s9 =	simm.s32 $0x0;
	s12 =	simm.s32 $0x0;
	s6 =	ssub.s32 $0x1000, s3  }
.Ltmp0:
0x7: {  	s11 =	simm.s32 $0x0;
	s5 =	sand.u32 $0x7C, s6;
	(pc) =	sbr.rel .LBB1_1-.Ltmp0, $4  }
0x8: {  	s1 =	rddreg [dreg:$0x2];
	_ =	strace $0x8000004D;
	p0 =	sne.s32 s5, $0x0  }
0x9: {  	s6 =	sshrl.u32 s6, $0x7;
	s5 =	simm.s32 $0x1;
	s7 =	simm.s32 @!p0 $0x0  }
0xa: {  	s10 =	smov.u32 s3;
	[sflag:s5] =	ssyncpa.u1 $0x0;
	s6 =	sadd.s32 s7, s6  }
0xb: {  	[sflag:s8] =	ssyncpa.u1 $0x0;
	s8 =	simm.s32 $0x0;
	s7 =	sadd.s32 $0x1, s6  }
.LBB1_9:
0xc: {  	s14 =	sadd.s32 $0x80, s10  }
0xd: {  	p1 =	sgt.s32 s14, $0xFFF  }
0xe: {  	s14 =	smov.u32 @p1 s3;
	p1 =	sne.s32 s11, s7  }
.Ltmp1:
0xf: {  	p0 =	slt.u32 s11, $0x2;
	(pc) =	sbr.rel @!p1 .LBB1_10-.Ltmp1, $4  }
0x10: {  	s13 =	simm.s32 @!p0 $0x2  }
0x11: {  	s15 =	sadd.s32 $0x1, s11;
	_ =	swait.ge @!p0 [sflag:s13], $0x4000  }
0x12: {  	s12 =	smov.u32 s10;
	s9 =	sadd.s32 $0x4000, s9;
	[sflag:s13] =	ssyncset.done @!p0 $0x0  }
0x13: {  	s11 =	smov.u32 s15;
	s10 =	smov.u32 s14;
	[sflag:s13] =	ssyncadd.s32 @!p0 $0xFFFFC000  }
.LBB1_1:
0x14: {  	p0 =	sge.u32 s11, s6  }
0x15: {  	s13 =	sxor.u32 @!p0 $0xFFFFFFFF, s11  }
0x16: {  	s31 =	sadd.s32 $0xFFFFFFFF, s11;
	s14 =	sshll.u32 @!p0 s10, $0x9;
	s13 =	sshll.u32 @!p0 s13, $0xE  }
0x17: {  	s15 =	simm.s32 @!p0 $0x0;
	s14 =	sadd.s32 @!p0 s2, s14;
	s13 =	sand.u32 @!p0 $0x4000, s13  }
0x18: {  	[tilespmem:s13], [sflag:$0x1] =	stream.linear.gather @!p0 [hbm4b:s14+s15], $0x4000, $0x38;
	[tilespmem:$0x10000] =	vst v63  }
0x19: {  	p0 =	sge.u32 s31, s6  }
.Ltmp2:
0x1a: {  	_ = 	snop;
	(pc) =	sbr.rel @p0 .LBB1_9-.Ltmp2, $1  }
0x1b: {  	_ =	sdelay $0x3  }
0x1c: {  	s14 =	sand.u32 $0x4000, s9  }
0x1d: {  	_ =	swait.ge [sflag:s5], $0x4000;
	s15 =	sshll.u32 s11, $0xE;
	s16 =	simm.s32 $0x0  }
0x1e: {  	s13 =	sor.u32 $0x40, s14;
	[sflag:s5] =	ssyncset.done $0x0;
	s15 =	sand.u32 $0x4000, s15  }
0x1f: {  	s14 =	sor.u32 $0x8040, s14;
	[sflag:s5] =	ssyncadd.s32 $0xFFFFC000;
	s15 =	sor.u32 $0x8000, s15  }
.LBB1_3:
0x20: {  	s17 =	smov.u32 s14;
	s18 =	smov.u32 s13;
	s19 =	simm.s32 $0x0  }
.LBB1_4:
0x21: {  	v0 =	vmov s17;
	v2 =	vld [tilespmem:s18+$0x30]  }
0x22: {  	v4 =	vld [tilespmem:s18+$0xFFFFFFD0]  }
0x23: {  	v6 =	vld [tilespmem:s18+$0xFFFFFFE0]  }
0x24: {  	v7 =	vld [tilespmem:s18+$0xFFFFFFF0]  }
0x25: {  	s20 =	simm.s32 $0x0;
	v1 =	vld [tilespmem:s18+$0x0]  }
0x26: {  	v3 =	vld [tilespmem:s18+$0x10];
	[tilespmem:v0+s20+$0x30 ss:$0x1] =	vst.idx.msk $0xffff, v2  }
0x27: {  	v5 =	vld [tilespmem:s18+$0x20];
	[tilespmem:v0+s20+$0xFFFFFFD0 ss:$0x1] =	vst.idx.msk $0xffff, v4  }
0x28: {  	s21 =	sadd.s32 $0x80, s18;
	v2 =	vld [tilespmem:s18+$0xFFFFFFC0];
	[tilespmem:v0+s20+$0xFFFFFFE0 ss:$0x1] =	vst.idx.msk $0xffff, v6  }
0x29: {  	s22 =	simm.s32 $0x800;
	s23 =	simm.s32 $0x1000;
	v4 =	vld [tilespmem:s21+$0x30];
	[tilespmem:v0+s20+$0xFFFFFFF0 ss:$0x1] =	vst.idx.msk $0xffff, v7  }
.LBB1_5:
0x2a: {  	p0 =	sne.s32 s23, $0x3800;
	v6 =	vld [tilespmem:s21+$0xFFFFFFD0];
	[tilespmem:v0+s20+$0x0 ss:$0x1] =	vst.idx.msk $0xffff, v1  }
0x2b: {  	v7 =	vld [tilespmem:s21+$0xFFFFFFE0];
	[tilespmem:v0+s20+$0x10 ss:$0x1] =	vst.idx.msk $0xffff, v3  }
0x2c: {  	v8 =	vld [tilespmem:s21+$0xFFFFFFF0];
	[tilespmem:v0+s20+$0x20 ss:$0x1] =	vst.idx.msk $0xffff, v5  }
.Ltmp3:
0x2d: {  	v1 =	vld [tilespmem:s21+$0x0];
	[tilespmem:v0+s20+$0xFFFFFFC0 ss:$0x1] =	vst.idx.msk $0xffff, v2;
	s20 =	sshra.s32 s22, $0x2;
	s22 =	smov.u32 s23;
	(pc) =	sbr.rel @p0 .LBB1_5-.Ltmp3, $4  }
0x2e: {  	v3 =	vld [tilespmem:s21+$0x10];
	[tilespmem:v0+s20+$0x30 ss:$0x1] =	vst.idx.msk $0xffff, v4  }
0x2f: {  	[tilespmem:v0+s20+$0xFFFFFFD0 ss:$0x1] =	vst.idx.msk $0xffff, v6;
	v5 =	vld [tilespmem:s21+$0x20]  }
0x30: {  	v2 =	vld [tilespmem:s21+$0xFFFFFFC0];
	[tilespmem:v0+s20+$0xFFFFFFE0 ss:$0x1] =	vst.idx.msk $0xffff, v7;
	s21 =	sadd.s32 $0x80, s21  }
0x31: {  	s23 =	sadd.s32 $0x800, s23;
	v4 =	vld [tilespmem:s21+$0x30];
	[tilespmem:v0+s20+$0xFFFFFFF0 ss:$0x1] =	vst.idx.msk $0xffff, v8  }
0x32: {  	_ =	sdelay $0x3  }
0x33: {  	v6 =	vld [tilespmem:s21+$0xFFFFFFD0];
	[tilespmem:v0+s20+$0x0 ss:$0x1] =	vst.idx.msk $0xffff, v1  }
0x34: {  	v58 =	vld [tilespmem:s21+$0xFFFFFFE0];
	[tilespmem:v0+s20+$0x10 ss:$0x1] =	vst.idx.msk $0xffff, v3  }
0x35: {  	v59 =	vld [tilespmem:s21+$0xFFFFFFF0];
	[tilespmem:v0+s20+$0x20 ss:$0x1] =	vst.idx.msk $0xffff, v5  }
0x36: {  	s22 =	sshra.s32 s22, $0x2;
	v60 =	vld [tilespmem:s21+$0x0];
	[tilespmem:v0+s20+$0xFFFFFFC0 ss:$0x1] =	vst.idx.msk $0xffff, v2  }
0x37: {  	v61 =	vld [tilespmem:s21+$0x10];
	[tilespmem:v0+s22+$0x30 ss:$0x1] =	vst.idx.msk $0xffff, v4  }
0x38: {  	v62 =	vld [tilespmem:s21+$0x20];
	s19 =	sadd.s32 $0x1, s19;
	[tilespmem:v0+s22+$0xFFFFFFD0 ss:$0x1] =	vst.idx.msk $0xffff, v6  }
0x39: {  	v63 =	vld [tilespmem:s21+$0xFFFFFFC0];
	p0 =	sne.s32 s19, $0x4;
	[tilespmem:v0+s22+$0xFFFFFFE0 ss:$0x1] =	vst.idx.msk $0xffff, v58  }
.Ltmp4:
0x3a: {  	[tilespmem:v0+s22+$0xFFFFFFF0 ss:$0x1] =	vst.idx.msk $0xffff, v59;
	(pc) =	sbr.rel @p0 .LBB1_4-.Ltmp4, $4  }
0x3b: {  	[tilespmem:v0+s22+$0x0 ss:$0x1] =	vst.idx.msk $0xffff, v60  }
0x3c: {  	[tilespmem:v0+s22+$0x10 ss:$0x1] =	vst.idx.msk $0xffff, v61  }
0x3d: {  	[tilespmem:v0+s22+$0x20 ss:$0x1] =	vst.idx.msk $0xffff, v62  }
0x3e: {  	s18 =	sadd.s32 $0x400, s18;
	s17 =	sadd.s32 $0x80, s17;
	[tilespmem:v0+s22+$0xFFFFFFC0 ss:$0x1] =	vst.idx.msk $0xffff, v63  }
0x3f: {  	s16 =	sadd.s32 $0x1, s16  }
0x40: {  	p0 =	sne.s32 s16, $0x4  }
.Ltmp5:
0x41: {  	_ = 	snop;
	(pc) =	sbr.rel @p0 .LBB1_3-.Ltmp5, $2  }
0x42: {  	_ =	sdelay $0x2  }
0x43: {  	s13 =	sadd.s32 $0x1000, s13;
	s14 =	sadd.s32 $0x1000, s14  }
.Ltmp6:
0x44: {  	(pc) =	sbr.rel .LBB1_9-.Ltmp6, $4  }
0x45: {  	_ = 	snop  }
0x46: {  	s12 =	sshll.u32 s12, $0x9  }
0x47: {  	s12 =	sadd.s32 s4, s12  }
0x48: {  	[hbm4b:s12+s8] =	stream.linear.scatter [tilespmem:s15], [sflag:$0x2], $0x4000, $0x38;
	[tilespmem:$0x10000] =	vst v63  }
.LBB1_10:
0x49: {  	_ =	sfence.sel $0x180000  }
0x4a: {  	s2 =	simm.s32 $0x1;
	[bflag:$0x0] =	sbarrier.arrive $0xFFFF  }
0x4b: {  	s31 =	simm.s32 $0x2;
	[sflag:s2] =	ssyncpa.u1 $0x1  }
0x4c: {  	[sflag:s31] =	ssyncpa.u1 $0x1  }
0x4d: {  	p0 =	sne.s32 s0, $0x0;
	_ =	strace $0x9000004D  }
0x4e: {  	s0 =	sadd.s32 @!p0 $0x100000, s1;
	[bflag:$0x2] =	sbarrier.arrive $0xFFFF  }
0x4f: {  	[sflag:s0] =	ssyncadd.tile.s32 @!p0 $0x1;
	_ =	shalt  }
.Lfunc_end1:
_tile_overlayer_lowered:
.L_overlay_start_2:
0x50: {  	(tag) =	ssettag $0x2  }
0x51: {  	s0 =	rddreg [dreg:$0x0];
	s2 =	stileid.u32  }
0x52: {  	s1 =	rddreg [dreg:$0x1];
	p0 =	sne.s32 s2, $0x0  }
0x53: {  	s3 =	rddreg [dreg:$0x2];
	[bflag:$0x3] =	sbarrier.arrive $0xFFFF;
	s2 =	simm.s32 @!p0 $0x1C01  }
0x54: {  	[timem:s3], [sflag:s2] =	dma.local @!p0 [hbm:s0], s1  }
0x55: {  	s0 =	simm.s32 @!p0 $0x1  }
0x56: {  	_ =	swait.ge @!p0 [sflag:s0], s1  }
0x57: {  	s1 =	ssub.s32 @!p0 $0x0, s1;
	[sflag:s0] =	ssyncset.done @!p0 $0x0  }
0x58: {  	[sflag:s0] =	ssyncadd.s32 @!p0 s1  }
0x59: {  	[bflag:$0x3] =	sbarrier.arrive $0xFFFF  }
0x5a: {  	_ =	shalt  }

// kernel: sparse-core-data-format-call.cloned.1.call-start
scs
called_computation_lowered:
.L_overlay_start_0:
0x0: {  	s2 =	sld [smem:$0x3FD9]  }
0x1: {  	s3 =	sld [smem:$0x3FFE];
	_ =	sdelay $0x1  }
0x2: {  	s1 =	srdreg.scid  }
0x3: {  	s0 =	sand.u32 $0x1, s1  }
0x4: {  	s16 =	sshll.u32 s0, $0xA;
	s2 =	sadd.s32 s3, s2  }
0x5: {  	s2 =	sadd.s32 s2, s16  }
0x6: {  	[smem:$0x3FC4] =	sst s2  }
0x7: {  	_ = 	snop  }
0x8: {  	s2 =	sld [smem:$0x3FD0];
	_ =	sdelay $0x2  }
0x9: {  	s17 =	simm.s32 $0xB;
	s4 =	simm.s32 $0x10  }
0xa: {  	[smem:s4], [sflag:s17] =	dma.local [hbm:s2], $0x1  }
0xb: {  	_ =	swait.eq [sflag:s17], $0x1  }
0xc: {  	[sflag:s17] =	ssyncset.done $0x0  }
0xd: {  	[sflag:s17] =	ssyncadd.s32 $0xFFFFFFFF  }
0xe: {  	s18 =	sld [smem:$0x11];
	(tm) =	ssettm $0x1  }
0xf: {  	s19 =	sld [smem:$0x3FFB];
	_ =	sdelay $0x3  }
0x10: {  	_ =	strace s19  }
0x11: {  	s2 =	sld [smem:$0x3FFC];
	_ =	sdelay $0x3  }
0x12: {  	_ =	strace s2  }
0x13: {  	s2 =	sld [smem:$0x3FFD];
	_ =	sdelay $0x3  }
0x14: {  	_ =	strace s2  }
0x15: {  	_ =	strace $0x8FFFFFFF  }
0x16: {  	s20 =	sld [smem:$0x3FDB];
	_ =	sdelay $0x1  }
0x17: {  	s21 =	simm.s32 $_scs_section_size  }
0x18: {  	s5 =	simm.s32 $_size__tile_overlayer_lowered;
	s6 =	simm.s32 $_tile_overlayer_lowered  }
0x19: {  	s7 =	simm.s32 $0x1BFF;
	s22 =	sshll.u32 s6, $0x1;
	s4 =	sadd.s32 s21, s20  }
0x1a: {  	s23 =	simm.s32 $0x0;
	s5 =	sshll.u32 s5, $0x1;
	s6 =	sadd.s32 s22, s4  }
0x1b: {  	[timem:s23], [sflag:s7] =	dma.local [hbm:s6], s5  }
0x1c: {  	_ =	swait.ge [sflag:s7], s5  }
0x1d: {  	s5 =	ssub.s32 $0x0, s5;
	[sflag:s7] =	ssyncset.done $0x0  }
0x1e: {  	[sflag:s7] =	ssyncadd.s32 s5;
	_ =	sdelay $0x1  }
0x1f: {  	s24 =	simm.s32 $0x1B8B  }
0x20: {  	_ =	swait.ge [sflag:s24], $0x1  }
0x21: {  	[sflag:s24] =	ssyncset.done $0x0  }
0x22: {  	[sflag:s24] =	ssyncadd.s32 $0xFFFFFFFF  }
0x23: {  	s5 =	sld [smem:$0x0]  }
0x24: {  	s6 =	sand.u32 $0xFFFFFFFE, s1  }
0x25: {  	p0 =	sne.s32 s1, s6  }
0x26: {  	s6 =	sshll.u32 @p0 s6, $0xE  }
0x27: {  	s6 =	sadd.s32 @p0 $0x11B8D, s6;
	s7 =	sshll.u32 @p0 s5, $0x11  }
0x28: {  	s6 =	sor.u32 @p0 s7, s6  }
0x29: {  	[sflag:s6] =	ssyncadd.remote.s32 @p0 $0x1;
	_ =	sdelay $0x1  }
0x2a: {  	s6 =	simm.s32 @p0 $0x1B8D  }
0x2b: {  	_ =	swait.eq @p0 [sflag:s6], $0x1  }
0x2c: {  	[sflag:s6] =	ssyncadd.s32 @p0 $0xFFFFFFFF  }
0x2d: {  	s7 =	sshll.u32 @!p0 s1, $0xE  }
0x2e: {  	s7 =	sor.u32 @!p0 $0x4000, s7;
	s6 =	simm.s32 @!p0 $0x1B8D  }
0x2f: {  	s5 =	sshll.u32 @!p0 s5, $0x11;
	s7 =	sadd.s32 @!p0 $0x11B8D, s7;
	_ =	swait.eq @!p0 [sflag:s6], $0x1  }
0x30: {  	s5 =	sor.u32 @!p0 s5, s7;
	[sflag:s6] =	ssyncadd.s32 @!p0 $0xFFFFFFFF  }
0x31: {  	s26 =	simm.s32 $0x1B8E;
	s25 =	sld [smem:$0x3FFE];
	[sflag:s5] =	ssyncadd.remote.s32 @!p0 $0x1  }
0x32: {  	s27 =	simm.s32 $execute0_lowered;
	[smem:$0x3FD2] =	sst s26  }
0x33: {  	s6 =	sshll.u32 s27, $0x1;
	_ =	strace $0x8000004F;
	[dreg:$0x1] =	wrdreg $0xFFFFFFFF  }
0x34: {  	s28 =	simm.s32 $_size_execute0_lowered;
	s4 =	sadd.s32 s4, s6;
	[dreg:$0x0] =	wrdreg $0x0  }
0x35: {  	s6 =	sshll.u32 s28, $0x1;
	[dreg:$0x2] =	wrdreg s4  }
0x36: {  	[dreg:$0x3] =	wrdreg s6  }
0x37: {  	[dreg:$0x4] =	wrdreg $0xC0  }
0x38: {  	_ =	task [dreg:s23], $0x5FFFF  }
0x39: {  	[dreg:$0x1] =	wrdreg $0xFFFFFFFF  }
0x3a: {  	[dreg:$0x0] =	wrdreg $0x60  }
0x3b: {  	[dreg:$0x2] =	wrdreg s25  }
0x3c: {  	[dreg:$0x3] =	wrdreg s18  }
0x3d: {  	[dreg:$0x4] =	wrdreg $0xA  }
0x3e: {  	_ =	task.clear_ibuf [dreg:s23], $0x5FFFF;
	_ =	strace $0x9000004F  }
0x3f: {  	s29 =	simm.s32 $0xA;
	_ =	strace $0x80000051  }
0x40: {  	_ =	swait.ge [sflag:s29], $0x1  }
0x41: {  	[sflag:s29] =	ssyncadd.s32 $0xFFFFFFFF  }
0x42: {  	_ =	strace $0x90000051  }
0x43: {  	_ =	sfence  }
0x44: {  	s30 =	sld [smem:$0x0];
	_ =	sdelay $0x2  }
0x45: {  	s31 =	sshll.u32 s1, $0xD;
	s1 =	sshrl.u32 s1, $0x2  }
0x46: {  	s4 =	sand.u32 $0x4000, s31;
	s1 =	sadd.s32 s1, s30  }
0x47: {  	s0 =	sor.u32 s4, s0;
	s1 =	sshll.u32 s1, $0x11  }
0x48: {  	s0 =	sor.u32 s1, s0  }
0x49: {  	s0 =	sadd.s32 $0x8F2B, s0  }
0x4a: {  	[sflag:s0] =	ssyncadd.remote.s32 $0x1  }
0x4b: {  	_ =	sfence.sel $0xFFFF  }
0x4c: {  	[dreg:$0x0] =	wrdreg $0xFFFFFFFF;
	(pc) =	sbr.abs _section_cstart, $3  }
0x4d: {  	[dreg:$0x1] =	wrdreg $0xFFFFFFFF  }
0x4e: {  	_ =	task.clear_ibuf [dreg:s23], $0x2FFFF;
	_ =	strace $0x9FFFFFFF  }
0x4f: {  	(tm) =	ssettm $0x7FFFFFFF  }
tec
execute0_lowered:
.L_overlay_start_1:
0x0: {  	(tag) =	ssettag $0x1  }
0x1: {  	s0 =	srdreg.scid  }
0x2: {  	s1 =	sshll.u32 s0, $0x4  }
0x3: {  	s4 =	rddreg [dreg:$0x0];
	s0 =	stileid.u32;
	s1 =	sand.u32 $0x10, s1  }
0x4: {  	s2 =	rddreg [dreg:$0x1];
	s7 =	simm.s32 $0x1;
	s1 =	sor.u32 s0, s1  }
0x5: {  	s8 =	simm.s32 $0x2;
	s9 =	simm.s32 $0x0;
	s3 =	sshll.u32 s1, $0x2  }
0x6: {  	s12 =	simm.s32 $0x0;
	s11 =	simm.s32 $0x0;
	s6 =	ssub.s32 $0x1000, s3  }
.Ltmp0:
0x7: {  	s4 =	sadd.s32 $0x1A00, s4;
	s5 =	sand.u32 $0x7C, s6;
	(pc) =	sbr.rel .LBB1_1-.Ltmp0, $4  }
0x8: {  	s1 =	rddreg [dreg:$0x2];
	_ =	strace $0x80000050;
	p0 =	sne.s32 s5, $0x0  }
0x9: {  	s6 =	sshrl.u32 s6, $0x7;
	s5 =	simm.s32 $0x1;
	s7 =	simm.s32 @!p0 $0x0  }
0xa: {  	s10 =	smov.u32 s3;
	[sflag:s5] =	ssyncpa.u1 $0x0;
	s6 =	sadd.s32 s7, s6  }
0xb: {  	[sflag:s8] =	ssyncpa.u1 $0x0;
	s8 =	simm.s32 $0x0;
	s7 =	sadd.s32 $0x1, s6  }
.LBB1_9:
0xc: {  	s14 =	sadd.s32 $0x80, s10  }
0xd: {  	p1 =	sgt.s32 s14, $0xFFF  }
0xe: {  	s14 =	smov.u32 @p1 s3;
	p1 =	sne.s32 s11, s7  }
.Ltmp1:
0xf: {  	p0 =	slt.u32 s11, $0x2;
	(pc) =	sbr.rel @!p1 .LBB1_10-.Ltmp1, $4  }
0x10: {  	s13 =	simm.s32 @!p0 $0x2  }
0x11: {  	s15 =	sadd.s32 $0x1, s11;
	_ =	swait.ge @!p0 [sflag:s13], $0x4000  }
0x12: {  	s12 =	smov.u32 s10;
	s9 =	sadd.s32 $0x4000, s9;
	[sflag:s13] =	ssyncset.done @!p0 $0x0  }
0x13: {  	s11 =	smov.u32 s15;
	s10 =	smov.u32 s14;
	[sflag:s13] =	ssyncadd.s32 @!p0 $0xFFFFC000  }
.LBB1_1:
0x14: {  	p0 =	sge.u32 s11, s6  }
0x15: {  	s13 =	sxor.u32 @!p0 $0xFFFFFFFF, s11  }
0x16: {  	s31 =	sadd.s32 $0xFFFFFFFF, s11;
	s14 =	sshll.u32 @!p0 s10, $0x9;
	s13 =	sshll.u32 @!p0 s13, $0xE  }
0x17: {  	s15 =	simm.s32 @!p0 $0x0;
	s14 =	sadd.s32 @!p0 s4, s14;
	s13 =	sand.u32 @!p0 $0x4000, s13  }
0x18: {  	[tilespmem:s13], [sflag:$0x1] =	stream.linear.gather @!p0 [hbm4b:s14+s15], $0x4000, $0x38;
	[tilespmem:$0x10000] =	vst v63  }
0x19: {  	p0 =	sge.u32 s31, s6  }
.Ltmp2:
0x1a: {  	_ = 	snop;
	(pc) =	sbr.rel @p0 .LBB1_9-.Ltmp2, $1  }
0x1b: {  	_ =	sdelay $0x3  }
0x1c: {  	s14 =	sand.u32 $0x4000, s9  }
0x1d: {  	_ =	swait.ge [sflag:s5], $0x4000;
	s15 =	sshll.u32 s11, $0xE;
	s16 =	simm.s32 $0x0  }
0x1e: {  	s13 =	sor.u32 $0x40, s14;
	[sflag:s5] =	ssyncset.done $0x0;
	s15 =	sand.u32 $0x4000, s15  }
0x1f: {  	s14 =	sor.u32 $0x8040, s14;
	[sflag:s5] =	ssyncadd.s32 $0xFFFFC000;
	s15 =	sor.u32 $0x8000, s15  }
.LBB1_3:
0x20: {  	s17 =	smov.u32 s14;
	s18 =	smov.u32 s13;
	s19 =	simm.s32 $0x0  }
.LBB1_4:
0x21: {  	v0 =	vmov s17;
	v2 =	vld [tilespmem:s18+$0x30]  }
0x22: {  	v4 =	vld [tilespmem:s18+$0xFFFFFFD0]  }
0x23: {  	v6 =	vld [tilespmem:s18+$0xFFFFFFE0]  }
0x24: {  	v7 =	vld [tilespmem:s18+$0xFFFFFFF0]  }
0x25: {  	s20 =	simm.s32 $0x0;
	v1 =	vld [tilespmem:s18+$0x0]  }
0x26: {  	v3 =	vld [tilespmem:s18+$0x10];
	[tilespmem:v0+s20+$0x30 ss:$0x1] =	vst.idx.msk $0xffff, v2  }
0x27: {  	v5 =	vld [tilespmem:s18+$0x20];
	[tilespmem:v0+s20+$0xFFFFFFD0 ss:$0x1] =	vst.idx.msk $0xffff, v4  }
0x28: {  	s21 =	sadd.s32 $0x80, s18;
	v2 =	vld [tilespmem:s18+$0xFFFFFFC0];
	[tilespmem:v0+s20+$0xFFFFFFE0 ss:$0x1] =	vst.idx.msk $0xffff, v6  }
0x29: {  	s22 =	simm.s32 $0x800;
	s23 =	simm.s32 $0x1000;
	v4 =	vld [tilespmem:s21+$0x30];
	[tilespmem:v0+s20+$0xFFFFFFF0 ss:$0x1] =	vst.idx.msk $0xffff, v7  }
.LBB1_5:
0x2a: {  	p0 =	sne.s32 s23, $0x3800;
	v6 =	vld [tilespmem:s21+$0xFFFFFFD0];
	[tilespmem:v0+s20+$0x0 ss:$0x1] =	vst.idx.msk $0xffff, v1  }
0x2b: {  	v7 =	vld [tilespmem:s21+$0xFFFFFFE0];
	[tilespmem:v0+s20+$0x10 ss:$0x1] =	vst.idx.msk $0xffff, v3  }
0x2c: {  	v8 =	vld [tilespmem:s21+$0xFFFFFFF0];
	[tilespmem:v0+s20+$0x20 ss:$0x1] =	vst.idx.msk $0xffff, v5  }
.Ltmp3:
0x2d: {  	v1 =	vld [tilespmem:s21+$0x0];
	[tilespmem:v0+s20+$0xFFFFFFC0 ss:$0x1] =	vst.idx.msk $0xffff, v2;
	s20 =	sshra.s32 s22, $0x2;
	s22 =	smov.u32 s23;
	(pc) =	sbr.rel @p0 .LBB1_5-.Ltmp3, $4  }
0x2e: {  	v3 =	vld [tilespmem:s21+$0x10];
	[tilespmem:v0+s20+$0x30 ss:$0x1] =	vst.idx.msk $0xffff, v4  }
0x2f: {  	[tilespmem:v0+s20+$0xFFFFFFD0 ss:$0x1] =	vst.idx.msk $0xffff, v6;
	v5 =	vld [tilespmem:s21+$0x20]  }
0x30: {  	v2 =	vld [tilespmem:s21+$0xFFFFFFC0];
	[tilespmem:v0+s20+$0xFFFFFFE0 ss:$0x1] =	vst.idx.msk $0xffff, v7;
	s21 =	sadd.s32 $0x80, s21  }
0x31: {  	s23 =	sadd.s32 $0x800, s23;
	v4 =	vld [tilespmem:s21+$0x30];
	[tilespmem:v0+s20+$0xFFFFFFF0 ss:$0x1] =	vst.idx.msk $0xffff, v8  }
0x32: {  	_ =	sdelay $0x3  }
0x33: {  	v6 =	vld [tilespmem:s21+$0xFFFFFFD0];
	[tilespmem:v0+s20+$0x0 ss:$0x1] =	vst.idx.msk $0xffff, v1  }
0x34: {  	v58 =	vld [tilespmem:s21+$0xFFFFFFE0];
	[tilespmem:v0+s20+$0x10 ss:$0x1] =	vst.idx.msk $0xffff, v3  }
0x35: {  	v59 =	vld [tilespmem:s21+$0xFFFFFFF0];
	[tilespmem:v0+s20+$0x20 ss:$0x1] =	vst.idx.msk $0xffff, v5  }
0x36: {  	s22 =	sshra.s32 s22, $0x2;
	v60 =	vld [tilespmem:s21+$0x0];
	[tilespmem:v0+s20+$0xFFFFFFC0 ss:$0x1] =	vst.idx.msk $0xffff, v2  }
0x37: {  	v61 =	vld [tilespmem:s21+$0x10];
	[tilespmem:v0+s22+$0x30 ss:$0x1] =	vst.idx.msk $0xffff, v4  }
0x38: {  	v62 =	vld [tilespmem:s21+$0x20];
	s19 =	sadd.s32 $0x1, s19;
	[tilespmem:v0+s22+$0xFFFFFFD0 ss:$0x1] =	vst.idx.msk $0xffff, v6  }
0x39: {  	v63 =	vld [tilespmem:s21+$0xFFFFFFC0];
	p0 =	sne.s32 s19, $0x4;
	[tilespmem:v0+s22+$0xFFFFFFE0 ss:$0x1] =	vst.idx.msk $0xffff, v58  }
.Ltmp4:
0x3a: {  	[tilespmem:v0+s22+$0xFFFFFFF0 ss:$0x1] =	vst.idx.msk $0xffff, v59;
	(pc) =	sbr.rel @p0 .LBB1_4-.Ltmp4, $4  }
0x3b: {  	[tilespmem:v0+s22+$0x0 ss:$0x1] =	vst.idx.msk $0xffff, v60  }
0x3c: {  	[tilespmem:v0+s22+$0x10 ss:$0x1] =	vst.idx.msk $0xffff, v61  }
0x3d: {  	[tilespmem:v0+s22+$0x20 ss:$0x1] =	vst.idx.msk $0xffff, v62  }
0x3e: {  	s18 =	sadd.s32 $0x400, s18;
	s17 =	sadd.s32 $0x80, s17;
	[tilespmem:v0+s22+$0xFFFFFFC0 ss:$0x1] =	vst.idx.msk $0xffff, v63  }
0x3f: {  	s16 =	sadd.s32 $0x1, s16  }
0x40: {  	p0 =	sne.s32 s16, $0x4  }
.Ltmp5:
0x41: {  	_ = 	snop;
	(pc) =	sbr.rel @p0 .LBB1_3-.Ltmp5, $2  }
0x42: {  	_ =	sdelay $0x2  }
0x43: {  	s13 =	sadd.s32 $0x1000, s13;
	s14 =	sadd.s32 $0x1000, s14  }
.Ltmp6:
0x44: {  	(pc) =	sbr.rel .LBB1_9-.Ltmp6, $4  }
0x45: {  	_ = 	snop  }
0x46: {  	s12 =	sshll.u32 s12, $0x9  }
0x47: {  	s12 =	sadd.s32 s2, s12  }
0x48: {  	[hbm4b:s12+s8] =	stream.linear.scatter [tilespmem:s15], [sflag:$0x2], $0x4000, $0x38;
	[tilespmem:$0x10000] =	vst v63  }
.LBB1_10:
0x49: {  	_ =	sfence.sel $0x180000  }
0x4a: {  	s2 =	simm.s32 $0x1;
	[bflag:$0x0] =	sbarrier.arrive $0xFFFF  }
0x4b: {  	s31 =	simm.s32 $0x2;
	[sflag:s2] =	ssyncpa.u1 $0x1  }
0x4c: {  	[sflag:s31] =	ssyncpa.u1 $0x1  }
0x4d: {  	p0 =	sne.s32 s0, $0x0;
	_ =	strace $0x90000050  }
0x4e: {  	s0 =	sadd.s32 @!p0 $0x100000, s1;
	[bflag:$0x2] =	sbarrier.arrive $0xFFFF  }
0x4f: {  	[sflag:s0] =	ssyncadd.tile.s32 @!p0 $0x1;
	_ =	shalt  }
.Lfunc_end1:
_tile_overlayer_lowered:
.L_overlay_start_2:
0x50: {  	(tag) =	ssettag $0x2  }
0x51: {  	s0 =	rddreg [dreg:$0x0];
	s2 =	stileid.u32  }
0x52: {  	s1 =	rddreg [dreg:$0x1];
	p0 =	sne.s32 s2, $0x0  }
0x53: {  	s3 =	rddreg [dreg:$0x2];
	[bflag:$0x3] =	sbarrier.arrive $0xFFFF;
	s2 =	simm.s32 @!p0 $0x1C01  }
0x54: {  	[timem:s3], [sflag:s2] =	dma.local @!p0 [hbm:s0], s1  }
0x55: {  	s0 =	simm.s32 @!p0 $0x1  }
0x56: {  	_ =	swait.ge @!p0 [sflag:s0], s1  }
0x57: {  	s1 =	ssub.s32 @!p0 $0x0, s1;
	[sflag:s0] =	ssyncset.done @!p0 $0x0  }
0x58: {  	[sflag:s0] =	ssyncadd.s32 @!p0 s1  }
0x59: {  	[bflag:$0x3] =	sbarrier.arrive $0xFFFF  }
0x5a: {  	_ =	shalt  }

</sc_bundles>
